<compile_context>
chip_gen: v7x
topology: tpu7x:2x2x1
jax: 0.10.2.dev20260603
libtpu: 0.0.44.dev20260713+nightly
codegen_flags: <defaults>
</compile_context>

<pallas_src>
import functools

import jax
import jax.numpy as jnp
from jax import lax
from jax.experimental import pallas as pl
from jax.experimental.pallas import tpu as pltpu
from jax.experimental.pallas import tpu_sc as plsc

NN = 10000
EE = 320000
HID = 128
NCLS = 10
EPSV = 1e-5

NP_ = 10240
NCORE = 2
NSUB = 16
NWORK = NCORE * NSUB
K = 128
NCH = 80
NCH2 = 160
EPAD = NWORK * NCH * K
ROWS_T = NP_ // NSUB
NB = 4
PD = NB // 2


def _sc_mesh():
    return plsc.VectorSubcoreMesh(
        core_axis_name="c", subcore_axis_name="s",
        num_cores=NCORE, num_subcores=NSUB)


def _deg_body(dst_hbm, deg_hbm, dst_v, ones_v, z_v, deg_sh, sem):
    c = lax.axis_index("c")
    s = lax.axis_index("s")
    w = s * NCORE + c
    for i in range(K // 16):
        ones_v[pl.ds(i * 16, 16)] = jnp.ones((16,), jnp.float32)
    for i in range(ROWS_T // 16):
        z_v[pl.ds(i * 16, 16)] = jnp.zeros((16,), jnp.float32)
    pltpu.sync_copy(z_v, deg_sh.at[pl.ds(s * ROWS_T, ROWS_T)])
    pltpu.sync_copy(dst_hbm.at[w], dst_v)
    plsc.subcore_barrier()

    def fire(j, carry):
        pltpu.async_copy(ones_v, deg_sh.at[dst_v.at[j]], sem, add=True)
        return carry

    lax.fori_loop(0, NCH, fire, 0)

    def drain(j, carry):
        pltpu.make_async_copy(ones_v, deg_sh.at[pl.ds(0, K)], sem).wait()
        return carry

    lax.fori_loop(0, NCH, drain, 0)
    plsc.subcore_barrier()
    pltpu.sync_copy(deg_sh.at[pl.ds(s * ROWS_T, ROWS_T)],
                    deg_hbm.at[c, pl.ds(s * ROWS_T, ROWS_T)])


_deg_call = pl.kernel(
    _deg_body,
    out_type=jax.ShapeDtypeStruct((NCORE, NP_), jnp.float32),
    mesh=_sc_mesh(),
    compiler_params=pltpu.CompilerParams(use_tc_tiling_on_sc=False),
    scratch_types=[
        pltpu.VMEM((NCH, K), jnp.int32),
        pltpu.VMEM((K,), jnp.float32),
        pltpu.VMEM((ROWS_T,), jnp.float32),
        pltpu.VMEM_SHARED((NP_,), jnp.float32),
        pltpu.SemaphoreType.DMA,
    ],
)


def _make_edge(D, nch, feature_split):
    steady = nch - NB
    assert steady % NB == 0 and NB == 2 * PD

    def body(y_hbm, src_hbm, dst_hbm, acc_hbm, src_v, dst_v, rows_v, acc_sh,
             *sems):
        gs, ss = sems[:NB], sems[NB:]
        c = lax.axis_index("c")
        s = lax.axis_index("s")
        for q in range(ROWS_T // K):
            pltpu.sync_copy(y_hbm.at[pl.ds(NN, K)],
                            acc_sh.at[pl.ds(s * ROWS_T + q * K, K)])
        if feature_split:
            pltpu.sync_copy(src_hbm.at[c, s], src_v)
            pltpu.sync_copy(dst_hbm.at[s], dst_v)
        else:
            w = s * NCORE + c
            pltpu.sync_copy(src_hbm.at[w], src_v)
            pltpu.sync_copy(dst_hbm.at[w], dst_v)
        plsc.subcore_barrier()

        def fire_g(j, b):
            pltpu.async_copy(y_hbm.at[src_v.at[j]], rows_v.at[b], gs[b])

        def wait_g(b):
            pltpu.make_async_copy(y_hbm.at[pl.ds(0, K)], rows_v.at[b],
                                  gs[b]).wait()

        def fire_s(j, b):
            pltpu.async_copy(rows_v.at[b], acc_sh.at[dst_v.at[j]], ss[b],
                             add=True)

        def wait_s(b):
            pltpu.make_async_copy(rows_v.at[b], acc_sh.at[pl.ds(0, K)],
                                  ss[b]).wait()

        for j in range(PD):
            fire_g(j, j % NB)
        for j in range(PD):
            wait_g(j % NB)
            fire_s(j, j % NB)
            fire_g(j + PD, (j + PD) % NB)

        def sbody(i, carry):
            j0 = PD + NB * i
            for u in range(NB):
                b = (PD + u) % NB
                wait_g(b)
                fire_s(j0 + u, b)
                wait_s(u % NB)
                fire_g(j0 + u + PD, u % NB)
            return carry

        lax.fori_loop(0, steady // NB, sbody, 0)
        for t in range(PD):
            j = nch - PD + t
            wait_g(j % NB)
            fire_s(j, j % NB)
        for b in range(NB):
            wait_s(b)
        plsc.subcore_barrier()
        pltpu.sync_copy(acc_sh.at[pl.ds(s * ROWS_T, ROWS_T)],
                        acc_hbm.at[c, pl.ds(s * ROWS_T, ROWS_T)])

    return pl.kernel(
        body,
        out_type=jax.ShapeDtypeStruct((NCORE, NP_, D), jnp.float32),
        mesh=_sc_mesh(),
        compiler_params=pltpu.CompilerParams(use_tc_tiling_on_sc=False),
        scratch_types=[
            pltpu.VMEM((nch, K), jnp.int32),
            pltpu.VMEM((nch, K), jnp.int32),
            pltpu.VMEM((NB, K, D), jnp.float32),
            pltpu.VMEM_SHARED((NP_, D), jnp.float32),
        ] + [pltpu.SemaphoreType.DMA] * (2 * NB),
    )


_edge_split = _make_edge(64, NCH2, True)
_edge16 = _make_edge(16, NCH, False)


def _split_rows(y):
    return jnp.concatenate([y[:, :64], y[:, 64:]], axis=0)


def _t1_body(degt_ref, xp_ref, w_ref, y_ref, dinv_ref):
    row = lax.broadcasted_iota(jnp.int32, (NP_, 1), 0)
    deg = degt_ref[:, 0:1] + degt_ref[:, 1:2]
    deg = deg + jnp.where(row < NN, 1.0, 0.0)
    dinv = jnp.where(deg > 0, lax.rsqrt(deg), 0.0)
    xw = jnp.dot(xp_ref[...], w_ref[...], preferred_element_type=jnp.float32)
    y_ref[...] = _split_rows(dinv * xw)
    dinv_ref[...] = dinv


def _t1_call(degt, xp, w1):
    return pl.pallas_call(
        _t1_body,
        out_shape=(jax.ShapeDtypeStruct((2 * NP_, 64), jnp.float32),
                   jax.ShapeDtypeStruct((NP_, 1), jnp.float32)),
    )(degt, xp, w1)


def _t2_body(split_out, y_ref, acc_ref, dinv_ref, b_ref, g_ref, be_ref,
             w_ref, out_ref):
    row = lax.broadcasted_iota(jnp.int32, (NP_, 1), 0)
    mask = row < NN
    dinv = dinv_ref[...]
    y = jnp.concatenate([y_ref[:NP_], y_ref[NP_:]], axis=1)
    acc = jnp.concatenate([acc_ref[0], acc_ref[1]], axis=1)
    h = dinv * (y + acc) + b_ref[...]
    hm = jnp.where(mask, h, 0.0)
    mean = jnp.sum(hm, axis=0, keepdims=True) * (1.0 / NN)
    d = jnp.where(mask, h - mean, 0.0)
    var = jnp.sum(d * d, axis=0, keepdims=True) * (1.0 / NN)
    hn = (h - mean) * lax.rsqrt(var + EPSV) * g_ref[...] + be_ref[...]
    r = jnp.where(mask, jnp.maximum(hn, 0.0), 0.0)
    yn = dinv * jnp.dot(r, w_ref[...], preferred_element_type=jnp.float32)
    out_ref[...] = _split_rows(yn) if split_out else yn


def _t2_call(split_out, y, acc, dinv, b, g, be, w):
    dn = w.shape[1]
    oshape = (2 * NP_, 64) if split_out else (NP_, dn)
    return pl.pallas_call(
        functools.partial(_t2_body, split_out),
        out_shape=jax.ShapeDtypeStruct(oshape, jnp.float32),
    )(y, acc, dinv, b, g, be, w)


def _t3_body(y_ref, acc_ref, dinv_ref, b_ref, out_ref):
    o = dinv_ref[...] * (y_ref[...] + acc_ref[0] + acc_ref[1]) + b_ref[...]
    out_ref[...] = o[:NN, :NCLS]


def _t3_call(y, acc, dinv, b):
    return pl.pallas_call(
        _t3_body,
        out_shape=jax.ShapeDtypeStruct((NN, NCLS), jnp.float32),
    )(y, acc, dinv, b)


def kernel(x, edge_index, W1, b1, g1, be1, W2, b2, g2, be2, W3, b3):
    src = edge_index[0]
    dst = edge_index[1]
    pad = NN + jnp.arange(EPAD - EE, dtype=jnp.int32) % (NP_ - NN)
    srcf = jnp.concatenate([src, pad])
    dstf = jnp.concatenate([dst, pad])
    src_a = srcf.reshape(NWORK, NCH, K)
    dst_a = dstf.reshape(NWORK, NCH, K)
    src_b = jnp.stack([srcf, srcf + NP_]).reshape(NCORE, NSUB, NCH2, K)
    dst_b = dstf.reshape(NSUB, NCH2, K)
    xp = jnp.pad(x, ((0, NP_ - NN), (0, 0)))

    degp = _deg_call(dst_a)
    y1, dinv = _t1_call(degp.T, xp, W1)
    acc1 = _edge_split(y1, src_b, dst_b)
    y2 = _t2_call(True, y1, acc1, dinv, b1.reshape(1, -1), g1.reshape(1, -1),
                  be1.reshape(1, -1), W2)
    acc2 = _edge_split(y2, src_b, dst_b)
    w3p = jnp.pad(W3, ((0, 0), (0, 16 - NCLS)))
    y3 = _t2_call(False, y2, acc2, dinv, b2.reshape(1, -1), g2.reshape(1, -1),
                  be2.reshape(1, -1), w3p)
    acc3 = _edge16(y3, src_a, dst_a)
    out = _t3_call(y3, acc3, dinv,
                   jnp.pad(b3, (0, 16 - NCLS)).reshape(1, -1))
    return out

# --- scband reference (transcript-rebuilt; emitter-appended) ---
"""Pipeline reference for scband-gcn-83099027243500 (READ-ONLY COPY).

The authoritative reference and input builder live on the scoring server;
editing this copy changes nothing except your own understanding.
"""

import jax, jax.numpy as jnp
import numpy as np

N = 10000
E = 320000
F_IN = 128
H = 128
C = 10
EPS = 1e-5


def setup_inputs(seed: int = 0) -> dict:
    key = jax.random.key(seed)
    ks = jax.random.split(key, 14)
    x = jax.random.normal(ks[0], (N, F_IN), dtype=jnp.float32)
    edge_index = jax.random.randint(ks[1], (2, E), 0, N, dtype=jnp.int32)
    def glorot(k, fan_in, fan_out):
        s = jnp.sqrt(6.0 / (fan_in + fan_out))
        return jax.random.uniform(k, (fan_in, fan_out), dtype=jnp.float32, minval=-s, maxval=s)
    W1 = glorot(ks[2], F_IN, H)
    b1 = jnp.zeros((H,), dtype=jnp.float32)
    g1 = jnp.ones((H,), dtype=jnp.float32)
    be1 = jnp.zeros((H,), dtype=jnp.float32)
    W2 = glorot(ks[3], H, H)
    b2 = jnp.zeros((H,), dtype=jnp.float32)
    g2 = jnp.ones((H,), dtype=jnp.float32)
    be2 = jnp.zeros((H,), dtype=jnp.float32)
    W3 = glorot(ks[4], H, C)
    b3 = jnp.zeros((C,), dtype=jnp.float32)
    return {"x": x, "edge_index": edge_index, "W1": W1, "b1": b1, "g1": g1, "be1": be1,
            "W2": W2, "b2": b2, "g2": g2, "be2": be2, "W3": W3, "b3": b3}


def gcn_conv(x, edge_index, W, b):
    # GCNConv: x' = D^{-1/2} (A + I) D^{-1/2} (x W) + b
    self_loops = jnp.arange(N, dtype=edge_index.dtype)
    src = jnp.concatenate([edge_index[0], self_loops])
    dst = jnp.concatenate([edge_index[1], self_loops])
    deg = jnp.zeros((N,), dtype=jnp.float32).at[dst].add(1.0)
    dinv = jnp.where(deg > 0, 1.0 / jnp.sqrt(deg), 0.0)
    norm = dinv[src] * dinv[dst]
    xw = x @ W
    msg = jnp.take(xw, src, axis=0) * norm[:, None]
    out = jnp.zeros((N, W.shape[1]), dtype=jnp.float32).at[dst].add(msg)
    return out + b


def batch_norm(x, gamma, beta):
    mean = jnp.mean(x, axis=0)
    var = jnp.mean((x - mean) ** 2, axis=0)
    return (x - mean) / jnp.sqrt(var + EPS) * gamma + beta


def reference(x, edge_index, W1, b1, g1, be1, W2, b2, g2, be2, W3, b3):
    h = gcn_conv(x, edge_index, W1, b1)
    h = batch_norm(h, g1, be1)
    h = jax.nn.relu(h)
    # dropout is identity in eval mode
    h = gcn_conv(h, edge_index, W2, b2)
    h = batch_norm(h, g2, be2)
    h = jax.nn.relu(h)
    out = gcn_conv(h, edge_index, W3, b3)
    return out

if __name__ == "__main__":
    import jax
    _d = setup_inputs()
    print(jax.jit(kernel)(*tuple(_d.values())))

</pallas_src>

<mosaic_0001>
#map = affine_map<(d0, d1) -> (0, 0)>
#map1 = affine_map<(d0, d1) -> (0, 0, 0, 0)>
#map2 = affine_map<(d0, d1) -> (0, 0, 0)>
module attributes {stable_mosaic.version = 14 : i64} {
  func.func @body(%arg0: i32, %arg1: i32, %arg2: memref<20480x64xf32, #tpu.memory_space<hbm>>, %arg3: memref<2x16x160x128xi32, #tpu.memory_space<hbm>>, %arg4: memref<16x160x128xi32, #tpu.memory_space<hbm>>, %arg5: memref<2x10240x64xf32, #tpu.memory_space<hbm>>, %arg6: memref<160x128xi32, #tpu.memory_space<vmem>>, %arg7: memref<160x128xi32, #tpu.memory_space<vmem>>, %arg8: memref<4x128x64xf32, #tpu.memory_space<vmem>>, %arg9: memref<10240x64xf32, #tpu.memory_space<vmem_shared>>, %arg10: memref<!tpu.dma_semaphore, #tpu.memory_space<semaphore_mem>>, %arg11: memref<!tpu.dma_semaphore, #tpu.memory_space<semaphore_mem>>, %arg12: memref<!tpu.dma_semaphore, #tpu.memory_space<semaphore_mem>>, %arg13: memref<!tpu.dma_semaphore, #tpu.memory_space<semaphore_mem>>, %arg14: memref<!tpu.dma_semaphore, #tpu.memory_space<semaphore_mem>>, %arg15: memref<!tpu.dma_semaphore, #tpu.memory_space<semaphore_mem>>, %arg16: memref<!tpu.dma_semaphore, #tpu.memory_space<semaphore_mem>>, %arg17: memref<!tpu.dma_semaphore, #tpu.memory_space<semaphore_mem>>) attributes {dimension_semantics = [#tpu.dimension_semantics<core_parallel>, #tpu.dimension_semantics<subcore_parallel>], iteration_bounds = array<i64: 2, 16>, scalar_prefetch = 0 : i64, scratch_operands = 12 : i64, tpu.core_type = #tpu.core_type<sc_vector_subcore>, window_params = [{transform_indices = #map}, {transform_indices = #map1}, {transform_indices = #map2}, {transform_indices = #map2}]} {
    %mul3A = arith.constant 640 : i32
    %mul3A_0 = arith.muli %arg1, %mul3A : i32
    %add3A = arith.constant 0 : i32
    %add3A_1 = arith.addi %mul3A_0, %add3A : i32
    "tpu.region"() ({
      %run_scoped3A = tpu.sem_alloc : memref<!tpu.dma_semaphore, #tpu.memory_space<semaphore_mem>>
      %dma_start3A_242 = arith.constant 0 : i32
      %dma_start3A_243 = tpu.memref_slice %arg9[%add3A_1, %dma_start3A_242] : memref<10240x64xf32, #tpu.memory_space<vmem_shared>> -> memref<128x64xf32, #tpu.memory_space<vmem_shared>>
      %dma_start3A_244 = arith.constant 10000 : i32
      %dma_start3A_245 = arith.constant 0 : i32
      %dma_start3A_246 = tpu.memref_slice %arg2[%dma_start3A_244, %dma_start3A_245] : memref<20480x64xf32, #tpu.memory_space<hbm>> -> memref<128x64xf32, #tpu.memory_space<hbm>>
      tpu.enqueue_dma source(%dma_start3A_246 : memref<128x64xf32, #tpu.memory_space<hbm>>) target(%dma_start3A_243 : memref<128x64xf32, #tpu.memory_space<vmem_shared>>) target_semaphore(%run_scoped3A : memref<!tpu.dma_semaphore, #tpu.memory_space<semaphore_mem>>)
      %dma_wait3A_247 = arith.constant 0 : i32
      %dma_wait3A_248 = tpu.memref_slice %arg9[%add3A_1, %dma_wait3A_247] : memref<10240x64xf32, #tpu.memory_space<vmem_shared>> -> memref<128x64xf32, #tpu.memory_space<vmem_shared>>
      %dma_wait3A_249 = arith.constant 10000 : i32
      %dma_wait3A_250 = arith.constant 0 : i32
      %dma_wait3A_251 = tpu.memref_slice %arg2[%dma_wait3A_249, %dma_wait3A_250] : memref<20480x64xf32, #tpu.memory_space<hbm>> -> memref<128x64xf32, #tpu.memory_space<hbm>>
      tpu.wait_dma2 semaphore(%run_scoped3A : memref<!tpu.dma_semaphore, #tpu.memory_space<semaphore_mem>>) src(%dma_wait3A_251 : memref<128x64xf32, #tpu.memory_space<hbm>>) dst(%dma_wait3A_248 : memref<128x64xf32, #tpu.memory_space<vmem_shared>>)
      tpu.yield
    }) : () -> ()
    %mul3A_2 = arith.constant 640 : i32
    %mul3A_3 = arith.muli %arg1, %mul3A_2 : i32
    %add3A_4 = arith.constant 128 : i32
    %add3A_5 = arith.addi %mul3A_3, %add3A_4 : i32
    "tpu.region"() ({
      %run_scoped3A = tpu.sem_alloc : memref<!tpu.dma_semaphore, #tpu.memory_space<semaphore_mem>>
      %dma_start3A_242 = arith.constant 0 : i32
      %dma_start3A_243 = tpu.memref_slice %arg9[%add3A_5, %dma_start3A_242] : memref<10240x64xf32, #tpu.memory_space<vmem_shared>> -> memref<128x64xf32, #tpu.memory_space<vmem_shared>>
      %dma_start3A_244 = arith.constant 10000 : i32
      %dma_start3A_245 = arith.constant 0 : i32
      %dma_start3A_246 = tpu.memref_slice %arg2[%dma_start3A_244, %dma_start3A_245] : memref<20480x64xf32, #tpu.memory_space<hbm>> -> memref<128x64xf32, #tpu.memory_space<hbm>>
      tpu.enqueue_dma source(%dma_start3A_246 : memref<128x64xf32, #tpu.memory_space<hbm>>) target(%dma_start3A_243 : memref<128x64xf32, #tpu.memory_space<vmem_shared>>) target_semaphore(%run_scoped3A : memref<!tpu.dma_semaphore, #tpu.memory_space<semaphore_mem>>)
      %dma_wait3A_247 = arith.constant 0 : i32
      %dma_wait3A_248 = tpu.memref_slice %arg9[%add3A_5, %dma_wait3A_247] : memref<10240x64xf32, #tpu.memory_space<vmem_shared>> -> memref<128x64xf32, #tpu.memory_space<vmem_shared>>
      %dma_wait3A_249 = arith.constant 10000 : i32
      %dma_wait3A_250 = arith.constant 0 : i32
      %dma_wait3A_251 = tpu.memref_slice %arg2[%dma_wait3A_249, %dma_wait3A_250] : memref<20480x64xf32, #tpu.memory_space<hbm>> -> memref<128x64xf32, #tpu.memory_space<hbm>>
      tpu.wait_dma2 semaphore(%run_scoped3A : memref<!tpu.dma_semaphore, #tpu.memory_space<semaphore_mem>>) src(%dma_wait3A_251 : memref<128x64xf32, #tpu.memory_space<hbm>>) dst(%dma_wait3A_248 : memref<128x64xf32, #tpu.memory_space<vmem_shared>>)
      tpu.yield
    }) : () -> ()
    %mul3A_6 = arith.constant 640 : i32
    %mul3A_7 = arith.muli %arg1, %mul3A_6 : i32
    %add3A_8 = arith.constant 256 : i32
    %add3A_9 = arith.addi %mul3A_7, %add3A_8 : i32
    "tpu.region"() ({
      %run_scoped3A = tpu.sem_alloc : memref<!tpu.dma_semaphore, #tpu.memory_space<semaphore_mem>>
      %dma_start3A_242 = arith.constant 0 : i32
      %dma_start3A_243 = tpu.memref_slice %arg9[%add3A_9, %dma_start3A_242] : memref<10240x64xf32, #tpu.memory_space<vmem_shared>> -> memref<128x64xf32, #tpu.memory_space<vmem_shared>>
      %dma_start3A_244 = arith.constant 10000 : i32
      %dma_start3A_245 = arith.constant 0 : i32
      %dma_start3A_246 = tpu.memref_slice %arg2[%dma_start3A_244, %dma_start3A_245] : memref<20480x64xf32, #tpu.memory_space<hbm>> -> memref<128x64xf32, #tpu.memory_space<hbm>>
      tpu.enqueue_dma source(%dma_start3A_246 : memref<128x64xf32, #tpu.memory_space<hbm>>) target(%dma_start3A_243 : memref<128x64xf32, #tpu.memory_space<vmem_shared>>) target_semaphore(%run_scoped3A : memref<!tpu.dma_semaphore, #tpu.memory_space<semaphore_mem>>)
      %dma_wait3A_247 = arith.constant 0 : i32
      %dma_wait3A_248 = tpu.memref_slice %arg9[%add3A_9, %dma_wait3A_247] : memref<10240x64xf32, #tpu.memory_space<vmem_shared>> -> memref<128x64xf32, #tpu.memory_space<vmem_shared>>
      %dma_wait3A_249 = arith.constant 10000 : i32
      %dma_wait3A_250 = arith.constant 0 : i32
      %dma_wait3A_251 = tpu.memref_slice %arg2[%dma_wait3A_249, %dma_wait3A_250] : memref<20480x64xf32, #tpu.memory_space<hbm>> -> memref<128x64xf32, #tpu.memory_space<hbm>>
      tpu.wait_dma2 semaphore(%run_scoped3A : memref<!tpu.dma_semaphore, #tpu.memory_space<semaphore_mem>>) src(%dma_wait3A_251 : memref<128x64xf32, #tpu.memory_space<hbm>>) dst(%dma_wait3A_248 : memref<128x64xf32, #tpu.memory_space<vmem_shared>>)
      tpu.yield
    }) : () -> ()
    %mul3A_10 = arith.constant 640 : i32
    %mul3A_11 = arith.muli %arg1, %mul3A_10 : i32
    %add3A_12 = arith.constant 384 : i32
    %add3A_13 = arith.addi %mul3A_11, %add3A_12 : i32
    "tpu.region"() ({
      %run_scoped3A = tpu.sem_alloc : memref<!tpu.dma_semaphore, #tpu.memory_space<semaphore_mem>>
      %dma_start3A_242 = arith.constant 0 : i32
      %dma_start3A_243 = tpu.memref_slice %arg9[%add3A_13, %dma_start3A_242] : memref<10240x64xf32, #tpu.memory_space<vmem_shared>> -> memref<128x64xf32, #tpu.memory_space<vmem_shared>>
      %dma_start3A_244 = arith.constant 10000 : i32
      %dma_start3A_245 = arith.constant 0 : i32
      %dma_start3A_246 = tpu.memref_slice %arg2[%dma_start3A_244, %dma_start3A_245] : memref<20480x64xf32, #tpu.memory_space<hbm>> -> memref<128x64xf32, #tpu.memory_space<hbm>>
      tpu.enqueue_dma source(%dma_start3A_246 : memref<128x64xf32, #tpu.memory_space<hbm>>) target(%dma_start3A_243 : memref<128x64xf32, #tpu.memory_space<vmem_shared>>) target_semaphore(%run_scoped3A : memref<!tpu.dma_semaphore, #tpu.memory_space<semaphore_mem>>)
      %dma_wait3A_247 = arith.constant 0 : i32
      %dma_wait3A_248 = tpu.memref_slice %arg9[%add3A_13, %dma_wait3A_247] : memref<10240x64xf32, #tpu.memory_space<vmem_shared>> -> memref<128x64xf32, #tpu.memory_space<vmem_shared>>
      %dma_wait3A_249 = arith.constant 10000 : i32
      %dma_wait3A_250 = arith.constant 0 : i32
      %dma_wait3A_251 = tpu.memref_slice %arg2[%dma_wait3A_249, %dma_wait3A_250] : memref<20480x64xf32, #tpu.memory_space<hbm>> -> memref<128x64xf32, #tpu.memory_space<hbm>>
      tpu.wait_dma2 semaphore(%run_scoped3A : memref<!tpu.dma_semaphore, #tpu.memory_space<semaphore_mem>>) src(%dma_wait3A_251 : memref<128x64xf32, #tpu.memory_space<hbm>>) dst(%dma_wait3A_248 : memref<128x64xf32, #tpu.memory_space<vmem_shared>>)
      tpu.yield
    }) : () -> ()
    %mul3A_14 = arith.constant 640 : i32
    %mul3A_15 = arith.muli %arg1, %mul3A_14 : i32
    %add3A_16 = arith.constant 512 : i32
    %add3A_17 = arith.addi %mul3A_15, %add3A_16 : i32
    "tpu.region"() ({
      %run_scoped3A = tpu.sem_alloc : memref<!tpu.dma_semaphore, #tpu.memory_space<semaphore_mem>>
      %dma_start3A_242 = arith.constant 0 : i32
      %dma_start3A_243 = tpu.memref_slice %arg9[%add3A_17, %dma_start3A_242] : memref<10240x64xf32, #tpu.memory_space<vmem_shared>> -> memref<128x64xf32, #tpu.memory_space<vmem_shared>>
      %dma_start3A_244 = arith.constant 10000 : i32
      %dma_start3A_245 = arith.constant 0 : i32
      %dma_start3A_246 = tpu.memref_slice %arg2[%dma_start3A_244, %dma_start3A_245] : memref<20480x64xf32, #tpu.memory_space<hbm>> -> memref<128x64xf32, #tpu.memory_space<hbm>>
      tpu.enqueue_dma source(%dma_start3A_246 : memref<128x64xf32, #tpu.memory_space<hbm>>) target(%dma_start3A_243 : memref<128x64xf32, #tpu.memory_space<vmem_shared>>) target_semaphore(%run_scoped3A : memref<!tpu.dma_semaphore, #tpu.memory_space<semaphore_mem>>)
      %dma_wait3A_247 = arith.constant 0 : i32
      %dma_wait3A_248 = tpu.memref_slice %arg9[%add3A_17, %dma_wait3A_247] : memref<10240x64xf32, #tpu.memory_space<vmem_shared>> -> memref<128x64xf32, #tpu.memory_space<vmem_shared>>
      %dma_wait3A_249 = arith.constant 10000 : i32
      %dma_wait3A_250 = arith.constant 0 : i32
      %dma_wait3A_251 = tpu.memref_slice %arg2[%dma_wait3A_249, %dma_wait3A_250] : memref<20480x64xf32, #tpu.memory_space<hbm>> -> memref<128x64xf32, #tpu.memory_space<hbm>>
      tpu.wait_dma2 semaphore(%run_scoped3A : memref<!tpu.dma_semaphore, #tpu.memory_space<semaphore_mem>>) src(%dma_wait3A_251 : memref<128x64xf32, #tpu.memory_space<hbm>>) dst(%dma_wait3A_248 : memref<128x64xf32, #tpu.memory_space<vmem_shared>>)
      tpu.yield
    }) : () -> ()
    "tpu.region"() ({
      %run_scoped3A = tpu.sem_alloc : memref<!tpu.dma_semaphore, #tpu.memory_space<semaphore_mem>>
      %dma_start3A_242 = arith.constant 0 : i32
      %dma_start3A_243 = arith.constant 0 : i32
      %dma_start3A_244 = tpu.memref_slice %arg3[%arg0, %arg1, %dma_start3A_242, %dma_start3A_243] : memref<2x16x160x128xi32, #tpu.memory_space<hbm>> -> memref<1x1x160x128xi32, #tpu.memory_space<hbm>>
      %dma_start3A_245 = tpu.memref_squeeze %dma_start3A_244 : memref<1x1x160x128xi32, #tpu.memory_space<hbm>> -> memref<160x128xi32, #tpu.memory_space<hbm>>
      %dma_start3A_246 = arith.constant 0 : i32
      %dma_start3A_247 = arith.constant 0 : i32
      %dma_start3A_248 = tpu.memref_slice %arg3[%arg0, %arg1, %dma_start3A_246, %dma_start3A_247] : memref<2x16x160x128xi32, #tpu.memory_space<hbm>> -> memref<1x1x160x128xi32, #tpu.memory_space<hbm>>
      %dma_start3A_249 = tpu.memref_squeeze %dma_start3A_248 : memref<1x1x160x128xi32, #tpu.memory_space<hbm>> -> memref<160x128xi32, #tpu.memory_space<hbm>>
      tpu.enqueue_dma source(%dma_start3A_249 : memref<160x128xi32, #tpu.memory_space<hbm>>) target(%arg6 : memref<160x128xi32, #tpu.memory_space<vmem>>) target_semaphore(%run_scoped3A : memref<!tpu.dma_semaphore, #tpu.memory_space<semaphore_mem>>)
      %dma_wait3A_250 = arith.constant 0 : i32
      %dma_wait3A_251 = arith.constant 0 : i32
      %dma_wait3A_252 = tpu.memref_slice %arg3[%arg0, %arg1, %dma_wait3A_250, %dma_wait3A_251] : memref<2x16x160x128xi32, #tpu.memory_space<hbm>> -> memref<1x1x160x128xi32, #tpu.memory_space<hbm>>
      %dma_wait3A_253 = tpu.memref_squeeze %dma_wait3A_252 : memref<1x1x160x128xi32, #tpu.memory_space<hbm>> -> memref<160x128xi32, #tpu.memory_space<hbm>>
      %dma_wait3A_254 = arith.constant 0 : i32
      %dma_wait3A_255 = arith.constant 0 : i32
      %dma_wait3A_256 = tpu.memref_slice %arg3[%arg0, %arg1, %dma_wait3A_254, %dma_wait3A_255] : memref<2x16x160x128xi32, #tpu.memory_space<hbm>> -> memref<1x1x160x128xi32, #tpu.memory_space<hbm>>
      %dma_wait3A_257 = tpu.memref_squeeze %dma_wait3A_256 : memref<1x1x160x128xi32, #tpu.memory_space<hbm>> -> memref<160x128xi32, #tpu.memory_space<hbm>>
      tpu.wait_dma2 semaphore(%run_scoped3A : memref<!tpu.dma_semaphore, #tpu.memory_space<semaphore_mem>>) src(%dma_wait3A_257 : memref<160x128xi32, #tpu.memory_space<hbm>>) dst(%arg6 : memref<160x128xi32, #tpu.memory_space<vmem>>)
      tpu.yield
    }) : () -> ()
    "tpu.region"() ({
      %run_scoped3A = tpu.sem_alloc : memref<!tpu.dma_semaphore, #tpu.memory_space<semaphore_mem>>
      %dma_start3A_242 = arith.constant 0 : i32
      %dma_start3A_243 = arith.constant 0 : i32
      %dma_start3A_244 = tpu.memref_slice %arg4[%arg1, %dma_start3A_242, %dma_start3A_243] : memref<16x160x128xi32, #tpu.memory_space<hbm>> -> memref<1x160x128xi32, #tpu.memory_space<hbm>>
      %dma_start3A_245 = tpu.memref_squeeze %dma_start3A_244 : memref<1x160x128xi32, #tpu.memory_space<hbm>> -> memref<160x128xi32, #tpu.memory_space<hbm>>
      %dma_start3A_246 = arith.constant 0 : i32
      %dma_start3A_247 = arith.constant 0 : i32
      %dma_start3A_248 = tpu.memref_slice %arg4[%arg1, %dma_start3A_246, %dma_start3A_247] : memref<16x160x128xi32, #tpu.memory_space<hbm>> -> memref<1x160x128xi32, #tpu.memory_space<hbm>>
      %dma_start3A_249 = tpu.memref_squeeze %dma_start3A_248 : memref<1x160x128xi32, #tpu.memory_space<hbm>> -> memref<160x128xi32, #tpu.memory_space<hbm>>
      tpu.enqueue_dma source(%dma_start3A_249 : memref<160x128xi32, #tpu.memory_space<hbm>>) target(%arg7 : memref<160x128xi32, #tpu.memory_space<vmem>>) target_semaphore(%run_scoped3A : memref<!tpu.dma_semaphore, #tpu.memory_space<semaphore_mem>>)
      %dma_wait3A_250 = arith.constant 0 : i32
      %dma_wait3A_251 = arith.constant 0 : i32
      %dma_wait3A_252 = tpu.memref_slice %arg4[%arg1, %dma_wait3A_250, %dma_wait3A_251] : memref<16x160x128xi32, #tpu.memory_space<hbm>> -> memref<1x160x128xi32, #tpu.memory_space<hbm>>
      %dma_wait3A_253 = tpu.memref_squeeze %dma_wait3A_252 : memref<1x160x128xi32, #tpu.memory_space<hbm>> -> memref<160x128xi32, #tpu.memory_space<hbm>>
      %dma_wait3A_254 = arith.constant 0 : i32
      %dma_wait3A_255 = arith.constant 0 : i32
      %dma_wait3A_256 = tpu.memref_slice %arg4[%arg1, %dma_wait3A_254, %dma_wait3A_255] : memref<16x160x128xi32, #tpu.memory_space<hbm>> -> memref<1x160x128xi32, #tpu.memory_space<hbm>>
      %dma_wait3A_257 = tpu.memref_squeeze %dma_wait3A_256 : memref<1x160x128xi32, #tpu.memory_space<hbm>> -> memref<160x128xi32, #tpu.memory_space<hbm>>
      tpu.wait_dma2 semaphore(%run_scoped3A : memref<!tpu.dma_semaphore, #tpu.memory_space<semaphore_mem>>) src(%dma_wait3A_257 : memref<160x128xi32, #tpu.memory_space<hbm>>) dst(%arg7 : memref<160x128xi32, #tpu.memory_space<vmem>>)
      tpu.yield
    }) : () -> ()
    %barrier3A = arith.constant 0 : index
    tpu.barrier barrier_id(%barrier3A)
    %dma_start3A = arith.constant 0 : i32
    %dma_start3A_18 = arith.constant 0 : i32
    %dma_start3A_19 = arith.constant 0 : i32
    %dma_start3A_20 = arith.constant 0 : i32
    %dma_start3A_21 = tpu.memref_slice %arg8[%dma_start3A_18, %dma_start3A_19, %dma_start3A_20] : memref<4x128x64xf32, #tpu.memory_space<vmem>> -> memref<1x128x64xf32, #tpu.memory_space<vmem>>
    %dma_start3A_22 = tpu.memref_squeeze %dma_start3A_21 : memref<1x128x64xf32, #tpu.memory_space<vmem>> -> memref<128x64xf32, #tpu.memory_space<vmem>>
    %dma_start3A_23 = arith.constant 0 : i32
    %dma_start3A_24 = tpu.memref_slice %arg6[%dma_start3A, %dma_start3A_23] : memref<160x128xi32, #tpu.memory_space<vmem>> -> memref<1x128xi32, #tpu.memory_space<vmem>>
    %dma_start3A_25 = tpu.memref_squeeze %dma_start3A_24 : memref<1x128xi32, #tpu.memory_space<vmem>> -> memref<128xi32, #tpu.memory_space<vmem>>
    %dma_start3A_26 = arith.constant 0 : i32
    %dma_start3A_27 = arith.constant 0 : i32
    %dma_start3A_28 = tpu.memref_slice %arg2[%dma_start3A_26, %dma_start3A_27] : memref<20480x64xf32, #tpu.memory_space<hbm>> -> memref<20480x64xf32, #tpu.memory_space<hbm>>
    tpu.enqueue_indirect_dma source(%dma_start3A_28 : memref<20480x64xf32, #tpu.memory_space<hbm>>) target(%dma_start3A_22 : memref<128x64xf32, #tpu.memory_space<vmem>>) offsets(%dma_start3A_25 : memref<128xi32, #tpu.memory_space<vmem>>) semaphore(%arg10 : memref<!tpu.dma_semaphore, #tpu.memory_space<semaphore_mem>>)
    %dma_start3A_29 = arith.constant 1 : i32
    %dma_start3A_30 = arith.constant 1 : i32
    %dma_start3A_31 = arith.constant 0 : i32
    %dma_start3A_32 = arith.constant 0 : i32
    %dma_start3A_33 = tpu.memref_slice %arg8[%dma_start3A_30, %dma_start3A_31, %dma_start3A_32] : memref<4x128x64xf32, #tpu.memory_space<vmem>> -> memref<1x128x64xf32, #tpu.memory_space<vmem>>
    %dma_start3A_34 = tpu.memref_squeeze %dma_start3A_33 : memref<1x128x64xf32, #tpu.memory_space<vmem>> -> memref<128x64xf32, #tpu.memory_space<vmem>>
    %dma_start3A_35 = arith.constant 0 : i32
    %dma_start3A_36 = tpu.memref_slice %arg6[%dma_start3A_29, %dma_start3A_35] : memref<160x128xi32, #tpu.memory_space<vmem>> -> memref<1x128xi32, #tpu.memory_space<vmem>>
    %dma_start3A_37 = tpu.memref_squeeze %dma_start3A_36 : memref<1x128xi32, #tpu.memory_space<vmem>> -> memref<128xi32, #tpu.memory_space<vmem>>
    %dma_start3A_38 = arith.constant 0 : i32
    %dma_start3A_39 = arith.constant 0 : i32
    %dma_start3A_40 = tpu.memref_slice %arg2[%dma_start3A_38, %dma_start3A_39] : memref<20480x64xf32, #tpu.memory_space<hbm>> -> memref<20480x64xf32, #tpu.memory_space<hbm>>
    tpu.enqueue_indirect_dma source(%dma_start3A_40 : memref<20480x64xf32, #tpu.memory_space<hbm>>) target(%dma_start3A_34 : memref<128x64xf32, #tpu.memory_space<vmem>>) offsets(%dma_start3A_37 : memref<128xi32, #tpu.memory_space<vmem>>) semaphore(%arg11 : memref<!tpu.dma_semaphore, #tpu.memory_space<semaphore_mem>>)
    %dma_wait3A = arith.constant 0 : i32
    %dma_wait3A_41 = arith.constant 0 : i32
    %dma_wait3A_42 = arith.constant 0 : i32
    %dma_wait3A_43 = tpu.memref_slice %arg8[%dma_wait3A, %dma_wait3A_41, %dma_wait3A_42] : memref<4x128x64xf32, #tpu.memory_space<vmem>> -> memref<1x128x64xf32, #tpu.memory_space<vmem>>
    %dma_wait3A_44 = tpu.memref_squeeze %dma_wait3A_43 : memref<1x128x64xf32, #tpu.memory_space<vmem>> -> memref<128x64xf32, #tpu.memory_space<vmem>>
    %dma_wait3A_45 = arith.constant 0 : i32
    %dma_wait3A_46 = arith.constant 0 : i32
    %dma_wait3A_47 = tpu.memref_slice %arg2[%dma_wait3A_45, %dma_wait3A_46] : memref<20480x64xf32, #tpu.memory_space<hbm>> -> memref<128x64xf32, #tpu.memory_space<hbm>>
    %dma_wait3A_48 = arith.constant 0 : i32
    %dma_wait3A_49 = arith.constant 0 : i32
    %dma_wait3A_50 = tpu.memref_slice %arg8[%dma_wait3A, %dma_wait3A_48, %dma_wait3A_49] : memref<4x128x64xf32, #tpu.memory_space<vmem>> -> memref<1x128x64xf32, #tpu.memory_space<vmem>>
    %dma_wait3A_51 = tpu.memref_squeeze %dma_wait3A_50 : memref<1x128x64xf32, #tpu.memory_space<vmem>> -> memref<128x64xf32, #tpu.memory_space<vmem>>
    %dma_wait3A_52 = arith.constant 0 : i32
    %dma_wait3A_53 = arith.constant 0 : i32
    %dma_wait3A_54 = tpu.memref_slice %arg2[%dma_wait3A_52, %dma_wait3A_53] : memref<20480x64xf32, #tpu.memory_space<hbm>> -> memref<128x64xf32, #tpu.memory_space<hbm>>
    tpu.wait_dma2 semaphore(%arg10 : memref<!tpu.dma_semaphore, #tpu.memory_space<semaphore_mem>>) src(%dma_wait3A_54 : memref<128x64xf32, #tpu.memory_space<hbm>>) dst(%dma_wait3A_51 : memref<128x64xf32, #tpu.memory_space<vmem>>)
    %dma_start3A_55 = arith.constant 0 : i32
    %dma_start3A_56 = arith.constant 0 : i32
    %dma_start3A_57 = arith.constant 0 : i32
    %dma_start3A_58 = arith.constant 0 : i32
    %dma_start3A_59 = tpu.memref_slice %arg8[%dma_start3A_55, %dma_start3A_57, %dma_start3A_58] : memref<4x128x64xf32, #tpu.memory_space<vmem>> -> memref<1x128x64xf32, #tpu.memory_space<vmem>>
    %dma_start3A_60 = tpu.memref_squeeze %dma_start3A_59 : memref<1x128x64xf32, #tpu.memory_space<vmem>> -> memref<128x64xf32, #tpu.memory_space<vmem>>
    %dma_start3A_61 = arith.constant 0 : i32
    %dma_start3A_62 = tpu.memref_slice %arg7[%dma_start3A_56, %dma_start3A_61] : memref<160x128xi32, #tpu.memory_space<vmem>> -> memref<1x128xi32, #tpu.memory_space<vmem>>
    %dma_start3A_63 = tpu.memref_squeeze %dma_start3A_62 : memref<1x128xi32, #tpu.memory_space<vmem>> -> memref<128xi32, #tpu.memory_space<vmem>>
    %dma_start3A_64 = arith.constant 0 : i32
    %dma_start3A_65 = arith.constant 0 : i32
    %dma_start3A_66 = tpu.memref_slice %arg9[%dma_start3A_64, %dma_start3A_65] : memref<10240x64xf32, #tpu.memory_space<vmem_shared>> -> memref<10240x64xf32, #tpu.memory_space<vmem_shared>>
    tpu.enqueue_indirect_dma source(%dma_start3A_60 : memref<128x64xf32, #tpu.memory_space<vmem>>) target(%dma_start3A_66 : memref<10240x64xf32, #tpu.memory_space<vmem_shared>>) offsets(%dma_start3A_63 : memref<128xi32, #tpu.memory_space<vmem>>) semaphore(%arg14 : memref<!tpu.dma_semaphore, #tpu.memory_space<semaphore_mem>>) {add = true}
    %dma_start3A_67 = arith.constant 2 : i32
    %dma_start3A_68 = arith.constant 2 : i32
    %dma_start3A_69 = arith.constant 0 : i32
    %dma_start3A_70 = arith.constant 0 : i32
    %dma_start3A_71 = tpu.memref_slice %arg8[%dma_start3A_68, %dma_start3A_69, %dma_start3A_70] : memref<4x128x64xf32, #tpu.memory_space<vmem>> -> memref<1x128x64xf32, #tpu.memory_space<vmem>>
    %dma_start3A_72 = tpu.memref_squeeze %dma_start3A_71 : memref<1x128x64xf32, #tpu.memory_space<vmem>> -> memref<128x64xf32, #tpu.memory_space<vmem>>
    %dma_start3A_73 = arith.constant 0 : i32
    %dma_start3A_74 = tpu.memref_slice %arg6[%dma_start3A_67, %dma_start3A_73] : memref<160x128xi32, #tpu.memory_space<vmem>> -> memref<1x128xi32, #tpu.memory_space<vmem>>
    %dma_start3A_75 = tpu.memref_squeeze %dma_start3A_74 : memref<1x128xi32, #tpu.memory_space<vmem>> -> memref<128xi32, #tpu.memory_space<vmem>>
    %dma_start3A_76 = arith.constant 0 : i32
    %dma_start3A_77 = arith.constant 0 : i32
    %dma_start3A_78 = tpu.memref_slice %arg2[%dma_start3A_76, %dma_start3A_77] : memref<20480x64xf32, #tpu.memory_space<hbm>> -> memref<20480x64xf32, #tpu.memory_space<hbm>>
    tpu.enqueue_indirect_dma source(%dma_start3A_78 : memref<20480x64xf32, #tpu.memory_space<hbm>>) target(%dma_start3A_72 : memref<128x64xf32, #tpu.memory_space<vmem>>) offsets(%dma_start3A_75 : memref<128xi32, #tpu.memory_space<vmem>>) semaphore(%arg12 : memref<!tpu.dma_semaphore, #tpu.memory_space<semaphore_mem>>)
    %dma_wait3A_79 = arith.constant 1 : i32
    %dma_wait3A_80 = arith.constant 0 : i32
    %dma_wait3A_81 = arith.constant 0 : i32
    %dma_wait3A_82 = tpu.memref_slice %arg8[%dma_wait3A_79, %dma_wait3A_80, %dma_wait3A_81] : memref<4x128x64xf32, #tpu.memory_space<vmem>> -> memref<1x128x64xf32, #tpu.memory_space<vmem>>
    %dma_wait3A_83 = tpu.memref_squeeze %dma_wait3A_82 : memref<1x128x64xf32, #tpu.memory_space<vmem>> -> memref<128x64xf32, #tpu.memory_space<vmem>>
    %dma_wait3A_84 = arith.constant 0 : i32
    %dma_wait3A_85 = arith.constant 0 : i32
    %dma_wait3A_86 = tpu.memref_slice %arg2[%dma_wait3A_84, %dma_wait3A_85] : memref<20480x64xf32, #tpu.memory_space<hbm>> -> memref<128x64xf32, #tpu.memory_space<hbm>>
    %dma_wait3A_87 = arith.constant 0 : i32
    %dma_wait3A_88 = arith.constant 0 : i32
    %dma_wait3A_89 = tpu.memref_slice %arg8[%dma_wait3A_79, %dma_wait3A_87, %dma_wait3A_88] : memref<4x128x64xf32, #tpu.memory_space<vmem>> -> memref<1x128x64xf32, #tpu.memory_space<vmem>>
    %dma_wait3A_90 = tpu.memref_squeeze %dma_wait3A_89 : memref<1x128x64xf32, #tpu.memory_space<vmem>> -> memref<128x64xf32, #tpu.memory_space<vmem>>
    %dma_wait3A_91 = arith.constant 0 : i32
    %dma_wait3A_92 = arith.constant 0 : i32
    %dma_wait3A_93 = tpu.memref_slice %arg2[%dma_wait3A_91, %dma_wait3A_92] : memref<20480x64xf32, #tpu.memory_space<hbm>> -> memref<128x64xf32, #tpu.memory_space<hbm>>
    tpu.wait_dma2 semaphore(%arg11 : memref<!tpu.dma_semaphore, #tpu.memory_space<semaphore_mem>>) src(%dma_wait3A_93 : memref<128x64xf32, #tpu.memory_space<hbm>>) dst(%dma_wait3A_90 : memref<128x64xf32, #tpu.memory_space<vmem>>)
    %dma_start3A_94 = arith.constant 1 : i32
    %dma_start3A_95 = arith.constant 1 : i32
    %dma_start3A_96 = arith.constant 0 : i32
    %dma_start3A_97 = arith.constant 0 : i32
    %dma_start3A_98 = tpu.memref_slice %arg8[%dma_start3A_94, %dma_start3A_96, %dma_start3A_97] : memref<4x128x64xf32, #tpu.memory_space<vmem>> -> memref<1x128x64xf32, #tpu.memory_space<vmem>>
    %dma_start3A_99 = tpu.memref_squeeze %dma_start3A_98 : memref<1x128x64xf32, #tpu.memory_space<vmem>> -> memref<128x64xf32, #tpu.memory_space<vmem>>
    %dma_start3A_100 = arith.constant 0 : i32
    %dma_start3A_101 = tpu.memref_slice %arg7[%dma_start3A_95, %dma_start3A_100] : memref<160x128xi32, #tpu.memory_space<vmem>> -> memref<1x128xi32, #tpu.memory_space<vmem>>
    %dma_start3A_102 = tpu.memref_squeeze %dma_start3A_101 : memref<1x128xi32, #tpu.memory_space<vmem>> -> memref<128xi32, #tpu.memory_space<vmem>>
    %dma_start3A_103 = arith.constant 0 : i32
    %dma_start3A_104 = arith.constant 0 : i32
    %dma_start3A_105 = tpu.memref_slice %arg9[%dma_start3A_103, %dma_start3A_104] : memref<10240x64xf32, #tpu.memory_space<vmem_shared>> -> memref<10240x64xf32, #tpu.memory_space<vmem_shared>>
    tpu.enqueue_indirect_dma source(%dma_start3A_99 : memref<128x64xf32, #tpu.memory_space<vmem>>) target(%dma_start3A_105 : memref<10240x64xf32, #tpu.memory_space<vmem_shared>>) offsets(%dma_start3A_102 : memref<128xi32, #tpu.memory_space<vmem>>) semaphore(%arg15 : memref<!tpu.dma_semaphore, #tpu.memory_space<semaphore_mem>>) {add = true}
    %dma_start3A_106 = arith.constant 3 : i32
    %dma_start3A_107 = arith.constant 3 : i32
    %dma_start3A_108 = arith.constant 0 : i32
    %dma_start3A_109 = arith.constant 0 : i32
    %dma_start3A_110 = tpu.memref_slice %arg8[%dma_start3A_107, %dma_start3A_108, %dma_start3A_109] : memref<4x128x64xf32, #tpu.memory_space<vmem>> -> memref<1x128x64xf32, #tpu.memory_space<vmem>>
    %dma_start3A_111 = tpu.memref_squeeze %dma_start3A_110 : memref<1x128x64xf32, #tpu.memory_space<vmem>> -> memref<128x64xf32, #tpu.memory_space<vmem>>
    %dma_start3A_112 = arith.constant 0 : i32
    %dma_start3A_113 = tpu.memref_slice %arg6[%dma_start3A_106, %dma_start3A_112] : memref<160x128xi32, #tpu.memory_space<vmem>> -> memref<1x128xi32, #tpu.memory_space<vmem>>
    %dma_start3A_114 = tpu.memref_squeeze %dma_start3A_113 : memref<1x128xi32, #tpu.memory_space<vmem>> -> memref<128xi32, #tpu.memory_space<vmem>>
    %dma_start3A_115 = arith.constant 0 : i32
    %dma_start3A_116 = arith.constant 0 : i32
    %dma_start3A_117 = tpu.memref_slice %arg2[%dma_start3A_115, %dma_start3A_116] : memref<20480x64xf32, #tpu.memory_space<hbm>> -> memref<20480x64xf32, #tpu.memory_space<hbm>>
    tpu.enqueue_indirect_dma source(%dma_start3A_117 : memref<20480x64xf32, #tpu.memory_space<hbm>>) target(%dma_start3A_111 : memref<128x64xf32, #tpu.memory_space<vmem>>) offsets(%dma_start3A_114 : memref<128xi32, #tpu.memory_space<vmem>>) semaphore(%arg13 : memref<!tpu.dma_semaphore, #tpu.memory_space<semaphore_mem>>)
    %scan3A = arith.constant 0 : i32
    %scan3A_118 = arith.constant 0 : i32
    %scan3A_119 = arith.constant 39 : i32
    %scan3A_120 = arith.addi %scan3A_118, %scan3A_119 : i32
    %scan3A_121 = arith.constant 1 : i32
    scf.for %scan3A_242 = %scan3A_118 to %scan3A_120 step %scan3A_121  : i32 {
      %mul3A_243 = arith.constant 4 : i32
      %mul3A_244 = arith.muli %mul3A_243, %scan3A_242 : i32
      %add3A_245 = arith.constant 2 : i32
      %add3A_246 = arith.addi %add3A_245, %mul3A_244 : i32
      %dma_wait3A_247 = arith.constant 2 : i32
      %dma_wait3A_248 = arith.constant 0 : i32
      %dma_wait3A_249 = arith.constant 0 : i32
      %dma_wait3A_250 = tpu.memref_slice %arg8[%dma_wait3A_247, %dma_wait3A_248, %dma_wait3A_249] : memref<4x128x64xf32, #tpu.memory_space<vmem>> -> memref<1x128x64xf32, #tpu.memory_space<vmem>>
      %dma_wait3A_251 = tpu.memref_squeeze %dma_wait3A_250 : memref<1x128x64xf32, #tpu.memory_space<vmem>> -> memref<128x64xf32, #tpu.memory_space<vmem>>
      %dma_wait3A_252 = arith.constant 0 : i32
      %dma_wait3A_253 = arith.constant 0 : i32
      %dma_wait3A_254 = tpu.memref_slice %arg2[%dma_wait3A_252, %dma_wait3A_253] : memref<20480x64xf32, #tpu.memory_space<hbm>> -> memref<128x64xf32, #tpu.memory_space<hbm>>
      %dma_wait3A_255 = arith.constant 0 : i32
      %dma_wait3A_256 = arith.constant 0 : i32
      %dma_wait3A_257 = tpu.memref_slice %arg8[%dma_wait3A_247, %dma_wait3A_255, %dma_wait3A_256] : memref<4x128x64xf32, #tpu.memory_space<vmem>> -> memref<1x128x64xf32, #tpu.memory_space<vmem>>
      %dma_wait3A_258 = tpu.memref_squeeze %dma_wait3A_257 : memref<1x128x64xf32, #tpu.memory_space<vmem>> -> memref<128x64xf32, #tpu.memory_space<vmem>>
      %dma_wait3A_259 = arith.constant 0 : i32
      %dma_wait3A_260 = arith.constant 0 : i32
      %dma_wait3A_261 = tpu.memref_slice %arg2[%dma_wait3A_259, %dma_wait3A_260] : memref<20480x64xf32, #tpu.memory_space<hbm>> -> memref<128x64xf32, #tpu.memory_space<hbm>>
      tpu.wait_dma2 semaphore(%arg12 : memref<!tpu.dma_semaphore, #tpu.memory_space<semaphore_mem>>) src(%dma_wait3A_261 : memref<128x64xf32, #tpu.memory_space<hbm>>) dst(%dma_wait3A_258 : memref<128x64xf32, #tpu.memory_space<vmem>>)
      %add3A_262 = arith.constant 0 : i32
      %add3A_263 = arith.addi %add3A_246, %add3A_262 : i32
      %dma_start3A_264 = arith.constant 2 : i32
      %dma_start3A_265 = arith.constant 0 : i32
      %dma_start3A_266 = arith.constant 0 : i32
      %dma_start3A_267 = tpu.memref_slice %arg8[%dma_start3A_264, %dma_start3A_265, %dma_start3A_266] : memref<4x128x64xf32, #tpu.memory_space<vmem>> -> memref<1x128x64xf32, #tpu.memory_space<vmem>>
      %dma_start3A_268 = tpu.memref_squeeze %dma_start3A_267 : memref<1x128x64xf32, #tpu.memory_space<vmem>> -> memref<128x64xf32, #tpu.memory_space<vmem>>
      %dma_start3A_269 = arith.constant 0 : i32
      %dma_start3A_270 = tpu.memref_slice %arg7[%add3A_263, %dma_start3A_269] : memref<160x128xi32, #tpu.memory_space<vmem>> -> memref<1x128xi32, #tpu.memory_space<vmem>>
      %dma_start3A_271 = tpu.memref_squeeze %dma_start3A_270 : memref<1x128xi32, #tpu.memory_space<vmem>> -> memref<128xi32, #tpu.memory_space<vmem>>
      %dma_start3A_272 = arith.constant 0 : i32
      %dma_start3A_273 = arith.constant 0 : i32
      %dma_start3A_274 = tpu.memref_slice %arg9[%dma_start3A_272, %dma_start3A_273] : memref<10240x64xf32, #tpu.memory_space<vmem_shared>> -> memref<10240x64xf32, #tpu.memory_space<vmem_shared>>
      tpu.enqueue_indirect_dma source(%dma_start3A_268 : memref<128x64xf32, #tpu.memory_space<vmem>>) target(%dma_start3A_274 : memref<10240x64xf32, #tpu.memory_space<vmem_shared>>) offsets(%dma_start3A_271 : memref<128xi32, #tpu.memory_space<vmem>>) semaphore(%arg16 : memref<!tpu.dma_semaphore, #tpu.memory_space<semaphore_mem>>) {add = true}
      %dma_wait3A_275 = arith.constant 0 : i32
      %dma_wait3A_276 = arith.constant 0 : i32
      %dma_wait3A_277 = arith.constant 0 : i32
      %dma_wait3A_278 = tpu.memref_slice %arg8[%dma_wait3A_275, %dma_wait3A_276, %dma_wait3A_277] : memref<4x128x64xf32, #tpu.memory_space<vmem>> -> memref<1x128x64xf32, #tpu.memory_space<vmem>>
      %dma_wait3A_279 = tpu.memref_squeeze %dma_wait3A_278 : memref<1x128x64xf32, #tpu.memory_space<vmem>> -> memref<128x64xf32, #tpu.memory_space<vmem>>
      %dma_wait3A_280 = arith.constant 0 : i32
      %dma_wait3A_281 = arith.constant 0 : i32
      %dma_wait3A_282 = tpu.memref_slice %arg9[%dma_wait3A_280, %dma_wait3A_281] : memref<10240x64xf32, #tpu.memory_space<vmem_shared>> -> memref<128x64xf32, #tpu.memory_space<vmem_shared>>
      %dma_wait3A_283 = arith.constant 0 : i32
      %dma_wait3A_284 = arith.constant 0 : i32
      %dma_wait3A_285 = tpu.memref_slice %arg9[%dma_wait3A_283, %dma_wait3A_284] : memref<10240x64xf32, #tpu.memory_space<vmem_shared>> -> memref<128x64xf32, #tpu.memory_space<vmem_shared>>
      %dma_wait3A_286 = arith.constant 0 : i32
      %dma_wait3A_287 = arith.constant 0 : i32
      %dma_wait3A_288 = tpu.memref_slice %arg8[%dma_wait3A_275, %dma_wait3A_286, %dma_wait3A_287] : memref<4x128x64xf32, #tpu.memory_space<vmem>> -> memref<1x128x64xf32, #tpu.memory_space<vmem>>
      %dma_wait3A_289 = tpu.memref_squeeze %dma_wait3A_288 : memref<1x128x64xf32, #tpu.memory_space<vmem>> -> memref<128x64xf32, #tpu.memory_space<vmem>>
      tpu.wait_dma2 semaphore(%arg14 : memref<!tpu.dma_semaphore, #tpu.memory_space<semaphore_mem>>) src(%dma_wait3A_289 : memref<128x64xf32, #tpu.memory_space<vmem>>) dst(%dma_wait3A_285 : memref<128x64xf32, #tpu.memory_space<vmem_shared>>)
      %add3A_290 = arith.constant 0 : i32
      %add3A_291 = arith.addi %add3A_246, %add3A_290 : i32
      %add3A_292 = arith.constant 2 : i32
      %add3A_293 = arith.addi %add3A_291, %add3A_292 : i32
      %dma_start3A_294 = arith.constant 0 : i32
      %dma_start3A_295 = arith.constant 0 : i32
      %dma_start3A_296 = arith.constant 0 : i32
      %dma_start3A_297 = tpu.memref_slice %arg8[%dma_start3A_294, %dma_start3A_295, %dma_start3A_296] : memref<4x128x64xf32, #tpu.memory_space<vmem>> -> memref<1x128x64xf32, #tpu.memory_space<vmem>>
      %dma_start3A_298 = tpu.memref_squeeze %dma_start3A_297 : memref<1x128x64xf32, #tpu.memory_space<vmem>> -> memref<128x64xf32, #tpu.memory_space<vmem>>
      %dma_start3A_299 = arith.constant 0 : i32
      %dma_start3A_300 = tpu.memref_slice %arg6[%add3A_293, %dma_start3A_299] : memref<160x128xi32, #tpu.memory_space<vmem>> -> memref<1x128xi32, #tpu.memory_space<vmem>>
      %dma_start3A_301 = tpu.memref_squeeze %dma_start3A_300 : memref<1x128xi32, #tpu.memory_space<vmem>> -> memref<128xi32, #tpu.memory_space<vmem>>
      %dma_start3A_302 = arith.constant 0 : i32
      %dma_start3A_303 = arith.constant 0 : i32
      %dma_start3A_304 = tpu.memref_slice %arg2[%dma_start3A_302, %dma_start3A_303] : memref<20480x64xf32, #tpu.memory_space<hbm>> -> memref<20480x64xf32, #tpu.memory_space<hbm>>
      tpu.enqueue_indirect_dma source(%dma_start3A_304 : memref<20480x64xf32, #tpu.memory_space<hbm>>) target(%dma_start3A_298 : memref<128x64xf32, #tpu.memory_space<vmem>>) offsets(%dma_start3A_301 : memref<128xi32, #tpu.memory_space<vmem>>) semaphore(%arg10 : memref<!tpu.dma_semaphore, #tpu.memory_space<semaphore_mem>>)
      %dma_wait3A_305 = arith.constant 3 : i32
      %dma_wait3A_306 = arith.constant 0 : i32
      %dma_wait3A_307 = arith.constant 0 : i32
      %dma_wait3A_308 = tpu.memref_slice %arg8[%dma_wait3A_305, %dma_wait3A_306, %dma_wait3A_307] : memref<4x128x64xf32, #tpu.memory_space<vmem>> -> memref<1x128x64xf32, #tpu.memory_space<vmem>>
      %dma_wait3A_309 = tpu.memref_squeeze %dma_wait3A_308 : memref<1x128x64xf32, #tpu.memory_space<vmem>> -> memref<128x64xf32, #tpu.memory_space<vmem>>
      %dma_wait3A_310 = arith.constant 0 : i32
      %dma_wait3A_311 = arith.constant 0 : i32
      %dma_wait3A_312 = tpu.memref_slice %arg2[%dma_wait3A_310, %dma_wait3A_311] : memref<20480x64xf32, #tpu.memory_space<hbm>> -> memref<128x64xf32, #tpu.memory_space<hbm>>
      %dma_wait3A_313 = arith.constant 0 : i32
      %dma_wait3A_314 = arith.constant 0 : i32
      %dma_wait3A_315 = tpu.memref_slice %arg8[%dma_wait3A_305, %dma_wait3A_313, %dma_wait3A_314] : memref<4x128x64xf32, #tpu.memory_space<vmem>> -> memref<1x128x64xf32, #tpu.memory_space<vmem>>
      %dma_wait3A_316 = tpu.memref_squeeze %dma_wait3A_315 : memref<1x128x64xf32, #tpu.memory_space<vmem>> -> memref<128x64xf32, #tpu.memory_space<vmem>>
      %dma_wait3A_317 = arith.constant 0 : i32
      %dma_wait3A_318 = arith.constant 0 : i32
      %dma_wait3A_319 = tpu.memref_slice %arg2[%dma_wait3A_317, %dma_wait3A_318] : memref<20480x64xf32, #tpu.memory_space<hbm>> -> memref<128x64xf32, #tpu.memory_space<hbm>>
      tpu.wait_dma2 semaphore(%arg13 : memref<!tpu.dma_semaphore, #tpu.memory_space<semaphore_mem>>) src(%dma_wait3A_319 : memref<128x64xf32, #tpu.memory_space<hbm>>) dst(%dma_wait3A_316 : memref<128x64xf32, #tpu.memory_space<vmem>>)
      %add3A_320 = arith.constant 1 : i32
      %add3A_321 = arith.addi %add3A_246, %add3A_320 : i32
      %dma_start3A_322 = arith.constant 3 : i32
      %dma_start3A_323 = arith.constant 0 : i32
      %dma_start3A_324 = arith.constant 0 : i32
      %dma_start3A_325 = tpu.memref_slice %arg8[%dma_start3A_322, %dma_start3A_323, %dma_start3A_324] : memref<4x128x64xf32, #tpu.memory_space<vmem>> -> memref<1x128x64xf32, #tpu.memory_space<vmem>>
      %dma_start3A_326 = tpu.memref_squeeze %dma_start3A_325 : memref<1x128x64xf32, #tpu.memory_space<vmem>> -> memref<128x64xf32, #tpu.memory_space<vmem>>
      %dma_start3A_327 = arith.constant 0 : i32
      %dma_start3A_328 = tpu.memref_slice %arg7[%add3A_321, %dma_start3A_327] : memref<160x128xi32, #tpu.memory_space<vmem>> -> memref<1x128xi32, #tpu.memory_space<vmem>>
      %dma_start3A_329 = tpu.memref_squeeze %dma_start3A_328 : memref<1x128xi32, #tpu.memory_space<vmem>> -> memref<128xi32, #tpu.memory_space<vmem>>
      %dma_start3A_330 = arith.constant 0 : i32
      %dma_start3A_331 = arith.constant 0 : i32
      %dma_start3A_332 = tpu.memref_slice %arg9[%dma_start3A_330, %dma_start3A_331] : memref<10240x64xf32, #tpu.memory_space<vmem_shared>> -> memref<10240x64xf32, #tpu.memory_space<vmem_shared>>
      tpu.enqueue_indirect_dma source(%dma_start3A_326 : memref<128x64xf32, #tpu.memory_space<vmem>>) target(%dma_start3A_332 : memref<10240x64xf32, #tpu.memory_space<vmem_shared>>) offsets(%dma_start3A_329 : memref<128xi32, #tpu.memory_space<vmem>>) semaphore(%arg17 : memref<!tpu.dma_semaphore, #tpu.memory_space<semaphore_mem>>) {add = true}
      %dma_wait3A_333 = arith.constant 1 : i32
      %dma_wait3A_334 = arith.constant 0 : i32
      %dma_wait3A_335 = arith.constant 0 : i32
      %dma_wait3A_336 = tpu.memref_slice %arg8[%dma_wait3A_333, %dma_wait3A_334, %dma_wait3A_335] : memref<4x128x64xf32, #tpu.memory_space<vmem>> -> memref<1x128x64xf32, #tpu.memory_space<vmem>>
      %dma_wait3A_337 = tpu.memref_squeeze %dma_wait3A_336 : memref<1x128x64xf32, #tpu.memory_space<vmem>> -> memref<128x64xf32, #tpu.memory_space<vmem>>
      %dma_wait3A_338 = arith.constant 0 : i32
      %dma_wait3A_339 = arith.constant 0 : i32
      %dma_wait3A_340 = tpu.memref_slice %arg9[%dma_wait3A_338, %dma_wait3A_339] : memref<10240x64xf32, #tpu.memory_space<vmem_shared>> -> memref<128x64xf32, #tpu.memory_space<vmem_shared>>
      %dma_wait3A_341 = arith.constant 0 : i32
      %dma_wait3A_342 = arith.constant 0 : i32
      %dma_wait3A_343 = tpu.memref_slice %arg9[%dma_wait3A_341, %dma_wait3A_342] : memref<10240x64xf32, #tpu.memory_space<vmem_shared>> -> memref<128x64xf32, #tpu.memory_space<vmem_shared>>
      %dma_wait3A_344 = arith.constant 0 : i32
      %dma_wait3A_345 = arith.constant 0 : i32
      %dma_wait3A_346 = tpu.memref_slice %arg8[%dma_wait3A_333, %dma_wait3A_344, %dma_wait3A_345] : memref<4x128x64xf32, #tpu.memory_space<vmem>> -> memref<1x128x64xf32, #tpu.memory_space<vmem>>
      %dma_wait3A_347 = tpu.memref_squeeze %dma_wait3A_346 : memref<1x128x64xf32, #tpu.memory_space<vmem>> -> memref<128x64xf32, #tpu.memory_space<vmem>>
      tpu.wait_dma2 semaphore(%arg15 : memref<!tpu.dma_semaphore, #tpu.memory_space<semaphore_mem>>) src(%dma_wait3A_347 : memref<128x64xf32, #tpu.memory_space<vmem>>) dst(%dma_wait3A_343 : memref<128x64xf32, #tpu.memory_space<vmem_shared>>)
      %add3A_348 = arith.constant 1 : i32
      %add3A_349 = arith.addi %add3A_246, %add3A_348 : i32
      %add3A_350 = arith.constant 2 : i32
      %add3A_351 = arith.addi %add3A_349, %add3A_350 : i32
      %dma_start3A_352 = arith.constant 1 : i32
      %dma_start3A_353 = arith.constant 0 : i32
      %dma_start3A_354 = arith.constant 0 : i32
      %dma_start3A_355 = tpu.memref_slice %arg8[%dma_start3A_352, %dma_start3A_353, %dma_start3A_354] : memref<4x128x64xf32, #tpu.memory_space<vmem>> -> memref<1x128x64xf32, #tpu.memory_space<vmem>>
      %dma_start3A_356 = tpu.memref_squeeze %dma_start3A_355 : memref<1x128x64xf32, #tpu.memory_space<vmem>> -> memref<128x64xf32, #tpu.memory_space<vmem>>
      %dma_start3A_357 = arith.constant 0 : i32
      %dma_start3A_358 = tpu.memref_slice %arg6[%add3A_351, %dma_start3A_357] : memref<160x128xi32, #tpu.memory_space<vmem>> -> memref<1x128xi32, #tpu.memory_space<vmem>>
      %dma_start3A_359 = tpu.memref_squeeze %dma_start3A_358 : memref<1x128xi32, #tpu.memory_space<vmem>> -> memref<128xi32, #tpu.memory_space<vmem>>
      %dma_start3A_360 = arith.constant 0 : i32
      %dma_start3A_361 = arith.constant 0 : i32
      %dma_start3A_362 = tpu.memref_slice %arg2[%dma_start3A_360, %dma_start3A_361] : memref<20480x64xf32, #tpu.memory_space<hbm>> -> memref<20480x64xf32, #tpu.memory_space<hbm>>
      tpu.enqueue_indirect_dma source(%dma_start3A_362 : memref<20480x64xf32, #tpu.memory_space<hbm>>) target(%dma_start3A_356 : memref<128x64xf32, #tpu.memory_space<vmem>>) offsets(%dma_start3A_359 : memref<128xi32, #tpu.memory_space<vmem>>) semaphore(%arg11 : memref<!tpu.dma_semaphore, #tpu.memory_space<semaphore_mem>>)
      %dma_wait3A_363 = arith.constant 0 : i32
      %dma_wait3A_364 = arith.constant 0 : i32
      %dma_wait3A_365 = arith.constant 0 : i32
      %dma_wait3A_366 = tpu.memref_slice %arg8[%dma_wait3A_363, %dma_wait3A_364, %dma_wait3A_365] : memref<4x128x64xf32, #tpu.memory_space<vmem>> -> memref<1x128x64xf32, #tpu.memory_space<vmem>>
      %dma_wait3A_367 = tpu.memref_squeeze %dma_wait3A_366 : memref<1x128x64xf32, #tpu.memory_space<vmem>> -> memref<128x64xf32, #tpu.memory_space<vmem>>
      %dma_wait3A_368 = arith.constant 0 : i32
      %dma_wait3A_369 = arith.constant 0 : i32
      %dma_wait3A_370 = tpu.memref_slice %arg2[%dma_wait3A_368, %dma_wait3A_369] : memref<20480x64xf32, #tpu.memory_space<hbm>> -> memref<128x64xf32, #tpu.memory_space<hbm>>
      %dma_wait3A_371 = arith.constant 0 : i32
      %dma_wait3A_372 = arith.constant 0 : i32
      %dma_wait3A_373 = tpu.memref_slice %arg8[%dma_wait3A_363, %dma_wait3A_371, %dma_wait3A_372] : memref<4x128x64xf32, #tpu.memory_space<vmem>> -> memref<1x128x64xf32, #tpu.memory_space<vmem>>
      %dma_wait3A_374 = tpu.memref_squeeze %dma_wait3A_373 : memref<1x128x64xf32, #tpu.memory_space<vmem>> -> memref<128x64xf32, #tpu.memory_space<vmem>>
      %dma_wait3A_375 = arith.constant 0 : i32
      %dma_wait3A_376 = arith.constant 0 : i32
      %dma_wait3A_377 = tpu.memref_slice %arg2[%dma_wait3A_375, %dma_wait3A_376] : memref<20480x64xf32, #tpu.memory_space<hbm>> -> memref<128x64xf32, #tpu.memory_space<hbm>>
      tpu.wait_dma2 semaphore(%arg10 : memref<!tpu.dma_semaphore, #tpu.memory_space<semaphore_mem>>) src(%dma_wait3A_377 : memref<128x64xf32, #tpu.memory_space<hbm>>) dst(%dma_wait3A_374 : memref<128x64xf32, #tpu.memory_space<vmem>>)
      %add3A_378 = arith.constant 2 : i32
      %add3A_379 = arith.addi %add3A_246, %add3A_378 : i32
      %dma_start3A_380 = arith.constant 0 : i32
      %dma_start3A_381 = arith.constant 0 : i32
      %dma_start3A_382 = arith.constant 0 : i32
      %dma_start3A_383 = tpu.memref_slice %arg8[%dma_start3A_380, %dma_start3A_381, %dma_start3A_382] : memref<4x128x64xf32, #tpu.memory_space<vmem>> -> memref<1x128x64xf32, #tpu.memory_space<vmem>>
      %dma_start3A_384 = tpu.memref_squeeze %dma_start3A_383 : memref<1x128x64xf32, #tpu.memory_space<vmem>> -> memref<128x64xf32, #tpu.memory_space<vmem>>
      %dma_start3A_385 = arith.constant 0 : i32
      %dma_start3A_386 = tpu.memref_slice %arg7[%add3A_379, %dma_start3A_385] : memref<160x128xi32, #tpu.memory_space<vmem>> -> memref<1x128xi32, #tpu.memory_space<vmem>>
      %dma_start3A_387 = tpu.memref_squeeze %dma_start3A_386 : memref<1x128xi32, #tpu.memory_space<vmem>> -> memref<128xi32, #tpu.memory_space<vmem>>
      %dma_start3A_388 = arith.constant 0 : i32
      %dma_start3A_389 = arith.constant 0 : i32
      %dma_start3A_390 = tpu.memref_slice %arg9[%dma_start3A_388, %dma_start3A_389] : memref<10240x64xf32, #tpu.memory_space<vmem_shared>> -> memref<10240x64xf32, #tpu.memory_space<vmem_shared>>
      tpu.enqueue_indirect_dma source(%dma_start3A_384 : memref<128x64xf32, #tpu.memory_space<vmem>>) target(%dma_start3A_390 : memref<10240x64xf32, #tpu.memory_space<vmem_shared>>) offsets(%dma_start3A_387 : memref<128xi32, #tpu.memory_space<vmem>>) semaphore(%arg14 : memref<!tpu.dma_semaphore, #tpu.memory_space<semaphore_mem>>) {add = true}
      %dma_wait3A_391 = arith.constant 2 : i32
      %dma_wait3A_392 = arith.constant 0 : i32
      %dma_wait3A_393 = arith.constant 0 : i32
      %dma_wait3A_394 = tpu.memref_slice %arg8[%dma_wait3A_391, %dma_wait3A_392, %dma_wait3A_393] : memref<4x128x64xf32, #tpu.memory_space<vmem>> -> memref<1x128x64xf32, #tpu.memory_space<vmem>>
      %dma_wait3A_395 = tpu.memref_squeeze %dma_wait3A_394 : memref<1x128x64xf32, #tpu.memory_space<vmem>> -> memref<128x64xf32, #tpu.memory_space<vmem>>
      %dma_wait3A_396 = arith.constant 0 : i32
      %dma_wait3A_397 = arith.constant 0 : i32
      %dma_wait3A_398 = tpu.memref_slice %arg9[%dma_wait3A_396, %dma_wait3A_397] : memref<10240x64xf32, #tpu.memory_space<vmem_shared>> -> memref<128x64xf32, #tpu.memory_space<vmem_shared>>
      %dma_wait3A_399 = arith.constant 0 : i32
      %dma_wait3A_400 = arith.constant 0 : i32
      %dma_wait3A_401 = tpu.memref_slice %arg9[%dma_wait3A_399, %dma_wait3A_400] : memref<10240x64xf32, #tpu.memory_space<vmem_shared>> -> memref<128x64xf32, #tpu.memory_space<vmem_shared>>
      %dma_wait3A_402 = arith.constant 0 : i32
      %dma_wait3A_403 = arith.constant 0 : i32
      %dma_wait3A_404 = tpu.memref_slice %arg8[%dma_wait3A_391, %dma_wait3A_402, %dma_wait3A_403] : memref<4x128x64xf32, #tpu.memory_space<vmem>> -> memref<1x128x64xf32, #tpu.memory_space<vmem>>
      %dma_wait3A_405 = tpu.memref_squeeze %dma_wait3A_404 : memref<1x128x64xf32, #tpu.memory_space<vmem>> -> memref<128x64xf32, #tpu.memory_space<vmem>>
      tpu.wait_dma2 semaphore(%arg16 : memref<!tpu.dma_semaphore, #tpu.memory_space<semaphore_mem>>) src(%dma_wait3A_405 : memref<128x64xf32, #tpu.memory_space<vmem>>) dst(%dma_wait3A_401 : memref<128x64xf32, #tpu.memory_space<vmem_shared>>)
      %add3A_406 = arith.constant 2 : i32
      %add3A_407 = arith.addi %add3A_246, %add3A_406 : i32
      %add3A_408 = arith.constant 2 : i32
      %add3A_409 = arith.addi %add3A_407, %add3A_408 : i32
      %dma_start3A_410 = arith.constant 2 : i32
      %dma_start3A_411 = arith.constant 0 : i32
      %dma_start3A_412 = arith.constant 0 : i32
      %dma_start3A_413 = tpu.memref_slice %arg8[%dma_start3A_410, %dma_start3A_411, %dma_start3A_412] : memref<4x128x64xf32, #tpu.memory_space<vmem>> -> memref<1x128x64xf32, #tpu.memory_space<vmem>>
      %dma_start3A_414 = tpu.memref_squeeze %dma_start3A_413 : memref<1x128x64xf32, #tpu.memory_space<vmem>> -> memref<128x64xf32, #tpu.memory_space<vmem>>
      %dma_start3A_415 = arith.constant 0 : i32
      %dma_start3A_416 = tpu.memref_slice %arg6[%add3A_409, %dma_start3A_415] : memref<160x128xi32, #tpu.memory_space<vmem>> -> memref<1x128xi32, #tpu.memory_space<vmem>>
      %dma_start3A_417 = tpu.memref_squeeze %dma_start3A_416 : memref<1x128xi32, #tpu.memory_space<vmem>> -> memref<128xi32, #tpu.memory_space<vmem>>
      %dma_start3A_418 = arith.constant 0 : i32
      %dma_start3A_419 = arith.constant 0 : i32
      %dma_start3A_420 = tpu.memref_slice %arg2[%dma_start3A_418, %dma_start3A_419] : memref<20480x64xf32, #tpu.memory_space<hbm>> -> memref<20480x64xf32, #tpu.memory_space<hbm>>
      tpu.enqueue_indirect_dma source(%dma_start3A_420 : memref<20480x64xf32, #tpu.memory_space<hbm>>) target(%dma_start3A_414 : memref<128x64xf32, #tpu.memory_space<vmem>>) offsets(%dma_start3A_417 : memref<128xi32, #tpu.memory_space<vmem>>) semaphore(%arg12 : memref<!tpu.dma_semaphore, #tpu.memory_space<semaphore_mem>>)
      %dma_wait3A_421 = arith.constant 1 : i32
      %dma_wait3A_422 = arith.constant 0 : i32
      %dma_wait3A_423 = arith.constant 0 : i32
      %dma_wait3A_424 = tpu.memref_slice %arg8[%dma_wait3A_421, %dma_wait3A_422, %dma_wait3A_423] : memref<4x128x64xf32, #tpu.memory_space<vmem>> -> memref<1x128x64xf32, #tpu.memory_space<vmem>>
      %dma_wait3A_425 = tpu.memref_squeeze %dma_wait3A_424 : memref<1x128x64xf32, #tpu.memory_space<vmem>> -> memref<128x64xf32, #tpu.memory_space<vmem>>
      %dma_wait3A_426 = arith.constant 0 : i32
      %dma_wait3A_427 = arith.constant 0 : i32
      %dma_wait3A_428 = tpu.memref_slice %arg2[%dma_wait3A_426, %dma_wait3A_427] : memref<20480x64xf32, #tpu.memory_space<hbm>> -> memref<128x64xf32, #tpu.memory_space<hbm>>
      %dma_wait3A_429 = arith.constant 0 : i32
      %dma_wait3A_430 = arith.constant 0 : i32
      %dma_wait3A_431 = tpu.memref_slice %arg8[%dma_wait3A_421, %dma_wait3A_429, %dma_wait3A_430] : memref<4x128x64xf32, #tpu.memory_space<vmem>> -> memref<1x128x64xf32, #tpu.memory_space<vmem>>
      %dma_wait3A_432 = tpu.memref_squeeze %dma_wait3A_431 : memref<1x128x64xf32, #tpu.memory_space<vmem>> -> memref<128x64xf32, #tpu.memory_space<vmem>>
      %dma_wait3A_433 = arith.constant 0 : i32
      %dma_wait3A_434 = arith.constant 0 : i32
      %dma_wait3A_435 = tpu.memref_slice %arg2[%dma_wait3A_433, %dma_wait3A_434] : memref<20480x64xf32, #tpu.memory_space<hbm>> -> memref<128x64xf32, #tpu.memory_space<hbm>>
      tpu.wait_dma2 semaphore(%arg11 : memref<!tpu.dma_semaphore, #tpu.memory_space<semaphore_mem>>) src(%dma_wait3A_435 : memref<128x64xf32, #tpu.memory_space<hbm>>) dst(%dma_wait3A_432 : memref<128x64xf32, #tpu.memory_space<vmem>>)
      %add3A_436 = arith.constant 3 : i32
      %add3A_437 = arith.addi %add3A_246, %add3A_436 : i32
      %dma_start3A_438 = arith.constant 1 : i32
      %dma_start3A_439 = arith.constant 0 : i32
      %dma_start3A_440 = arith.constant 0 : i32
      %dma_start3A_441 = tpu.memref_slice %arg8[%dma_start3A_438, %dma_start3A_439, %dma_start3A_440] : memref<4x128x64xf32, #tpu.memory_space<vmem>> -> memref<1x128x64xf32, #tpu.memory_space<vmem>>
      %dma_start3A_442 = tpu.memref_squeeze %dma_start3A_441 : memref<1x128x64xf32, #tpu.memory_space<vmem>> -> memref<128x64xf32, #tpu.memory_space<vmem>>
      %dma_start3A_443 = arith.constant 0 : i32
      %dma_start3A_444 = tpu.memref_slice %arg7[%add3A_437, %dma_start3A_443] : memref<160x128xi32, #tpu.memory_space<vmem>> -> memref<1x128xi32, #tpu.memory_space<vmem>>
      %dma_start3A_445 = tpu.memref_squeeze %dma_start3A_444 : memref<1x128xi32, #tpu.memory_space<vmem>> -> memref<128xi32, #tpu.memory_space<vmem>>
      %dma_start3A_446 = arith.constant 0 : i32
      %dma_start3A_447 = arith.constant 0 : i32
      %dma_start3A_448 = tpu.memref_slice %arg9[%dma_start3A_446, %dma_start3A_447] : memref<10240x64xf32, #tpu.memory_space<vmem_shared>> -> memref<10240x64xf32, #tpu.memory_space<vmem_shared>>
      tpu.enqueue_indirect_dma source(%dma_start3A_442 : memref<128x64xf32, #tpu.memory_space<vmem>>) target(%dma_start3A_448 : memref<10240x64xf32, #tpu.memory_space<vmem_shared>>) offsets(%dma_start3A_445 : memref<128xi32, #tpu.memory_space<vmem>>) semaphore(%arg15 : memref<!tpu.dma_semaphore, #tpu.memory_space<semaphore_mem>>) {add = true}
      %dma_wait3A_449 = arith.constant 3 : i32
      %dma_wait3A_450 = arith.constant 0 : i32
      %dma_wait3A_451 = arith.constant 0 : i32
      %dma_wait3A_452 = tpu.memref_slice %arg8[%dma_wait3A_449, %dma_wait3A_450, %dma_wait3A_451] : memref<4x128x64xf32, #tpu.memory_space<vmem>> -> memref<1x128x64xf32, #tpu.memory_space<vmem>>
      %dma_wait3A_453 = tpu.memref_squeeze %dma_wait3A_452 : memref<1x128x64xf32, #tpu.memory_space<vmem>> -> memref<128x64xf32, #tpu.memory_space<vmem>>
      %dma_wait3A_454 = arith.constant 0 : i32
      %dma_wait3A_455 = arith.constant 0 : i32
      %dma_wait3A_456 = tpu.memref_slice %arg9[%dma_wait3A_454, %dma_wait3A_455] : memref<10240x64xf32, #tpu.memory_space<vmem_shared>> -> memref<128x64xf32, #tpu.memory_space<vmem_shared>>
      %dma_wait3A_457 = arith.constant 0 : i32
      %dma_wait3A_458 = arith.constant 0 : i32
      %dma_wait3A_459 = tpu.memref_slice %arg9[%dma_wait3A_457, %dma_wait3A_458] : memref<10240x64xf32, #tpu.memory_space<vmem_shared>> -> memref<128x64xf32, #tpu.memory_space<vmem_shared>>
      %dma_wait3A_460 = arith.constant 0 : i32
      %dma_wait3A_461 = arith.constant 0 : i32
      %dma_wait3A_462 = tpu.memref_slice %arg8[%dma_wait3A_449, %dma_wait3A_460, %dma_wait3A_461] : memref<4x128x64xf32, #tpu.memory_space<vmem>> -> memref<1x128x64xf32, #tpu.memory_space<vmem>>
      %dma_wait3A_463 = tpu.memref_squeeze %dma_wait3A_462 : memref<1x128x64xf32, #tpu.memory_space<vmem>> -> memref<128x64xf32, #tpu.memory_space<vmem>>
      tpu.wait_dma2 semaphore(%arg17 : memref<!tpu.dma_semaphore, #tpu.memory_space<semaphore_mem>>) src(%dma_wait3A_463 : memref<128x64xf32, #tpu.memory_space<vmem>>) dst(%dma_wait3A_459 : memref<128x64xf32, #tpu.memory_space<vmem_shared>>)
      %add3A_464 = arith.constant 3 : i32
      %add3A_465 = arith.addi %add3A_246, %add3A_464 : i32
      %add3A_466 = arith.constant 2 : i32
      %add3A_467 = arith.addi %add3A_465, %add3A_466 : i32
      %dma_start3A_468 = arith.constant 3 : i32
      %dma_start3A_469 = arith.constant 0 : i32
      %dma_start3A_470 = arith.constant 0 : i32
      %dma_start3A_471 = tpu.memref_slice %arg8[%dma_start3A_468, %dma_start3A_469, %dma_start3A_470] : memref<4x128x64xf32, #tpu.memory_space<vmem>> -> memref<1x128x64xf32, #tpu.memory_space<vmem>>
      %dma_start3A_472 = tpu.memref_squeeze %dma_start3A_471 : memref<1x128x64xf32, #tpu.memory_space<vmem>> -> memref<128x64xf32, #tpu.memory_space<vmem>>
      %dma_start3A_473 = arith.constant 0 : i32
      %dma_start3A_474 = tpu.memref_slice %arg6[%add3A_467, %dma_start3A_473] : memref<160x128xi32, #tpu.memory_space<vmem>> -> memref<1x128xi32, #tpu.memory_space<vmem>>
      %dma_start3A_475 = tpu.memref_squeeze %dma_start3A_474 : memref<1x128xi32, #tpu.memory_space<vmem>> -> memref<128xi32, #tpu.memory_space<vmem>>
      %dma_start3A_476 = arith.constant 0 : i32
      %dma_start3A_477 = arith.constant 0 : i32
      %dma_start3A_478 = tpu.memref_slice %arg2[%dma_start3A_476, %dma_start3A_477] : memref<20480x64xf32, #tpu.memory_space<hbm>> -> memref<20480x64xf32, #tpu.memory_space<hbm>>
      tpu.enqueue_indirect_dma source(%dma_start3A_478 : memref<20480x64xf32, #tpu.memory_space<hbm>>) target(%dma_start3A_472 : memref<128x64xf32, #tpu.memory_space<vmem>>) offsets(%dma_start3A_475 : memref<128xi32, #tpu.memory_space<vmem>>) semaphore(%arg13 : memref<!tpu.dma_semaphore, #tpu.memory_space<semaphore_mem>>)
    }
    %scan3A_122 = arith.constant 39 : i32
    %dma_wait3A_123 = arith.constant 2 : i32
    %dma_wait3A_124 = arith.constant 0 : i32
    %dma_wait3A_125 = arith.constant 0 : i32
    %dma_wait3A_126 = tpu.memref_slice %arg8[%dma_wait3A_123, %dma_wait3A_124, %dma_wait3A_125] : memref<4x128x64xf32, #tpu.memory_space<vmem>> -> memref<1x128x64xf32, #tpu.memory_space<vmem>>
    %dma_wait3A_127 = tpu.memref_squeeze %dma_wait3A_126 : memref<1x128x64xf32, #tpu.memory_space<vmem>> -> memref<128x64xf32, #tpu.memory_space<vmem>>
    %dma_wait3A_128 = arith.constant 0 : i32
    %dma_wait3A_129 = arith.constant 0 : i32
    %dma_wait3A_130 = tpu.memref_slice %arg2[%dma_wait3A_128, %dma_wait3A_129] : memref<20480x64xf32, #tpu.memory_space<hbm>> -> memref<128x64xf32, #tpu.memory_space<hbm>>
    %dma_wait3A_131 = arith.constant 0 : i32
    %dma_wait3A_132 = arith.constant 0 : i32
    %dma_wait3A_133 = tpu.memref_slice %arg8[%dma_wait3A_123, %dma_wait3A_131, %dma_wait3A_132] : memref<4x128x64xf32, #tpu.memory_space<vmem>> -> memref<1x128x64xf32, #tpu.memory_space<vmem>>
    %dma_wait3A_134 = tpu.memref_squeeze %dma_wait3A_133 : memref<1x128x64xf32, #tpu.memory_space<vmem>> -> memref<128x64xf32, #tpu.memory_space<vmem>>
    %dma_wait3A_135 = arith.constant 0 : i32
    %dma_wait3A_136 = arith.constant 0 : i32
    %dma_wait3A_137 = tpu.memref_slice %arg2[%dma_wait3A_135, %dma_wait3A_136] : memref<20480x64xf32, #tpu.memory_space<hbm>> -> memref<128x64xf32, #tpu.memory_space<hbm>>
    tpu.wait_dma2 semaphore(%arg12 : memref<!tpu.dma_semaphore, #tpu.memory_space<semaphore_mem>>) src(%dma_wait3A_137 : memref<128x64xf32, #tpu.memory_space<hbm>>) dst(%dma_wait3A_134 : memref<128x64xf32, #tpu.memory_space<vmem>>)
    %dma_start3A_138 = arith.constant 2 : i32
    %dma_start3A_139 = arith.constant 158 : i32
    %dma_start3A_140 = arith.constant 0 : i32
    %dma_start3A_141 = arith.constant 0 : i32
    %dma_start3A_142 = tpu.memref_slice %arg8[%dma_start3A_138, %dma_start3A_140, %dma_start3A_141] : memref<4x128x64xf32, #tpu.memory_space<vmem>> -> memref<1x128x64xf32, #tpu.memory_space<vmem>>
    %dma_start3A_143 = tpu.memref_squeeze %dma_start3A_142 : memref<1x128x64xf32, #tpu.memory_space<vmem>> -> memref<128x64xf32, #tpu.memory_space<vmem>>
    %dma_start3A_144 = arith.constant 0 : i32
    %dma_start3A_145 = tpu.memref_slice %arg7[%dma_start3A_139, %dma_start3A_144] : memref<160x128xi32, #tpu.memory_space<vmem>> -> memref<1x128xi32, #tpu.memory_space<vmem>>
    %dma_start3A_146 = tpu.memref_squeeze %dma_start3A_145 : memref<1x128xi32, #tpu.memory_space<vmem>> -> memref<128xi32, #tpu.memory_space<vmem>>
    %dma_start3A_147 = arith.constant 0 : i32
    %dma_start3A_148 = arith.constant 0 : i32
    %dma_start3A_149 = tpu.memref_slice %arg9[%dma_start3A_147, %dma_start3A_148] : memref<10240x64xf32, #tpu.memory_space<vmem_shared>> -> memref<10240x64xf32, #tpu.memory_space<vmem_shared>>
    tpu.enqueue_indirect_dma source(%dma_start3A_143 : memref<128x64xf32, #tpu.memory_space<vmem>>) target(%dma_start3A_149 : memref<10240x64xf32, #tpu.memory_space<vmem_shared>>) offsets(%dma_start3A_146 : memref<128xi32, #tpu.memory_space<vmem>>) semaphore(%arg16 : memref<!tpu.dma_semaphore, #tpu.memory_space<semaphore_mem>>) {add = true}
    %dma_wait3A_150 = arith.constant 3 : i32
    %dma_wait3A_151 = arith.constant 0 : i32
    %dma_wait3A_152 = arith.constant 0 : i32
    %dma_wait3A_153 = tpu.memref_slice %arg8[%dma_wait3A_150, %dma_wait3A_151, %dma_wait3A_152] : memref<4x128x64xf32, #tpu.memory_space<vmem>> -> memref<1x128x64xf32, #tpu.memory_space<vmem>>
    %dma_wait3A_154 = tpu.memref_squeeze %dma_wait3A_153 : memref<1x128x64xf32, #tpu.memory_space<vmem>> -> memref<128x64xf32, #tpu.memory_space<vmem>>
    %dma_wait3A_155 = arith.constant 0 : i32
    %dma_wait3A_156 = arith.constant 0 : i32
    %dma_wait3A_157 = tpu.memref_slice %arg2[%dma_wait3A_155, %dma_wait3A_156] : memref<20480x64xf32, #tpu.memory_space<hbm>> -> memref<128x64xf32, #tpu.memory_space<hbm>>
    %dma_wait3A_158 = arith.constant 0 : i32
    %dma_wait3A_159 = arith.constant 0 : i32
    %dma_wait3A_160 = tpu.memref_slice %arg8[%dma_wait3A_150, %dma_wait3A_158, %dma_wait3A_159] : memref<4x128x64xf32, #tpu.memory_space<vmem>> -> memref<1x128x64xf32, #tpu.memory_space<vmem>>
    %dma_wait3A_161 = tpu.memref_squeeze %dma_wait3A_160 : memref<1x128x64xf32, #tpu.memory_space<vmem>> -> memref<128x64xf32, #tpu.memory_space<vmem>>
    %dma_wait3A_162 = arith.constant 0 : i32
    %dma_wait3A_163 = arith.constant 0 : i32
    %dma_wait3A_164 = tpu.memref_slice %arg2[%dma_wait3A_162, %dma_wait3A_163] : memref<20480x64xf32, #tpu.memory_space<hbm>> -> memref<128x64xf32, #tpu.memory_space<hbm>>
    tpu.wait_dma2 semaphore(%arg13 : memref<!tpu.dma_semaphore, #tpu.memory_space<semaphore_mem>>) src(%dma_wait3A_164 : memref<128x64xf32, #tpu.memory_space<hbm>>) dst(%dma_wait3A_161 : memref<128x64xf32, #tpu.memory_space<vmem>>)
    %dma_start3A_165 = arith.constant 3 : i32
    %dma_start3A_166 = arith.constant 159 : i32
    %dma_start3A_167 = arith.constant 0 : i32
    %dma_start3A_168 = arith.constant 0 : i32
    %dma_start3A_169 = tpu.memref_slice %arg8[%dma_start3A_165, %dma_start3A_167, %dma_start3A_168] : memref<4x128x64xf32, #tpu.memory_space<vmem>> -> memref<1x128x64xf32, #tpu.memory_space<vmem>>
    %dma_start3A_170 = tpu.memref_squeeze %dma_start3A_169 : memref<1x128x64xf32, #tpu.memory_space<vmem>> -> memref<128x64xf32, #tpu.memory_space<vmem>>
    %dma_start3A_171 = arith.constant 0 : i32
    %dma_start3A_172 = tpu.memref_slice %arg7[%dma_start3A_166, %dma_start3A_171] : memref<160x128xi32, #tpu.memory_space<vmem>> -> memref<1x128xi32, #tpu.memory_space<vmem>>
    %dma_start3A_173 = tpu.memref_squeeze %dma_start3A_172 : memref<1x128xi32, #tpu.memory_space<vmem>> -> memref<128xi32, #tpu.memory_space<vmem>>
    %dma_start3A_174 = arith.constant 0 : i32
    %dma_start3A_175 = arith.constant 0 : i32
    %dma_start3A_176 = tpu.memref_slice %arg9[%dma_start3A_174, %dma_start3A_175] : memref<10240x64xf32, #tpu.memory_space<vmem_shared>> -> memref<10240x64xf32, #tpu.memory_space<vmem_shared>>
    tpu.enqueue_indirect_dma source(%dma_start3A_170 : memref<128x64xf32, #tpu.memory_space<vmem>>) target(%dma_start3A_176 : memref<10240x64xf32, #tpu.memory_space<vmem_shared>>) offsets(%dma_start3A_173 : memref<128xi32, #tpu.memory_space<vmem>>) semaphore(%arg17 : memref<!tpu.dma_semaphore, #tpu.memory_space<semaphore_mem>>) {add = true}
    %dma_wait3A_177 = arith.constant 0 : i32
    %dma_wait3A_178 = arith.constant 0 : i32
    %dma_wait3A_179 = arith.constant 0 : i32
    %dma_wait3A_180 = tpu.memref_slice %arg8[%dma_wait3A_177, %dma_wait3A_178, %dma_wait3A_179] : memref<4x128x64xf32, #tpu.memory_space<vmem>> -> memref<1x128x64xf32, #tpu.memory_space<vmem>>
    %dma_wait3A_181 = tpu.memref_squeeze %dma_wait3A_180 : memref<1x128x64xf32, #tpu.memory_space<vmem>> -> memref<128x64xf32, #tpu.memory_space<vmem>>
    %dma_wait3A_182 = arith.constant 0 : i32
    %dma_wait3A_183 = arith.constant 0 : i32
    %dma_wait3A_184 = tpu.memref_slice %arg9[%dma_wait3A_182, %dma_wait3A_183] : memref<10240x64xf32, #tpu.memory_space<vmem_shared>> -> memref<128x64xf32, #tpu.memory_space<vmem_shared>>
    %dma_wait3A_185 = arith.constant 0 : i32
    %dma_wait3A_186 = arith.constant 0 : i32
    %dma_wait3A_187 = tpu.memref_slice %arg9[%dma_wait3A_185, %dma_wait3A_186] : memref<10240x64xf32, #tpu.memory_space<vmem_shared>> -> memref<128x64xf32, #tpu.memory_space<vmem_shared>>
    %dma_wait3A_188 = arith.constant 0 : i32
    %dma_wait3A_189 = arith.constant 0 : i32
    %dma_wait3A_190 = tpu.memref_slice %arg8[%dma_wait3A_177, %dma_wait3A_188, %dma_wait3A_189] : memref<4x128x64xf32, #tpu.memory_space<vmem>> -> memref<1x128x64xf32, #tpu.memory_space<vmem>>
    %dma_wait3A_191 = tpu.memref_squeeze %dma_wait3A_190 : memref<1x128x64xf32, #tpu.memory_space<vmem>> -> memref<128x64xf32, #tpu.memory_space<vmem>>
    tpu.wait_dma2 semaphore(%arg14 : memref<!tpu.dma_semaphore, #tpu.memory_space<semaphore_mem>>) src(%dma_wait3A_191 : memref<128x64xf32, #tpu.memory_space<vmem>>) dst(%dma_wait3A_187 : memref<128x64xf32, #tpu.memory_space<vmem_shared>>)
    %dma_wait3A_192 = arith.constant 1 : i32
    %dma_wait3A_193 = arith.constant 0 : i32
    %dma_wait3A_194 = arith.constant 0 : i32
    %dma_wait3A_195 = tpu.memref_slice %arg8[%dma_wait3A_192, %dma_wait3A_193, %dma_wait3A_194] : memref<4x128x64xf32, #tpu.memory_space<vmem>> -> memref<1x128x64xf32, #tpu.memory_space<vmem>>
    %dma_wait3A_196 = tpu.memref_squeeze %dma_wait3A_195 : memref<1x128x64xf32, #tpu.memory_space<vmem>> -> memref<128x64xf32, #tpu.memory_space<vmem>>
    %dma_wait3A_197 = arith.constant 0 : i32
    %dma_wait3A_198 = arith.constant 0 : i32
    %dma_wait3A_199 = tpu.memref_slice %arg9[%dma_wait3A_197, %dma_wait3A_198] : memref<10240x64xf32, #tpu.memory_space<vmem_shared>> -> memref<128x64xf32, #tpu.memory_space<vmem_shared>>
    %dma_wait3A_200 = arith.constant 0 : i32
    %dma_wait3A_201 = arith.constant 0 : i32
    %dma_wait3A_202 = tpu.memref_slice %arg9[%dma_wait3A_200, %dma_wait3A_201] : memref<10240x64xf32, #tpu.memory_space<vmem_shared>> -> memref<128x64xf32, #tpu.memory_space<vmem_shared>>
    %dma_wait3A_203 = arith.constant 0 : i32
    %dma_wait3A_204 = arith.constant 0 : i32
    %dma_wait3A_205 = tpu.memref_slice %arg8[%dma_wait3A_192, %dma_wait3A_203, %dma_wait3A_204] : memref<4x128x64xf32, #tpu.memory_space<vmem>> -> memref<1x128x64xf32, #tpu.memory_space<vmem>>
    %dma_wait3A_206 = tpu.memref_squeeze %dma_wait3A_205 : memref<1x128x64xf32, #tpu.memory_space<vmem>> -> memref<128x64xf32, #tpu.memory_space<vmem>>
    tpu.wait_dma2 semaphore(%arg15 : memref<!tpu.dma_semaphore, #tpu.memory_space<semaphore_mem>>) src(%dma_wait3A_206 : memref<128x64xf32, #tpu.memory_space<vmem>>) dst(%dma_wait3A_202 : memref<128x64xf32, #tpu.memory_space<vmem_shared>>)
    %dma_wait3A_207 = arith.constant 2 : i32
    %dma_wait3A_208 = arith.constant 0 : i32
    %dma_wait3A_209 = arith.constant 0 : i32
    %dma_wait3A_210 = tpu.memref_slice %arg8[%dma_wait3A_207, %dma_wait3A_208, %dma_wait3A_209] : memref<4x128x64xf32, #tpu.memory_space<vmem>> -> memref<1x128x64xf32, #tpu.memory_space<vmem>>
    %dma_wait3A_211 = tpu.memref_squeeze %dma_wait3A_210 : memref<1x128x64xf32, #tpu.memory_space<vmem>> -> memref<128x64xf32, #tpu.memory_space<vmem>>
    %dma_wait3A_212 = arith.constant 0 : i32
    %dma_wait3A_213 = arith.constant 0 : i32
    %dma_wait3A_214 = tpu.memref_slice %arg9[%dma_wait3A_212, %dma_wait3A_213] : memref<10240x64xf32, #tpu.memory_space<vmem_shared>> -> memref<128x64xf32, #tpu.memory_space<vmem_shared>>
    %dma_wait3A_215 = arith.constant 0 : i32
    %dma_wait3A_216 = arith.constant 0 : i32
    %dma_wait3A_217 = tpu.memref_slice %arg9[%dma_wait3A_215, %dma_wait3A_216] : memref<10240x64xf32, #tpu.memory_space<vmem_shared>> -> memref<128x64xf32, #tpu.memory_space<vmem_shared>>
    %dma_wait3A_218 = arith.constant 0 : i32
    %dma_wait3A_219 = arith.constant 0 : i32
    %dma_wait3A_220 = tpu.memref_slice %arg8[%dma_wait3A_207, %dma_wait3A_218, %dma_wait3A_219] : memref<4x128x64xf32, #tpu.memory_space<vmem>> -> memref<1x128x64xf32, #tpu.memory_space<vmem>>
    %dma_wait3A_221 = tpu.memref_squeeze %dma_wait3A_220 : memref<1x128x64xf32, #tpu.memory_space<vmem>> -> memref<128x64xf32, #tpu.memory_space<vmem>>
    tpu.wait_dma2 semaphore(%arg16 : memref<!tpu.dma_semaphore, #tpu.memory_space<semaphore_mem>>) src(%dma_wait3A_221 : memref<128x64xf32, #tpu.memory_space<vmem>>) dst(%dma_wait3A_217 : memref<128x64xf32, #tpu.memory_space<vmem_shared>>)
    %dma_wait3A_222 = arith.constant 3 : i32
    %dma_wait3A_223 = arith.constant 0 : i32
    %dma_wait3A_224 = arith.constant 0 : i32
    %dma_wait3A_225 = tpu.memref_slice %arg8[%dma_wait3A_222, %dma_wait3A_223, %dma_wait3A_224] : memref<4x128x64xf32, #tpu.memory_space<vmem>> -> memref<1x128x64xf32, #tpu.memory_space<vmem>>
    %dma_wait3A_226 = tpu.memref_squeeze %dma_wait3A_225 : memref<1x128x64xf32, #tpu.memory_space<vmem>> -> memref<128x64xf32, #tpu.memory_space<vmem>>
    %dma_wait3A_227 = arith.constant 0 : i32
    %dma_wait3A_228 = arith.constant 0 : i32
    %dma_wait3A_229 = tpu.memref_slice %arg9[%dma_wait3A_227, %dma_wait3A_228] : memref<10240x64xf32, #tpu.memory_space<vmem_shared>> -> memref<128x64xf32, #tpu.memory_space<vmem_shared>>
    %dma_wait3A_230 = arith.constant 0 : i32
    %dma_wait3A_231 = arith.constant 0 : i32
    %dma_wait3A_232 = tpu.memref_slice %arg9[%dma_wait3A_230, %dma_wait3A_231] : memref<10240x64xf32, #tpu.memory_space<vmem_shared>> -> memref<128x64xf32, #tpu.memory_space<vmem_shared>>
    %dma_wait3A_233 = arith.constant 0 : i32
    %dma_wait3A_234 = arith.constant 0 : i32
    %dma_wait3A_235 = tpu.memref_slice %arg8[%dma_wait3A_222, %dma_wait3A_233, %dma_wait3A_234] : memref<4x128x64xf32, #tpu.memory_space<vmem>> -> memref<1x128x64xf32, #tpu.memory_space<vmem>>
    %dma_wait3A_236 = tpu.memref_squeeze %dma_wait3A_235 : memref<1x128x64xf32, #tpu.memory_space<vmem>> -> memref<128x64xf32, #tpu.memory_space<vmem>>
    tpu.wait_dma2 semaphore(%arg17 : memref<!tpu.dma_semaphore, #tpu.memory_space<semaphore_mem>>) src(%dma_wait3A_236 : memref<128x64xf32, #tpu.memory_space<vmem>>) dst(%dma_wait3A_232 : memref<128x64xf32, #tpu.memory_space<vmem_shared>>)
    %barrier3A_237 = arith.constant 0 : index
    tpu.barrier barrier_id(%barrier3A_237)
    %mul3A_238 = arith.constant 640 : i32
    %mul3A_239 = arith.muli %arg1, %mul3A_238 : i32
    %mul3A_240 = arith.constant 640 : i32
    %mul3A_241 = arith.muli %arg1, %mul3A_240 : i32
    "tpu.region"() ({
      %run_scoped3A = tpu.sem_alloc : memref<!tpu.dma_semaphore, #tpu.memory_space<semaphore_mem>>
      %dma_start3A_242 = arith.constant 0 : i32
      %dma_start3A_243 = tpu.memref_slice %arg5[%arg0, %mul3A_241, %dma_start3A_242] : memref<2x10240x64xf32, #tpu.memory_space<hbm>> -> memref<1x640x64xf32, #tpu.memory_space<hbm>>
      %dma_start3A_244 = tpu.memref_squeeze %dma_start3A_243 : memref<1x640x64xf32, #tpu.memory_space<hbm>> -> memref<640x64xf32, #tpu.memory_space<hbm>>
      %dma_start3A_245 = arith.constant 0 : i32
      %dma_start3A_246 = tpu.memref_slice %arg9[%mul3A_239, %dma_start3A_245] : memref<10240x64xf32, #tpu.memory_space<vmem_shared>> -> memref<640x64xf32, #tpu.memory_space<vmem_shared>>
      tpu.enqueue_dma source(%dma_start3A_246 : memref<640x64xf32, #tpu.memory_space<vmem_shared>>) target(%dma_start3A_244 : memref<640x64xf32, #tpu.memory_space<hbm>>) target_semaphore(%run_scoped3A : memref<!tpu.dma_semaphore, #tpu.memory_space<semaphore_mem>>)
      %dma_wait3A_247 = arith.constant 0 : i32
      %dma_wait3A_248 = tpu.memref_slice %arg5[%arg0, %mul3A_241, %dma_wait3A_247] : memref<2x10240x64xf32, #tpu.memory_space<hbm>> -> memref<1x640x64xf32, #tpu.memory_space<hbm>>
      %dma_wait3A_249 = tpu.memref_squeeze %dma_wait3A_248 : memref<1x640x64xf32, #tpu.memory_space<hbm>> -> memref<640x64xf32, #tpu.memory_space<hbm>>
      %dma_wait3A_250 = arith.constant 0 : i32
      %dma_wait3A_251 = tpu.memref_slice %arg9[%mul3A_239, %dma_wait3A_250] : memref<10240x64xf32, #tpu.memory_space<vmem_shared>> -> memref<640x64xf32, #tpu.memory_space<vmem_shared>>
      tpu.wait_dma2 semaphore(%run_scoped3A : memref<!tpu.dma_semaphore, #tpu.memory_space<semaphore_mem>>) src(%dma_wait3A_251 : memref<640x64xf32, #tpu.memory_space<vmem_shared>>) dst(%dma_wait3A_249 : memref<640x64xf32, #tpu.memory_space<hbm>>)
      tpu.yield
    }) : () -> ()
    return
  }
}

#map = affine_map<(d0, d1) -> (0, 0, 0)>
#map1 = affine_map<(d0, d1) -> (0, 0)>
module attributes {stable_mosaic.version = 14 : i64} {
  func.func @_deg_body(%arg0: i32, %arg1: i32, %arg2: memref<32x80x128xi32, #tpu.memory_space<hbm>>, %arg3: memref<2x10240xf32, #tpu.memory_space<hbm>>, %arg4: memref<80x128xi32, #tpu.memory_space<vmem>>, %arg5: memref<128xf32, #tpu.memory_space<vmem>>, %arg6: memref<640xf32, #tpu.memory_space<vmem>>, %arg7: memref<10240xf32, #tpu.memory_space<vmem_shared>>, %arg8: memref<!tpu.dma_semaphore, #tpu.memory_space<semaphore_mem>>) attributes {dimension_semantics = [#tpu.dimension_semantics<core_parallel>, #tpu.dimension_semantics<subcore_parallel>], iteration_bounds = array<i64: 2, 16>, scalar_prefetch = 0 : i64, scratch_operands = 5 : i64, tpu.core_type = #tpu.core_type<sc_vector_subcore>, window_params = [{transform_indices = #map}, {transform_indices = #map1}]} {
    %mul3A = arith.constant 2 : i32
    %mul3A_0 = arith.muli %arg1, %mul3A : i32
    %add3A = arith.addi %mul3A_0, %arg0 : i32
    %broadcast_in_dim3A = arith.constant 1.000000e+00 : f32
    %broadcast_in_dim3A_1 = vector.broadcast %broadcast_in_dim3A : f32 to vector<16xf32>
    %swap3A = arith.constant 0 : index
    %swap3A_2 = tpu.vector_load %arg5[%swap3A] {strides = array<i32>} : memref<128xf32, #tpu.memory_space<vmem>>, vector<16xf32>,
    %swap3A_3 = vector.shape_cast %swap3A_2 : vector<16xf32> to vector<16xf32>
    %swap3A_4 = vector.shape_cast %broadcast_in_dim3A_1 : vector<16xf32> to vector<16xf32>
    tpu.vector_store %arg5[%swap3A], %swap3A_4 {strides = array<i32>} : memref<128xf32, #tpu.memory_space<vmem>>, vector<16xf32>,
    %broadcast_in_dim3A_5 = arith.constant 1.000000e+00 : f32
    %broadcast_in_dim3A_6 = vector.broadcast %broadcast_in_dim3A_5 : f32 to vector<16xf32>
    %swap3A_7 = arith.constant 16 : index
    %swap3A_8 = tpu.vector_load %arg5[%swap3A_7] {strides = array<i32>} : memref<128xf32, #tpu.memory_space<vmem>>, vector<16xf32>,
    %swap3A_9 = vector.shape_cast %swap3A_8 : vector<16xf32> to vector<16xf32>
    %swap3A_10 = vector.shape_cast %broadcast_in_dim3A_6 : vector<16xf32> to vector<16xf32>
    tpu.vector_store %arg5[%swap3A_7], %swap3A_10 {strides = array<i32>} : memref<128xf32, #tpu.memory_space<vmem>>, vector<16xf32>,
    %broadcast_in_dim3A_11 = arith.constant 1.000000e+00 : f32
    %broadcast_in_dim3A_12 = vector.broadcast %broadcast_in_dim3A_11 : f32 to vector<16xf32>
    %swap3A_13 = arith.constant 32 : index
    %swap3A_14 = tpu.vector_load %arg5[%swap3A_13] {strides = array<i32>} : memref<128xf32, #tpu.memory_space<vmem>>, vector<16xf32>,
    %swap3A_15 = vector.shape_cast %swap3A_14 : vector<16xf32> to vector<16xf32>
    %swap3A_16 = vector.shape_cast %broadcast_in_dim3A_12 : vector<16xf32> to vector<16xf32>
    tpu.vector_store %arg5[%swap3A_13], %swap3A_16 {strides = array<i32>} : memref<128xf32, #tpu.memory_space<vmem>>, vector<16xf32>,
    %broadcast_in_dim3A_17 = arith.constant 1.000000e+00 : f32
    %broadcast_in_dim3A_18 = vector.broadcast %broadcast_in_dim3A_17 : f32 to vector<16xf32>
    %swap3A_19 = arith.constant 48 : index
    %swap3A_20 = tpu.vector_load %arg5[%swap3A_19] {strides = array<i32>} : memref<128xf32, #tpu.memory_space<vmem>>, vector<16xf32>,
    %swap3A_21 = vector.shape_cast %swap3A_20 : vector<16xf32> to vector<16xf32>
    %swap3A_22 = vector.shape_cast %broadcast_in_dim3A_18 : vector<16xf32> to vector<16xf32>
    tpu.vector_store %arg5[%swap3A_19], %swap3A_22 {strides = array<i32>} : memref<128xf32, #tpu.memory_space<vmem>>, vector<16xf32>,
    %broadcast_in_dim3A_23 = arith.constant 1.000000e+00 : f32
    %broadcast_in_dim3A_24 = vector.broadcast %broadcast_in_dim3A_23 : f32 to vector<16xf32>
    %swap3A_25 = arith.constant 64 : index
    %swap3A_26 = tpu.vector_load %arg5[%swap3A_25] {strides = array<i32>} : memref<128xf32, #tpu.memory_space<vmem>>, vector<16xf32>,
    %swap3A_27 = vector.shape_cast %swap3A_26 : vector<16xf32> to vector<16xf32>
    %swap3A_28 = vector.shape_cast %broadcast_in_dim3A_24 : vector<16xf32> to vector<16xf32>
    tpu.vector_store %arg5[%swap3A_25], %swap3A_28 {strides = array<i32>} : memref<128xf32, #tpu.memory_space<vmem>>, vector<16xf32>,
    %broadcast_in_dim3A_29 = arith.constant 1.000000e+00 : f32
    %broadcast_in_dim3A_30 = vector.broadcast %broadcast_in_dim3A_29 : f32 to vector<16xf32>
    %swap3A_31 = arith.constant 80 : index
    %swap3A_32 = tpu.vector_load %arg5[%swap3A_31] {strides = array<i32>} : memref<128xf32, #tpu.memory_space<vmem>>, vector<16xf32>,
    %swap3A_33 = vector.shape_cast %swap3A_32 : vector<16xf32> to vector<16xf32>
    %swap3A_34 = vector.shape_cast %broadcast_in_dim3A_30 : vector<16xf32> to vector<16xf32>
    tpu.vector_store %arg5[%swap3A_31], %swap3A_34 {strides = array<i32>} : memref<128xf32, #tpu.memory_space<vmem>>, vector<16xf32>,
    %broadcast_in_dim3A_35 = arith.constant 1.000000e+00 : f32
    %broadcast_in_dim3A_36 = vector.broadcast %broadcast_in_dim3A_35 : f32 to vector<16xf32>
    %swap3A_37 = arith.constant 96 : index
    %swap3A_38 = tpu.vector_load %arg5[%swap3A_37] {strides = array<i32>} : memref<128xf32, #tpu.memory_space<vmem>>, vector<16xf32>,
    %swap3A_39 = vector.shape_cast %swap3A_38 : vector<16xf32> to vector<16xf32>
    %swap3A_40 = vector.shape_cast %broadcast_in_dim3A_36 : vector<16xf32> to vector<16xf32>
    tpu.vector_store %arg5[%swap3A_37], %swap3A_40 {strides = array<i32>} : memref<128xf32, #tpu.memory_space<vmem>>, vector<16xf32>,
    %broadcast_in_dim3A_41 = arith.constant 1.000000e+00 : f32
    %broadcast_in_dim3A_42 = vector.broadcast %broadcast_in_dim3A_41 : f32 to vector<16xf32>
    %swap3A_43 = arith.constant 112 : index
    %swap3A_44 = tpu.vector_load %arg5[%swap3A_43] {strides = array<i32>} : memref<128xf32, #tpu.memory_space<vmem>>, vector<16xf32>,
    %swap3A_45 = vector.shape_cast %swap3A_44 : vector<16xf32> to vector<16xf32>
    %swap3A_46 = vector.shape_cast %broadcast_in_dim3A_42 : vector<16xf32> to vector<16xf32>
    tpu.vector_store %arg5[%swap3A_43], %swap3A_46 {strides = array<i32>} : memref<128xf32, #tpu.memory_space<vmem>>, vector<16xf32>,
    %broadcast_in_dim3A_47 = arith.constant 0.000000e+00 : f32
    %broadcast_in_dim3A_48 = vector.broadcast %broadcast_in_dim3A_47 : f32 to vector<16xf32>
    %swap3A_49 = arith.constant 0 : index
    %swap3A_50 = tpu.vector_load %arg6[%swap3A_49] {strides = array<i32>} : memref<640xf32, #tpu.memory_space<vmem>>, vector<16xf32>,
    %swap3A_51 = vector.shape_cast %swap3A_50 : vector<16xf32> to vector<16xf32>
    %swap3A_52 = vector.shape_cast %broadcast_in_dim3A_48 : vector<16xf32> to vector<16xf32>
    tpu.vector_store %arg6[%swap3A_49], %swap3A_52 {strides = array<i32>} : memref<640xf32, #tpu.memory_space<vmem>>, vector<16xf32>,
    %broadcast_in_dim3A_53 = arith.constant 0.000000e+00 : f32
    %broadcast_in_dim3A_54 = vector.broadcast %broadcast_in_dim3A_53 : f32 to vector<16xf32>
    %swap3A_55 = arith.constant 16 : index
    %swap3A_56 = tpu.vector_load %arg6[%swap3A_55] {strides = array<i32>} : memref<640xf32, #tpu.memory_space<vmem>>, vector<16xf32>,
    %swap3A_57 = vector.shape_cast %swap3A_56 : vector<16xf32> to vector<16xf32>
    %swap3A_58 = vector.shape_cast %broadcast_in_dim3A_54 : vector<16xf32> to vector<16xf32>
    tpu.vector_store %arg6[%swap3A_55], %swap3A_58 {strides = array<i32>} : memref<640xf32, #tpu.memory_space<vmem>>, vector<16xf32>,
    %broadcast_in_dim3A_59 = arith.constant 0.000000e+00 : f32
    %broadcast_in_dim3A_60 = vector.broadcast %broadcast_in_dim3A_59 : f32 to vector<16xf32>
    %swap3A_61 = arith.constant 32 : index
    %swap3A_62 = tpu.vector_load %arg6[%swap3A_61] {strides = array<i32>} : memref<640xf32, #tpu.memory_space<vmem>>, vector<16xf32>,
    %swap3A_63 = vector.shape_cast %swap3A_62 : vector<16xf32> to vector<16xf32>
    %swap3A_64 = vector.shape_cast %broadcast_in_dim3A_60 : vector<16xf32> to vector<16xf32>
    tpu.vector_store %arg6[%swap3A_61], %swap3A_64 {strides = array<i32>} : memref<640xf32, #tpu.memory_space<vmem>>, vector<16xf32>,
    %broadcast_in_dim3A_65 = arith.constant 0.000000e+00 : f32
    %broadcast_in_dim3A_66 = vector.broadcast %broadcast_in_dim3A_65 : f32 to vector<16xf32>
    %swap3A_67 = arith.constant 48 : index
    %swap3A_68 = tpu.vector_load %arg6[%swap3A_67] {strides = array<i32>} : memref<640xf32, #tpu.memory_space<vmem>>, vector<16xf32>,
    %swap3A_69 = vector.shape_cast %swap3A_68 : vector<16xf32> to vector<16xf32>
    %swap3A_70 = vector.shape_cast %broadcast_in_dim3A_66 : vector<16xf32> to vector<16xf32>
    tpu.vector_store %arg6[%swap3A_67], %swap3A_70 {strides = array<i32>} : memref<640xf32, #tpu.memory_space<vmem>>, vector<16xf32>,
    %broadcast_in_dim3A_71 = arith.constant 0.000000e+00 : f32
    %broadcast_in_dim3A_72 = vector.broadcast %broadcast_in_dim3A_71 : f32 to vector<16xf32>
    %swap3A_73 = arith.constant 64 : index
    %swap3A_74 = tpu.vector_load %arg6[%swap3A_73] {strides = array<i32>} : memref<640xf32, #tpu.memory_space<vmem>>, vector<16xf32>,
    %swap3A_75 = vector.shape_cast %swap3A_74 : vector<16xf32> to vector<16xf32>
    %swap3A_76 = vector.shape_cast %broadcast_in_dim3A_72 : vector<16xf32> to vector<16xf32>
    tpu.vector_store %arg6[%swap3A_73], %swap3A_76 {strides = array<i32>} : memref<640xf32, #tpu.memory_space<vmem>>, vector<16xf32>,
    %broadcast_in_dim3A_77 = arith.constant 0.000000e+00 : f32
    %broadcast_in_dim3A_78 = vector.broadcast %broadcast_in_dim3A_77 : f32 to vector<16xf32>
    %swap3A_79 = arith.constant 80 : index
    %swap3A_80 = tpu.vector_load %arg6[%swap3A_79] {strides = array<i32>} : memref<640xf32, #tpu.memory_space<vmem>>, vector<16xf32>,
    %swap3A_81 = vector.shape_cast %swap3A_80 : vector<16xf32> to vector<16xf32>
    %swap3A_82 = vector.shape_cast %broadcast_in_dim3A_78 : vector<16xf32> to vector<16xf32>
    tpu.vector_store %arg6[%swap3A_79], %swap3A_82 {strides = array<i32>} : memref<640xf32, #tpu.memory_space<vmem>>, vector<16xf32>,
    %broadcast_in_dim3A_83 = arith.constant 0.000000e+00 : f32
    %broadcast_in_dim3A_84 = vector.broadcast %broadcast_in_dim3A_83 : f32 to vector<16xf32>
    %swap3A_85 = arith.constant 96 : index
    %swap3A_86 = tpu.vector_load %arg6[%swap3A_85] {strides = array<i32>} : memref<640xf32, #tpu.memory_space<vmem>>, vector<16xf32>,
    %swap3A_87 = vector.shape_cast %swap3A_86 : vector<16xf32> to vector<16xf32>
    %swap3A_88 = vector.shape_cast %broadcast_in_dim3A_84 : vector<16xf32> to vector<16xf32>
    tpu.vector_store %arg6[%swap3A_85], %swap3A_88 {strides = array<i32>} : memref<640xf32, #tpu.memory_space<vmem>>, vector<16xf32>,
    %broadcast_in_dim3A_89 = arith.constant 0.000000e+00 : f32
    %broadcast_in_dim3A_90 = vector.broadcast %broadcast_in_dim3A_89 : f32 to vector<16xf32>
    %swap3A_91 = arith.constant 112 : index
    %swap3A_92 = tpu.vector_load %arg6[%swap3A_91] {strides = array<i32>} : memref<640xf32, #tpu.memory_space<vmem>>, vector<16xf32>,
    %swap3A_93 = vector.shape_cast %swap3A_92 : vector<16xf32> to vector<16xf32>
    %swap3A_94 = vector.shape_cast %broadcast_in_dim3A_90 : vector<16xf32> to vector<16xf32>
    tpu.vector_store %arg6[%swap3A_91], %swap3A_94 {strides = array<i32>} : memref<640xf32, #tpu.memory_space<vmem>>, vector<16xf32>,
    %broadcast_in_dim3A_95 = arith.constant 0.000000e+00 : f32
    %broadcast_in_dim3A_96 = vector.broadcast %broadcast_in_dim3A_95 : f32 to vector<16xf32>
    %swap3A_97 = arith.constant 128 : index
    %swap3A_98 = tpu.vector_load %arg6[%swap3A_97] {strides = array<i32>} : memref<640xf32, #tpu.memory_space<vmem>>, vector<16xf32>,
    %swap3A_99 = vector.shape_cast %swap3A_98 : vector<16xf32> to vector<16xf32>
    %swap3A_100 = vector.shape_cast %broadcast_in_dim3A_96 : vector<16xf32> to vector<16xf32>
    tpu.vector_store %arg6[%swap3A_97], %swap3A_100 {strides = array<i32>} : memref<640xf32, #tpu.memory_space<vmem>>, vector<16xf32>,
    %broadcast_in_dim3A_101 = arith.constant 0.000000e+00 : f32
    %broadcast_in_dim3A_102 = vector.broadcast %broadcast_in_dim3A_101 : f32 to vector<16xf32>
    %swap3A_103 = arith.constant 144 : index
    %swap3A_104 = tpu.vector_load %arg6[%swap3A_103] {strides = array<i32>} : memref<640xf32, #tpu.memory_space<vmem>>, vector<16xf32>,
    %swap3A_105 = vector.shape_cast %swap3A_104 : vector<16xf32> to vector<16xf32>
    %swap3A_106 = vector.shape_cast %broadcast_in_dim3A_102 : vector<16xf32> to vector<16xf32>
    tpu.vector_store %arg6[%swap3A_103], %swap3A_106 {strides = array<i32>} : memref<640xf32, #tpu.memory_space<vmem>>, vector<16xf32>,
    %broadcast_in_dim3A_107 = arith.constant 0.000000e+00 : f32
    %broadcast_in_dim3A_108 = vector.broadcast %broadcast_in_dim3A_107 : f32 to vector<16xf32>
    %swap3A_109 = arith.constant 160 : index
    %swap3A_110 = tpu.vector_load %arg6[%swap3A_109] {strides = array<i32>} : memref<640xf32, #tpu.memory_space<vmem>>, vector<16xf32>,
    %swap3A_111 = vector.shape_cast %swap3A_110 : vector<16xf32> to vector<16xf32>
    %swap3A_112 = vector.shape_cast %broadcast_in_dim3A_108 : vector<16xf32> to vector<16xf32>
    tpu.vector_store %arg6[%swap3A_109], %swap3A_112 {strides = array<i32>} : memref<640xf32, #tpu.memory_space<vmem>>, vector<16xf32>,
    %broadcast_in_dim3A_113 = arith.constant 0.000000e+00 : f32
    %broadcast_in_dim3A_114 = vector.broadcast %broadcast_in_dim3A_113 : f32 to vector<16xf32>
    %swap3A_115 = arith.constant 176 : index
    %swap3A_116 = tpu.vector_load %arg6[%swap3A_115] {strides = array<i32>} : memref<640xf32, #tpu.memory_space<vmem>>, vector<16xf32>,
    %swap3A_117 = vector.shape_cast %swap3A_116 : vector<16xf32> to vector<16xf32>
    %swap3A_118 = vector.shape_cast %broadcast_in_dim3A_114 : vector<16xf32> to vector<16xf32>
    tpu.vector_store %arg6[%swap3A_115], %swap3A_118 {strides = array<i32>} : memref<640xf32, #tpu.memory_space<vmem>>, vector<16xf32>,
    %broadcast_in_dim3A_119 = arith.constant 0.000000e+00 : f32
    %broadcast_in_dim3A_120 = vector.broadcast %broadcast_in_dim3A_119 : f32 to vector<16xf32>
    %swap3A_121 = arith.constant 192 : index
    %swap3A_122 = tpu.vector_load %arg6[%swap3A_121] {strides = array<i32>} : memref<640xf32, #tpu.memory_space<vmem>>, vector<16xf32>,
    %swap3A_123 = vector.shape_cast %swap3A_122 : vector<16xf32> to vector<16xf32>
    %swap3A_124 = vector.shape_cast %broadcast_in_dim3A_120 : vector<16xf32> to vector<16xf32>
    tpu.vector_store %arg6[%swap3A_121], %swap3A_124 {strides = array<i32>} : memref<640xf32, #tpu.memory_space<vmem>>, vector<16xf32>,
    %broadcast_in_dim3A_125 = arith.constant 0.000000e+00 : f32
    %broadcast_in_dim3A_126 = vector.broadcast %broadcast_in_dim3A_125 : f32 to vector<16xf32>
    %swap3A_127 = arith.constant 208 : index
    %swap3A_128 = tpu.vector_load %arg6[%swap3A_127] {strides = array<i32>} : memref<640xf32, #tpu.memory_space<vmem>>, vector<16xf32>,
    %swap3A_129 = vector.shape_cast %swap3A_128 : vector<16xf32> to vector<16xf32>
    %swap3A_130 = vector.shape_cast %broadcast_in_dim3A_126 : vector<16xf32> to vector<16xf32>
    tpu.vector_store %arg6[%swap3A_127], %swap3A_130 {strides = array<i32>} : memref<640xf32, #tpu.memory_space<vmem>>, vector<16xf32>,
    %broadcast_in_dim3A_131 = arith.constant 0.000000e+00 : f32
    %broadcast_in_dim3A_132 = vector.broadcast %broadcast_in_dim3A_131 : f32 to vector<16xf32>
    %swap3A_133 = arith.constant 224 : index
    %swap3A_134 = tpu.vector_load %arg6[%swap3A_133] {strides = array<i32>} : memref<640xf32, #tpu.memory_space<vmem>>, vector<16xf32>,
    %swap3A_135 = vector.shape_cast %swap3A_134 : vector<16xf32> to vector<16xf32>
    %swap3A_136 = vector.shape_cast %broadcast_in_dim3A_132 : vector<16xf32> to vector<16xf32>
    tpu.vector_store %arg6[%swap3A_133], %swap3A_136 {strides = array<i32>} : memref<640xf32, #tpu.memory_space<vmem>>, vector<16xf32>,
    %broadcast_in_dim3A_137 = arith.constant 0.000000e+00 : f32
    %broadcast_in_dim3A_138 = vector.broadcast %broadcast_in_dim3A_137 : f32 to vector<16xf32>
    %swap3A_139 = arith.constant 240 : index
    %swap3A_140 = tpu.vector_load %arg6[%swap3A_139] {strides = array<i32>} : memref<640xf32, #tpu.memory_space<vmem>>, vector<16xf32>,
    %swap3A_141 = vector.shape_cast %swap3A_140 : vector<16xf32> to vector<16xf32>
    %swap3A_142 = vector.shape_cast %broadcast_in_dim3A_138 : vector<16xf32> to vector<16xf32>
    tpu.vector_store %arg6[%swap3A_139], %swap3A_142 {strides = array<i32>} : memref<640xf32, #tpu.memory_space<vmem>>, vector<16xf32>,
    %broadcast_in_dim3A_143 = arith.constant 0.000000e+00 : f32
    %broadcast_in_dim3A_144 = vector.broadcast %broadcast_in_dim3A_143 : f32 to vector<16xf32>
    %swap3A_145 = arith.constant 256 : index
    %swap3A_146 = tpu.vector_load %arg6[%swap3A_145] {strides = array<i32>} : memref<640xf32, #tpu.memory_space<vmem>>, vector<16xf32>,
    %swap3A_147 = vector.shape_cast %swap3A_146 : vector<16xf32> to vector<16xf32>
    %swap3A_148 = vector.shape_cast %broadcast_in_dim3A_144 : vector<16xf32> to vector<16xf32>
    tpu.vector_store %arg6[%swap3A_145], %swap3A_148 {strides = array<i32>} : memref<640xf32, #tpu.memory_space<vmem>>, vector<16xf32>,
    %broadcast_in_dim3A_149 = arith.constant 0.000000e+00 : f32
    %broadcast_in_dim3A_150 = vector.broadcast %broadcast_in_dim3A_149 : f32 to vector<16xf32>
    %swap3A_151 = arith.constant 272 : index
    %swap3A_152 = tpu.vector_load %arg6[%swap3A_151] {strides = array<i32>} : memref<640xf32, #tpu.memory_space<vmem>>, vector<16xf32>,
    %swap3A_153 = vector.shape_cast %swap3A_152 : vector<16xf32> to vector<16xf32>
    %swap3A_154 = vector.shape_cast %broadcast_in_dim3A_150 : vector<16xf32> to vector<16xf32>
    tpu.vector_store %arg6[%swap3A_151], %swap3A_154 {strides = array<i32>} : memref<640xf32, #tpu.memory_space<vmem>>, vector<16xf32>,
    %broadcast_in_dim3A_155 = arith.constant 0.000000e+00 : f32
    %broadcast_in_dim3A_156 = vector.broadcast %broadcast_in_dim3A_155 : f32 to vector<16xf32>
    %swap3A_157 = arith.constant 288 : index
    %swap3A_158 = tpu.vector_load %arg6[%swap3A_157] {strides = array<i32>} : memref<640xf32, #tpu.memory_space<vmem>>, vector<16xf32>,
    %swap3A_159 = vector.shape_cast %swap3A_158 : vector<16xf32> to vector<16xf32>
    %swap3A_160 = vector.shape_cast %broadcast_in_dim3A_156 : vector<16xf32> to vector<16xf32>
    tpu.vector_store %arg6[%swap3A_157], %swap3A_160 {strides = array<i32>} : memref<640xf32, #tpu.memory_space<vmem>>, vector<16xf32>,
    %broadcast_in_dim3A_161 = arith.constant 0.000000e+00 : f32
    %broadcast_in_dim3A_162 = vector.broadcast %broadcast_in_dim3A_161 : f32 to vector<16xf32>
    %swap3A_163 = arith.constant 304 : index
    %swap3A_164 = tpu.vector_load %arg6[%swap3A_163] {strides = array<i32>} : memref<640xf32, #tpu.memory_space<vmem>>, vector<16xf32>,
    %swap3A_165 = vector.shape_cast %swap3A_164 : vector<16xf32> to vector<16xf32>
    %swap3A_166 = vector.shape_cast %broadcast_in_dim3A_162 : vector<16xf32> to vector<16xf32>
    tpu.vector_store %arg6[%swap3A_163], %swap3A_166 {strides = array<i32>} : memref<640xf32, #tpu.memory_space<vmem>>, vector<16xf32>,
    %broadcast_in_dim3A_167 = arith.constant 0.000000e+00 : f32
    %broadcast_in_dim3A_168 = vector.broadcast %broadcast_in_dim3A_167 : f32 to vector<16xf32>
    %swap3A_169 = arith.constant 320 : index
    %swap3A_170 = tpu.vector_load %arg6[%swap3A_169] {strides = array<i32>} : memref<640xf32, #tpu.memory_space<vmem>>, vector<16xf32>,
    %swap3A_171 = vector.shape_cast %swap3A_170 : vector<16xf32> to vector<16xf32>
    %swap3A_172 = vector.shape_cast %broadcast_in_dim3A_168 : vector<16xf32> to vector<16xf32>
    tpu.vector_store %arg6[%swap3A_169], %swap3A_172 {strides = array<i32>} : memref<640xf32, #tpu.memory_space<vmem>>, vector<16xf32>,
    %broadcast_in_dim3A_173 = arith.constant 0.000000e+00 : f32
    %broadcast_in_dim3A_174 = vector.broadcast %broadcast_in_dim3A_173 : f32 to vector<16xf32>
    %swap3A_175 = arith.constant 336 : index
    %swap3A_176 = tpu.vector_load %arg6[%swap3A_175] {strides = array<i32>} : memref<640xf32, #tpu.memory_space<vmem>>, vector<16xf32>,
    %swap3A_177 = vector.shape_cast %swap3A_176 : vector<16xf32> to vector<16xf32>
    %swap3A_178 = vector.shape_cast %broadcast_in_dim3A_174 : vector<16xf32> to vector<16xf32>
    tpu.vector_store %arg6[%swap3A_175], %swap3A_178 {strides = array<i32>} : memref<640xf32, #tpu.memory_space<vmem>>, vector<16xf32>,
    %broadcast_in_dim3A_179 = arith.constant 0.000000e+00 : f32
    %broadcast_in_dim3A_180 = vector.broadcast %broadcast_in_dim3A_179 : f32 to vector<16xf32>
    %swap3A_181 = arith.constant 352 : index
    %swap3A_182 = tpu.vector_load %arg6[%swap3A_181] {strides = array<i32>} : memref<640xf32, #tpu.memory_space<vmem>>, vector<16xf32>,
    %swap3A_183 = vector.shape_cast %swap3A_182 : vector<16xf32> to vector<16xf32>
    %swap3A_184 = vector.shape_cast %broadcast_in_dim3A_180 : vector<16xf32> to vector<16xf32>
    tpu.vector_store %arg6[%swap3A_181], %swap3A_184 {strides = array<i32>} : memref<640xf32, #tpu.memory_space<vmem>>, vector<16xf32>,
    %broadcast_in_dim3A_185 = arith.constant 0.000000e+00 : f32
    %broadcast_in_dim3A_186 = vector.broadcast %broadcast_in_dim3A_185 : f32 to vector<16xf32>
    %swap3A_187 = arith.constant 368 : index
    %swap3A_188 = tpu.vector_load %arg6[%swap3A_187] {strides = array<i32>} : memref<640xf32, #tpu.memory_space<vmem>>, vector<16xf32>,
    %swap3A_189 = vector.shape_cast %swap3A_188 : vector<16xf32> to vector<16xf32>
    %swap3A_190 = vector.shape_cast %broadcast_in_dim3A_186 : vector<16xf32> to vector<16xf32>
    tpu.vector_store %arg6[%swap3A_187], %swap3A_190 {strides = array<i32>} : memref<640xf32, #tpu.memory_space<vmem>>, vector<16xf32>,
    %broadcast_in_dim3A_191 = arith.constant 0.000000e+00 : f32
    %broadcast_in_dim3A_192 = vector.broadcast %broadcast_in_dim3A_191 : f32 to vector<16xf32>
    %swap3A_193 = arith.constant 384 : index
    %swap3A_194 = tpu.vector_load %arg6[%swap3A_193] {strides = array<i32>} : memref<640xf32, #tpu.memory_space<vmem>>, vector<16xf32>,
    %swap3A_195 = vector.shape_cast %swap3A_194 : vector<16xf32> to vector<16xf32>
    %swap3A_196 = vector.shape_cast %broadcast_in_dim3A_192 : vector<16xf32> to vector<16xf32>
    tpu.vector_store %arg6[%swap3A_193], %swap3A_196 {strides = array<i32>} : memref<640xf32, #tpu.memory_space<vmem>>, vector<16xf32>,
    %broadcast_in_dim3A_197 = arith.constant 0.000000e+00 : f32
    %broadcast_in_dim3A_198 = vector.broadcast %broadcast_in_dim3A_197 : f32 to vector<16xf32>
    %swap3A_199 = arith.constant 400 : index
    %swap3A_200 = tpu.vector_load %arg6[%swap3A_199] {strides = array<i32>} : memref<640xf32, #tpu.memory_space<vmem>>, vector<16xf32>,
    %swap3A_201 = vector.shape_cast %swap3A_200 : vector<16xf32> to vector<16xf32>
    %swap3A_202 = vector.shape_cast %broadcast_in_dim3A_198 : vector<16xf32> to vector<16xf32>
    tpu.vector_store %arg6[%swap3A_199], %swap3A_202 {strides = array<i32>} : memref<640xf32, #tpu.memory_space<vmem>>, vector<16xf32>,
    %broadcast_in_dim3A_203 = arith.constant 0.000000e+00 : f32
    %broadcast_in_dim3A_204 = vector.broadcast %broadcast_in_dim3A_203 : f32 to vector<16xf32>
    %swap3A_205 = arith.constant 416 : index
    %swap3A_206 = tpu.vector_load %arg6[%swap3A_205] {strides = array<i32>} : memref<640xf32, #tpu.memory_space<vmem>>, vector<16xf32>,
    %swap3A_207 = vector.shape_cast %swap3A_206 : vector<16xf32> to vector<16xf32>
    %swap3A_208 = vector.shape_cast %broadcast_in_dim3A_204 : vector<16xf32> to vector<16xf32>
    tpu.vector_store %arg6[%swap3A_205], %swap3A_208 {strides = array<i32>} : memref<640xf32, #tpu.memory_space<vmem>>, vector<16xf32>,
    %broadcast_in_dim3A_209 = arith.constant 0.000000e+00 : f32
    %broadcast_in_dim3A_210 = vector.broadcast %broadcast_in_dim3A_209 : f32 to vector<16xf32>
    %swap3A_211 = arith.constant 432 : index
    %swap3A_212 = tpu.vector_load %arg6[%swap3A_211] {strides = array<i32>} : memref<640xf32, #tpu.memory_space<vmem>>, vector<16xf32>,
    %swap3A_213 = vector.shape_cast %swap3A_212 : vector<16xf32> to vector<16xf32>
    %swap3A_214 = vector.shape_cast %broadcast_in_dim3A_210 : vector<16xf32> to vector<16xf32>
    tpu.vector_store %arg6[%swap3A_211], %swap3A_214 {strides = array<i32>} : memref<640xf32, #tpu.memory_space<vmem>>, vector<16xf32>,
    %broadcast_in_dim3A_215 = arith.constant 0.000000e+00 : f32
    %broadcast_in_dim3A_216 = vector.broadcast %broadcast_in_dim3A_215 : f32 to vector<16xf32>
    %swap3A_217 = arith.constant 448 : index
    %swap3A_218 = tpu.vector_load %arg6[%swap3A_217] {strides = array<i32>} : memref<640xf32, #tpu.memory_space<vmem>>, vector<16xf32>,
    %swap3A_219 = vector.shape_cast %swap3A_218 : vector<16xf32> to vector<16xf32>
    %swap3A_220 = vector.shape_cast %broadcast_in_dim3A_216 : vector<16xf32> to vector<16xf32>
    tpu.vector_store %arg6[%swap3A_217], %swap3A_220 {strides = array<i32>} : memref<640xf32, #tpu.memory_space<vmem>>, vector<16xf32>,
    %broadcast_in_dim3A_221 = arith.constant 0.000000e+00 : f32
    %broadcast_in_dim3A_222 = vector.broadcast %broadcast_in_dim3A_221 : f32 to vector<16xf32>
    %swap3A_223 = arith.constant 464 : index
    %swap3A_224 = tpu.vector_load %arg6[%swap3A_223] {strides = array<i32>} : memref<640xf32, #tpu.memory_space<vmem>>, vector<16xf32>,
    %swap3A_225 = vector.shape_cast %swap3A_224 : vector<16xf32> to vector<16xf32>
    %swap3A_226 = vector.shape_cast %broadcast_in_dim3A_222 : vector<16xf32> to vector<16xf32>
    tpu.vector_store %arg6[%swap3A_223], %swap3A_226 {strides = array<i32>} : memref<640xf32, #tpu.memory_space<vmem>>, vector<16xf32>,
    %broadcast_in_dim3A_227 = arith.constant 0.000000e+00 : f32
    %broadcast_in_dim3A_228 = vector.broadcast %broadcast_in_dim3A_227 : f32 to vector<16xf32>
    %swap3A_229 = arith.constant 480 : index
    %swap3A_230 = tpu.vector_load %arg6[%swap3A_229] {strides = array<i32>} : memref<640xf32, #tpu.memory_space<vmem>>, vector<16xf32>,
    %swap3A_231 = vector.shape_cast %swap3A_230 : vector<16xf32> to vector<16xf32>
    %swap3A_232 = vector.shape_cast %broadcast_in_dim3A_228 : vector<16xf32> to vector<16xf32>
    tpu.vector_store %arg6[%swap3A_229], %swap3A_232 {strides = array<i32>} : memref<640xf32, #tpu.memory_space<vmem>>, vector<16xf32>,
    %broadcast_in_dim3A_233 = arith.constant 0.000000e+00 : f32
    %broadcast_in_dim3A_234 = vector.broadcast %broadcast_in_dim3A_233 : f32 to vector<16xf32>
    %swap3A_235 = arith.constant 496 : index
    %swap3A_236 = tpu.vector_load %arg6[%swap3A_235] {strides = array<i32>} : memref<640xf32, #tpu.memory_space<vmem>>, vector<16xf32>,
    %swap3A_237 = vector.shape_cast %swap3A_236 : vector<16xf32> to vector<16xf32>
    %swap3A_238 = vector.shape_cast %broadcast_in_dim3A_234 : vector<16xf32> to vector<16xf32>
    tpu.vector_store %arg6[%swap3A_235], %swap3A_238 {strides = array<i32>} : memref<640xf32, #tpu.memory_space<vmem>>, vector<16xf32>,
    %broadcast_in_dim3A_239 = arith.constant 0.000000e+00 : f32
    %broadcast_in_dim3A_240 = vector.broadcast %broadcast_in_dim3A_239 : f32 to vector<16xf32>
    %swap3A_241 = arith.constant 512 : index
    %swap3A_242 = tpu.vector_load %arg6[%swap3A_241] {strides = array<i32>} : memref<640xf32, #tpu.memory_space<vmem>>, vector<16xf32>,
    %swap3A_243 = vector.shape_cast %swap3A_242 : vector<16xf32> to vector<16xf32>
    %swap3A_244 = vector.shape_cast %broadcast_in_dim3A_240 : vector<16xf32> to vector<16xf32>
    tpu.vector_store %arg6[%swap3A_241], %swap3A_244 {strides = array<i32>} : memref<640xf32, #tpu.memory_space<vmem>>, vector<16xf32>,
    %broadcast_in_dim3A_245 = arith.constant 0.000000e+00 : f32
    %broadcast_in_dim3A_246 = vector.broadcast %broadcast_in_dim3A_245 : f32 to vector<16xf32>
    %swap3A_247 = arith.constant 528 : index
    %swap3A_248 = tpu.vector_load %arg6[%swap3A_247] {strides = array<i32>} : memref<640xf32, #tpu.memory_space<vmem>>, vector<16xf32>,
    %swap3A_249 = vector.shape_cast %swap3A_248 : vector<16xf32> to vector<16xf32>
    %swap3A_250 = vector.shape_cast %broadcast_in_dim3A_246 : vector<16xf32> to vector<16xf32>
    tpu.vector_store %arg6[%swap3A_247], %swap3A_250 {strides = array<i32>} : memref<640xf32, #tpu.memory_space<vmem>>, vector<16xf32>,
    %broadcast_in_dim3A_251 = arith.constant 0.000000e+00 : f32
    %broadcast_in_dim3A_252 = vector.broadcast %broadcast_in_dim3A_251 : f32 to vector<16xf32>
    %swap3A_253 = arith.constant 544 : index
    %swap3A_254 = tpu.vector_load %arg6[%swap3A_253] {strides = array<i32>} : memref<640xf32, #tpu.memory_space<vmem>>, vector<16xf32>,
    %swap3A_255 = vector.shape_cast %swap3A_254 : vector<16xf32> to vector<16xf32>
    %swap3A_256 = vector.shape_cast %broadcast_in_dim3A_252 : vector<16xf32> to vector<16xf32>
    tpu.vector_store %arg6[%swap3A_253], %swap3A_256 {strides = array<i32>} : memref<640xf32, #tpu.memory_space<vmem>>, vector<16xf32>,
    %broadcast_in_dim3A_257 = arith.constant 0.000000e+00 : f32
    %broadcast_in_dim3A_258 = vector.broadcast %broadcast_in_dim3A_257 : f32 to vector<16xf32>
    %swap3A_259 = arith.constant 560 : index
    %swap3A_260 = tpu.vector_load %arg6[%swap3A_259] {strides = array<i32>} : memref<640xf32, #tpu.memory_space<vmem>>, vector<16xf32>,
    %swap3A_261 = vector.shape_cast %swap3A_260 : vector<16xf32> to vector<16xf32>
    %swap3A_262 = vector.shape_cast %broadcast_in_dim3A_258 : vector<16xf32> to vector<16xf32>
    tpu.vector_store %arg6[%swap3A_259], %swap3A_262 {strides = array<i32>} : memref<640xf32, #tpu.memory_space<vmem>>, vector<16xf32>,
    %broadcast_in_dim3A_263 = arith.constant 0.000000e+00 : f32
    %broadcast_in_dim3A_264 = vector.broadcast %broadcast_in_dim3A_263 : f32 to vector<16xf32>
    %swap3A_265 = arith.constant 576 : index
    %swap3A_266 = tpu.vector_load %arg6[%swap3A_265] {strides = array<i32>} : memref<640xf32, #tpu.memory_space<vmem>>, vector<16xf32>,
    %swap3A_267 = vector.shape_cast %swap3A_266 : vector<16xf32> to vector<16xf32>
    %swap3A_268 = vector.shape_cast %broadcast_in_dim3A_264 : vector<16xf32> to vector<16xf32>
    tpu.vector_store %arg6[%swap3A_265], %swap3A_268 {strides = array<i32>} : memref<640xf32, #tpu.memory_space<vmem>>, vector<16xf32>,
    %broadcast_in_dim3A_269 = arith.constant 0.000000e+00 : f32
    %broadcast_in_dim3A_270 = vector.broadcast %broadcast_in_dim3A_269 : f32 to vector<16xf32>
    %swap3A_271 = arith.constant 592 : index
    %swap3A_272 = tpu.vector_load %arg6[%swap3A_271] {strides = array<i32>} : memref<640xf32, #tpu.memory_space<vmem>>, vector<16xf32>,
    %swap3A_273 = vector.shape_cast %swap3A_272 : vector<16xf32> to vector<16xf32>
    %swap3A_274 = vector.shape_cast %broadcast_in_dim3A_270 : vector<16xf32> to vector<16xf32>
    tpu.vector_store %arg6[%swap3A_271], %swap3A_274 {strides = array<i32>} : memref<640xf32, #tpu.memory_space<vmem>>, vector<16xf32>,
    %broadcast_in_dim3A_275 = arith.constant 0.000000e+00 : f32
    %broadcast_in_dim3A_276 = vector.broadcast %broadcast_in_dim3A_275 : f32 to vector<16xf32>
    %swap3A_277 = arith.constant 608 : index
    %swap3A_278 = tpu.vector_load %arg6[%swap3A_277] {strides = array<i32>} : memref<640xf32, #tpu.memory_space<vmem>>, vector<16xf32>,
    %swap3A_279 = vector.shape_cast %swap3A_278 : vector<16xf32> to vector<16xf32>
    %swap3A_280 = vector.shape_cast %broadcast_in_dim3A_276 : vector<16xf32> to vector<16xf32>
    tpu.vector_store %arg6[%swap3A_277], %swap3A_280 {strides = array<i32>} : memref<640xf32, #tpu.memory_space<vmem>>, vector<16xf32>,
    %broadcast_in_dim3A_281 = arith.constant 0.000000e+00 : f32
    %broadcast_in_dim3A_282 = vector.broadcast %broadcast_in_dim3A_281 : f32 to vector<16xf32>
    %swap3A_283 = arith.constant 624 : index
    %swap3A_284 = tpu.vector_load %arg6[%swap3A_283] {strides = array<i32>} : memref<640xf32, #tpu.memory_space<vmem>>, vector<16xf32>,
    %swap3A_285 = vector.shape_cast %swap3A_284 : vector<16xf32> to vector<16xf32>
    %swap3A_286 = vector.shape_cast %broadcast_in_dim3A_282 : vector<16xf32> to vector<16xf32>
    tpu.vector_store %arg6[%swap3A_283], %swap3A_286 {strides = array<i32>} : memref<640xf32, #tpu.memory_space<vmem>>, vector<16xf32>,
    %mul3A_287 = arith.constant 640 : i32
    %mul3A_288 = arith.muli %arg1, %mul3A_287 : i32
    "tpu.region"() ({
      %run_scoped3A = tpu.sem_alloc : memref<!tpu.dma_semaphore, #tpu.memory_space<semaphore_mem>>
      %dma_start3A = tpu.memref_slice %arg7[%mul3A_288] : memref<10240xf32, #tpu.memory_space<vmem_shared>> -> memref<640xf32, #tpu.memory_space<vmem_shared>>
      %dma_start3A_305 = tpu.memref_slice %arg7[%mul3A_288] : memref<10240xf32, #tpu.memory_space<vmem_shared>> -> memref<640xf32, #tpu.memory_space<vmem_shared>>
      tpu.enqueue_dma source(%arg6 : memref<640xf32, #tpu.memory_space<vmem>>) target(%dma_start3A_305 : memref<640xf32, #tpu.memory_space<vmem_shared>>) target_semaphore(%run_scoped3A : memref<!tpu.dma_semaphore, #tpu.memory_space<semaphore_mem>>)
      %dma_wait3A = tpu.memref_slice %arg7[%mul3A_288] : memref<10240xf32, #tpu.memory_space<vmem_shared>> -> memref<640xf32, #tpu.memory_space<vmem_shared>>
      %dma_wait3A_306 = tpu.memref_slice %arg7[%mul3A_288] : memref<10240xf32, #tpu.memory_space<vmem_shared>> -> memref<640xf32, #tpu.memory_space<vmem_shared>>
      tpu.wait_dma2 semaphore(%run_scoped3A : memref<!tpu.dma_semaphore, #tpu.memory_space<semaphore_mem>>) src(%arg6 : memref<640xf32, #tpu.memory_space<vmem>>) dst(%dma_wait3A_306 : memref<640xf32, #tpu.memory_space<vmem_shared>>)
      tpu.yield
    }) : () -> ()
    "tpu.region"() ({
      %run_scoped3A = tpu.sem_alloc : memref<!tpu.dma_semaphore, #tpu.memory_space<semaphore_mem>>
      %dma_start3A = arith.constant 0 : i32
      %dma_start3A_305 = arith.constant 0 : i32
      %dma_start3A_306 = tpu.memref_slice %arg2[%add3A, %dma_start3A, %dma_start3A_305] : memref<32x80x128xi32, #tpu.memory_space<hbm>> -> memref<1x80x128xi32, #tpu.memory_space<hbm>>
      %dma_start3A_307 = tpu.memref_squeeze %dma_start3A_306 : memref<1x80x128xi32, #tpu.memory_space<hbm>> -> memref<80x128xi32, #tpu.memory_space<hbm>>
      %dma_start3A_308 = arith.constant 0 : i32
      %dma_start3A_309 = arith.constant 0 : i32
      %dma_start3A_310 = tpu.memref_slice %arg2[%add3A, %dma_start3A_308, %dma_start3A_309] : memref<32x80x128xi32, #tpu.memory_space<hbm>> -> memref<1x80x128xi32, #tpu.memory_space<hbm>>
      %dma_start3A_311 = tpu.memref_squeeze %dma_start3A_310 : memref<1x80x128xi32, #tpu.memory_space<hbm>> -> memref<80x128xi32, #tpu.memory_space<hbm>>
      tpu.enqueue_dma source(%dma_start3A_311 : memref<80x128xi32, #tpu.memory_space<hbm>>) target(%arg4 : memref<80x128xi32, #tpu.memory_space<vmem>>) target_semaphore(%run_scoped3A : memref<!tpu.dma_semaphore, #tpu.memory_space<semaphore_mem>>)
      %dma_wait3A = arith.constant 0 : i32
      %dma_wait3A_312 = arith.constant 0 : i32
      %dma_wait3A_313 = tpu.memref_slice %arg2[%add3A, %dma_wait3A, %dma_wait3A_312] : memref<32x80x128xi32, #tpu.memory_space<hbm>> -> memref<1x80x128xi32, #tpu.memory_space<hbm>>
      %dma_wait3A_314 = tpu.memref_squeeze %dma_wait3A_313 : memref<1x80x128xi32, #tpu.memory_space<hbm>> -> memref<80x128xi32, #tpu.memory_space<hbm>>
      %dma_wait3A_315 = arith.constant 0 : i32
      %dma_wait3A_316 = arith.constant 0 : i32
      %dma_wait3A_317 = tpu.memref_slice %arg2[%add3A, %dma_wait3A_315, %dma_wait3A_316] : memref<32x80x128xi32, #tpu.memory_space<hbm>> -> memref<1x80x128xi32, #tpu.memory_space<hbm>>
      %dma_wait3A_318 = tpu.memref_squeeze %dma_wait3A_317 : memref<1x80x128xi32, #tpu.memory_space<hbm>> -> memref<80x128xi32, #tpu.memory_space<hbm>>
      tpu.wait_dma2 semaphore(%run_scoped3A : memref<!tpu.dma_semaphore, #tpu.memory_space<semaphore_mem>>) src(%dma_wait3A_318 : memref<80x128xi32, #tpu.memory_space<hbm>>) dst(%arg4 : memref<80x128xi32, #tpu.memory_space<vmem>>)
      tpu.yield
    }) : () -> ()
    %barrier3A = arith.constant 0 : index
    tpu.barrier barrier_id(%barrier3A)
    %scan3A = arith.constant 0 : i32
    %scan3A_289 = arith.constant 0 : i32
    %scan3A_290 = arith.constant 80 : i32
    %scan3A_291 = arith.addi %scan3A_289, %scan3A_290 : i32
    %scan3A_292 = arith.constant 1 : i32
    scf.for %scan3A_305 = %scan3A_289 to %scan3A_291 step %scan3A_292  : i32 {
      %dma_start3A = arith.constant 0 : i32
      %dma_start3A_306 = tpu.memref_slice %arg4[%scan3A_305, %dma_start3A] : memref<80x128xi32, #tpu.memory_space<vmem>> -> memref<1x128xi32, #tpu.memory_space<vmem>>
      %dma_start3A_307 = tpu.memref_squeeze %dma_start3A_306 : memref<1x128xi32, #tpu.memory_space<vmem>> -> memref<128xi32, #tpu.memory_space<vmem>>
      %dma_start3A_308 = arith.constant 0 : i32
      %dma_start3A_309 = tpu.memref_slice %arg7[%dma_start3A_308] : memref<10240xf32, #tpu.memory_space<vmem_shared>> -> memref<10240xf32, #tpu.memory_space<vmem_shared>>
      tpu.enqueue_indirect_dma source(%arg5 : memref<128xf32, #tpu.memory_space<vmem>>) target(%dma_start3A_309 : memref<10240xf32, #tpu.memory_space<vmem_shared>>) offsets(%dma_start3A_307 : memref<128xi32, #tpu.memory_space<vmem>>) semaphore(%arg8 : memref<!tpu.dma_semaphore, #tpu.memory_space<semaphore_mem>>) {add = true}
    }
    %scan3A_293 = arith.constant 80 : i32
    %scan3A_294 = arith.constant 0 : i32
    %scan3A_295 = arith.constant 0 : i32
    %scan3A_296 = arith.constant 80 : i32
    %scan3A_297 = arith.addi %scan3A_295, %scan3A_296 : i32
    %scan3A_298 = arith.constant 1 : i32
    scf.for %scan3A_305 = %scan3A_295 to %scan3A_297 step %scan3A_298  : i32 {
      %dma_wait3A = arith.constant 0 : i32
      %dma_wait3A_306 = tpu.memref_slice %arg7[%dma_wait3A] : memref<10240xf32, #tpu.memory_space<vmem_shared>> -> memref<128xf32, #tpu.memory_space<vmem_shared>>
      %dma_wait3A_307 = arith.constant 0 : i32
      %dma_wait3A_308 = tpu.memref_slice %arg7[%dma_wait3A_307] : memref<10240xf32, #tpu.memory_space<vmem_shared>> -> memref<128xf32, #tpu.memory_space<vmem_shared>>
      tpu.wait_dma2 semaphore(%arg8 : memref<!tpu.dma_semaphore, #tpu.memory_space<semaphore_mem>>) src(%arg5 : memref<128xf32, #tpu.memory_space<vmem>>) dst(%dma_wait3A_308 : memref<128xf32, #tpu.memory_space<vmem_shared>>)
    }
    %scan3A_299 = arith.constant 80 : i32
    %barrier3A_300 = arith.constant 0 : index
    tpu.barrier barrier_id(%barrier3A_300)
    %mul3A_301 = arith.constant 640 : i32
    %mul3A_302 = arith.muli %arg1, %mul3A_301 : i32
    %mul3A_303 = arith.constant 640 : i32
    %mul3A_304 = arith.muli %arg1, %mul3A_303 : i32
    "tpu.region"() ({
      %run_scoped3A = tpu.sem_alloc : memref<!tpu.dma_semaphore, #tpu.memory_space<semaphore_mem>>
      %dma_start3A = tpu.memref_slice %arg3[%arg0, %mul3A_304] : memref<2x10240xf32, #tpu.memory_space<hbm>> -> memref<1x640xf32, #tpu.memory_space<hbm>>
      %dma_start3A_305 = tpu.memref_squeeze %dma_start3A : memref<1x640xf32, #tpu.memory_space<hbm>> -> memref<640xf32, #tpu.memory_space<hbm>>
      %dma_start3A_306 = tpu.memref_slice %arg7[%mul3A_302] : memref<10240xf32, #tpu.memory_space<vmem_shared>> -> memref<640xf32, #tpu.memory_space<vmem_shared>>
      tpu.enqueue_dma source(%dma_start3A_306 : memref<640xf32, #tpu.memory_space<vmem_shared>>) target(%dma_start3A_305 : memref<640xf32, #tpu.memory_space<hbm>>) target_semaphore(%run_scoped3A : memref<!tpu.dma_semaphore, #tpu.memory_space<semaphore_mem>>)
      %dma_wait3A = tpu.memref_slice %arg3[%arg0, %mul3A_304] : memref<2x10240xf32, #tpu.memory_space<hbm>> -> memref<1x640xf32, #tpu.memory_space<hbm>>
      %dma_wait3A_307 = tpu.memref_squeeze %dma_wait3A : memref<1x640xf32, #tpu.memory_space<hbm>> -> memref<640xf32, #tpu.memory_space<hbm>>
      %dma_wait3A_308 = tpu.memref_slice %arg7[%mul3A_302] : memref<10240xf32, #tpu.memory_space<vmem_shared>> -> memref<640xf32, #tpu.memory_space<vmem_shared>>
      tpu.wait_dma2 semaphore(%run_scoped3A : memref<!tpu.dma_semaphore, #tpu.memory_space<semaphore_mem>>) src(%dma_wait3A_308 : memref<640xf32, #tpu.memory_space<vmem_shared>>) dst(%dma_wait3A_307 : memref<640xf32, #tpu.memory_space<hbm>>)
      tpu.yield
    }) : () -> ()
    return
  }
}

#map = affine_map<(d0, d1) -> (0, 0)>
#map1 = affine_map<(d0, d1) -> (0, 0, 0)>
module attributes {stable_mosaic.version = 14 : i64} {
  func.func @body(%arg0: i32, %arg1: i32, %arg2: memref<10240x16xf32, #tpu.memory_space<hbm>>, %arg3: memref<32x80x128xi32, #tpu.memory_space<hbm>>, %arg4: memref<32x80x128xi32, #tpu.memory_space<hbm>>, %arg5: memref<2x10240x16xf32, #tpu.memory_space<hbm>>, %arg6: memref<80x128xi32, #tpu.memory_space<vmem>>, %arg7: memref<80x128xi32, #tpu.memory_space<vmem>>, %arg8: memref<4x128x16xf32, #tpu.memory_space<vmem>>, %arg9: memref<10240x16xf32, #tpu.memory_space<vmem_shared>>, %arg10: memref<!tpu.dma_semaphore, #tpu.memory_space<semaphore_mem>>, %arg11: memref<!tpu.dma_semaphore, #tpu.memory_space<semaphore_mem>>, %arg12: memref<!tpu.dma_semaphore, #tpu.memory_space<semaphore_mem>>, %arg13: memref<!tpu.dma_semaphore, #tpu.memory_space<semaphore_mem>>, %arg14: memref<!tpu.dma_semaphore, #tpu.memory_space<semaphore_mem>>, %arg15: memref<!tpu.dma_semaphore, #tpu.memory_space<semaphore_mem>>, %arg16: memref<!tpu.dma_semaphore, #tpu.memory_space<semaphore_mem>>, %arg17: memref<!tpu.dma_semaphore, #tpu.memory_space<semaphore_mem>>) attributes {dimension_semantics = [#tpu.dimension_semantics<core_parallel>, #tpu.dimension_semantics<subcore_parallel>], iteration_bounds = array<i64: 2, 16>, scalar_prefetch = 0 : i64, scratch_operands = 12 : i64, tpu.core_type = #tpu.core_type<sc_vector_subcore>, window_params = [{transform_indices = #map}, {transform_indices = #map1}, {transform_indices = #map1}, {transform_indices = #map1}]} {
    %mul3A = arith.constant 640 : i32
    %mul3A_0 = arith.muli %arg1, %mul3A : i32
    %add3A = arith.constant 0 : i32
    %add3A_1 = arith.addi %mul3A_0, %add3A : i32
    "tpu.region"() ({
      %run_scoped3A = tpu.sem_alloc : memref<!tpu.dma_semaphore, #tpu.memory_space<semaphore_mem>>
      %dma_start3A_245 = arith.constant 0 : i32
      %dma_start3A_246 = tpu.memref_slice %arg9[%add3A_1, %dma_start3A_245] : memref<10240x16xf32, #tpu.memory_space<vmem_shared>> -> memref<128x16xf32, #tpu.memory_space<vmem_shared>>
      %dma_start3A_247 = arith.constant 10000 : i32
      %dma_start3A_248 = arith.constant 0 : i32
      %dma_start3A_249 = tpu.memref_slice %arg2[%dma_start3A_247, %dma_start3A_248] : memref<10240x16xf32, #tpu.memory_space<hbm>> -> memref<128x16xf32, #tpu.memory_space<hbm>>
      tpu.enqueue_dma source(%dma_start3A_249 : memref<128x16xf32, #tpu.memory_space<hbm>>) target(%dma_start3A_246 : memref<128x16xf32, #tpu.memory_space<vmem_shared>>) target_semaphore(%run_scoped3A : memref<!tpu.dma_semaphore, #tpu.memory_space<semaphore_mem>>)
      %dma_wait3A_250 = arith.constant 0 : i32
      %dma_wait3A_251 = tpu.memref_slice %arg9[%add3A_1, %dma_wait3A_250] : memref<10240x16xf32, #tpu.memory_space<vmem_shared>> -> memref<128x16xf32, #tpu.memory_space<vmem_shared>>
      %dma_wait3A_252 = arith.constant 10000 : i32
      %dma_wait3A_253 = arith.constant 0 : i32
      %dma_wait3A_254 = tpu.memref_slice %arg2[%dma_wait3A_252, %dma_wait3A_253] : memref<10240x16xf32, #tpu.memory_space<hbm>> -> memref<128x16xf32, #tpu.memory_space<hbm>>
      tpu.wait_dma2 semaphore(%run_scoped3A : memref<!tpu.dma_semaphore, #tpu.memory_space<semaphore_mem>>) src(%dma_wait3A_254 : memref<128x16xf32, #tpu.memory_space<hbm>>) dst(%dma_wait3A_251 : memref<128x16xf32, #tpu.memory_space<vmem_shared>>)
      tpu.yield
    }) : () -> ()
    %mul3A_2 = arith.constant 640 : i32
    %mul3A_3 = arith.muli %arg1, %mul3A_2 : i32
    %add3A_4 = arith.constant 128 : i32
    %add3A_5 = arith.addi %mul3A_3, %add3A_4 : i32
    "tpu.region"() ({
      %run_scoped3A = tpu.sem_alloc : memref<!tpu.dma_semaphore, #tpu.memory_space<semaphore_mem>>
      %dma_start3A_245 = arith.constant 0 : i32
      %dma_start3A_246 = tpu.memref_slice %arg9[%add3A_5, %dma_start3A_245] : memref<10240x16xf32, #tpu.memory_space<vmem_shared>> -> memref<128x16xf32, #tpu.memory_space<vmem_shared>>
      %dma_start3A_247 = arith.constant 10000 : i32
      %dma_start3A_248 = arith.constant 0 : i32
      %dma_start3A_249 = tpu.memref_slice %arg2[%dma_start3A_247, %dma_start3A_248] : memref<10240x16xf32, #tpu.memory_space<hbm>> -> memref<128x16xf32, #tpu.memory_space<hbm>>
      tpu.enqueue_dma source(%dma_start3A_249 : memref<128x16xf32, #tpu.memory_space<hbm>>) target(%dma_start3A_246 : memref<128x16xf32, #tpu.memory_space<vmem_shared>>) target_semaphore(%run_scoped3A : memref<!tpu.dma_semaphore, #tpu.memory_space<semaphore_mem>>)
      %dma_wait3A_250 = arith.constant 0 : i32
      %dma_wait3A_251 = tpu.memref_slice %arg9[%add3A_5, %dma_wait3A_250] : memref<10240x16xf32, #tpu.memory_space<vmem_shared>> -> memref<128x16xf32, #tpu.memory_space<vmem_shared>>
      %dma_wait3A_252 = arith.constant 10000 : i32
      %dma_wait3A_253 = arith.constant 0 : i32
      %dma_wait3A_254 = tpu.memref_slice %arg2[%dma_wait3A_252, %dma_wait3A_253] : memref<10240x16xf32, #tpu.memory_space<hbm>> -> memref<128x16xf32, #tpu.memory_space<hbm>>
      tpu.wait_dma2 semaphore(%run_scoped3A : memref<!tpu.dma_semaphore, #tpu.memory_space<semaphore_mem>>) src(%dma_wait3A_254 : memref<128x16xf32, #tpu.memory_space<hbm>>) dst(%dma_wait3A_251 : memref<128x16xf32, #tpu.memory_space<vmem_shared>>)
      tpu.yield
    }) : () -> ()
    %mul3A_6 = arith.constant 640 : i32
    %mul3A_7 = arith.muli %arg1, %mul3A_6 : i32
    %add3A_8 = arith.constant 256 : i32
    %add3A_9 = arith.addi %mul3A_7, %add3A_8 : i32
    "tpu.region"() ({
      %run_scoped3A = tpu.sem_alloc : memref<!tpu.dma_semaphore, #tpu.memory_space<semaphore_mem>>
      %dma_start3A_245 = arith.constant 0 : i32
      %dma_start3A_246 = tpu.memref_slice %arg9[%add3A_9, %dma_start3A_245] : memref<10240x16xf32, #tpu.memory_space<vmem_shared>> -> memref<128x16xf32, #tpu.memory_space<vmem_shared>>
      %dma_start3A_247 = arith.constant 10000 : i32
      %dma_start3A_248 = arith.constant 0 : i32
      %dma_start3A_249 = tpu.memref_slice %arg2[%dma_start3A_247, %dma_start3A_248] : memref<10240x16xf32, #tpu.memory_space<hbm>> -> memref<128x16xf32, #tpu.memory_space<hbm>>
      tpu.enqueue_dma source(%dma_start3A_249 : memref<128x16xf32, #tpu.memory_space<hbm>>) target(%dma_start3A_246 : memref<128x16xf32, #tpu.memory_space<vmem_shared>>) target_semaphore(%run_scoped3A : memref<!tpu.dma_semaphore, #tpu.memory_space<semaphore_mem>>)
      %dma_wait3A_250 = arith.constant 0 : i32
      %dma_wait3A_251 = tpu.memref_slice %arg9[%add3A_9, %dma_wait3A_250] : memref<10240x16xf32, #tpu.memory_space<vmem_shared>> -> memref<128x16xf32, #tpu.memory_space<vmem_shared>>
      %dma_wait3A_252 = arith.constant 10000 : i32
      %dma_wait3A_253 = arith.constant 0 : i32
      %dma_wait3A_254 = tpu.memref_slice %arg2[%dma_wait3A_252, %dma_wait3A_253] : memref<10240x16xf32, #tpu.memory_space<hbm>> -> memref<128x16xf32, #tpu.memory_space<hbm>>
      tpu.wait_dma2 semaphore(%run_scoped3A : memref<!tpu.dma_semaphore, #tpu.memory_space<semaphore_mem>>) src(%dma_wait3A_254 : memref<128x16xf32, #tpu.memory_space<hbm>>) dst(%dma_wait3A_251 : memref<128x16xf32, #tpu.memory_space<vmem_shared>>)
      tpu.yield
    }) : () -> ()
    %mul3A_10 = arith.constant 640 : i32
    %mul3A_11 = arith.muli %arg1, %mul3A_10 : i32
    %add3A_12 = arith.constant 384 : i32
    %add3A_13 = arith.addi %mul3A_11, %add3A_12 : i32
    "tpu.region"() ({
      %run_scoped3A = tpu.sem_alloc : memref<!tpu.dma_semaphore, #tpu.memory_space<semaphore_mem>>
      %dma_start3A_245 = arith.constant 0 : i32
      %dma_start3A_246 = tpu.memref_slice %arg9[%add3A_13, %dma_start3A_245] : memref<10240x16xf32, #tpu.memory_space<vmem_shared>> -> memref<128x16xf32, #tpu.memory_space<vmem_shared>>
      %dma_start3A_247 = arith.constant 10000 : i32
      %dma_start3A_248 = arith.constant 0 : i32
      %dma_start3A_249 = tpu.memref_slice %arg2[%dma_start3A_247, %dma_start3A_248] : memref<10240x16xf32, #tpu.memory_space<hbm>> -> memref<128x16xf32, #tpu.memory_space<hbm>>
      tpu.enqueue_dma source(%dma_start3A_249 : memref<128x16xf32, #tpu.memory_space<hbm>>) target(%dma_start3A_246 : memref<128x16xf32, #tpu.memory_space<vmem_shared>>) target_semaphore(%run_scoped3A : memref<!tpu.dma_semaphore, #tpu.memory_space<semaphore_mem>>)
      %dma_wait3A_250 = arith.constant 0 : i32
      %dma_wait3A_251 = tpu.memref_slice %arg9[%add3A_13, %dma_wait3A_250] : memref<10240x16xf32, #tpu.memory_space<vmem_shared>> -> memref<128x16xf32, #tpu.memory_space<vmem_shared>>
      %dma_wait3A_252 = arith.constant 10000 : i32
      %dma_wait3A_253 = arith.constant 0 : i32
      %dma_wait3A_254 = tpu.memref_slice %arg2[%dma_wait3A_252, %dma_wait3A_253] : memref<10240x16xf32, #tpu.memory_space<hbm>> -> memref<128x16xf32, #tpu.memory_space<hbm>>
      tpu.wait_dma2 semaphore(%run_scoped3A : memref<!tpu.dma_semaphore, #tpu.memory_space<semaphore_mem>>) src(%dma_wait3A_254 : memref<128x16xf32, #tpu.memory_space<hbm>>) dst(%dma_wait3A_251 : memref<128x16xf32, #tpu.memory_space<vmem_shared>>)
      tpu.yield
    }) : () -> ()
    %mul3A_14 = arith.constant 640 : i32
    %mul3A_15 = arith.muli %arg1, %mul3A_14 : i32
    %add3A_16 = arith.constant 512 : i32
    %add3A_17 = arith.addi %mul3A_15, %add3A_16 : i32
    "tpu.region"() ({
      %run_scoped3A = tpu.sem_alloc : memref<!tpu.dma_semaphore, #tpu.memory_space<semaphore_mem>>
      %dma_start3A_245 = arith.constant 0 : i32
      %dma_start3A_246 = tpu.memref_slice %arg9[%add3A_17, %dma_start3A_245] : memref<10240x16xf32, #tpu.memory_space<vmem_shared>> -> memref<128x16xf32, #tpu.memory_space<vmem_shared>>
      %dma_start3A_247 = arith.constant 10000 : i32
      %dma_start3A_248 = arith.constant 0 : i32
      %dma_start3A_249 = tpu.memref_slice %arg2[%dma_start3A_247, %dma_start3A_248] : memref<10240x16xf32, #tpu.memory_space<hbm>> -> memref<128x16xf32, #tpu.memory_space<hbm>>
      tpu.enqueue_dma source(%dma_start3A_249 : memref<128x16xf32, #tpu.memory_space<hbm>>) target(%dma_start3A_246 : memref<128x16xf32, #tpu.memory_space<vmem_shared>>) target_semaphore(%run_scoped3A : memref<!tpu.dma_semaphore, #tpu.memory_space<semaphore_mem>>)
      %dma_wait3A_250 = arith.constant 0 : i32
      %dma_wait3A_251 = tpu.memref_slice %arg9[%add3A_17, %dma_wait3A_250] : memref<10240x16xf32, #tpu.memory_space<vmem_shared>> -> memref<128x16xf32, #tpu.memory_space<vmem_shared>>
      %dma_wait3A_252 = arith.constant 10000 : i32
      %dma_wait3A_253 = arith.constant 0 : i32
      %dma_wait3A_254 = tpu.memref_slice %arg2[%dma_wait3A_252, %dma_wait3A_253] : memref<10240x16xf32, #tpu.memory_space<hbm>> -> memref<128x16xf32, #tpu.memory_space<hbm>>
      tpu.wait_dma2 semaphore(%run_scoped3A : memref<!tpu.dma_semaphore, #tpu.memory_space<semaphore_mem>>) src(%dma_wait3A_254 : memref<128x16xf32, #tpu.memory_space<hbm>>) dst(%dma_wait3A_251 : memref<128x16xf32, #tpu.memory_space<vmem_shared>>)
      tpu.yield
    }) : () -> ()
    %mul3A_18 = arith.constant 2 : i32
    %mul3A_19 = arith.muli %arg1, %mul3A_18 : i32
    %add3A_20 = arith.addi %mul3A_19, %arg0 : i32
    "tpu.region"() ({
      %run_scoped3A = tpu.sem_alloc : memref<!tpu.dma_semaphore, #tpu.memory_space<semaphore_mem>>
      %dma_start3A_245 = arith.constant 0 : i32
      %dma_start3A_246 = arith.constant 0 : i32
      %dma_start3A_247 = tpu.memref_slice %arg3[%add3A_20, %dma_start3A_245, %dma_start3A_246] : memref<32x80x128xi32, #tpu.memory_space<hbm>> -> memref<1x80x128xi32, #tpu.memory_space<hbm>>
      %dma_start3A_248 = tpu.memref_squeeze %dma_start3A_247 : memref<1x80x128xi32, #tpu.memory_space<hbm>> -> memref<80x128xi32, #tpu.memory_space<hbm>>
      %dma_start3A_249 = arith.constant 0 : i32
      %dma_start3A_250 = arith.constant 0 : i32
      %dma_start3A_251 = tpu.memref_slice %arg3[%add3A_20, %dma_start3A_249, %dma_start3A_250] : memref<32x80x128xi32, #tpu.memory_space<hbm>> -> memref<1x80x128xi32, #tpu.memory_space<hbm>>
      %dma_start3A_252 = tpu.memref_squeeze %dma_start3A_251 : memref<1x80x128xi32, #tpu.memory_space<hbm>> -> memref<80x128xi32, #tpu.memory_space<hbm>>
      tpu.enqueue_dma source(%dma_start3A_252 : memref<80x128xi32, #tpu.memory_space<hbm>>) target(%arg6 : memref<80x128xi32, #tpu.memory_space<vmem>>) target_semaphore(%run_scoped3A : memref<!tpu.dma_semaphore, #tpu.memory_space<semaphore_mem>>)
      %dma_wait3A_253 = arith.constant 0 : i32
      %dma_wait3A_254 = arith.constant 0 : i32
      %dma_wait3A_255 = tpu.memref_slice %arg3[%add3A_20, %dma_wait3A_253, %dma_wait3A_254] : memref<32x80x128xi32, #tpu.memory_space<hbm>> -> memref<1x80x128xi32, #tpu.memory_space<hbm>>
      %dma_wait3A_256 = tpu.memref_squeeze %dma_wait3A_255 : memref<1x80x128xi32, #tpu.memory_space<hbm>> -> memref<80x128xi32, #tpu.memory_space<hbm>>
      %dma_wait3A_257 = arith.constant 0 : i32
      %dma_wait3A_258 = arith.constant 0 : i32
      %dma_wait3A_259 = tpu.memref_slice %arg3[%add3A_20, %dma_wait3A_257, %dma_wait3A_258] : memref<32x80x128xi32, #tpu.memory_space<hbm>> -> memref<1x80x128xi32, #tpu.memory_space<hbm>>
      %dma_wait3A_260 = tpu.memref_squeeze %dma_wait3A_259 : memref<1x80x128xi32, #tpu.memory_space<hbm>> -> memref<80x128xi32, #tpu.memory_space<hbm>>
      tpu.wait_dma2 semaphore(%run_scoped3A : memref<!tpu.dma_semaphore, #tpu.memory_space<semaphore_mem>>) src(%dma_wait3A_260 : memref<80x128xi32, #tpu.memory_space<hbm>>) dst(%arg6 : memref<80x128xi32, #tpu.memory_space<vmem>>)
      tpu.yield
    }) : () -> ()
    "tpu.region"() ({
      %run_scoped3A = tpu.sem_alloc : memref<!tpu.dma_semaphore, #tpu.memory_space<semaphore_mem>>
      %dma_start3A_245 = arith.constant 0 : i32
      %dma_start3A_246 = arith.constant 0 : i32
      %dma_start3A_247 = tpu.memref_slice %arg4[%add3A_20, %dma_start3A_245, %dma_start3A_246] : memref<32x80x128xi32, #tpu.memory_space<hbm>> -> memref<1x80x128xi32, #tpu.memory_space<hbm>>
      %dma_start3A_248 = tpu.memref_squeeze %dma_start3A_247 : memref<1x80x128xi32, #tpu.memory_space<hbm>> -> memref<80x128xi32, #tpu.memory_space<hbm>>
      %dma_start3A_249 = arith.constant 0 : i32
      %dma_start3A_250 = arith.constant 0 : i32
      %dma_start3A_251 = tpu.memref_slice %arg4[%add3A_20, %dma_start3A_249, %dma_start3A_250] : memref<32x80x128xi32, #tpu.memory_space<hbm>> -> memref<1x80x128xi32, #tpu.memory_space<hbm>>
      %dma_start3A_252 = tpu.memref_squeeze %dma_start3A_251 : memref<1x80x128xi32, #tpu.memory_space<hbm>> -> memref<80x128xi32, #tpu.memory_space<hbm>>
      tpu.enqueue_dma source(%dma_start3A_252 : memref<80x128xi32, #tpu.memory_space<hbm>>) target(%arg7 : memref<80x128xi32, #tpu.memory_space<vmem>>) target_semaphore(%run_scoped3A : memref<!tpu.dma_semaphore, #tpu.memory_space<semaphore_mem>>)
      %dma_wait3A_253 = arith.constant 0 : i32
      %dma_wait3A_254 = arith.constant 0 : i32
      %dma_wait3A_255 = tpu.memref_slice %arg4[%add3A_20, %dma_wait3A_253, %dma_wait3A_254] : memref<32x80x128xi32, #tpu.memory_space<hbm>> -> memref<1x80x128xi32, #tpu.memory_space<hbm>>
      %dma_wait3A_256 = tpu.memref_squeeze %dma_wait3A_255 : memref<1x80x128xi32, #tpu.memory_space<hbm>> -> memref<80x128xi32, #tpu.memory_space<hbm>>
      %dma_wait3A_257 = arith.constant 0 : i32
      %dma_wait3A_258 = arith.constant 0 : i32
      %dma_wait3A_259 = tpu.memref_slice %arg4[%add3A_20, %dma_wait3A_257, %dma_wait3A_258] : memref<32x80x128xi32, #tpu.memory_space<hbm>> -> memref<1x80x128xi32, #tpu.memory_space<hbm>>
      %dma_wait3A_260 = tpu.memref_squeeze %dma_wait3A_259 : memref<1x80x128xi32, #tpu.memory_space<hbm>> -> memref<80x128xi32, #tpu.memory_space<hbm>>
      tpu.wait_dma2 semaphore(%run_scoped3A : memref<!tpu.dma_semaphore, #tpu.memory_space<semaphore_mem>>) src(%dma_wait3A_260 : memref<80x128xi32, #tpu.memory_space<hbm>>) dst(%arg7 : memref<80x128xi32, #tpu.memory_space<vmem>>)
      tpu.yield
    }) : () -> ()
    %barrier3A = arith.constant 0 : index
    tpu.barrier barrier_id(%barrier3A)
    %dma_start3A = arith.constant 0 : i32
    %dma_start3A_21 = arith.constant 0 : i32
    %dma_start3A_22 = arith.constant 0 : i32
    %dma_start3A_23 = arith.constant 0 : i32
    %dma_start3A_24 = tpu.memref_slice %arg8[%dma_start3A_21, %dma_start3A_22, %dma_start3A_23] : memref<4x128x16xf32, #tpu.memory_space<vmem>> -> memref<1x128x16xf32, #tpu.memory_space<vmem>>
    %dma_start3A_25 = tpu.memref_squeeze %dma_start3A_24 : memref<1x128x16xf32, #tpu.memory_space<vmem>> -> memref<128x16xf32, #tpu.memory_space<vmem>>
    %dma_start3A_26 = arith.constant 0 : i32
    %dma_start3A_27 = tpu.memref_slice %arg6[%dma_start3A, %dma_start3A_26] : memref<80x128xi32, #tpu.memory_space<vmem>> -> memref<1x128xi32, #tpu.memory_space<vmem>>
    %dma_start3A_28 = tpu.memref_squeeze %dma_start3A_27 : memref<1x128xi32, #tpu.memory_space<vmem>> -> memref<128xi32, #tpu.memory_space<vmem>>
    %dma_start3A_29 = arith.constant 0 : i32
    %dma_start3A_30 = arith.constant 0 : i32
    %dma_start3A_31 = tpu.memref_slice %arg2[%dma_start3A_29, %dma_start3A_30] : memref<10240x16xf32, #tpu.memory_space<hbm>> -> memref<10240x16xf32, #tpu.memory_space<hbm>>
    tpu.enqueue_indirect_dma source(%dma_start3A_31 : memref<10240x16xf32, #tpu.memory_space<hbm>>) target(%dma_start3A_25 : memref<128x16xf32, #tpu.memory_space<vmem>>) offsets(%dma_start3A_28 : memref<128xi32, #tpu.memory_space<vmem>>) semaphore(%arg10 : memref<!tpu.dma_semaphore, #tpu.memory_space<semaphore_mem>>)
    %dma_start3A_32 = arith.constant 1 : i32
    %dma_start3A_33 = arith.constant 1 : i32
    %dma_start3A_34 = arith.constant 0 : i32
    %dma_start3A_35 = arith.constant 0 : i32
    %dma_start3A_36 = tpu.memref_slice %arg8[%dma_start3A_33, %dma_start3A_34, %dma_start3A_35] : memref<4x128x16xf32, #tpu.memory_space<vmem>> -> memref<1x128x16xf32, #tpu.memory_space<vmem>>
    %dma_start3A_37 = tpu.memref_squeeze %dma_start3A_36 : memref<1x128x16xf32, #tpu.memory_space<vmem>> -> memref<128x16xf32, #tpu.memory_space<vmem>>
    %dma_start3A_38 = arith.constant 0 : i32
    %dma_start3A_39 = tpu.memref_slice %arg6[%dma_start3A_32, %dma_start3A_38] : memref<80x128xi32, #tpu.memory_space<vmem>> -> memref<1x128xi32, #tpu.memory_space<vmem>>
    %dma_start3A_40 = tpu.memref_squeeze %dma_start3A_39 : memref<1x128xi32, #tpu.memory_space<vmem>> -> memref<128xi32, #tpu.memory_space<vmem>>
    %dma_start3A_41 = arith.constant 0 : i32
    %dma_start3A_42 = arith.constant 0 : i32
    %dma_start3A_43 = tpu.memref_slice %arg2[%dma_start3A_41, %dma_start3A_42] : memref<10240x16xf32, #tpu.memory_space<hbm>> -> memref<10240x16xf32, #tpu.memory_space<hbm>>
    tpu.enqueue_indirect_dma source(%dma_start3A_43 : memref<10240x16xf32, #tpu.memory_space<hbm>>) target(%dma_start3A_37 : memref<128x16xf32, #tpu.memory_space<vmem>>) offsets(%dma_start3A_40 : memref<128xi32, #tpu.memory_space<vmem>>) semaphore(%arg11 : memref<!tpu.dma_semaphore, #tpu.memory_space<semaphore_mem>>)
    %dma_wait3A = arith.constant 0 : i32
    %dma_wait3A_44 = arith.constant 0 : i32
    %dma_wait3A_45 = arith.constant 0 : i32
    %dma_wait3A_46 = tpu.memref_slice %arg8[%dma_wait3A, %dma_wait3A_44, %dma_wait3A_45] : memref<4x128x16xf32, #tpu.memory_space<vmem>> -> memref<1x128x16xf32, #tpu.memory_space<vmem>>
    %dma_wait3A_47 = tpu.memref_squeeze %dma_wait3A_46 : memref<1x128x16xf32, #tpu.memory_space<vmem>> -> memref<128x16xf32, #tpu.memory_space<vmem>>
    %dma_wait3A_48 = arith.constant 0 : i32
    %dma_wait3A_49 = arith.constant 0 : i32
    %dma_wait3A_50 = tpu.memref_slice %arg2[%dma_wait3A_48, %dma_wait3A_49] : memref<10240x16xf32, #tpu.memory_space<hbm>> -> memref<128x16xf32, #tpu.memory_space<hbm>>
    %dma_wait3A_51 = arith.constant 0 : i32
    %dma_wait3A_52 = arith.constant 0 : i32
    %dma_wait3A_53 = tpu.memref_slice %arg8[%dma_wait3A, %dma_wait3A_51, %dma_wait3A_52] : memref<4x128x16xf32, #tpu.memory_space<vmem>> -> memref<1x128x16xf32, #tpu.memory_space<vmem>>
    %dma_wait3A_54 = tpu.memref_squeeze %dma_wait3A_53 : memref<1x128x16xf32, #tpu.memory_space<vmem>> -> memref<128x16xf32, #tpu.memory_space<vmem>>
    %dma_wait3A_55 = arith.constant 0 : i32
    %dma_wait3A_56 = arith.constant 0 : i32
    %dma_wait3A_57 = tpu.memref_slice %arg2[%dma_wait3A_55, %dma_wait3A_56] : memref<10240x16xf32, #tpu.memory_space<hbm>> -> memref<128x16xf32, #tpu.memory_space<hbm>>
    tpu.wait_dma2 semaphore(%arg10 : memref<!tpu.dma_semaphore, #tpu.memory_space<semaphore_mem>>) src(%dma_wait3A_57 : memref<128x16xf32, #tpu.memory_space<hbm>>) dst(%dma_wait3A_54 : memref<128x16xf32, #tpu.memory_space<vmem>>)
    %dma_start3A_58 = arith.constant 0 : i32
    %dma_start3A_59 = arith.constant 0 : i32
    %dma_start3A_60 = arith.constant 0 : i32
    %dma_start3A_61 = arith.constant 0 : i32
    %dma_start3A_62 = tpu.memref_slice %arg8[%dma_start3A_58, %dma_start3A_60, %dma_start3A_61] : memref<4x128x16xf32, #tpu.memory_space<vmem>> -> memref<1x128x16xf32, #tpu.memory_space<vmem>>
    %dma_start3A_63 = tpu.memref_squeeze %dma_start3A_62 : memref<1x128x16xf32, #tpu.memory_space<vmem>> -> memref<128x16xf32, #tpu.memory_space<vmem>>
    %dma_start3A_64 = arith.constant 0 : i32
    %dma_start3A_65 = tpu.memref_slice %arg7[%dma_start3A_59, %dma_start3A_64] : memref<80x128xi32, #tpu.memory_space<vmem>> -> memref<1x128xi32, #tpu.memory_space<vmem>>
    %dma_start3A_66 = tpu.memref_squeeze %dma_start3A_65 : memref<1x128xi32, #tpu.memory_space<vmem>> -> memref<128xi32, #tpu.memory_space<vmem>>
    %dma_start3A_67 = arith.constant 0 : i32
    %dma_start3A_68 = arith.constant 0 : i32
    %dma_start3A_69 = tpu.memref_slice %arg9[%dma_start3A_67, %dma_start3A_68] : memref<10240x16xf32, #tpu.memory_space<vmem_shared>> -> memref<10240x16xf32, #tpu.memory_space<vmem_shared>>
    tpu.enqueue_indirect_dma source(%dma_start3A_63 : memref<128x16xf32, #tpu.memory_space<vmem>>) target(%dma_start3A_69 : memref<10240x16xf32, #tpu.memory_space<vmem_shared>>) offsets(%dma_start3A_66 : memref<128xi32, #tpu.memory_space<vmem>>) semaphore(%arg14 : memref<!tpu.dma_semaphore, #tpu.memory_space<semaphore_mem>>) {add = true}
    %dma_start3A_70 = arith.constant 2 : i32
    %dma_start3A_71 = arith.constant 2 : i32
    %dma_start3A_72 = arith.constant 0 : i32
    %dma_start3A_73 = arith.constant 0 : i32
    %dma_start3A_74 = tpu.memref_slice %arg8[%dma_start3A_71, %dma_start3A_72, %dma_start3A_73] : memref<4x128x16xf32, #tpu.memory_space<vmem>> -> memref<1x128x16xf32, #tpu.memory_space<vmem>>
    %dma_start3A_75 = tpu.memref_squeeze %dma_start3A_74 : memref<1x128x16xf32, #tpu.memory_space<vmem>> -> memref<128x16xf32, #tpu.memory_space<vmem>>
    %dma_start3A_76 = arith.constant 0 : i32
    %dma_start3A_77 = tpu.memref_slice %arg6[%dma_start3A_70, %dma_start3A_76] : memref<80x128xi32, #tpu.memory_space<vmem>> -> memref<1x128xi32, #tpu.memory_space<vmem>>
    %dma_start3A_78 = tpu.memref_squeeze %dma_start3A_77 : memref<1x128xi32, #tpu.memory_space<vmem>> -> memref<128xi32, #tpu.memory_space<vmem>>
    %dma_start3A_79 = arith.constant 0 : i32
    %dma_start3A_80 = arith.constant 0 : i32
    %dma_start3A_81 = tpu.memref_slice %arg2[%dma_start3A_79, %dma_start3A_80] : memref<10240x16xf32, #tpu.memory_space<hbm>> -> memref<10240x16xf32, #tpu.memory_space<hbm>>
    tpu.enqueue_indirect_dma source(%dma_start3A_81 : memref<10240x16xf32, #tpu.memory_space<hbm>>) target(%dma_start3A_75 : memref<128x16xf32, #tpu.memory_space<vmem>>) offsets(%dma_start3A_78 : memref<128xi32, #tpu.memory_space<vmem>>) semaphore(%arg12 : memref<!tpu.dma_semaphore, #tpu.memory_space<semaphore_mem>>)
    %dma_wait3A_82 = arith.constant 1 : i32
    %dma_wait3A_83 = arith.constant 0 : i32
    %dma_wait3A_84 = arith.constant 0 : i32
    %dma_wait3A_85 = tpu.memref_slice %arg8[%dma_wait3A_82, %dma_wait3A_83, %dma_wait3A_84] : memref<4x128x16xf32, #tpu.memory_space<vmem>> -> memref<1x128x16xf32, #tpu.memory_space<vmem>>
    %dma_wait3A_86 = tpu.memref_squeeze %dma_wait3A_85 : memref<1x128x16xf32, #tpu.memory_space<vmem>> -> memref<128x16xf32, #tpu.memory_space<vmem>>
    %dma_wait3A_87 = arith.constant 0 : i32
    %dma_wait3A_88 = arith.constant 0 : i32
    %dma_wait3A_89 = tpu.memref_slice %arg2[%dma_wait3A_87, %dma_wait3A_88] : memref<10240x16xf32, #tpu.memory_space<hbm>> -> memref<128x16xf32, #tpu.memory_space<hbm>>
    %dma_wait3A_90 = arith.constant 0 : i32
    %dma_wait3A_91 = arith.constant 0 : i32
    %dma_wait3A_92 = tpu.memref_slice %arg8[%dma_wait3A_82, %dma_wait3A_90, %dma_wait3A_91] : memref<4x128x16xf32, #tpu.memory_space<vmem>> -> memref<1x128x16xf32, #tpu.memory_space<vmem>>
    %dma_wait3A_93 = tpu.memref_squeeze %dma_wait3A_92 : memref<1x128x16xf32, #tpu.memory_space<vmem>> -> memref<128x16xf32, #tpu.memory_space<vmem>>
    %dma_wait3A_94 = arith.constant 0 : i32
    %dma_wait3A_95 = arith.constant 0 : i32
    %dma_wait3A_96 = tpu.memref_slice %arg2[%dma_wait3A_94, %dma_wait3A_95] : memref<10240x16xf32, #tpu.memory_space<hbm>> -> memref<128x16xf32, #tpu.memory_space<hbm>>
    tpu.wait_dma2 semaphore(%arg11 : memref<!tpu.dma_semaphore, #tpu.memory_space<semaphore_mem>>) src(%dma_wait3A_96 : memref<128x16xf32, #tpu.memory_space<hbm>>) dst(%dma_wait3A_93 : memref<128x16xf32, #tpu.memory_space<vmem>>)
    %dma_start3A_97 = arith.constant 1 : i32
    %dma_start3A_98 = arith.constant 1 : i32
    %dma_start3A_99 = arith.constant 0 : i32
    %dma_start3A_100 = arith.constant 0 : i32
    %dma_start3A_101 = tpu.memref_slice %arg8[%dma_start3A_97, %dma_start3A_99, %dma_start3A_100] : memref<4x128x16xf32, #tpu.memory_space<vmem>> -> memref<1x128x16xf32, #tpu.memory_space<vmem>>
    %dma_start3A_102 = tpu.memref_squeeze %dma_start3A_101 : memref<1x128x16xf32, #tpu.memory_space<vmem>> -> memref<128x16xf32, #tpu.memory_space<vmem>>
    %dma_start3A_103 = arith.constant 0 : i32
    %dma_start3A_104 = tpu.memref_slice %arg7[%dma_start3A_98, %dma_start3A_103] : memref<80x128xi32, #tpu.memory_space<vmem>> -> memref<1x128xi32, #tpu.memory_space<vmem>>
    %dma_start3A_105 = tpu.memref_squeeze %dma_start3A_104 : memref<1x128xi32, #tpu.memory_space<vmem>> -> memref<128xi32, #tpu.memory_space<vmem>>
    %dma_start3A_106 = arith.constant 0 : i32
    %dma_start3A_107 = arith.constant 0 : i32
    %dma_start3A_108 = tpu.memref_slice %arg9[%dma_start3A_106, %dma_start3A_107] : memref<10240x16xf32, #tpu.memory_space<vmem_shared>> -> memref<10240x16xf32, #tpu.memory_space<vmem_shared>>
    tpu.enqueue_indirect_dma source(%dma_start3A_102 : memref<128x16xf32, #tpu.memory_space<vmem>>) target(%dma_start3A_108 : memref<10240x16xf32, #tpu.memory_space<vmem_shared>>) offsets(%dma_start3A_105 : memref<128xi32, #tpu.memory_space<vmem>>) semaphore(%arg15 : memref<!tpu.dma_semaphore, #tpu.memory_space<semaphore_mem>>) {add = true}
    %dma_start3A_109 = arith.constant 3 : i32
    %dma_start3A_110 = arith.constant 3 : i32
    %dma_start3A_111 = arith.constant 0 : i32
    %dma_start3A_112 = arith.constant 0 : i32
    %dma_start3A_113 = tpu.memref_slice %arg8[%dma_start3A_110, %dma_start3A_111, %dma_start3A_112] : memref<4x128x16xf32, #tpu.memory_space<vmem>> -> memref<1x128x16xf32, #tpu.memory_space<vmem>>
    %dma_start3A_114 = tpu.memref_squeeze %dma_start3A_113 : memref<1x128x16xf32, #tpu.memory_space<vmem>> -> memref<128x16xf32, #tpu.memory_space<vmem>>
    %dma_start3A_115 = arith.constant 0 : i32
    %dma_start3A_116 = tpu.memref_slice %arg6[%dma_start3A_109, %dma_start3A_115] : memref<80x128xi32, #tpu.memory_space<vmem>> -> memref<1x128xi32, #tpu.memory_space<vmem>>
    %dma_start3A_117 = tpu.memref_squeeze %dma_start3A_116 : memref<1x128xi32, #tpu.memory_space<vmem>> -> memref<128xi32, #tpu.memory_space<vmem>>
    %dma_start3A_118 = arith.constant 0 : i32
    %dma_start3A_119 = arith.constant 0 : i32
    %dma_start3A_120 = tpu.memref_slice %arg2[%dma_start3A_118, %dma_start3A_119] : memref<10240x16xf32, #tpu.memory_space<hbm>> -> memref<10240x16xf32, #tpu.memory_space<hbm>>
    tpu.enqueue_indirect_dma source(%dma_start3A_120 : memref<10240x16xf32, #tpu.memory_space<hbm>>) target(%dma_start3A_114 : memref<128x16xf32, #tpu.memory_space<vmem>>) offsets(%dma_start3A_117 : memref<128xi32, #tpu.memory_space<vmem>>) semaphore(%arg13 : memref<!tpu.dma_semaphore, #tpu.memory_space<semaphore_mem>>)
    %scan3A = arith.constant 0 : i32
    %scan3A_121 = arith.constant 0 : i32
    %scan3A_122 = arith.constant 19 : i32
    %scan3A_123 = arith.addi %scan3A_121, %scan3A_122 : i32
    %scan3A_124 = arith.constant 1 : i32
    scf.for %scan3A_245 = %scan3A_121 to %scan3A_123 step %scan3A_124  : i32 {
      %mul3A_246 = arith.constant 4 : i32
      %mul3A_247 = arith.muli %mul3A_246, %scan3A_245 : i32
      %add3A_248 = arith.constant 2 : i32
      %add3A_249 = arith.addi %add3A_248, %mul3A_247 : i32
      %dma_wait3A_250 = arith.constant 2 : i32
      %dma_wait3A_251 = arith.constant 0 : i32
      %dma_wait3A_252 = arith.constant 0 : i32
      %dma_wait3A_253 = tpu.memref_slice %arg8[%dma_wait3A_250, %dma_wait3A_251, %dma_wait3A_252] : memref<4x128x16xf32, #tpu.memory_space<vmem>> -> memref<1x128x16xf32, #tpu.memory_space<vmem>>
      %dma_wait3A_254 = tpu.memref_squeeze %dma_wait3A_253 : memref<1x128x16xf32, #tpu.memory_space<vmem>> -> memref<128x16xf32, #tpu.memory_space<vmem>>
      %dma_wait3A_255 = arith.constant 0 : i32
      %dma_wait3A_256 = arith.constant 0 : i32
      %dma_wait3A_257 = tpu.memref_slice %arg2[%dma_wait3A_255, %dma_wait3A_256] : memref<10240x16xf32, #tpu.memory_space<hbm>> -> memref<128x16xf32, #tpu.memory_space<hbm>>
      %dma_wait3A_258 = arith.constant 0 : i32
      %dma_wait3A_259 = arith.constant 0 : i32
      %dma_wait3A_260 = tpu.memref_slice %arg8[%dma_wait3A_250, %dma_wait3A_258, %dma_wait3A_259] : memref<4x128x16xf32, #tpu.memory_space<vmem>> -> memref<1x128x16xf32, #tpu.memory_space<vmem>>
      %dma_wait3A_261 = tpu.memref_squeeze %dma_wait3A_260 : memref<1x128x16xf32, #tpu.memory_space<vmem>> -> memref<128x16xf32, #tpu.memory_space<vmem>>
      %dma_wait3A_262 = arith.constant 0 : i32
      %dma_wait3A_263 = arith.constant 0 : i32
      %dma_wait3A_264 = tpu.memref_slice %arg2[%dma_wait3A_262, %dma_wait3A_263] : memref<10240x16xf32, #tpu.memory_space<hbm>> -> memref<128x16xf32, #tpu.memory_space<hbm>>
      tpu.wait_dma2 semaphore(%arg12 : memref<!tpu.dma_semaphore, #tpu.memory_space<semaphore_mem>>) src(%dma_wait3A_264 : memref<128x16xf32, #tpu.memory_space<hbm>>) dst(%dma_wait3A_261 : memref<128x16xf32, #tpu.memory_space<vmem>>)
      %add3A_265 = arith.constant 0 : i32
      %add3A_266 = arith.addi %add3A_249, %add3A_265 : i32
      %dma_start3A_267 = arith.constant 2 : i32
      %dma_start3A_268 = arith.constant 0 : i32
      %dma_start3A_269 = arith.constant 0 : i32
      %dma_start3A_270 = tpu.memref_slice %arg8[%dma_start3A_267, %dma_start3A_268, %dma_start3A_269] : memref<4x128x16xf32, #tpu.memory_space<vmem>> -> memref<1x128x16xf32, #tpu.memory_space<vmem>>
      %dma_start3A_271 = tpu.memref_squeeze %dma_start3A_270 : memref<1x128x16xf32, #tpu.memory_space<vmem>> -> memref<128x16xf32, #tpu.memory_space<vmem>>
      %dma_start3A_272 = arith.constant 0 : i32
      %dma_start3A_273 = tpu.memref_slice %arg7[%add3A_266, %dma_start3A_272] : memref<80x128xi32, #tpu.memory_space<vmem>> -> memref<1x128xi32, #tpu.memory_space<vmem>>
      %dma_start3A_274 = tpu.memref_squeeze %dma_start3A_273 : memref<1x128xi32, #tpu.memory_space<vmem>> -> memref<128xi32, #tpu.memory_space<vmem>>
      %dma_start3A_275 = arith.constant 0 : i32
      %dma_start3A_276 = arith.constant 0 : i32
      %dma_start3A_277 = tpu.memref_slice %arg9[%dma_start3A_275, %dma_start3A_276] : memref<10240x16xf32, #tpu.memory_space<vmem_shared>> -> memref<10240x16xf32, #tpu.memory_space<vmem_shared>>
      tpu.enqueue_indirect_dma source(%dma_start3A_271 : memref<128x16xf32, #tpu.memory_space<vmem>>) target(%dma_start3A_277 : memref<10240x16xf32, #tpu.memory_space<vmem_shared>>) offsets(%dma_start3A_274 : memref<128xi32, #tpu.memory_space<vmem>>) semaphore(%arg16 : memref<!tpu.dma_semaphore, #tpu.memory_space<semaphore_mem>>) {add = true}
      %dma_wait3A_278 = arith.constant 0 : i32
      %dma_wait3A_279 = arith.constant 0 : i32
      %dma_wait3A_280 = arith.constant 0 : i32
      %dma_wait3A_281 = tpu.memref_slice %arg8[%dma_wait3A_278, %dma_wait3A_279, %dma_wait3A_280] : memref<4x128x16xf32, #tpu.memory_space<vmem>> -> memref<1x128x16xf32, #tpu.memory_space<vmem>>
      %dma_wait3A_282 = tpu.memref_squeeze %dma_wait3A_281 : memref<1x128x16xf32, #tpu.memory_space<vmem>> -> memref<128x16xf32, #tpu.memory_space<vmem>>
      %dma_wait3A_283 = arith.constant 0 : i32
      %dma_wait3A_284 = arith.constant 0 : i32
      %dma_wait3A_285 = tpu.memref_slice %arg9[%dma_wait3A_283, %dma_wait3A_284] : memref<10240x16xf32, #tpu.memory_space<vmem_shared>> -> memref<128x16xf32, #tpu.memory_space<vmem_shared>>
      %dma_wait3A_286 = arith.constant 0 : i32
      %dma_wait3A_287 = arith.constant 0 : i32
      %dma_wait3A_288 = tpu.memref_slice %arg9[%dma_wait3A_286, %dma_wait3A_287] : memref<10240x16xf32, #tpu.memory_space<vmem_shared>> -> memref<128x16xf32, #tpu.memory_space<vmem_shared>>
      %dma_wait3A_289 = arith.constant 0 : i32
      %dma_wait3A_290 = arith.constant 0 : i32
      %dma_wait3A_291 = tpu.memref_slice %arg8[%dma_wait3A_278, %dma_wait3A_289, %dma_wait3A_290] : memref<4x128x16xf32, #tpu.memory_space<vmem>> -> memref<1x128x16xf32, #tpu.memory_space<vmem>>
      %dma_wait3A_292 = tpu.memref_squeeze %dma_wait3A_291 : memref<1x128x16xf32, #tpu.memory_space<vmem>> -> memref<128x16xf32, #tpu.memory_space<vmem>>
      tpu.wait_dma2 semaphore(%arg14 : memref<!tpu.dma_semaphore, #tpu.memory_space<semaphore_mem>>) src(%dma_wait3A_292 : memref<128x16xf32, #tpu.memory_space<vmem>>) dst(%dma_wait3A_288 : memref<128x16xf32, #tpu.memory_space<vmem_shared>>)
      %add3A_293 = arith.constant 0 : i32
      %add3A_294 = arith.addi %add3A_249, %add3A_293 : i32
      %add3A_295 = arith.constant 2 : i32
      %add3A_296 = arith.addi %add3A_294, %add3A_295 : i32
      %dma_start3A_297 = arith.constant 0 : i32
      %dma_start3A_298 = arith.constant 0 : i32
      %dma_start3A_299 = arith.constant 0 : i32
      %dma_start3A_300 = tpu.memref_slice %arg8[%dma_start3A_297, %dma_start3A_298, %dma_start3A_299] : memref<4x128x16xf32, #tpu.memory_space<vmem>> -> memref<1x128x16xf32, #tpu.memory_space<vmem>>
      %dma_start3A_301 = tpu.memref_squeeze %dma_start3A_300 : memref<1x128x16xf32, #tpu.memory_space<vmem>> -> memref<128x16xf32, #tpu.memory_space<vmem>>
      %dma_start3A_302 = arith.constant 0 : i32
      %dma_start3A_303 = tpu.memref_slice %arg6[%add3A_296, %dma_start3A_302] : memref<80x128xi32, #tpu.memory_space<vmem>> -> memref<1x128xi32, #tpu.memory_space<vmem>>
      %dma_start3A_304 = tpu.memref_squeeze %dma_start3A_303 : memref<1x128xi32, #tpu.memory_space<vmem>> -> memref<128xi32, #tpu.memory_space<vmem>>
      %dma_start3A_305 = arith.constant 0 : i32
      %dma_start3A_306 = arith.constant 0 : i32
      %dma_start3A_307 = tpu.memref_slice %arg2[%dma_start3A_305, %dma_start3A_306] : memref<10240x16xf32, #tpu.memory_space<hbm>> -> memref<10240x16xf32, #tpu.memory_space<hbm>>
      tpu.enqueue_indirect_dma source(%dma_start3A_307 : memref<10240x16xf32, #tpu.memory_space<hbm>>) target(%dma_start3A_301 : memref<128x16xf32, #tpu.memory_space<vmem>>) offsets(%dma_start3A_304 : memref<128xi32, #tpu.memory_space<vmem>>) semaphore(%arg10 : memref<!tpu.dma_semaphore, #tpu.memory_space<semaphore_mem>>)
      %dma_wait3A_308 = arith.constant 3 : i32
      %dma_wait3A_309 = arith.constant 0 : i32
      %dma_wait3A_310 = arith.constant 0 : i32
      %dma_wait3A_311 = tpu.memref_slice %arg8[%dma_wait3A_308, %dma_wait3A_309, %dma_wait3A_310] : memref<4x128x16xf32, #tpu.memory_space<vmem>> -> memref<1x128x16xf32, #tpu.memory_space<vmem>>
      %dma_wait3A_312 = tpu.memref_squeeze %dma_wait3A_311 : memref<1x128x16xf32, #tpu.memory_space<vmem>> -> memref<128x16xf32, #tpu.memory_space<vmem>>
      %dma_wait3A_313 = arith.constant 0 : i32
      %dma_wait3A_314 = arith.constant 0 : i32
      %dma_wait3A_315 = tpu.memref_slice %arg2[%dma_wait3A_313, %dma_wait3A_314] : memref<10240x16xf32, #tpu.memory_space<hbm>> -> memref<128x16xf32, #tpu.memory_space<hbm>>
      %dma_wait3A_316 = arith.constant 0 : i32
      %dma_wait3A_317 = arith.constant 0 : i32
      %dma_wait3A_318 = tpu.memref_slice %arg8[%dma_wait3A_308, %dma_wait3A_316, %dma_wait3A_317] : memref<4x128x16xf32, #tpu.memory_space<vmem>> -> memref<1x128x16xf32, #tpu.memory_space<vmem>>
      %dma_wait3A_319 = tpu.memref_squeeze %dma_wait3A_318 : memref<1x128x16xf32, #tpu.memory_space<vmem>> -> memref<128x16xf32, #tpu.memory_space<vmem>>
      %dma_wait3A_320 = arith.constant 0 : i32
      %dma_wait3A_321 = arith.constant 0 : i32
      %dma_wait3A_322 = tpu.memref_slice %arg2[%dma_wait3A_320, %dma_wait3A_321] : memref<10240x16xf32, #tpu.memory_space<hbm>> -> memref<128x16xf32, #tpu.memory_space<hbm>>
      tpu.wait_dma2 semaphore(%arg13 : memref<!tpu.dma_semaphore, #tpu.memory_space<semaphore_mem>>) src(%dma_wait3A_322 : memref<128x16xf32, #tpu.memory_space<hbm>>) dst(%dma_wait3A_319 : memref<128x16xf32, #tpu.memory_space<vmem>>)
      %add3A_323 = arith.constant 1 : i32
      %add3A_324 = arith.addi %add3A_249, %add3A_323 : i32
      %dma_start3A_325 = arith.constant 3 : i32
      %dma_start3A_326 = arith.constant 0 : i32
      %dma_start3A_327 = arith.constant 0 : i32
      %dma_start3A_328 = tpu.memref_slice %arg8[%dma_start3A_325, %dma_start3A_326, %dma_start3A_327] : memref<4x128x16xf32, #tpu.memory_space<vmem>> -> memref<1x128x16xf32, #tpu.memory_space<vmem>>
      %dma_start3A_329 = tpu.memref_squeeze %dma_start3A_328 : memref<1x128x16xf32, #tpu.memory_space<vmem>> -> memref<128x16xf32, #tpu.memory_space<vmem>>
      %dma_start3A_330 = arith.constant 0 : i32
      %dma_start3A_331 = tpu.memref_slice %arg7[%add3A_324, %dma_start3A_330] : memref<80x128xi32, #tpu.memory_space<vmem>> -> memref<1x128xi32, #tpu.memory_space<vmem>>
      %dma_start3A_332 = tpu.memref_squeeze %dma_start3A_331 : memref<1x128xi32, #tpu.memory_space<vmem>> -> memref<128xi32, #tpu.memory_space<vmem>>
      %dma_start3A_333 = arith.constant 0 : i32
      %dma_start3A_334 = arith.constant 0 : i32
      %dma_start3A_335 = tpu.memref_slice %arg9[%dma_start3A_333, %dma_start3A_334] : memref<10240x16xf32, #tpu.memory_space<vmem_shared>> -> memref<10240x16xf32, #tpu.memory_space<vmem_shared>>
      tpu.enqueue_indirect_dma source(%dma_start3A_329 : memref<128x16xf32, #tpu.memory_space<vmem>>) target(%dma_start3A_335 : memref<10240x16xf32, #tpu.memory_space<vmem_shared>>) offsets(%dma_start3A_332 : memref<128xi32, #tpu.memory_space<vmem>>) semaphore(%arg17 : memref<!tpu.dma_semaphore, #tpu.memory_space<semaphore_mem>>) {add = true}
      %dma_wait3A_336 = arith.constant 1 : i32
      %dma_wait3A_337 = arith.constant 0 : i32
      %dma_wait3A_338 = arith.constant 0 : i32
      %dma_wait3A_339 = tpu.memref_slice %arg8[%dma_wait3A_336, %dma_wait3A_337, %dma_wait3A_338] : memref<4x128x16xf32, #tpu.memory_space<vmem>> -> memref<1x128x16xf32, #tpu.memory_space<vmem>>
      %dma_wait3A_340 = tpu.memref_squeeze %dma_wait3A_339 : memref<1x128x16xf32, #tpu.memory_space<vmem>> -> memref<128x16xf32, #tpu.memory_space<vmem>>
      %dma_wait3A_341 = arith.constant 0 : i32
      %dma_wait3A_342 = arith.constant 0 : i32
      %dma_wait3A_343 = tpu.memref_slice %arg9[%dma_wait3A_341, %dma_wait3A_342] : memref<10240x16xf32, #tpu.memory_space<vmem_shared>> -> memref<128x16xf32, #tpu.memory_space<vmem_shared>>
      %dma_wait3A_344 = arith.constant 0 : i32
      %dma_wait3A_345 = arith.constant 0 : i32
      %dma_wait3A_346 = tpu.memref_slice %arg9[%dma_wait3A_344, %dma_wait3A_345] : memref<10240x16xf32, #tpu.memory_space<vmem_shared>> -> memref<128x16xf32, #tpu.memory_space<vmem_shared>>
      %dma_wait3A_347 = arith.constant 0 : i32
      %dma_wait3A_348 = arith.constant 0 : i32
      %dma_wait3A_349 = tpu.memref_slice %arg8[%dma_wait3A_336, %dma_wait3A_347, %dma_wait3A_348] : memref<4x128x16xf32, #tpu.memory_space<vmem>> -> memref<1x128x16xf32, #tpu.memory_space<vmem>>
      %dma_wait3A_350 = tpu.memref_squeeze %dma_wait3A_349 : memref<1x128x16xf32, #tpu.memory_space<vmem>> -> memref<128x16xf32, #tpu.memory_space<vmem>>
      tpu.wait_dma2 semaphore(%arg15 : memref<!tpu.dma_semaphore, #tpu.memory_space<semaphore_mem>>) src(%dma_wait3A_350 : memref<128x16xf32, #tpu.memory_space<vmem>>) dst(%dma_wait3A_346 : memref<128x16xf32, #tpu.memory_space<vmem_shared>>)
      %add3A_351 = arith.constant 1 : i32
      %add3A_352 = arith.addi %add3A_249, %add3A_351 : i32
      %add3A_353 = arith.constant 2 : i32
      %add3A_354 = arith.addi %add3A_352, %add3A_353 : i32
      %dma_start3A_355 = arith.constant 1 : i32
      %dma_start3A_356 = arith.constant 0 : i32
      %dma_start3A_357 = arith.constant 0 : i32
      %dma_start3A_358 = tpu.memref_slice %arg8[%dma_start3A_355, %dma_start3A_356, %dma_start3A_357] : memref<4x128x16xf32, #tpu.memory_space<vmem>> -> memref<1x128x16xf32, #tpu.memory_space<vmem>>
      %dma_start3A_359 = tpu.memref_squeeze %dma_start3A_358 : memref<1x128x16xf32, #tpu.memory_space<vmem>> -> memref<128x16xf32, #tpu.memory_space<vmem>>
      %dma_start3A_360 = arith.constant 0 : i32
      %dma_start3A_361 = tpu.memref_slice %arg6[%add3A_354, %dma_start3A_360] : memref<80x128xi32, #tpu.memory_space<vmem>> -> memref<1x128xi32, #tpu.memory_space<vmem>>
      %dma_start3A_362 = tpu.memref_squeeze %dma_start3A_361 : memref<1x128xi32, #tpu.memory_space<vmem>> -> memref<128xi32, #tpu.memory_space<vmem>>
      %dma_start3A_363 = arith.constant 0 : i32
      %dma_start3A_364 = arith.constant 0 : i32
      %dma_start3A_365 = tpu.memref_slice %arg2[%dma_start3A_363, %dma_start3A_364] : memref<10240x16xf32, #tpu.memory_space<hbm>> -> memref<10240x16xf32, #tpu.memory_space<hbm>>
      tpu.enqueue_indirect_dma source(%dma_start3A_365 : memref<10240x16xf32, #tpu.memory_space<hbm>>) target(%dma_start3A_359 : memref<128x16xf32, #tpu.memory_space<vmem>>) offsets(%dma_start3A_362 : memref<128xi32, #tpu.memory_space<vmem>>) semaphore(%arg11 : memref<!tpu.dma_semaphore, #tpu.memory_space<semaphore_mem>>)
      %dma_wait3A_366 = arith.constant 0 : i32
      %dma_wait3A_367 = arith.constant 0 : i32
      %dma_wait3A_368 = arith.constant 0 : i32
      %dma_wait3A_369 = tpu.memref_slice %arg8[%dma_wait3A_366, %dma_wait3A_367, %dma_wait3A_368] : memref<4x128x16xf32, #tpu.memory_space<vmem>> -> memref<1x128x16xf32, #tpu.memory_space<vmem>>
      %dma_wait3A_370 = tpu.memref_squeeze %dma_wait3A_369 : memref<1x128x16xf32, #tpu.memory_space<vmem>> -> memref<128x16xf32, #tpu.memory_space<vmem>>
      %dma_wait3A_371 = arith.constant 0 : i32
      %dma_wait3A_372 = arith.constant 0 : i32
      %dma_wait3A_373 = tpu.memref_slice %arg2[%dma_wait3A_371, %dma_wait3A_372] : memref<10240x16xf32, #tpu.memory_space<hbm>> -> memref<128x16xf32, #tpu.memory_space<hbm>>
      %dma_wait3A_374 = arith.constant 0 : i32
      %dma_wait3A_375 = arith.constant 0 : i32
      %dma_wait3A_376 = tpu.memref_slice %arg8[%dma_wait3A_366, %dma_wait3A_374, %dma_wait3A_375] : memref<4x128x16xf32, #tpu.memory_space<vmem>> -> memref<1x128x16xf32, #tpu.memory_space<vmem>>
      %dma_wait3A_377 = tpu.memref_squeeze %dma_wait3A_376 : memref<1x128x16xf32, #tpu.memory_space<vmem>> -> memref<128x16xf32, #tpu.memory_space<vmem>>
      %dma_wait3A_378 = arith.constant 0 : i32
      %dma_wait3A_379 = arith.constant 0 : i32
      %dma_wait3A_380 = tpu.memref_slice %arg2[%dma_wait3A_378, %dma_wait3A_379] : memref<10240x16xf32, #tpu.memory_space<hbm>> -> memref<128x16xf32, #tpu.memory_space<hbm>>
      tpu.wait_dma2 semaphore(%arg10 : memref<!tpu.dma_semaphore, #tpu.memory_space<semaphore_mem>>) src(%dma_wait3A_380 : memref<128x16xf32, #tpu.memory_space<hbm>>) dst(%dma_wait3A_377 : memref<128x16xf32, #tpu.memory_space<vmem>>)
      %add3A_381 = arith.constant 2 : i32
      %add3A_382 = arith.addi %add3A_249, %add3A_381 : i32
      %dma_start3A_383 = arith.constant 0 : i32
      %dma_start3A_384 = arith.constant 0 : i32
      %dma_start3A_385 = arith.constant 0 : i32
      %dma_start3A_386 = tpu.memref_slice %arg8[%dma_start3A_383, %dma_start3A_384, %dma_start3A_385] : memref<4x128x16xf32, #tpu.memory_space<vmem>> -> memref<1x128x16xf32, #tpu.memory_space<vmem>>
      %dma_start3A_387 = tpu.memref_squeeze %dma_start3A_386 : memref<1x128x16xf32, #tpu.memory_space<vmem>> -> memref<128x16xf32, #tpu.memory_space<vmem>>
      %dma_start3A_388 = arith.constant 0 : i32
      %dma_start3A_389 = tpu.memref_slice %arg7[%add3A_382, %dma_start3A_388] : memref<80x128xi32, #tpu.memory_space<vmem>> -> memref<1x128xi32, #tpu.memory_space<vmem>>
      %dma_start3A_390 = tpu.memref_squeeze %dma_start3A_389 : memref<1x128xi32, #tpu.memory_space<vmem>> -> memref<128xi32, #tpu.memory_space<vmem>>
      %dma_start3A_391 = arith.constant 0 : i32
      %dma_start3A_392 = arith.constant 0 : i32
      %dma_start3A_393 = tpu.memref_slice %arg9[%dma_start3A_391, %dma_start3A_392] : memref<10240x16xf32, #tpu.memory_space<vmem_shared>> -> memref<10240x16xf32, #tpu.memory_space<vmem_shared>>
      tpu.enqueue_indirect_dma source(%dma_start3A_387 : memref<128x16xf32, #tpu.memory_space<vmem>>) target(%dma_start3A_393 : memref<10240x16xf32, #tpu.memory_space<vmem_shared>>) offsets(%dma_start3A_390 : memref<128xi32, #tpu.memory_space<vmem>>) semaphore(%arg14 : memref<!tpu.dma_semaphore, #tpu.memory_space<semaphore_mem>>) {add = true}
      %dma_wait3A_394 = arith.constant 2 : i32
      %dma_wait3A_395 = arith.constant 0 : i32
      %dma_wait3A_396 = arith.constant 0 : i32
      %dma_wait3A_397 = tpu.memref_slice %arg8[%dma_wait3A_394, %dma_wait3A_395, %dma_wait3A_396] : memref<4x128x16xf32, #tpu.memory_space<vmem>> -> memref<1x128x16xf32, #tpu.memory_space<vmem>>
      %dma_wait3A_398 = tpu.memref_squeeze %dma_wait3A_397 : memref<1x128x16xf32, #tpu.memory_space<vmem>> -> memref<128x16xf32, #tpu.memory_space<vmem>>
      %dma_wait3A_399 = arith.constant 0 : i32
      %dma_wait3A_400 = arith.constant 0 : i32
      %dma_wait3A_401 = tpu.memref_slice %arg9[%dma_wait3A_399, %dma_wait3A_400] : memref<10240x16xf32, #tpu.memory_space<vmem_shared>> -> memref<128x16xf32, #tpu.memory_space<vmem_shared>>
      %dma_wait3A_402 = arith.constant 0 : i32
      %dma_wait3A_403 = arith.constant 0 : i32
      %dma_wait3A_404 = tpu.memref_slice %arg9[%dma_wait3A_402, %dma_wait3A_403] : memref<10240x16xf32, #tpu.memory_space<vmem_shared>> -> memref<128x16xf32, #tpu.memory_space<vmem_shared>>
      %dma_wait3A_405 = arith.constant 0 : i32
      %dma_wait3A_406 = arith.constant 0 : i32
      %dma_wait3A_407 = tpu.memref_slice %arg8[%dma_wait3A_394, %dma_wait3A_405, %dma_wait3A_406] : memref<4x128x16xf32, #tpu.memory_space<vmem>> -> memref<1x128x16xf32, #tpu.memory_space<vmem>>
      %dma_wait3A_408 = tpu.memref_squeeze %dma_wait3A_407 : memref<1x128x16xf32, #tpu.memory_space<vmem>> -> memref<128x16xf32, #tpu.memory_space<vmem>>
      tpu.wait_dma2 semaphore(%arg16 : memref<!tpu.dma_semaphore, #tpu.memory_space<semaphore_mem>>) src(%dma_wait3A_408 : memref<128x16xf32, #tpu.memory_space<vmem>>) dst(%dma_wait3A_404 : memref<128x16xf32, #tpu.memory_space<vmem_shared>>)
      %add3A_409 = arith.constant 2 : i32
      %add3A_410 = arith.addi %add3A_249, %add3A_409 : i32
      %add3A_411 = arith.constant 2 : i32
      %add3A_412 = arith.addi %add3A_410, %add3A_411 : i32
      %dma_start3A_413 = arith.constant 2 : i32
      %dma_start3A_414 = arith.constant 0 : i32
      %dma_start3A_415 = arith.constant 0 : i32
      %dma_start3A_416 = tpu.memref_slice %arg8[%dma_start3A_413, %dma_start3A_414, %dma_start3A_415] : memref<4x128x16xf32, #tpu.memory_space<vmem>> -> memref<1x128x16xf32, #tpu.memory_space<vmem>>
      %dma_start3A_417 = tpu.memref_squeeze %dma_start3A_416 : memref<1x128x16xf32, #tpu.memory_space<vmem>> -> memref<128x16xf32, #tpu.memory_space<vmem>>
      %dma_start3A_418 = arith.constant 0 : i32
      %dma_start3A_419 = tpu.memref_slice %arg6[%add3A_412, %dma_start3A_418] : memref<80x128xi32, #tpu.memory_space<vmem>> -> memref<1x128xi32, #tpu.memory_space<vmem>>
      %dma_start3A_420 = tpu.memref_squeeze %dma_start3A_419 : memref<1x128xi32, #tpu.memory_space<vmem>> -> memref<128xi32, #tpu.memory_space<vmem>>
      %dma_start3A_421 = arith.constant 0 : i32
      %dma_start3A_422 = arith.constant 0 : i32
      %dma_start3A_423 = tpu.memref_slice %arg2[%dma_start3A_421, %dma_start3A_422] : memref<10240x16xf32, #tpu.memory_space<hbm>> -> memref<10240x16xf32, #tpu.memory_space<hbm>>
      tpu.enqueue_indirect_dma source(%dma_start3A_423 : memref<10240x16xf32, #tpu.memory_space<hbm>>) target(%dma_start3A_417 : memref<128x16xf32, #tpu.memory_space<vmem>>) offsets(%dma_start3A_420 : memref<128xi32, #tpu.memory_space<vmem>>) semaphore(%arg12 : memref<!tpu.dma_semaphore, #tpu.memory_space<semaphore_mem>>)
      %dma_wait3A_424 = arith.constant 1 : i32
      %dma_wait3A_425 = arith.constant 0 : i32
      %dma_wait3A_426 = arith.constant 0 : i32
      %dma_wait3A_427 = tpu.memref_slice %arg8[%dma_wait3A_424, %dma_wait3A_425, %dma_wait3A_426] : memref<4x128x16xf32, #tpu.memory_space<vmem>> -> memref<1x128x16xf32, #tpu.memory_space<vmem>>
      %dma_wait3A_428 = tpu.memref_squeeze %dma_wait3A_427 : memref<1x128x16xf32, #tpu.memory_space<vmem>> -> memref<128x16xf32, #tpu.memory_space<vmem>>
      %dma_wait3A_429 = arith.constant 0 : i32
      %dma_wait3A_430 = arith.constant 0 : i32
      %dma_wait3A_431 = tpu.memref_slice %arg2[%dma_wait3A_429, %dma_wait3A_430] : memref<10240x16xf32, #tpu.memory_space<hbm>> -> memref<128x16xf32, #tpu.memory_space<hbm>>
      %dma_wait3A_432 = arith.constant 0 : i32
      %dma_wait3A_433 = arith.constant 0 : i32
      %dma_wait3A_434 = tpu.memref_slice %arg8[%dma_wait3A_424, %dma_wait3A_432, %dma_wait3A_433] : memref<4x128x16xf32, #tpu.memory_space<vmem>> -> memref<1x128x16xf32, #tpu.memory_space<vmem>>
      %dma_wait3A_435 = tpu.memref_squeeze %dma_wait3A_434 : memref<1x128x16xf32, #tpu.memory_space<vmem>> -> memref<128x16xf32, #tpu.memory_space<vmem>>
      %dma_wait3A_436 = arith.constant 0 : i32
      %dma_wait3A_437 = arith.constant 0 : i32
      %dma_wait3A_438 = tpu.memref_slice %arg2[%dma_wait3A_436, %dma_wait3A_437] : memref<10240x16xf32, #tpu.memory_space<hbm>> -> memref<128x16xf32, #tpu.memory_space<hbm>>
      tpu.wait_dma2 semaphore(%arg11 : memref<!tpu.dma_semaphore, #tpu.memory_space<semaphore_mem>>) src(%dma_wait3A_438 : memref<128x16xf32, #tpu.memory_space<hbm>>) dst(%dma_wait3A_435 : memref<128x16xf32, #tpu.memory_space<vmem>>)
      %add3A_439 = arith.constant 3 : i32
      %add3A_440 = arith.addi %add3A_249, %add3A_439 : i32
      %dma_start3A_441 = arith.constant 1 : i32
      %dma_start3A_442 = arith.constant 0 : i32
      %dma_start3A_443 = arith.constant 0 : i32
      %dma_start3A_444 = tpu.memref_slice %arg8[%dma_start3A_441, %dma_start3A_442, %dma_start3A_443] : memref<4x128x16xf32, #tpu.memory_space<vmem>> -> memref<1x128x16xf32, #tpu.memory_space<vmem>>
      %dma_start3A_445 = tpu.memref_squeeze %dma_start3A_444 : memref<1x128x16xf32, #tpu.memory_space<vmem>> -> memref<128x16xf32, #tpu.memory_space<vmem>>
      %dma_start3A_446 = arith.constant 0 : i32
      %dma_start3A_447 = tpu.memref_slice %arg7[%add3A_440, %dma_start3A_446] : memref<80x128xi32, #tpu.memory_space<vmem>> -> memref<1x128xi32, #tpu.memory_space<vmem>>
      %dma_start3A_448 = tpu.memref_squeeze %dma_start3A_447 : memref<1x128xi32, #tpu.memory_space<vmem>> -> memref<128xi32, #tpu.memory_space<vmem>>
      %dma_start3A_449 = arith.constant 0 : i32
      %dma_start3A_450 = arith.constant 0 : i32
      %dma_start3A_451 = tpu.memref_slice %arg9[%dma_start3A_449, %dma_start3A_450] : memref<10240x16xf32, #tpu.memory_space<vmem_shared>> -> memref<10240x16xf32, #tpu.memory_space<vmem_shared>>
      tpu.enqueue_indirect_dma source(%dma_start3A_445 : memref<128x16xf32, #tpu.memory_space<vmem>>) target(%dma_start3A_451 : memref<10240x16xf32, #tpu.memory_space<vmem_shared>>) offsets(%dma_start3A_448 : memref<128xi32, #tpu.memory_space<vmem>>) semaphore(%arg15 : memref<!tpu.dma_semaphore, #tpu.memory_space<semaphore_mem>>) {add = true}
      %dma_wait3A_452 = arith.constant 3 : i32
      %dma_wait3A_453 = arith.constant 0 : i32
      %dma_wait3A_454 = arith.constant 0 : i32
      %dma_wait3A_455 = tpu.memref_slice %arg8[%dma_wait3A_452, %dma_wait3A_453, %dma_wait3A_454] : memref<4x128x16xf32, #tpu.memory_space<vmem>> -> memref<1x128x16xf32, #tpu.memory_space<vmem>>
      %dma_wait3A_456 = tpu.memref_squeeze %dma_wait3A_455 : memref<1x128x16xf32, #tpu.memory_space<vmem>> -> memref<128x16xf32, #tpu.memory_space<vmem>>
      %dma_wait3A_457 = arith.constant 0 : i32
      %dma_wait3A_458 = arith.constant 0 : i32
      %dma_wait3A_459 = tpu.memref_slice %arg9[%dma_wait3A_457, %dma_wait3A_458] : memref<10240x16xf32, #tpu.memory_space<vmem_shared>> -> memref<128x16xf32, #tpu.memory_space<vmem_shared>>
      %dma_wait3A_460 = arith.constant 0 : i32
      %dma_wait3A_461 = arith.constant 0 : i32
      %dma_wait3A_462 = tpu.memref_slice %arg9[%dma_wait3A_460, %dma_wait3A_461] : memref<10240x16xf32, #tpu.memory_space<vmem_shared>> -> memref<128x16xf32, #tpu.memory_space<vmem_shared>>
      %dma_wait3A_463 = arith.constant 0 : i32
      %dma_wait3A_464 = arith.constant 0 : i32
      %dma_wait3A_465 = tpu.memref_slice %arg8[%dma_wait3A_452, %dma_wait3A_463, %dma_wait3A_464] : memref<4x128x16xf32, #tpu.memory_space<vmem>> -> memref<1x128x16xf32, #tpu.memory_space<vmem>>
      %dma_wait3A_466 = tpu.memref_squeeze %dma_wait3A_465 : memref<1x128x16xf32, #tpu.memory_space<vmem>> -> memref<128x16xf32, #tpu.memory_space<vmem>>
      tpu.wait_dma2 semaphore(%arg17 : memref<!tpu.dma_semaphore, #tpu.memory_space<semaphore_mem>>) src(%dma_wait3A_466 : memref<128x16xf32, #tpu.memory_space<vmem>>) dst(%dma_wait3A_462 : memref<128x16xf32, #tpu.memory_space<vmem_shared>>)
      %add3A_467 = arith.constant 3 : i32
      %add3A_468 = arith.addi %add3A_249, %add3A_467 : i32
      %add3A_469 = arith.constant 2 : i32
      %add3A_470 = arith.addi %add3A_468, %add3A_469 : i32
      %dma_start3A_471 = arith.constant 3 : i32
      %dma_start3A_472 = arith.constant 0 : i32
      %dma_start3A_473 = arith.constant 0 : i32
      %dma_start3A_474 = tpu.memref_slice %arg8[%dma_start3A_471, %dma_start3A_472, %dma_start3A_473] : memref<4x128x16xf32, #tpu.memory_space<vmem>> -> memref<1x128x16xf32, #tpu.memory_space<vmem>>
      %dma_start3A_475 = tpu.memref_squeeze %dma_start3A_474 : memref<1x128x16xf32, #tpu.memory_space<vmem>> -> memref<128x16xf32, #tpu.memory_space<vmem>>
      %dma_start3A_476 = arith.constant 0 : i32
      %dma_start3A_477 = tpu.memref_slice %arg6[%add3A_470, %dma_start3A_476] : memref<80x128xi32, #tpu.memory_space<vmem>> -> memref<1x128xi32, #tpu.memory_space<vmem>>
      %dma_start3A_478 = tpu.memref_squeeze %dma_start3A_477 : memref<1x128xi32, #tpu.memory_space<vmem>> -> memref<128xi32, #tpu.memory_space<vmem>>
      %dma_start3A_479 = arith.constant 0 : i32
      %dma_start3A_480 = arith.constant 0 : i32
      %dma_start3A_481 = tpu.memref_slice %arg2[%dma_start3A_479, %dma_start3A_480] : memref<10240x16xf32, #tpu.memory_space<hbm>> -> memref<10240x16xf32, #tpu.memory_space<hbm>>
      tpu.enqueue_indirect_dma source(%dma_start3A_481 : memref<10240x16xf32, #tpu.memory_space<hbm>>) target(%dma_start3A_475 : memref<128x16xf32, #tpu.memory_space<vmem>>) offsets(%dma_start3A_478 : memref<128xi32, #tpu.memory_space<vmem>>) semaphore(%arg13 : memref<!tpu.dma_semaphore, #tpu.memory_space<semaphore_mem>>)
    }
    %scan3A_125 = arith.constant 19 : i32
    %dma_wait3A_126 = arith.constant 2 : i32
    %dma_wait3A_127 = arith.constant 0 : i32
    %dma_wait3A_128 = arith.constant 0 : i32
    %dma_wait3A_129 = tpu.memref_slice %arg8[%dma_wait3A_126, %dma_wait3A_127, %dma_wait3A_128] : memref<4x128x16xf32, #tpu.memory_space<vmem>> -> memref<1x128x16xf32, #tpu.memory_space<vmem>>
    %dma_wait3A_130 = tpu.memref_squeeze %dma_wait3A_129 : memref<1x128x16xf32, #tpu.memory_space<vmem>> -> memref<128x16xf32, #tpu.memory_space<vmem>>
    %dma_wait3A_131 = arith.constant 0 : i32
    %dma_wait3A_132 = arith.constant 0 : i32
    %dma_wait3A_133 = tpu.memref_slice %arg2[%dma_wait3A_131, %dma_wait3A_132] : memref<10240x16xf32, #tpu.memory_space<hbm>> -> memref<128x16xf32, #tpu.memory_space<hbm>>
    %dma_wait3A_134 = arith.constant 0 : i32
    %dma_wait3A_135 = arith.constant 0 : i32
    %dma_wait3A_136 = tpu.memref_slice %arg8[%dma_wait3A_126, %dma_wait3A_134, %dma_wait3A_135] : memref<4x128x16xf32, #tpu.memory_space<vmem>> -> memref<1x128x16xf32, #tpu.memory_space<vmem>>
    %dma_wait3A_137 = tpu.memref_squeeze %dma_wait3A_136 : memref<1x128x16xf32, #tpu.memory_space<vmem>> -> memref<128x16xf32, #tpu.memory_space<vmem>>
    %dma_wait3A_138 = arith.constant 0 : i32
    %dma_wait3A_139 = arith.constant 0 : i32
    %dma_wait3A_140 = tpu.memref_slice %arg2[%dma_wait3A_138, %dma_wait3A_139] : memref<10240x16xf32, #tpu.memory_space<hbm>> -> memref<128x16xf32, #tpu.memory_space<hbm>>
    tpu.wait_dma2 semaphore(%arg12 : memref<!tpu.dma_semaphore, #tpu.memory_space<semaphore_mem>>) src(%dma_wait3A_140 : memref<128x16xf32, #tpu.memory_space<hbm>>) dst(%dma_wait3A_137 : memref<128x16xf32, #tpu.memory_space<vmem>>)
    %dma_start3A_141 = arith.constant 2 : i32
    %dma_start3A_142 = arith.constant 78 : i32
    %dma_start3A_143 = arith.constant 0 : i32
    %dma_start3A_144 = arith.constant 0 : i32
    %dma_start3A_145 = tpu.memref_slice %arg8[%dma_start3A_141, %dma_start3A_143, %dma_start3A_144] : memref<4x128x16xf32, #tpu.memory_space<vmem>> -> memref<1x128x16xf32, #tpu.memory_space<vmem>>
    %dma_start3A_146 = tpu.memref_squeeze %dma_start3A_145 : memref<1x128x16xf32, #tpu.memory_space<vmem>> -> memref<128x16xf32, #tpu.memory_space<vmem>>
    %dma_start3A_147 = arith.constant 0 : i32
    %dma_start3A_148 = tpu.memref_slice %arg7[%dma_start3A_142, %dma_start3A_147] : memref<80x128xi32, #tpu.memory_space<vmem>> -> memref<1x128xi32, #tpu.memory_space<vmem>>
    %dma_start3A_149 = tpu.memref_squeeze %dma_start3A_148 : memref<1x128xi32, #tpu.memory_space<vmem>> -> memref<128xi32, #tpu.memory_space<vmem>>
    %dma_start3A_150 = arith.constant 0 : i32
    %dma_start3A_151 = arith.constant 0 : i32
    %dma_start3A_152 = tpu.memref_slice %arg9[%dma_start3A_150, %dma_start3A_151] : memref<10240x16xf32, #tpu.memory_space<vmem_shared>> -> memref<10240x16xf32, #tpu.memory_space<vmem_shared>>
    tpu.enqueue_indirect_dma source(%dma_start3A_146 : memref<128x16xf32, #tpu.memory_space<vmem>>) target(%dma_start3A_152 : memref<10240x16xf32, #tpu.memory_space<vmem_shared>>) offsets(%dma_start3A_149 : memref<128xi32, #tpu.memory_space<vmem>>) semaphore(%arg16 : memref<!tpu.dma_semaphore, #tpu.memory_space<semaphore_mem>>) {add = true}
    %dma_wait3A_153 = arith.constant 3 : i32
    %dma_wait3A_154 = arith.constant 0 : i32
    %dma_wait3A_155 = arith.constant 0 : i32
    %dma_wait3A_156 = tpu.memref_slice %arg8[%dma_wait3A_153, %dma_wait3A_154, %dma_wait3A_155] : memref<4x128x16xf32, #tpu.memory_space<vmem>> -> memref<1x128x16xf32, #tpu.memory_space<vmem>>
    %dma_wait3A_157 = tpu.memref_squeeze %dma_wait3A_156 : memref<1x128x16xf32, #tpu.memory_space<vmem>> -> memref<128x16xf32, #tpu.memory_space<vmem>>
    %dma_wait3A_158 = arith.constant 0 : i32
    %dma_wait3A_159 = arith.constant 0 : i32
    %dma_wait3A_160 = tpu.memref_slice %arg2[%dma_wait3A_158, %dma_wait3A_159] : memref<10240x16xf32, #tpu.memory_space<hbm>> -> memref<128x16xf32, #tpu.memory_space<hbm>>
    %dma_wait3A_161 = arith.constant 0 : i32
    %dma_wait3A_162 = arith.constant 0 : i32
    %dma_wait3A_163 = tpu.memref_slice %arg8[%dma_wait3A_153, %dma_wait3A_161, %dma_wait3A_162] : memref<4x128x16xf32, #tpu.memory_space<vmem>> -> memref<1x128x16xf32, #tpu.memory_space<vmem>>
    %dma_wait3A_164 = tpu.memref_squeeze %dma_wait3A_163 : memref<1x128x16xf32, #tpu.memory_space<vmem>> -> memref<128x16xf32, #tpu.memory_space<vmem>>
    %dma_wait3A_165 = arith.constant 0 : i32
    %dma_wait3A_166 = arith.constant 0 : i32
    %dma_wait3A_167 = tpu.memref_slice %arg2[%dma_wait3A_165, %dma_wait3A_166] : memref<10240x16xf32, #tpu.memory_space<hbm>> -> memref<128x16xf32, #tpu.memory_space<hbm>>
    tpu.wait_dma2 semaphore(%arg13 : memref<!tpu.dma_semaphore, #tpu.memory_space<semaphore_mem>>) src(%dma_wait3A_167 : memref<128x16xf32, #tpu.memory_space<hbm>>) dst(%dma_wait3A_164 : memref<128x16xf32, #tpu.memory_space<vmem>>)
    %dma_start3A_168 = arith.constant 3 : i32
    %dma_start3A_169 = arith.constant 79 : i32
    %dma_start3A_170 = arith.constant 0 : i32
    %dma_start3A_171 = arith.constant 0 : i32
    %dma_start3A_172 = tpu.memref_slice %arg8[%dma_start3A_168, %dma_start3A_170, %dma_start3A_171] : memref<4x128x16xf32, #tpu.memory_space<vmem>> -> memref<1x128x16xf32, #tpu.memory_space<vmem>>
    %dma_start3A_173 = tpu.memref_squeeze %dma_start3A_172 : memref<1x128x16xf32, #tpu.memory_space<vmem>> -> memref<128x16xf32, #tpu.memory_space<vmem>>
    %dma_start3A_174 = arith.constant 0 : i32
    %dma_start3A_175 = tpu.memref_slice %arg7[%dma_start3A_169, %dma_start3A_174] : memref<80x128xi32, #tpu.memory_space<vmem>> -> memref<1x128xi32, #tpu.memory_space<vmem>>
    %dma_start3A_176 = tpu.memref_squeeze %dma_start3A_175 : memref<1x128xi32, #tpu.memory_space<vmem>> -> memref<128xi32, #tpu.memory_space<vmem>>
    %dma_start3A_177 = arith.constant 0 : i32
    %dma_start3A_178 = arith.constant 0 : i32
    %dma_start3A_179 = tpu.memref_slice %arg9[%dma_start3A_177, %dma_start3A_178] : memref<10240x16xf32, #tpu.memory_space<vmem_shared>> -> memref<10240x16xf32, #tpu.memory_space<vmem_shared>>
    tpu.enqueue_indirect_dma source(%dma_start3A_173 : memref<128x16xf32, #tpu.memory_space<vmem>>) target(%dma_start3A_179 : memref<10240x16xf32, #tpu.memory_space<vmem_shared>>) offsets(%dma_start3A_176 : memref<128xi32, #tpu.memory_space<vmem>>) semaphore(%arg17 : memref<!tpu.dma_semaphore, #tpu.memory_space<semaphore_mem>>) {add = true}
    %dma_wait3A_180 = arith.constant 0 : i32
    %dma_wait3A_181 = arith.constant 0 : i32
    %dma_wait3A_182 = arith.constant 0 : i32
    %dma_wait3A_183 = tpu.memref_slice %arg8[%dma_wait3A_180, %dma_wait3A_181, %dma_wait3A_182] : memref<4x128x16xf32, #tpu.memory_space<vmem>> -> memref<1x128x16xf32, #tpu.memory_space<vmem>>
    %dma_wait3A_184 = tpu.memref_squeeze %dma_wait3A_183 : memref<1x128x16xf32, #tpu.memory_space<vmem>> -> memref<128x16xf32, #tpu.memory_space<vmem>>
    %dma_wait3A_185 = arith.constant 0 : i32
    %dma_wait3A_186 = arith.constant 0 : i32
    %dma_wait3A_187 = tpu.memref_slice %arg9[%dma_wait3A_185, %dma_wait3A_186] : memref<10240x16xf32, #tpu.memory_space<vmem_shared>> -> memref<128x16xf32, #tpu.memory_space<vmem_shared>>
    %dma_wait3A_188 = arith.constant 0 : i32
    %dma_wait3A_189 = arith.constant 0 : i32
    %dma_wait3A_190 = tpu.memref_slice %arg9[%dma_wait3A_188, %dma_wait3A_189] : memref<10240x16xf32, #tpu.memory_space<vmem_shared>> -> memref<128x16xf32, #tpu.memory_space<vmem_shared>>
    %dma_wait3A_191 = arith.constant 0 : i32
    %dma_wait3A_192 = arith.constant 0 : i32
    %dma_wait3A_193 = tpu.memref_slice %arg8[%dma_wait3A_180, %dma_wait3A_191, %dma_wait3A_192] : memref<4x128x16xf32, #tpu.memory_space<vmem>> -> memref<1x128x16xf32, #tpu.memory_space<vmem>>
    %dma_wait3A_194 = tpu.memref_squeeze %dma_wait3A_193 : memref<1x128x16xf32, #tpu.memory_space<vmem>> -> memref<128x16xf32, #tpu.memory_space<vmem>>
    tpu.wait_dma2 semaphore(%arg14 : memref<!tpu.dma_semaphore, #tpu.memory_space<semaphore_mem>>) src(%dma_wait3A_194 : memref<128x16xf32, #tpu.memory_space<vmem>>) dst(%dma_wait3A_190 : memref<128x16xf32, #tpu.memory_space<vmem_shared>>)
    %dma_wait3A_195 = arith.constant 1 : i32
    %dma_wait3A_196 = arith.constant 0 : i32
    %dma_wait3A_197 = arith.constant 0 : i32
    %dma_wait3A_198 = tpu.memref_slice %arg8[%dma_wait3A_195, %dma_wait3A_196, %dma_wait3A_197] : memref<4x128x16xf32, #tpu.memory_space<vmem>> -> memref<1x128x16xf32, #tpu.memory_space<vmem>>
    %dma_wait3A_199 = tpu.memref_squeeze %dma_wait3A_198 : memref<1x128x16xf32, #tpu.memory_space<vmem>> -> memref<128x16xf32, #tpu.memory_space<vmem>>
    %dma_wait3A_200 = arith.constant 0 : i32
    %dma_wait3A_201 = arith.constant 0 : i32
    %dma_wait3A_202 = tpu.memref_slice %arg9[%dma_wait3A_200, %dma_wait3A_201] : memref<10240x16xf32, #tpu.memory_space<vmem_shared>> -> memref<128x16xf32, #tpu.memory_space<vmem_shared>>
    %dma_wait3A_203 = arith.constant 0 : i32
    %dma_wait3A_204 = arith.constant 0 : i32
    %dma_wait3A_205 = tpu.memref_slice %arg9[%dma_wait3A_203, %dma_wait3A_204] : memref<10240x16xf32, #tpu.memory_space<vmem_shared>> -> memref<128x16xf32, #tpu.memory_space<vmem_shared>>
    %dma_wait3A_206 = arith.constant 0 : i32
    %dma_wait3A_207 = arith.constant 0 : i32
    %dma_wait3A_208 = tpu.memref_slice %arg8[%dma_wait3A_195, %dma_wait3A_206, %dma_wait3A_207] : memref<4x128x16xf32, #tpu.memory_space<vmem>> -> memref<1x128x16xf32, #tpu.memory_space<vmem>>
    %dma_wait3A_209 = tpu.memref_squeeze %dma_wait3A_208 : memref<1x128x16xf32, #tpu.memory_space<vmem>> -> memref<128x16xf32, #tpu.memory_space<vmem>>
    tpu.wait_dma2 semaphore(%arg15 : memref<!tpu.dma_semaphore, #tpu.memory_space<semaphore_mem>>) src(%dma_wait3A_209 : memref<128x16xf32, #tpu.memory_space<vmem>>) dst(%dma_wait3A_205 : memref<128x16xf32, #tpu.memory_space<vmem_shared>>)
    %dma_wait3A_210 = arith.constant 2 : i32
    %dma_wait3A_211 = arith.constant 0 : i32
    %dma_wait3A_212 = arith.constant 0 : i32
    %dma_wait3A_213 = tpu.memref_slice %arg8[%dma_wait3A_210, %dma_wait3A_211, %dma_wait3A_212] : memref<4x128x16xf32, #tpu.memory_space<vmem>> -> memref<1x128x16xf32, #tpu.memory_space<vmem>>
    %dma_wait3A_214 = tpu.memref_squeeze %dma_wait3A_213 : memref<1x128x16xf32, #tpu.memory_space<vmem>> -> memref<128x16xf32, #tpu.memory_space<vmem>>
    %dma_wait3A_215 = arith.constant 0 : i32
    %dma_wait3A_216 = arith.constant 0 : i32
    %dma_wait3A_217 = tpu.memref_slice %arg9[%dma_wait3A_215, %dma_wait3A_216] : memref<10240x16xf32, #tpu.memory_space<vmem_shared>> -> memref<128x16xf32, #tpu.memory_space<vmem_shared>>
    %dma_wait3A_218 = arith.constant 0 : i32
    %dma_wait3A_219 = arith.constant 0 : i32
    %dma_wait3A_220 = tpu.memref_slice %arg9[%dma_wait3A_218, %dma_wait3A_219] : memref<10240x16xf32, #tpu.memory_space<vmem_shared>> -> memref<128x16xf32, #tpu.memory_space<vmem_shared>>
    %dma_wait3A_221 = arith.constant 0 : i32
    %dma_wait3A_222 = arith.constant 0 : i32
    %dma_wait3A_223 = tpu.memref_slice %arg8[%dma_wait3A_210, %dma_wait3A_221, %dma_wait3A_222] : memref<4x128x16xf32, #tpu.memory_space<vmem>> -> memref<1x128x16xf32, #tpu.memory_space<vmem>>
    %dma_wait3A_224 = tpu.memref_squeeze %dma_wait3A_223 : memref<1x128x16xf32, #tpu.memory_space<vmem>> -> memref<128x16xf32, #tpu.memory_space<vmem>>
    tpu.wait_dma2 semaphore(%arg16 : memref<!tpu.dma_semaphore, #tpu.memory_space<semaphore_mem>>) src(%dma_wait3A_224 : memref<128x16xf32, #tpu.memory_space<vmem>>) dst(%dma_wait3A_220 : memref<128x16xf32, #tpu.memory_space<vmem_shared>>)
    %dma_wait3A_225 = arith.constant 3 : i32
    %dma_wait3A_226 = arith.constant 0 : i32
    %dma_wait3A_227 = arith.constant 0 : i32
    %dma_wait3A_228 = tpu.memref_slice %arg8[%dma_wait3A_225, %dma_wait3A_226, %dma_wait3A_227] : memref<4x128x16xf32, #tpu.memory_space<vmem>> -> memref<1x128x16xf32, #tpu.memory_space<vmem>>
    %dma_wait3A_229 = tpu.memref_squeeze %dma_wait3A_228 : memref<1x128x16xf32, #tpu.memory_space<vmem>> -> memref<128x16xf32, #tpu.memory_space<vmem>>
    %dma_wait3A_230 = arith.constant 0 : i32
    %dma_wait3A_231 = arith.constant 0 : i32
    %dma_wait3A_232 = tpu.memref_slice %arg9[%dma_wait3A_230, %dma_wait3A_231] : memref<10240x16xf32, #tpu.memory_space<vmem_shared>> -> memref<128x16xf32, #tpu.memory_space<vmem_shared>>
    %dma_wait3A_233 = arith.constant 0 : i32
    %dma_wait3A_234 = arith.constant 0 : i32
    %dma_wait3A_235 = tpu.memref_slice %arg9[%dma_wait3A_233, %dma_wait3A_234] : memref<10240x16xf32, #tpu.memory_space<vmem_shared>> -> memref<128x16xf32, #tpu.memory_space<vmem_shared>>
    %dma_wait3A_236 = arith.constant 0 : i32
    %dma_wait3A_237 = arith.constant 0 : i32
    %dma_wait3A_238 = tpu.memref_slice %arg8[%dma_wait3A_225, %dma_wait3A_236, %dma_wait3A_237] : memref<4x128x16xf32, #tpu.memory_space<vmem>> -> memref<1x128x16xf32, #tpu.memory_space<vmem>>
    %dma_wait3A_239 = tpu.memref_squeeze %dma_wait3A_238 : memref<1x128x16xf32, #tpu.memory_space<vmem>> -> memref<128x16xf32, #tpu.memory_space<vmem>>
    tpu.wait_dma2 semaphore(%arg17 : memref<!tpu.dma_semaphore, #tpu.memory_space<semaphore_mem>>) src(%dma_wait3A_239 : memref<128x16xf32, #tpu.memory_space<vmem>>) dst(%dma_wait3A_235 : memref<128x16xf32, #tpu.memory_space<vmem_shared>>)
    %barrier3A_240 = arith.constant 0 : index
    tpu.barrier barrier_id(%barrier3A_240)
    %mul3A_241 = arith.constant 640 : i32
    %mul3A_242 = arith.muli %arg1, %mul3A_241 : i32
    %mul3A_243 = arith.constant 640 : i32
    %mul3A_244 = arith.muli %arg1, %mul3A_243 : i32
    "tpu.region"() ({
      %run_scoped3A = tpu.sem_alloc : memref<!tpu.dma_semaphore, #tpu.memory_space<semaphore_mem>>
      %dma_start3A_245 = arith.constant 0 : i32
      %dma_start3A_246 = tpu.memref_slice %arg5[%arg0, %mul3A_244, %dma_start3A_245] : memref<2x10240x16xf32, #tpu.memory_space<hbm>> -> memref<1x640x16xf32, #tpu.memory_space<hbm>>
      %dma_start3A_247 = tpu.memref_squeeze %dma_start3A_246 : memref<1x640x16xf32, #tpu.memory_space<hbm>> -> memref<640x16xf32, #tpu.memory_space<hbm>>
      %dma_start3A_248 = arith.constant 0 : i32
      %dma_start3A_249 = tpu.memref_slice %arg9[%mul3A_242, %dma_start3A_248] : memref<10240x16xf32, #tpu.memory_space<vmem_shared>> -> memref<640x16xf32, #tpu.memory_space<vmem_shared>>
      tpu.enqueue_dma source(%dma_start3A_249 : memref<640x16xf32, #tpu.memory_space<vmem_shared>>) target(%dma_start3A_247 : memref<640x16xf32, #tpu.memory_space<hbm>>) target_semaphore(%run_scoped3A : memref<!tpu.dma_semaphore, #tpu.memory_space<semaphore_mem>>)
      %dma_wait3A_250 = arith.constant 0 : i32
      %dma_wait3A_251 = tpu.memref_slice %arg5[%arg0, %mul3A_244, %dma_wait3A_250] : memref<2x10240x16xf32, #tpu.memory_space<hbm>> -> memref<1x640x16xf32, #tpu.memory_space<hbm>>
      %dma_wait3A_252 = tpu.memref_squeeze %dma_wait3A_251 : memref<1x640x16xf32, #tpu.memory_space<hbm>> -> memref<640x16xf32, #tpu.memory_space<hbm>>
      %dma_wait3A_253 = arith.constant 0 : i32
      %dma_wait3A_254 = tpu.memref_slice %arg9[%mul3A_242, %dma_wait3A_253] : memref<10240x16xf32, #tpu.memory_space<vmem_shared>> -> memref<640x16xf32, #tpu.memory_space<vmem_shared>>
      tpu.wait_dma2 semaphore(%run_scoped3A : memref<!tpu.dma_semaphore, #tpu.memory_space<semaphore_mem>>) src(%dma_wait3A_254 : memref<640x16xf32, #tpu.memory_space<vmem_shared>>) dst(%dma_wait3A_252 : memref<640x16xf32, #tpu.memory_space<hbm>>)
      tpu.yield
    }) : () -> ()
    return
  }
}

#map = affine_map<(d0, d1) -> (0, 0)>
#map1 = affine_map<(d0, d1) -> (0, 0, 0, 0)>
#map2 = affine_map<(d0, d1) -> (0, 0, 0)>
module attributes {stable_mosaic.version = 14 : i64} {
  func.func @body(%arg0: i32, %arg1: i32, %arg2: memref<20480x64xf32, #tpu.memory_space<hbm>>, %arg3: memref<2x16x160x128xi32, #tpu.memory_space<hbm>>, %arg4: memref<16x160x128xi32, #tpu.memory_space<hbm>>, %arg5: memref<2x10240x64xf32, #tpu.memory_space<hbm>>, %arg6: memref<160x128xi32, #tpu.memory_space<vmem>>, %arg7: memref<160x128xi32, #tpu.memory_space<vmem>>, %arg8: memref<4x128x64xf32, #tpu.memory_space<vmem>>, %arg9: memref<10240x64xf32, #tpu.memory_space<vmem_shared>>, %arg10: memref<!tpu.dma_semaphore, #tpu.memory_space<semaphore_mem>>, %arg11: memref<!tpu.dma_semaphore, #tpu.memory_space<semaphore_mem>>, %arg12: memref<!tpu.dma_semaphore, #tpu.memory_space<semaphore_mem>>, %arg13: memref<!tpu.dma_semaphore, #tpu.memory_space<semaphore_mem>>, %arg14: memref<!tpu.dma_semaphore, #tpu.memory_space<semaphore_mem>>, %arg15: memref<!tpu.dma_semaphore, #tpu.memory_space<semaphore_mem>>, %arg16: memref<!tpu.dma_semaphore, #tpu.memory_space<semaphore_mem>>, %arg17: memref<!tpu.dma_semaphore, #tpu.memory_space<semaphore_mem>>) attributes {dimension_semantics = [#tpu.dimension_semantics<core_parallel>, #tpu.dimension_semantics<subcore_parallel>], iteration_bounds = array<i64: 2, 16>, scalar_prefetch = 0 : i64, scratch_operands = 12 : i64, tpu.core_type = #tpu.core_type<sc_vector_subcore>, window_params = [{transform_indices = #map}, {transform_indices = #map1}, {transform_indices = #map2}, {transform_indices = #map2}]} {
    %mul3A = arith.constant 640 : i32
    %mul3A_0 = arith.muli %arg1, %mul3A : i32
    %add3A = arith.constant 0 : i32
    %add3A_1 = arith.addi %mul3A_0, %add3A : i32
    "tpu.region"() ({
      %run_scoped3A = tpu.sem_alloc : memref<!tpu.dma_semaphore, #tpu.memory_space<semaphore_mem>>
      %dma_start3A_242 = arith.constant 0 : i32
      %dma_start3A_243 = tpu.memref_slice %arg9[%add3A_1, %dma_start3A_242] : memref<10240x64xf32, #tpu.memory_space<vmem_shared>> -> memref<128x64xf32, #tpu.memory_space<vmem_shared>>
      %dma_start3A_244 = arith.constant 10000 : i32
      %dma_start3A_245 = arith.constant 0 : i32
      %dma_start3A_246 = tpu.memref_slice %arg2[%dma_start3A_244, %dma_start3A_245] : memref<20480x64xf32, #tpu.memory_space<hbm>> -> memref<128x64xf32, #tpu.memory_space<hbm>>
      tpu.enqueue_dma source(%dma_start3A_246 : memref<128x64xf32, #tpu.memory_space<hbm>>) target(%dma_start3A_243 : memref<128x64xf32, #tpu.memory_space<vmem_shared>>) target_semaphore(%run_scoped3A : memref<!tpu.dma_semaphore, #tpu.memory_space<semaphore_mem>>)
      %dma_wait3A_247 = arith.constant 0 : i32
      %dma_wait3A_248 = tpu.memref_slice %arg9[%add3A_1, %dma_wait3A_247] : memref<10240x64xf32, #tpu.memory_space<vmem_shared>> -> memref<128x64xf32, #tpu.memory_space<vmem_shared>>
      %dma_wait3A_249 = arith.constant 10000 : i32
      %dma_wait3A_250 = arith.constant 0 : i32
      %dma_wait3A_251 = tpu.memref_slice %arg2[%dma_wait3A_249, %dma_wait3A_250] : memref<20480x64xf32, #tpu.memory_space<hbm>> -> memref<128x64xf32, #tpu.memory_space<hbm>>
      tpu.wait_dma2 semaphore(%run_scoped3A : memref<!tpu.dma_semaphore, #tpu.memory_space<semaphore_mem>>) src(%dma_wait3A_251 : memref<128x64xf32, #tpu.memory_space<hbm>>) dst(%dma_wait3A_248 : memref<128x64xf32, #tpu.memory_space<vmem_shared>>)
      tpu.yield
    }) : () -> ()
    %mul3A_2 = arith.constant 640 : i32
    %mul3A_3 = arith.muli %arg1, %mul3A_2 : i32
    %add3A_4 = arith.constant 128 : i32
    %add3A_5 = arith.addi %mul3A_3, %add3A_4 : i32
    "tpu.region"() ({
      %run_scoped3A = tpu.sem_alloc : memref<!tpu.dma_semaphore, #tpu.memory_space<semaphore_mem>>
      %dma_start3A_242 = arith.constant 0 : i32
      %dma_start3A_243 = tpu.memref_slice %arg9[%add3A_5, %dma_start3A_242] : memref<10240x64xf32, #tpu.memory_space<vmem_shared>> -> memref<128x64xf32, #tpu.memory_space<vmem_shared>>
      %dma_start3A_244 = arith.constant 10000 : i32
      %dma_start3A_245 = arith.constant 0 : i32
      %dma_start3A_246 = tpu.memref_slice %arg2[%dma_start3A_244, %dma_start3A_245] : memref<20480x64xf32, #tpu.memory_space<hbm>> -> memref<128x64xf32, #tpu.memory_space<hbm>>
      tpu.enqueue_dma source(%dma_start3A_246 : memref<128x64xf32, #tpu.memory_space<hbm>>) target(%dma_start3A_243 : memref<128x64xf32, #tpu.memory_space<vmem_shared>>) target_semaphore(%run_scoped3A : memref<!tpu.dma_semaphore, #tpu.memory_space<semaphore_mem>>)
      %dma_wait3A_247 = arith.constant 0 : i32
      %dma_wait3A_248 = tpu.memref_slice %arg9[%add3A_5, %dma_wait3A_247] : memref<10240x64xf32, #tpu.memory_space<vmem_shared>> -> memref<128x64xf32, #tpu.memory_space<vmem_shared>>
      %dma_wait3A_249 = arith.constant 10000 : i32
      %dma_wait3A_250 = arith.constant 0 : i32
      %dma_wait3A_251 = tpu.memref_slice %arg2[%dma_wait3A_249, %dma_wait3A_250] : memref<20480x64xf32, #tpu.memory_space<hbm>> -> memref<128x64xf32, #tpu.memory_space<hbm>>
      tpu.wait_dma2 semaphore(%run_scoped3A : memref<!tpu.dma_semaphore, #tpu.memory_space<semaphore_mem>>) src(%dma_wait3A_251 : memref<128x64xf32, #tpu.memory_space<hbm>>) dst(%dma_wait3A_248 : memref<128x64xf32, #tpu.memory_space<vmem_shared>>)
      tpu.yield
    }) : () -> ()
    %mul3A_6 = arith.constant 640 : i32
    %mul3A_7 = arith.muli %arg1, %mul3A_6 : i32
    %add3A_8 = arith.constant 256 : i32
    %add3A_9 = arith.addi %mul3A_7, %add3A_8 : i32
    "tpu.region"() ({
      %run_scoped3A = tpu.sem_alloc : memref<!tpu.dma_semaphore, #tpu.memory_space<semaphore_mem>>
      %dma_start3A_242 = arith.constant 0 : i32
      %dma_start3A_243 = tpu.memref_slice %arg9[%add3A_9, %dma_start3A_242] : memref<10240x64xf32, #tpu.memory_space<vmem_shared>> -> memref<128x64xf32, #tpu.memory_space<vmem_shared>>
      %dma_start3A_244 = arith.constant 10000 : i32
      %dma_start3A_245 = arith.constant 0 : i32
      %dma_start3A_246 = tpu.memref_slice %arg2[%dma_start3A_244, %dma_start3A_245] : memref<20480x64xf32, #tpu.memory_space<hbm>> -> memref<128x64xf32, #tpu.memory_space<hbm>>
      tpu.enqueue_dma source(%dma_start3A_246 : memref<128x64xf32, #tpu.memory_space<hbm>>) target(%dma_start3A_243 : memref<128x64xf32, #tpu.memory_space<vmem_shared>>) target_semaphore(%run_scoped3A : memref<!tpu.dma_semaphore, #tpu.memory_space<semaphore_mem>>)
      %dma_wait3A_247 = arith.constant 0 : i32
      %dma_wait3A_248 = tpu.memref_slice %arg9[%add3A_9, %dma_wait3A_247] : memref<10240x64xf32, #tpu.memory_space<vmem_shared>> -> memref<128x64xf32, #tpu.memory_space<vmem_shared>>
      %dma_wait3A_249 = arith.constant 10000 : i32
      %dma_wait3A_250 = arith.constant 0 : i32
      %dma_wait3A_251 = tpu.memref_slice %arg2[%dma_wait3A_249, %dma_wait3A_250] : memref<20480x64xf32, #tpu.memory_space<hbm>> -> memref<128x64xf32, #tpu.memory_space<hbm>>
      tpu.wait_dma2 semaphore(%run_scoped3A : memref<!tpu.dma_semaphore, #tpu.memory_space<semaphore_mem>>) src(%dma_wait3A_251 : memref<128x64xf32, #tpu.memory_space<hbm>>) dst(%dma_wait3A_248 : memref<128x64xf32, #tpu.memory_space<vmem_shared>>)
      tpu.yield
    }) : () -> ()
    %mul3A_10 = arith.constant 640 : i32
    %mul3A_11 = arith.muli %arg1, %mul3A_10 : i32
    %add3A_12 = arith.constant 384 : i32
    %add3A_13 = arith.addi %mul3A_11, %add3A_12 : i32
    "tpu.region"() ({
      %run_scoped3A = tpu.sem_alloc : memref<!tpu.dma_semaphore, #tpu.memory_space<semaphore_mem>>
      %dma_start3A_242 = arith.constant 0 : i32
      %dma_start3A_243 = tpu.memref_slice %arg9[%add3A_13, %dma_start3A_242] : memref<10240x64xf32, #tpu.memory_space<vmem_shared>> -> memref<128x64xf32, #tpu.memory_space<vmem_shared>>
      %dma_start3A_244 = arith.constant 10000 : i32
      %dma_start3A_245 = arith.constant 0 : i32
      %dma_start3A_246 = tpu.memref_slice %arg2[%dma_start3A_244, %dma_start3A_245] : memref<20480x64xf32, #tpu.memory_space<hbm>> -> memref<128x64xf32, #tpu.memory_space<hbm>>
      tpu.enqueue_dma source(%dma_start3A_246 : memref<128x64xf32, #tpu.memory_space<hbm>>) target(%dma_start3A_243 : memref<128x64xf32, #tpu.memory_space<vmem_shared>>) target_semaphore(%run_scoped3A : memref<!tpu.dma_semaphore, #tpu.memory_space<semaphore_mem>>)
      %dma_wait3A_247 = arith.constant 0 : i32
      %dma_wait3A_248 = tpu.memref_slice %arg9[%add3A_13, %dma_wait3A_247] : memref<10240x64xf32, #tpu.memory_space<vmem_shared>> -> memref<128x64xf32, #tpu.memory_space<vmem_shared>>
      %dma_wait3A_249 = arith.constant 10000 : i32
      %dma_wait3A_250 = arith.constant 0 : i32
      %dma_wait3A_251 = tpu.memref_slice %arg2[%dma_wait3A_249, %dma_wait3A_250] : memref<20480x64xf32, #tpu.memory_space<hbm>> -> memref<128x64xf32, #tpu.memory_space<hbm>>
      tpu.wait_dma2 semaphore(%run_scoped3A : memref<!tpu.dma_semaphore, #tpu.memory_space<semaphore_mem>>) src(%dma_wait3A_251 : memref<128x64xf32, #tpu.memory_space<hbm>>) dst(%dma_wait3A_248 : memref<128x64xf32, #tpu.memory_space<vmem_shared>>)
      tpu.yield
    }) : () -> ()
    %mul3A_14 = arith.constant 640 : i32
    %mul3A_15 = arith.muli %arg1, %mul3A_14 : i32
    %add3A_16 = arith.constant 512 : i32
    %add3A_17 = arith.addi %mul3A_15, %add3A_16 : i32
    "tpu.region"() ({
      %run_scoped3A = tpu.sem_alloc : memref<!tpu.dma_semaphore, #tpu.memory_space<semaphore_mem>>
      %dma_start3A_242 = arith.constant 0 : i32
      %dma_start3A_243 = tpu.memref_slice %arg9[%add3A_17, %dma_start3A_242] : memref<10240x64xf32, #tpu.memory_space<vmem_shared>> -> memref<128x64xf32, #tpu.memory_space<vmem_shared>>
      %dma_start3A_244 = arith.constant 10000 : i32
      %dma_start3A_245 = arith.constant 0 : i32
      %dma_start3A_246 = tpu.memref_slice %arg2[%dma_start3A_244, %dma_start3A_245] : memref<20480x64xf32, #tpu.memory_space<hbm>> -> memref<128x64xf32, #tpu.memory_space<hbm>>
      tpu.enqueue_dma source(%dma_start3A_246 : memref<128x64xf32, #tpu.memory_space<hbm>>) target(%dma_start3A_243 : memref<128x64xf32, #tpu.memory_space<vmem_shared>>) target_semaphore(%run_scoped3A : memref<!tpu.dma_semaphore, #tpu.memory_space<semaphore_mem>>)
      %dma_wait3A_247 = arith.constant 0 : i32
      %dma_wait3A_248 = tpu.memref_slice %arg9[%add3A_17, %dma_wait3A_247] : memref<10240x64xf32, #tpu.memory_space<vmem_shared>> -> memref<128x64xf32, #tpu.memory_space<vmem_shared>>
      %dma_wait3A_249 = arith.constant 10000 : i32
      %dma_wait3A_250 = arith.constant 0 : i32
      %dma_wait3A_251 = tpu.memref_slice %arg2[%dma_wait3A_249, %dma_wait3A_250] : memref<20480x64xf32, #tpu.memory_space<hbm>> -> memref<128x64xf32, #tpu.memory_space<hbm>>
      tpu.wait_dma2 semaphore(%run_scoped3A : memref<!tpu.dma_semaphore, #tpu.memory_space<semaphore_mem>>) src(%dma_wait3A_251 : memref<128x64xf32, #tpu.memory_space<hbm>>) dst(%dma_wait3A_248 : memref<128x64xf32, #tpu.memory_space<vmem_shared>>)
      tpu.yield
    }) : () -> ()
    "tpu.region"() ({
      %run_scoped3A = tpu.sem_alloc : memref<!tpu.dma_semaphore, #tpu.memory_space<semaphore_mem>>
      %dma_start3A_242 = arith.constant 0 : i32
      %dma_start3A_243 = arith.constant 0 : i32
      %dma_start3A_244 = tpu.memref_slice %arg3[%arg0, %arg1, %dma_start3A_242, %dma_start3A_243] : memref<2x16x160x128xi32, #tpu.memory_space<hbm>> -> memref<1x1x160x128xi32, #tpu.memory_space<hbm>>
      %dma_start3A_245 = tpu.memref_squeeze %dma_start3A_244 : memref<1x1x160x128xi32, #tpu.memory_space<hbm>> -> memref<160x128xi32, #tpu.memory_space<hbm>>
      %dma_start3A_246 = arith.constant 0 : i32
      %dma_start3A_247 = arith.constant 0 : i32
      %dma_start3A_248 = tpu.memref_slice %arg3[%arg0, %arg1, %dma_start3A_246, %dma_start3A_247] : memref<2x16x160x128xi32, #tpu.memory_space<hbm>> -> memref<1x1x160x128xi32, #tpu.memory_space<hbm>>
      %dma_start3A_249 = tpu.memref_squeeze %dma_start3A_248 : memref<1x1x160x128xi32, #tpu.memory_space<hbm>> -> memref<160x128xi32, #tpu.memory_space<hbm>>
      tpu.enqueue_dma source(%dma_start3A_249 : memref<160x128xi32, #tpu.memory_space<hbm>>) target(%arg6 : memref<160x128xi32, #tpu.memory_space<vmem>>) target_semaphore(%run_scoped3A : memref<!tpu.dma_semaphore, #tpu.memory_space<semaphore_mem>>)
      %dma_wait3A_250 = arith.constant 0 : i32
      %dma_wait3A_251 = arith.constant 0 : i32
      %dma_wait3A_252 = tpu.memref_slice %arg3[%arg0, %arg1, %dma_wait3A_250, %dma_wait3A_251] : memref<2x16x160x128xi32, #tpu.memory_space<hbm>> -> memref<1x1x160x128xi32, #tpu.memory_space<hbm>>
      %dma_wait3A_253 = tpu.memref_squeeze %dma_wait3A_252 : memref<1x1x160x128xi32, #tpu.memory_space<hbm>> -> memref<160x128xi32, #tpu.memory_space<hbm>>
      %dma_wait3A_254 = arith.constant 0 : i32
      %dma_wait3A_255 = arith.constant 0 : i32
      %dma_wait3A_256 = tpu.memref_slice %arg3[%arg0, %arg1, %dma_wait3A_254, %dma_wait3A_255] : memref<2x16x160x128xi32, #tpu.memory_space<hbm>> -> memref<1x1x160x128xi32, #tpu.memory_space<hbm>>
      %dma_wait3A_257 = tpu.memref_squeeze %dma_wait3A_256 : memref<1x1x160x128xi32, #tpu.memory_space<hbm>> -> memref<160x128xi32, #tpu.memory_space<hbm>>
      tpu.wait_dma2 semaphore(%run_scoped3A : memref<!tpu.dma_semaphore, #tpu.memory_space<semaphore_mem>>) src(%dma_wait3A_257 : memref<160x128xi32, #tpu.memory_space<hbm>>) dst(%arg6 : memref<160x128xi32, #tpu.memory_space<vmem>>)
      tpu.yield
    }) : () -> ()
    "tpu.region"() ({
      %run_scoped3A = tpu.sem_alloc : memref<!tpu.dma_semaphore, #tpu.memory_space<semaphore_mem>>
      %dma_start3A_242 = arith.constant 0 : i32
      %dma_start3A_243 = arith.constant 0 : i32
      %dma_start3A_244 = tpu.memref_slice %arg4[%arg1, %dma_start3A_242, %dma_start3A_243] : memref<16x160x128xi32, #tpu.memory_space<hbm>> -> memref<1x160x128xi32, #tpu.memory_space<hbm>>
      %dma_start3A_245 = tpu.memref_squeeze %dma_start3A_244 : memref<1x160x128xi32, #tpu.memory_space<hbm>> -> memref<160x128xi32, #tpu.memory_space<hbm>>
      %dma_start3A_246 = arith.constant 0 : i32
      %dma_start3A_247 = arith.constant 0 : i32
      %dma_start3A_248 = tpu.memref_slice %arg4[%arg1, %dma_start3A_246, %dma_start3A_247] : memref<16x160x128xi32, #tpu.memory_space<hbm>> -> memref<1x160x128xi32, #tpu.memory_space<hbm>>
      %dma_start3A_249 = tpu.memref_squeeze %dma_start3A_248 : memref<1x160x128xi32, #tpu.memory_space<hbm>> -> memref<160x128xi32, #tpu.memory_space<hbm>>
      tpu.enqueue_dma source(%dma_start3A_249 : memref<160x128xi32, #tpu.memory_space<hbm>>) target(%arg7 : memref<160x128xi32, #tpu.memory_space<vmem>>) target_semaphore(%run_scoped3A : memref<!tpu.dma_semaphore, #tpu.memory_space<semaphore_mem>>)
      %dma_wait3A_250 = arith.constant 0 : i32
      %dma_wait3A_251 = arith.constant 0 : i32
      %dma_wait3A_252 = tpu.memref_slice %arg4[%arg1, %dma_wait3A_250, %dma_wait3A_251] : memref<16x160x128xi32, #tpu.memory_space<hbm>> -> memref<1x160x128xi32, #tpu.memory_space<hbm>>
      %dma_wait3A_253 = tpu.memref_squeeze %dma_wait3A_252 : memref<1x160x128xi32, #tpu.memory_space<hbm>> -> memref<160x128xi32, #tpu.memory_space<hbm>>
      %dma_wait3A_254 = arith.constant 0 : i32
      %dma_wait3A_255 = arith.constant 0 : i32
      %dma_wait3A_256 = tpu.memref_slice %arg4[%arg1, %dma_wait3A_254, %dma_wait3A_255] : memref<16x160x128xi32, #tpu.memory_space<hbm>> -> memref<1x160x128xi32, #tpu.memory_space<hbm>>
      %dma_wait3A_257 = tpu.memref_squeeze %dma_wait3A_256 : memref<1x160x128xi32, #tpu.memory_space<hbm>> -> memref<160x128xi32, #tpu.memory_space<hbm>>
      tpu.wait_dma2 semaphore(%run_scoped3A : memref<!tpu.dma_semaphore, #tpu.memory_space<semaphore_mem>>) src(%dma_wait3A_257 : memref<160x128xi32, #tpu.memory_space<hbm>>) dst(%arg7 : memref<160x128xi32, #tpu.memory_space<vmem>>)
      tpu.yield
    }) : () -> ()
    %barrier3A = arith.constant 0 : index
    tpu.barrier barrier_id(%barrier3A)
    %dma_start3A = arith.constant 0 : i32
    %dma_start3A_18 = arith.constant 0 : i32
    %dma_start3A_19 = arith.constant 0 : i32
    %dma_start3A_20 = arith.constant 0 : i32
    %dma_start3A_21 = tpu.memref_slice %arg8[%dma_start3A_18, %dma_start3A_19, %dma_start3A_20] : memref<4x128x64xf32, #tpu.memory_space<vmem>> -> memref<1x128x64xf32, #tpu.memory_space<vmem>>
    %dma_start3A_22 = tpu.memref_squeeze %dma_start3A_21 : memref<1x128x64xf32, #tpu.memory_space<vmem>> -> memref<128x64xf32, #tpu.memory_space<vmem>>
    %dma_start3A_23 = arith.constant 0 : i32
    %dma_start3A_24 = tpu.memref_slice %arg6[%dma_start3A, %dma_start3A_23] : memref<160x128xi32, #tpu.memory_space<vmem>> -> memref<1x128xi32, #tpu.memory_space<vmem>>
    %dma_start3A_25 = tpu.memref_squeeze %dma_start3A_24 : memref<1x128xi32, #tpu.memory_space<vmem>> -> memref<128xi32, #tpu.memory_space<vmem>>
    %dma_start3A_26 = arith.constant 0 : i32
    %dma_start3A_27 = arith.constant 0 : i32
    %dma_start3A_28 = tpu.memref_slice %arg2[%dma_start3A_26, %dma_start3A_27] : memref<20480x64xf32, #tpu.memory_space<hbm>> -> memref<20480x64xf32, #tpu.memory_space<hbm>>
    tpu.enqueue_indirect_dma source(%dma_start3A_28 : memref<20480x64xf32, #tpu.memory_space<hbm>>) target(%dma_start3A_22 : memref<128x64xf32, #tpu.memory_space<vmem>>) offsets(%dma_start3A_25 : memref<128xi32, #tpu.memory_space<vmem>>) semaphore(%arg10 : memref<!tpu.dma_semaphore, #tpu.memory_space<semaphore_mem>>)
    %dma_start3A_29 = arith.constant 1 : i32
    %dma_start3A_30 = arith.constant 1 : i32
    %dma_start3A_31 = arith.constant 0 : i32
    %dma_start3A_32 = arith.constant 0 : i32
    %dma_start3A_33 = tpu.memref_slice %arg8[%dma_start3A_30, %dma_start3A_31, %dma_start3A_32] : memref<4x128x64xf32, #tpu.memory_space<vmem>> -> memref<1x128x64xf32, #tpu.memory_space<vmem>>
    %dma_start3A_34 = tpu.memref_squeeze %dma_start3A_33 : memref<1x128x64xf32, #tpu.memory_space<vmem>> -> memref<128x64xf32, #tpu.memory_space<vmem>>
    %dma_start3A_35 = arith.constant 0 : i32
    %dma_start3A_36 = tpu.memref_slice %arg6[%dma_start3A_29, %dma_start3A_35] : memref<160x128xi32, #tpu.memory_space<vmem>> -> memref<1x128xi32, #tpu.memory_space<vmem>>
    %dma_start3A_37 = tpu.memref_squeeze %dma_start3A_36 : memref<1x128xi32, #tpu.memory_space<vmem>> -> memref<128xi32, #tpu.memory_space<vmem>>
    %dma_start3A_38 = arith.constant 0 : i32
    %dma_start3A_39 = arith.constant 0 : i32
    %dma_start3A_40 = tpu.memref_slice %arg2[%dma_start3A_38, %dma_start3A_39] : memref<20480x64xf32, #tpu.memory_space<hbm>> -> memref<20480x64xf32, #tpu.memory_space<hbm>>
    tpu.enqueue_indirect_dma source(%dma_start3A_40 : memref<20480x64xf32, #tpu.memory_space<hbm>>) target(%dma_start3A_34 : memref<128x64xf32, #tpu.memory_space<vmem>>) offsets(%dma_start3A_37 : memref<128xi32, #tpu.memory_space<vmem>>) semaphore(%arg11 : memref<!tpu.dma_semaphore, #tpu.memory_space<semaphore_mem>>)
    %dma_wait3A = arith.constant 0 : i32
    %dma_wait3A_41 = arith.constant 0 : i32
    %dma_wait3A_42 = arith.constant 0 : i32
    %dma_wait3A_43 = tpu.memref_slice %arg8[%dma_wait3A, %dma_wait3A_41, %dma_wait3A_42] : memref<4x128x64xf32, #tpu.memory_space<vmem>> -> memref<1x128x64xf32, #tpu.memory_space<vmem>>
    %dma_wait3A_44 = tpu.memref_squeeze %dma_wait3A_43 : memref<1x128x64xf32, #tpu.memory_space<vmem>> -> memref<128x64xf32, #tpu.memory_space<vmem>>
    %dma_wait3A_45 = arith.constant 0 : i32
    %dma_wait3A_46 = arith.constant 0 : i32
    %dma_wait3A_47 = tpu.memref_slice %arg2[%dma_wait3A_45, %dma_wait3A_46] : memref<20480x64xf32, #tpu.memory_space<hbm>> -> memref<128x64xf32, #tpu.memory_space<hbm>>
    %dma_wait3A_48 = arith.constant 0 : i32
    %dma_wait3A_49 = arith.constant 0 : i32
    %dma_wait3A_50 = tpu.memref_slice %arg8[%dma_wait3A, %dma_wait3A_48, %dma_wait3A_49] : memref<4x128x64xf32, #tpu.memory_space<vmem>> -> memref<1x128x64xf32, #tpu.memory_space<vmem>>
    %dma_wait3A_51 = tpu.memref_squeeze %dma_wait3A_50 : memref<1x128x64xf32, #tpu.memory_space<vmem>> -> memref<128x64xf32, #tpu.memory_space<vmem>>
    %dma_wait3A_52 = arith.constant 0 : i32
    %dma_wait3A_53 = arith.constant 0 : i32
    %dma_wait3A_54 = tpu.memref_slice %arg2[%dma_wait3A_52, %dma_wait3A_53] : memref<20480x64xf32, #tpu.memory_space<hbm>> -> memref<128x64xf32, #tpu.memory_space<hbm>>
    tpu.wait_dma2 semaphore(%arg10 : memref<!tpu.dma_semaphore, #tpu.memory_space<semaphore_mem>>) src(%dma_wait3A_54 : memref<128x64xf32, #tpu.memory_space<hbm>>) dst(%dma_wait3A_51 : memref<128x64xf32, #tpu.memory_space<vmem>>)
    %dma_start3A_55 = arith.constant 0 : i32
    %dma_start3A_56 = arith.constant 0 : i32
    %dma_start3A_57 = arith.constant 0 : i32
    %dma_start3A_58 = arith.constant 0 : i32
    %dma_start3A_59 = tpu.memref_slice %arg8[%dma_start3A_55, %dma_start3A_57, %dma_start3A_58] : memref<4x128x64xf32, #tpu.memory_space<vmem>> -> memref<1x128x64xf32, #tpu.memory_space<vmem>>
    %dma_start3A_60 = tpu.memref_squeeze %dma_start3A_59 : memref<1x128x64xf32, #tpu.memory_space<vmem>> -> memref<128x64xf32, #tpu.memory_space<vmem>>
    %dma_start3A_61 = arith.constant 0 : i32
    %dma_start3A_62 = tpu.memref_slice %arg7[%dma_start3A_56, %dma_start3A_61] : memref<160x128xi32, #tpu.memory_space<vmem>> -> memref<1x128xi32, #tpu.memory_space<vmem>>
    %dma_start3A_63 = tpu.memref_squeeze %dma_start3A_62 : memref<1x128xi32, #tpu.memory_space<vmem>> -> memref<128xi32, #tpu.memory_space<vmem>>
    %dma_start3A_64 = arith.constant 0 : i32
    %dma_start3A_65 = arith.constant 0 : i32
    %dma_start3A_66 = tpu.memref_slice %arg9[%dma_start3A_64, %dma_start3A_65] : memref<10240x64xf32, #tpu.memory_space<vmem_shared>> -> memref<10240x64xf32, #tpu.memory_space<vmem_shared>>
    tpu.enqueue_indirect_dma source(%dma_start3A_60 : memref<128x64xf32, #tpu.memory_space<vmem>>) target(%dma_start3A_66 : memref<10240x64xf32, #tpu.memory_space<vmem_shared>>) offsets(%dma_start3A_63 : memref<128xi32, #tpu.memory_space<vmem>>) semaphore(%arg14 : memref<!tpu.dma_semaphore, #tpu.memory_space<semaphore_mem>>) {add = true}
    %dma_start3A_67 = arith.constant 2 : i32
    %dma_start3A_68 = arith.constant 2 : i32
    %dma_start3A_69 = arith.constant 0 : i32
    %dma_start3A_70 = arith.constant 0 : i32
    %dma_start3A_71 = tpu.memref_slice %arg8[%dma_start3A_68, %dma_start3A_69, %dma_start3A_70] : memref<4x128x64xf32, #tpu.memory_space<vmem>> -> memref<1x128x64xf32, #tpu.memory_space<vmem>>
    %dma_start3A_72 = tpu.memref_squeeze %dma_start3A_71 : memref<1x128x64xf32, #tpu.memory_space<vmem>> -> memref<128x64xf32, #tpu.memory_space<vmem>>
    %dma_start3A_73 = arith.constant 0 : i32
    %dma_start3A_74 = tpu.memref_slice %arg6[%dma_start3A_67, %dma_start3A_73] : memref<160x128xi32, #tpu.memory_space<vmem>> -> memref<1x128xi32, #tpu.memory_space<vmem>>
    %dma_start3A_75 = tpu.memref_squeeze %dma_start3A_74 : memref<1x128xi32, #tpu.memory_space<vmem>> -> memref<128xi32, #tpu.memory_space<vmem>>
    %dma_start3A_76 = arith.constant 0 : i32
    %dma_start3A_77 = arith.constant 0 : i32
    %dma_start3A_78 = tpu.memref_slice %arg2[%dma_start3A_76, %dma_start3A_77] : memref<20480x64xf32, #tpu.memory_space<hbm>> -> memref<20480x64xf32, #tpu.memory_space<hbm>>
    tpu.enqueue_indirect_dma source(%dma_start3A_78 : memref<20480x64xf32, #tpu.memory_space<hbm>>) target(%dma_start3A_72 : memref<128x64xf32, #tpu.memory_space<vmem>>) offsets(%dma_start3A_75 : memref<128xi32, #tpu.memory_space<vmem>>) semaphore(%arg12 : memref<!tpu.dma_semaphore, #tpu.memory_space<semaphore_mem>>)
    %dma_wait3A_79 = arith.constant 1 : i32
    %dma_wait3A_80 = arith.constant 0 : i32
    %dma_wait3A_81 = arith.constant 0 : i32
    %dma_wait3A_82 = tpu.memref_slice %arg8[%dma_wait3A_79, %dma_wait3A_80, %dma_wait3A_81] : memref<4x128x64xf32, #tpu.memory_space<vmem>> -> memref<1x128x64xf32, #tpu.memory_space<vmem>>
    %dma_wait3A_83 = tpu.memref_squeeze %dma_wait3A_82 : memref<1x128x64xf32, #tpu.memory_space<vmem>> -> memref<128x64xf32, #tpu.memory_space<vmem>>
    %dma_wait3A_84 = arith.constant 0 : i32
    %dma_wait3A_85 = arith.constant 0 : i32
    %dma_wait3A_86 = tpu.memref_slice %arg2[%dma_wait3A_84, %dma_wait3A_85] : memref<20480x64xf32, #tpu.memory_space<hbm>> -> memref<128x64xf32, #tpu.memory_space<hbm>>
    %dma_wait3A_87 = arith.constant 0 : i32
    %dma_wait3A_88 = arith.constant 0 : i32
    %dma_wait3A_89 = tpu.memref_slice %arg8[%dma_wait3A_79, %dma_wait3A_87, %dma_wait3A_88] : memref<4x128x64xf32, #tpu.memory_space<vmem>> -> memref<1x128x64xf32, #tpu.memory_space<vmem>>
    %dma_wait3A_90 = tpu.memref_squeeze %dma_wait3A_89 : memref<1x128x64xf32, #tpu.memory_space<vmem>> -> memref<128x64xf32, #tpu.memory_space<vmem>>
    %dma_wait3A_91 = arith.constant 0 : i32
    %dma_wait3A_92 = arith.constant 0 : i32
    %dma_wait3A_93 = tpu.memref_slice %arg2[%dma_wait3A_91, %dma_wait3A_92] : memref<20480x64xf32, #tpu.memory_space<hbm>> -> memref<128x64xf32, #tpu.memory_space<hbm>>
    tpu.wait_dma2 semaphore(%arg11 : memref<!tpu.dma_semaphore, #tpu.memory_space<semaphore_mem>>) src(%dma_wait3A_93 : memref<128x64xf32, #tpu.memory_space<hbm>>) dst(%dma_wait3A_90 : memref<128x64xf32, #tpu.memory_space<vmem>>)
    %dma_start3A_94 = arith.constant 1 : i32
    %dma_start3A_95 = arith.constant 1 : i32
    %dma_start3A_96 = arith.constant 0 : i32
    %dma_start3A_97 = arith.constant 0 : i32
    %dma_start3A_98 = tpu.memref_slice %arg8[%dma_start3A_94, %dma_start3A_96, %dma_start3A_97] : memref<4x128x64xf32, #tpu.memory_space<vmem>> -> memref<1x128x64xf32, #tpu.memory_space<vmem>>
    %dma_start3A_99 = tpu.memref_squeeze %dma_start3A_98 : memref<1x128x64xf32, #tpu.memory_space<vmem>> -> memref<128x64xf32, #tpu.memory_space<vmem>>
    %dma_start3A_100 = arith.constant 0 : i32
    %dma_start3A_101 = tpu.memref_slice %arg7[%dma_start3A_95, %dma_start3A_100] : memref<160x128xi32, #tpu.memory_space<vmem>> -> memref<1x128xi32, #tpu.memory_space<vmem>>
    %dma_start3A_102 = tpu.memref_squeeze %dma_start3A_101 : memref<1x128xi32, #tpu.memory_space<vmem>> -> memref<128xi32, #tpu.memory_space<vmem>>
    %dma_start3A_103 = arith.constant 0 : i32
    %dma_start3A_104 = arith.constant 0 : i32
    %dma_start3A_105 = tpu.memref_slice %arg9[%dma_start3A_103, %dma_start3A_104] : memref<10240x64xf32, #tpu.memory_space<vmem_shared>> -> memref<10240x64xf32, #tpu.memory_space<vmem_shared>>
    tpu.enqueue_indirect_dma source(%dma_start3A_99 : memref<128x64xf32, #tpu.memory_space<vmem>>) target(%dma_start3A_105 : memref<10240x64xf32, #tpu.memory_space<vmem_shared>>) offsets(%dma_start3A_102 : memref<128xi32, #tpu.memory_space<vmem>>) semaphore(%arg15 : memref<!tpu.dma_semaphore, #tpu.memory_space<semaphore_mem>>) {add = true}
    %dma_start3A_106 = arith.constant 3 : i32
    %dma_start3A_107 = arith.constant 3 : i32
    %dma_start3A_108 = arith.constant 0 : i32
    %dma_start3A_109 = arith.constant 0 : i32
    %dma_start3A_110 = tpu.memref_slice %arg8[%dma_start3A_107, %dma_start3A_108, %dma_start3A_109] : memref<4x128x64xf32, #tpu.memory_space<vmem>> -> memref<1x128x64xf32, #tpu.memory_space<vmem>>
    %dma_start3A_111 = tpu.memref_squeeze %dma_start3A_110 : memref<1x128x64xf32, #tpu.memory_space<vmem>> -> memref<128x64xf32, #tpu.memory_space<vmem>>
    %dma_start3A_112 = arith.constant 0 : i32
    %dma_start3A_113 = tpu.memref_slice %arg6[%dma_start3A_106, %dma_start3A_112] : memref<160x128xi32, #tpu.memory_space<vmem>> -> memref<1x128xi32, #tpu.memory_space<vmem>>
    %dma_start3A_114 = tpu.memref_squeeze %dma_start3A_113 : memref<1x128xi32, #tpu.memory_space<vmem>> -> memref<128xi32, #tpu.memory_space<vmem>>
    %dma_start3A_115 = arith.constant 0 : i32
    %dma_start3A_116 = arith.constant 0 : i32
    %dma_start3A_117 = tpu.memref_slice %arg2[%dma_start3A_115, %dma_start3A_116] : memref<20480x64xf32, #tpu.memory_space<hbm>> -> memref<20480x64xf32, #tpu.memory_space<hbm>>
    tpu.enqueue_indirect_dma source(%dma_start3A_117 : memref<20480x64xf32, #tpu.memory_space<hbm>>) target(%dma_start3A_111 : memref<128x64xf32, #tpu.memory_space<vmem>>) offsets(%dma_start3A_114 : memref<128xi32, #tpu.memory_space<vmem>>) semaphore(%arg13 : memref<!tpu.dma_semaphore, #tpu.memory_space<semaphore_mem>>)
    %scan3A = arith.constant 0 : i32
    %scan3A_118 = arith.constant 0 : i32
    %scan3A_119 = arith.constant 39 : i32
    %scan3A_120 = arith.addi %scan3A_118, %scan3A_119 : i32
    %scan3A_121 = arith.constant 1 : i32
    scf.for %scan3A_242 = %scan3A_118 to %scan3A_120 step %scan3A_121  : i32 {
      %mul3A_243 = arith.constant 4 : i32
      %mul3A_244 = arith.muli %mul3A_243, %scan3A_242 : i32
      %add3A_245 = arith.constant 2 : i32
      %add3A_246 = arith.addi %add3A_245, %mul3A_244 : i32
      %dma_wait3A_247 = arith.constant 2 : i32
      %dma_wait3A_248 = arith.constant 0 : i32
      %dma_wait3A_249 = arith.constant 0 : i32
      %dma_wait3A_250 = tpu.memref_slice %arg8[%dma_wait3A_247, %dma_wait3A_248, %dma_wait3A_249] : memref<4x128x64xf32, #tpu.memory_space<vmem>> -> memref<1x128x64xf32, #tpu.memory_space<vmem>>
      %dma_wait3A_251 = tpu.memref_squeeze %dma_wait3A_250 : memref<1x128x64xf32, #tpu.memory_space<vmem>> -> memref<128x64xf32, #tpu.memory_space<vmem>>
      %dma_wait3A_252 = arith.constant 0 : i32
      %dma_wait3A_253 = arith.constant 0 : i32
      %dma_wait3A_254 = tpu.memref_slice %arg2[%dma_wait3A_252, %dma_wait3A_253] : memref<20480x64xf32, #tpu.memory_space<hbm>> -> memref<128x64xf32, #tpu.memory_space<hbm>>
      %dma_wait3A_255 = arith.constant 0 : i32
      %dma_wait3A_256 = arith.constant 0 : i32
      %dma_wait3A_257 = tpu.memref_slice %arg8[%dma_wait3A_247, %dma_wait3A_255, %dma_wait3A_256] : memref<4x128x64xf32, #tpu.memory_space<vmem>> -> memref<1x128x64xf32, #tpu.memory_space<vmem>>
      %dma_wait3A_258 = tpu.memref_squeeze %dma_wait3A_257 : memref<1x128x64xf32, #tpu.memory_space<vmem>> -> memref<128x64xf32, #tpu.memory_space<vmem>>
      %dma_wait3A_259 = arith.constant 0 : i32
      %dma_wait3A_260 = arith.constant 0 : i32
      %dma_wait3A_261 = tpu.memref_slice %arg2[%dma_wait3A_259, %dma_wait3A_260] : memref<20480x64xf32, #tpu.memory_space<hbm>> -> memref<128x64xf32, #tpu.memory_space<hbm>>
      tpu.wait_dma2 semaphore(%arg12 : memref<!tpu.dma_semaphore, #tpu.memory_space<semaphore_mem>>) src(%dma_wait3A_261 : memref<128x64xf32, #tpu.memory_space<hbm>>) dst(%dma_wait3A_258 : memref<128x64xf32, #tpu.memory_space<vmem>>)
      %add3A_262 = arith.constant 0 : i32
      %add3A_263 = arith.addi %add3A_246, %add3A_262 : i32
      %dma_start3A_264 = arith.constant 2 : i32
      %dma_start3A_265 = arith.constant 0 : i32
      %dma_start3A_266 = arith.constant 0 : i32
      %dma_start3A_267 = tpu.memref_slice %arg8[%dma_start3A_264, %dma_start3A_265, %dma_start3A_266] : memref<4x128x64xf32, #tpu.memory_space<vmem>> -> memref<1x128x64xf32, #tpu.memory_space<vmem>>
      %dma_start3A_268 = tpu.memref_squeeze %dma_start3A_267 : memref<1x128x64xf32, #tpu.memory_space<vmem>> -> memref<128x64xf32, #tpu.memory_space<vmem>>
      %dma_start3A_269 = arith.constant 0 : i32
      %dma_start3A_270 = tpu.memref_slice %arg7[%add3A_263, %dma_start3A_269] : memref<160x128xi32, #tpu.memory_space<vmem>> -> memref<1x128xi32, #tpu.memory_space<vmem>>
      %dma_start3A_271 = tpu.memref_squeeze %dma_start3A_270 : memref<1x128xi32, #tpu.memory_space<vmem>> -> memref<128xi32, #tpu.memory_space<vmem>>
      %dma_start3A_272 = arith.constant 0 : i32
      %dma_start3A_273 = arith.constant 0 : i32
      %dma_start3A_274 = tpu.memref_slice %arg9[%dma_start3A_272, %dma_start3A_273] : memref<10240x64xf32, #tpu.memory_space<vmem_shared>> -> memref<10240x64xf32, #tpu.memory_space<vmem_shared>>
      tpu.enqueue_indirect_dma source(%dma_start3A_268 : memref<128x64xf32, #tpu.memory_space<vmem>>) target(%dma_start3A_274 : memref<10240x64xf32, #tpu.memory_space<vmem_shared>>) offsets(%dma_start3A_271 : memref<128xi32, #tpu.memory_space<vmem>>) semaphore(%arg16 : memref<!tpu.dma_semaphore, #tpu.memory_space<semaphore_mem>>) {add = true}
      %dma_wait3A_275 = arith.constant 0 : i32
      %dma_wait3A_276 = arith.constant 0 : i32
      %dma_wait3A_277 = arith.constant 0 : i32
      %dma_wait3A_278 = tpu.memref_slice %arg8[%dma_wait3A_275, %dma_wait3A_276, %dma_wait3A_277] : memref<4x128x64xf32, #tpu.memory_space<vmem>> -> memref<1x128x64xf32, #tpu.memory_space<vmem>>
      %dma_wait3A_279 = tpu.memref_squeeze %dma_wait3A_278 : memref<1x128x64xf32, #tpu.memory_space<vmem>> -> memref<128x64xf32, #tpu.memory_space<vmem>>
      %dma_wait3A_280 = arith.constant 0 : i32
      %dma_wait3A_281 = arith.constant 0 : i32
      %dma_wait3A_282 = tpu.memref_slice %arg9[%dma_wait3A_280, %dma_wait3A_281] : memref<10240x64xf32, #tpu.memory_space<vmem_shared>> -> memref<128x64xf32, #tpu.memory_space<vmem_shared>>
      %dma_wait3A_283 = arith.constant 0 : i32
      %dma_wait3A_284 = arith.constant 0 : i32
      %dma_wait3A_285 = tpu.memref_slice %arg9[%dma_wait3A_283, %dma_wait3A_284] : memref<10240x64xf32, #tpu.memory_space<vmem_shared>> -> memref<128x64xf32, #tpu.memory_space<vmem_shared>>
      %dma_wait3A_286 = arith.constant 0 : i32
      %dma_wait3A_287 = arith.constant 0 : i32
      %dma_wait3A_288 = tpu.memref_slice %arg8[%dma_wait3A_275, %dma_wait3A_286, %dma_wait3A_287] : memref<4x128x64xf32, #tpu.memory_space<vmem>> -> memref<1x128x64xf32, #tpu.memory_space<vmem>>
      %dma_wait3A_289 = tpu.memref_squeeze %dma_wait3A_288 : memref<1x128x64xf32, #tpu.memory_space<vmem>> -> memref<128x64xf32, #tpu.memory_space<vmem>>
      tpu.wait_dma2 semaphore(%arg14 : memref<!tpu.dma_semaphore, #tpu.memory_space<semaphore_mem>>) src(%dma_wait3A_289 : memref<128x64xf32, #tpu.memory_space<vmem>>) dst(%dma_wait3A_285 : memref<128x64xf32, #tpu.memory_space<vmem_shared>>)
      %add3A_290 = arith.constant 0 : i32
      %add3A_291 = arith.addi %add3A_246, %add3A_290 : i32
      %add3A_292 = arith.constant 2 : i32
      %add3A_293 = arith.addi %add3A_291, %add3A_292 : i32
      %dma_start3A_294 = arith.constant 0 : i32
      %dma_start3A_295 = arith.constant 0 : i32
      %dma_start3A_296 = arith.constant 0 : i32
      %dma_start3A_297 = tpu.memref_slice %arg8[%dma_start3A_294, %dma_start3A_295, %dma_start3A_296] : memref<4x128x64xf32, #tpu.memory_space<vmem>> -> memref<1x128x64xf32, #tpu.memory_space<vmem>>
      %dma_start3A_298 = tpu.memref_squeeze %dma_start3A_297 : memref<1x128x64xf32, #tpu.memory_space<vmem>> -> memref<128x64xf32, #tpu.memory_space<vmem>>
      %dma_start3A_299 = arith.constant 0 : i32
      %dma_start3A_300 = tpu.memref_slice %arg6[%add3A_293, %dma_start3A_299] : memref<160x128xi32, #tpu.memory_space<vmem>> -> memref<1x128xi32, #tpu.memory_space<vmem>>
      %dma_start3A_301 = tpu.memref_squeeze %dma_start3A_300 : memref<1x128xi32, #tpu.memory_space<vmem>> -> memref<128xi32, #tpu.memory_space<vmem>>
      %dma_start3A_302 = arith.constant 0 : i32
      %dma_start3A_303 = arith.constant 0 : i32
      %dma_start3A_304 = tpu.memref_slice %arg2[%dma_start3A_302, %dma_start3A_303] : memref<20480x64xf32, #tpu.memory_space<hbm>> -> memref<20480x64xf32, #tpu.memory_space<hbm>>
      tpu.enqueue_indirect_dma source(%dma_start3A_304 : memref<20480x64xf32, #tpu.memory_space<hbm>>) target(%dma_start3A_298 : memref<128x64xf32, #tpu.memory_space<vmem>>) offsets(%dma_start3A_301 : memref<128xi32, #tpu.memory_space<vmem>>) semaphore(%arg10 : memref<!tpu.dma_semaphore, #tpu.memory_space<semaphore_mem>>)
      %dma_wait3A_305 = arith.constant 3 : i32
      %dma_wait3A_306 = arith.constant 0 : i32
      %dma_wait3A_307 = arith.constant 0 : i32
      %dma_wait3A_308 = tpu.memref_slice %arg8[%dma_wait3A_305, %dma_wait3A_306, %dma_wait3A_307] : memref<4x128x64xf32, #tpu.memory_space<vmem>> -> memref<1x128x64xf32, #tpu.memory_space<vmem>>
      %dma_wait3A_309 = tpu.memref_squeeze %dma_wait3A_308 : memref<1x128x64xf32, #tpu.memory_space<vmem>> -> memref<128x64xf32, #tpu.memory_space<vmem>>
      %dma_wait3A_310 = arith.constant 0 : i32
      %dma_wait3A_311 = arith.constant 0 : i32
      %dma_wait3A_312 = tpu.memref_slice %arg2[%dma_wait3A_310, %dma_wait3A_311] : memref<20480x64xf32, #tpu.memory_space<hbm>> -> memref<128x64xf32, #tpu.memory_space<hbm>>
      %dma_wait3A_313 = arith.constant 0 : i32
      %dma_wait3A_314 = arith.constant 0 : i32
      %dma_wait3A_315 = tpu.memref_slice %arg8[%dma_wait3A_305, %dma_wait3A_313, %dma_wait3A_314] : memref<4x128x64xf32, #tpu.memory_space<vmem>> -> memref<1x128x64xf32, #tpu.memory_space<vmem>>
      %dma_wait3A_316 = tpu.memref_squeeze %dma_wait3A_315 : memref<1x128x64xf32, #tpu.memory_space<vmem>> -> memref<128x64xf32, #tpu.memory_space<vmem>>
      %dma_wait3A_317 = arith.constant 0 : i32
      %dma_wait3A_318 = arith.constant 0 : i32
      %dma_wait3A_319 = tpu.memref_slice %arg2[%dma_wait3A_317, %dma_wait3A_318] : memref<20480x64xf32, #tpu.memory_space<hbm>> -> memref<128x64xf32, #tpu.memory_space<hbm>>
      tpu.wait_dma2 semaphore(%arg13 : memref<!tpu.dma_semaphore, #tpu.memory_space<semaphore_mem>>) src(%dma_wait3A_319 : memref<128x64xf32, #tpu.memory_space<hbm>>) dst(%dma_wait3A_316 : memref<128x64xf32, #tpu.memory_space<vmem>>)
      %add3A_320 = arith.constant 1 : i32
      %add3A_321 = arith.addi %add3A_246, %add3A_320 : i32
      %dma_start3A_322 = arith.constant 3 : i32
      %dma_start3A_323 = arith.constant 0 : i32
      %dma_start3A_324 = arith.constant 0 : i32
      %dma_start3A_325 = tpu.memref_slice %arg8[%dma_start3A_322, %dma_start3A_323, %dma_start3A_324] : memref<4x128x64xf32, #tpu.memory_space<vmem>> -> memref<1x128x64xf32, #tpu.memory_space<vmem>>
      %dma_start3A_326 = tpu.memref_squeeze %dma_start3A_325 : memref<1x128x64xf32, #tpu.memory_space<vmem>> -> memref<128x64xf32, #tpu.memory_space<vmem>>
      %dma_start3A_327 = arith.constant 0 : i32
      %dma_start3A_328 = tpu.memref_slice %arg7[%add3A_321, %dma_start3A_327] : memref<160x128xi32, #tpu.memory_space<vmem>> -> memref<1x128xi32, #tpu.memory_space<vmem>>
      %dma_start3A_329 = tpu.memref_squeeze %dma_start3A_328 : memref<1x128xi32, #tpu.memory_space<vmem>> -> memref<128xi32, #tpu.memory_space<vmem>>
      %dma_start3A_330 = arith.constant 0 : i32
      %dma_start3A_331 = arith.constant 0 : i32
      %dma_start3A_332 = tpu.memref_slice %arg9[%dma_start3A_330, %dma_start3A_331] : memref<10240x64xf32, #tpu.memory_space<vmem_shared>> -> memref<10240x64xf32, #tpu.memory_space<vmem_shared>>
      tpu.enqueue_indirect_dma source(%dma_start3A_326 : memref<128x64xf32, #tpu.memory_space<vmem>>) target(%dma_start3A_332 : memref<10240x64xf32, #tpu.memory_space<vmem_shared>>) offsets(%dma_start3A_329 : memref<128xi32, #tpu.memory_space<vmem>>) semaphore(%arg17 : memref<!tpu.dma_semaphore, #tpu.memory_space<semaphore_mem>>) {add = true}
      %dma_wait3A_333 = arith.constant 1 : i32
      %dma_wait3A_334 = arith.constant 0 : i32
      %dma_wait3A_335 = arith.constant 0 : i32
      %dma_wait3A_336 = tpu.memref_slice %arg8[%dma_wait3A_333, %dma_wait3A_334, %dma_wait3A_335] : memref<4x128x64xf32, #tpu.memory_space<vmem>> -> memref<1x128x64xf32, #tpu.memory_space<vmem>>
      %dma_wait3A_337 = tpu.memref_squeeze %dma_wait3A_336 : memref<1x128x64xf32, #tpu.memory_space<vmem>> -> memref<128x64xf32, #tpu.memory_space<vmem>>
      %dma_wait3A_338 = arith.constant 0 : i32
      %dma_wait3A_339 = arith.constant 0 : i32
      %dma_wait3A_340 = tpu.memref_slice %arg9[%dma_wait3A_338, %dma_wait3A_339] : memref<10240x64xf32, #tpu.memory_space<vmem_shared>> -> memref<128x64xf32, #tpu.memory_space<vmem_shared>>
      %dma_wait3A_341 = arith.constant 0 : i32
      %dma_wait3A_342 = arith.constant 0 : i32
      %dma_wait3A_343 = tpu.memref_slice %arg9[%dma_wait3A_341, %dma_wait3A_342] : memref<10240x64xf32, #tpu.memory_space<vmem_shared>> -> memref<128x64xf32, #tpu.memory_space<vmem_shared>>
      %dma_wait3A_344 = arith.constant 0 : i32
      %dma_wait3A_345 = arith.constant 0 : i32
      %dma_wait3A_346 = tpu.memref_slice %arg8[%dma_wait3A_333, %dma_wait3A_344, %dma_wait3A_345] : memref<4x128x64xf32, #tpu.memory_space<vmem>> -> memref<1x128x64xf32, #tpu.memory_space<vmem>>
      %dma_wait3A_347 = tpu.memref_squeeze %dma_wait3A_346 : memref<1x128x64xf32, #tpu.memory_space<vmem>> -> memref<128x64xf32, #tpu.memory_space<vmem>>
      tpu.wait_dma2 semaphore(%arg15 : memref<!tpu.dma_semaphore, #tpu.memory_space<semaphore_mem>>) src(%dma_wait3A_347 : memref<128x64xf32, #tpu.memory_space<vmem>>) dst(%dma_wait3A_343 : memref<128x64xf32, #tpu.memory_space<vmem_shared>>)
      %add3A_348 = arith.constant 1 : i32
      %add3A_349 = arith.addi %add3A_246, %add3A_348 : i32
      %add3A_350 = arith.constant 2 : i32
      %add3A_351 = arith.addi %add3A_349, %add3A_350 : i32
      %dma_start3A_352 = arith.constant 1 : i32
      %dma_start3A_353 = arith.constant 0 : i32
      %dma_start3A_354 = arith.constant 0 : i32
      %dma_start3A_355 = tpu.memref_slice %arg8[%dma_start3A_352, %dma_start3A_353, %dma_start3A_354] : memref<4x128x64xf32, #tpu.memory_space<vmem>> -> memref<1x128x64xf32, #tpu.memory_space<vmem>>
      %dma_start3A_356 = tpu.memref_squeeze %dma_start3A_355 : memref<1x128x64xf32, #tpu.memory_space<vmem>> -> memref<128x64xf32, #tpu.memory_space<vmem>>
      %dma_start3A_357 = arith.constant 0 : i32
      %dma_start3A_358 = tpu.memref_slice %arg6[%add3A_351, %dma_start3A_357] : memref<160x128xi32, #tpu.memory_space<vmem>> -> memref<1x128xi32, #tpu.memory_space<vmem>>
      %dma_start3A_359 = tpu.memref_squeeze %dma_start3A_358 : memref<1x128xi32, #tpu.memory_space<vmem>> -> memref<128xi32, #tpu.memory_space<vmem>>
      %dma_start3A_360 = arith.constant 0 : i32
      %dma_start3A_361 = arith.constant 0 : i32
      %dma_start3A_362 = tpu.memref_slice %arg2[%dma_start3A_360, %dma_start3A_361] : memref<20480x64xf32, #tpu.memory_space<hbm>> -> memref<20480x64xf32, #tpu.memory_space<hbm>>
      tpu.enqueue_indirect_dma source(%dma_start3A_362 : memref<20480x64xf32, #tpu.memory_space<hbm>>) target(%dma_start3A_356 : memref<128x64xf32, #tpu.memory_space<vmem>>) offsets(%dma_start3A_359 : memref<128xi32, #tpu.memory_space<vmem>>) semaphore(%arg11 : memref<!tpu.dma_semaphore, #tpu.memory_space<semaphore_mem>>)
      %dma_wait3A_363 = arith.constant 0 : i32
      %dma_wait3A_364 = arith.constant 0 : i32
      %dma_wait3A_365 = arith.constant 0 : i32
      %dma_wait3A_366 = tpu.memref_slice %arg8[%dma_wait3A_363, %dma_wait3A_364, %dma_wait3A_365] : memref<4x128x64xf32, #tpu.memory_space<vmem>> -> memref<1x128x64xf32, #tpu.memory_space<vmem>>
      %dma_wait3A_367 = tpu.memref_squeeze %dma_wait3A_366 : memref<1x128x64xf32, #tpu.memory_space<vmem>> -> memref<128x64xf32, #tpu.memory_space<vmem>>
      %dma_wait3A_368 = arith.constant 0 : i32
      %dma_wait3A_369 = arith.constant 0 : i32
      %dma_wait3A_370 = tpu.memref_slice %arg2[%dma_wait3A_368, %dma_wait3A_369] : memref<20480x64xf32, #tpu.memory_space<hbm>> -> memref<128x64xf32, #tpu.memory_space<hbm>>
      %dma_wait3A_371 = arith.constant 0 : i32
      %dma_wait3A_372 = arith.constant 0 : i32
      %dma_wait3A_373 = tpu.memref_slice %arg8[%dma_wait3A_363, %dma_wait3A_371, %dma_wait3A_372] : memref<4x128x64xf32, #tpu.memory_space<vmem>> -> memref<1x128x64xf32, #tpu.memory_space<vmem>>
      %dma_wait3A_374 = tpu.memref_squeeze %dma_wait3A_373 : memref<1x128x64xf32, #tpu.memory_space<vmem>> -> memref<128x64xf32, #tpu.memory_space<vmem>>
      %dma_wait3A_375 = arith.constant 0 : i32
      %dma_wait3A_376 = arith.constant 0 : i32
      %dma_wait3A_377 = tpu.memref_slice %arg2[%dma_wait3A_375, %dma_wait3A_376] : memref<20480x64xf32, #tpu.memory_space<hbm>> -> memref<128x64xf32, #tpu.memory_space<hbm>>
      tpu.wait_dma2 semaphore(%arg10 : memref<!tpu.dma_semaphore, #tpu.memory_space<semaphore_mem>>) src(%dma_wait3A_377 : memref<128x64xf32, #tpu.memory_space<hbm>>) dst(%dma_wait3A_374 : memref<128x64xf32, #tpu.memory_space<vmem>>)
      %add3A_378 = arith.constant 2 : i32
      %add3A_379 = arith.addi %add3A_246, %add3A_378 : i32
      %dma_start3A_380 = arith.constant 0 : i32
      %dma_start3A_381 = arith.constant 0 : i32
      %dma_start3A_382 = arith.constant 0 : i32
      %dma_start3A_383 = tpu.memref_slice %arg8[%dma_start3A_380, %dma_start3A_381, %dma_start3A_382] : memref<4x128x64xf32, #tpu.memory_space<vmem>> -> memref<1x128x64xf32, #tpu.memory_space<vmem>>
      %dma_start3A_384 = tpu.memref_squeeze %dma_start3A_383 : memref<1x128x64xf32, #tpu.memory_space<vmem>> -> memref<128x64xf32, #tpu.memory_space<vmem>>
      %dma_start3A_385 = arith.constant 0 : i32
      %dma_start3A_386 = tpu.memref_slice %arg7[%add3A_379, %dma_start3A_385] : memref<160x128xi32, #tpu.memory_space<vmem>> -> memref<1x128xi32, #tpu.memory_space<vmem>>
      %dma_start3A_387 = tpu.memref_squeeze %dma_start3A_386 : memref<1x128xi32, #tpu.memory_space<vmem>> -> memref<128xi32, #tpu.memory_space<vmem>>
      %dma_start3A_388 = arith.constant 0 : i32
      %dma_start3A_389 = arith.constant 0 : i32
      %dma_start3A_390 = tpu.memref_slice %arg9[%dma_start3A_388, %dma_start3A_389] : memref<10240x64xf32, #tpu.memory_space<vmem_shared>> -> memref<10240x64xf32, #tpu.memory_space<vmem_shared>>
      tpu.enqueue_indirect_dma source(%dma_start3A_384 : memref<128x64xf32, #tpu.memory_space<vmem>>) target(%dma_start3A_390 : memref<10240x64xf32, #tpu.memory_space<vmem_shared>>) offsets(%dma_start3A_387 : memref<128xi32, #tpu.memory_space<vmem>>) semaphore(%arg14 : memref<!tpu.dma_semaphore, #tpu.memory_space<semaphore_mem>>) {add = true}
      %dma_wait3A_391 = arith.constant 2 : i32
      %dma_wait3A_392 = arith.constant 0 : i32
      %dma_wait3A_393 = arith.constant 0 : i32
      %dma_wait3A_394 = tpu.memref_slice %arg8[%dma_wait3A_391, %dma_wait3A_392, %dma_wait3A_393] : memref<4x128x64xf32, #tpu.memory_space<vmem>> -> memref<1x128x64xf32, #tpu.memory_space<vmem>>
      %dma_wait3A_395 = tpu.memref_squeeze %dma_wait3A_394 : memref<1x128x64xf32, #tpu.memory_space<vmem>> -> memref<128x64xf32, #tpu.memory_space<vmem>>
      %dma_wait3A_396 = arith.constant 0 : i32
      %dma_wait3A_397 = arith.constant 0 : i32
      %dma_wait3A_398 = tpu.memref_slice %arg9[%dma_wait3A_396, %dma_wait3A_397] : memref<10240x64xf32, #tpu.memory_space<vmem_shared>> -> memref<128x64xf32, #tpu.memory_space<vmem_shared>>
      %dma_wait3A_399 = arith.constant 0 : i32
      %dma_wait3A_400 = arith.constant 0 : i32
      %dma_wait3A_401 = tpu.memref_slice %arg9[%dma_wait3A_399, %dma_wait3A_400] : memref<10240x64xf32, #tpu.memory_space<vmem_shared>> -> memref<128x64xf32, #tpu.memory_space<vmem_shared>>
      %dma_wait3A_402 = arith.constant 0 : i32
      %dma_wait3A_403 = arith.constant 0 : i32
      %dma_wait3A_404 = tpu.memref_slice %arg8[%dma_wait3A_391, %dma_wait3A_402, %dma_wait3A_403] : memref<4x128x64xf32, #tpu.memory_space<vmem>> -> memref<1x128x64xf32, #tpu.memory_space<vmem>>
      %dma_wait3A_405 = tpu.memref_squeeze %dma_wait3A_404 : memref<1x128x64xf32, #tpu.memory_space<vmem>> -> memref<128x64xf32, #tpu.memory_space<vmem>>
      tpu.wait_dma2 semaphore(%arg16 : memref<!tpu.dma_semaphore, #tpu.memory_space<semaphore_mem>>) src(%dma_wait3A_405 : memref<128x64xf32, #tpu.memory_space<vmem>>) dst(%dma_wait3A_401 : memref<128x64xf32, #tpu.memory_space<vmem_shared>>)
      %add3A_406 = arith.constant 2 : i32
      %add3A_407 = arith.addi %add3A_246, %add3A_406 : i32
      %add3A_408 = arith.constant 2 : i32
      %add3A_409 = arith.addi %add3A_407, %add3A_408 : i32
      %dma_start3A_410 = arith.constant 2 : i32
      %dma_start3A_411 = arith.constant 0 : i32
      %dma_start3A_412 = arith.constant 0 : i32
      %dma_start3A_413 = tpu.memref_slice %arg8[%dma_start3A_410, %dma_start3A_411, %dma_start3A_412] : memref<4x128x64xf32, #tpu.memory_space<vmem>> -> memref<1x128x64xf32, #tpu.memory_space<vmem>>
      %dma_start3A_414 = tpu.memref_squeeze %dma_start3A_413 : memref<1x128x64xf32, #tpu.memory_space<vmem>> -> memref<128x64xf32, #tpu.memory_space<vmem>>
      %dma_start3A_415 = arith.constant 0 : i32
      %dma_start3A_416 = tpu.memref_slice %arg6[%add3A_409, %dma_start3A_415] : memref<160x128xi32, #tpu.memory_space<vmem>> -> memref<1x128xi32, #tpu.memory_space<vmem>>
      %dma_start3A_417 = tpu.memref_squeeze %dma_start3A_416 : memref<1x128xi32, #tpu.memory_space<vmem>> -> memref<128xi32, #tpu.memory_space<vmem>>
      %dma_start3A_418 = arith.constant 0 : i32
      %dma_start3A_419 = arith.constant 0 : i32
      %dma_start3A_420 = tpu.memref_slice %arg2[%dma_start3A_418, %dma_start3A_419] : memref<20480x64xf32, #tpu.memory_space<hbm>> -> memref<20480x64xf32, #tpu.memory_space<hbm>>
      tpu.enqueue_indirect_dma source(%dma_start3A_420 : memref<20480x64xf32, #tpu.memory_space<hbm>>) target(%dma_start3A_414 : memref<128x64xf32, #tpu.memory_space<vmem>>) offsets(%dma_start3A_417 : memref<128xi32, #tpu.memory_space<vmem>>) semaphore(%arg12 : memref<!tpu.dma_semaphore, #tpu.memory_space<semaphore_mem>>)
      %dma_wait3A_421 = arith.constant 1 : i32
      %dma_wait3A_422 = arith.constant 0 : i32
      %dma_wait3A_423 = arith.constant 0 : i32
      %dma_wait3A_424 = tpu.memref_slice %arg8[%dma_wait3A_421, %dma_wait3A_422, %dma_wait3A_423] : memref<4x128x64xf32, #tpu.memory_space<vmem>> -> memref<1x128x64xf32, #tpu.memory_space<vmem>>
      %dma_wait3A_425 = tpu.memref_squeeze %dma_wait3A_424 : memref<1x128x64xf32, #tpu.memory_space<vmem>> -> memref<128x64xf32, #tpu.memory_space<vmem>>
      %dma_wait3A_426 = arith.constant 0 : i32
      %dma_wait3A_427 = arith.constant 0 : i32
      %dma_wait3A_428 = tpu.memref_slice %arg2[%dma_wait3A_426, %dma_wait3A_427] : memref<20480x64xf32, #tpu.memory_space<hbm>> -> memref<128x64xf32, #tpu.memory_space<hbm>>
      %dma_wait3A_429 = arith.constant 0 : i32
      %dma_wait3A_430 = arith.constant 0 : i32
      %dma_wait3A_431 = tpu.memref_slice %arg8[%dma_wait3A_421, %dma_wait3A_429, %dma_wait3A_430] : memref<4x128x64xf32, #tpu.memory_space<vmem>> -> memref<1x128x64xf32, #tpu.memory_space<vmem>>
      %dma_wait3A_432 = tpu.memref_squeeze %dma_wait3A_431 : memref<1x128x64xf32, #tpu.memory_space<vmem>> -> memref<128x64xf32, #tpu.memory_space<vmem>>
      %dma_wait3A_433 = arith.constant 0 : i32
      %dma_wait3A_434 = arith.constant 0 : i32
      %dma_wait3A_435 = tpu.memref_slice %arg2[%dma_wait3A_433, %dma_wait3A_434] : memref<20480x64xf32, #tpu.memory_space<hbm>> -> memref<128x64xf32, #tpu.memory_space<hbm>>
      tpu.wait_dma2 semaphore(%arg11 : memref<!tpu.dma_semaphore, #tpu.memory_space<semaphore_mem>>) src(%dma_wait3A_435 : memref<128x64xf32, #tpu.memory_space<hbm>>) dst(%dma_wait3A_432 : memref<128x64xf32, #tpu.memory_space<vmem>>)
      %add3A_436 = arith.constant 3 : i32
      %add3A_437 = arith.addi %add3A_246, %add3A_436 : i32
      %dma_start3A_438 = arith.constant 1 : i32
      %dma_start3A_439 = arith.constant 0 : i32
      %dma_start3A_440 = arith.constant 0 : i32
      %dma_start3A_441 = tpu.memref_slice %arg8[%dma_start3A_438, %dma_start3A_439, %dma_start3A_440] : memref<4x128x64xf32, #tpu.memory_space<vmem>> -> memref<1x128x64xf32, #tpu.memory_space<vmem>>
      %dma_start3A_442 = tpu.memref_squeeze %dma_start3A_441 : memref<1x128x64xf32, #tpu.memory_space<vmem>> -> memref<128x64xf32, #tpu.memory_space<vmem>>
      %dma_start3A_443 = arith.constant 0 : i32
      %dma_start3A_444 = tpu.memref_slice %arg7[%add3A_437, %dma_start3A_443] : memref<160x128xi32, #tpu.memory_space<vmem>> -> memref<1x128xi32, #tpu.memory_space<vmem>>
      %dma_start3A_445 = tpu.memref_squeeze %dma_start3A_444 : memref<1x128xi32, #tpu.memory_space<vmem>> -> memref<128xi32, #tpu.memory_space<vmem>>
      %dma_start3A_446 = arith.constant 0 : i32
      %dma_start3A_447 = arith.constant 0 : i32
      %dma_start3A_448 = tpu.memref_slice %arg9[%dma_start3A_446, %dma_start3A_447] : memref<10240x64xf32, #tpu.memory_space<vmem_shared>> -> memref<10240x64xf32, #tpu.memory_space<vmem_shared>>
      tpu.enqueue_indirect_dma source(%dma_start3A_442 : memref<128x64xf32, #tpu.memory_space<vmem>>) target(%dma_start3A_448 : memref<10240x64xf32, #tpu.memory_space<vmem_shared>>) offsets(%dma_start3A_445 : memref<128xi32, #tpu.memory_space<vmem>>) semaphore(%arg15 : memref<!tpu.dma_semaphore, #tpu.memory_space<semaphore_mem>>) {add = true}
      %dma_wait3A_449 = arith.constant 3 : i32
      %dma_wait3A_450 = arith.constant 0 : i32
      %dma_wait3A_451 = arith.constant 0 : i32
      %dma_wait3A_452 = tpu.memref_slice %arg8[%dma_wait3A_449, %dma_wait3A_450, %dma_wait3A_451] : memref<4x128x64xf32, #tpu.memory_space<vmem>> -> memref<1x128x64xf32, #tpu.memory_space<vmem>>
      %dma_wait3A_453 = tpu.memref_squeeze %dma_wait3A_452 : memref<1x128x64xf32, #tpu.memory_space<vmem>> -> memref<128x64xf32, #tpu.memory_space<vmem>>
      %dma_wait3A_454 = arith.constant 0 : i32
      %dma_wait3A_455 = arith.constant 0 : i32
      %dma_wait3A_456 = tpu.memref_slice %arg9[%dma_wait3A_454, %dma_wait3A_455] : memref<10240x64xf32, #tpu.memory_space<vmem_shared>> -> memref<128x64xf32, #tpu.memory_space<vmem_shared>>
      %dma_wait3A_457 = arith.constant 0 : i32
      %dma_wait3A_458 = arith.constant 0 : i32
      %dma_wait3A_459 = tpu.memref_slice %arg9[%dma_wait3A_457, %dma_wait3A_458] : memref<10240x64xf32, #tpu.memory_space<vmem_shared>> -> memref<128x64xf32, #tpu.memory_space<vmem_shared>>
      %dma_wait3A_460 = arith.constant 0 : i32
      %dma_wait3A_461 = arith.constant 0 : i32
      %dma_wait3A_462 = tpu.memref_slice %arg8[%dma_wait3A_449, %dma_wait3A_460, %dma_wait3A_461] : memref<4x128x64xf32, #tpu.memory_space<vmem>> -> memref<1x128x64xf32, #tpu.memory_space<vmem>>
      %dma_wait3A_463 = tpu.memref_squeeze %dma_wait3A_462 : memref<1x128x64xf32, #tpu.memory_space<vmem>> -> memref<128x64xf32, #tpu.memory_space<vmem>>
      tpu.wait_dma2 semaphore(%arg17 : memref<!tpu.dma_semaphore, #tpu.memory_space<semaphore_mem>>) src(%dma_wait3A_463 : memref<128x64xf32, #tpu.memory_space<vmem>>) dst(%dma_wait3A_459 : memref<128x64xf32, #tpu.memory_space<vmem_shared>>)
      %add3A_464 = arith.constant 3 : i32
      %add3A_465 = arith.addi %add3A_246, %add3A_464 : i32
      %add3A_466 = arith.constant 2 : i32
      %add3A_467 = arith.addi %add3A_465, %add3A_466 : i32
      %dma_start3A_468 = arith.constant 3 : i32
      %dma_start3A_469 = arith.constant 0 : i32
      %dma_start3A_470 = arith.constant 0 : i32
      %dma_start3A_471 = tpu.memref_slice %arg8[%dma_start3A_468, %dma_start3A_469, %dma_start3A_470] : memref<4x128x64xf32, #tpu.memory_space<vmem>> -> memref<1x128x64xf32, #tpu.memory_space<vmem>>
      %dma_start3A_472 = tpu.memref_squeeze %dma_start3A_471 : memref<1x128x64xf32, #tpu.memory_space<vmem>> -> memref<128x64xf32, #tpu.memory_space<vmem>>
      %dma_start3A_473 = arith.constant 0 : i32
      %dma_start3A_474 = tpu.memref_slice %arg6[%add3A_467, %dma_start3A_473] : memref<160x128xi32, #tpu.memory_space<vmem>> -> memref<1x128xi32, #tpu.memory_space<vmem>>
      %dma_start3A_475 = tpu.memref_squeeze %dma_start3A_474 : memref<1x128xi32, #tpu.memory_space<vmem>> -> memref<128xi32, #tpu.memory_space<vmem>>
      %dma_start3A_476 = arith.constant 0 : i32
      %dma_start3A_477 = arith.constant 0 : i32
      %dma_start3A_478 = tpu.memref_slice %arg2[%dma_start3A_476, %dma_start3A_477] : memref<20480x64xf32, #tpu.memory_space<hbm>> -> memref<20480x64xf32, #tpu.memory_space<hbm>>
      tpu.enqueue_indirect_dma source(%dma_start3A_478 : memref<20480x64xf32, #tpu.memory_space<hbm>>) target(%dma_start3A_472 : memref<128x64xf32, #tpu.memory_space<vmem>>) offsets(%dma_start3A_475 : memref<128xi32, #tpu.memory_space<vmem>>) semaphore(%arg13 : memref<!tpu.dma_semaphore, #tpu.memory_space<semaphore_mem>>)
    }
    %scan3A_122 = arith.constant 39 : i32
    %dma_wait3A_123 = arith.constant 2 : i32
    %dma_wait3A_124 = arith.constant 0 : i32
    %dma_wait3A_125 = arith.constant 0 : i32
    %dma_wait3A_126 = tpu.memref_slice %arg8[%dma_wait3A_123, %dma_wait3A_124, %dma_wait3A_125] : memref<4x128x64xf32, #tpu.memory_space<vmem>> -> memref<1x128x64xf32, #tpu.memory_space<vmem>>
    %dma_wait3A_127 = tpu.memref_squeeze %dma_wait3A_126 : memref<1x128x64xf32, #tpu.memory_space<vmem>> -> memref<128x64xf32, #tpu.memory_space<vmem>>
    %dma_wait3A_128 = arith.constant 0 : i32
    %dma_wait3A_129 = arith.constant 0 : i32
    %dma_wait3A_130 = tpu.memref_slice %arg2[%dma_wait3A_128, %dma_wait3A_129] : memref<20480x64xf32, #tpu.memory_space<hbm>> -> memref<128x64xf32, #tpu.memory_space<hbm>>
    %dma_wait3A_131 = arith.constant 0 : i32
    %dma_wait3A_132 = arith.constant 0 : i32
    %dma_wait3A_133 = tpu.memref_slice %arg8[%dma_wait3A_123, %dma_wait3A_131, %dma_wait3A_132] : memref<4x128x64xf32, #tpu.memory_space<vmem>> -> memref<1x128x64xf32, #tpu.memory_space<vmem>>
    %dma_wait3A_134 = tpu.memref_squeeze %dma_wait3A_133 : memref<1x128x64xf32, #tpu.memory_space<vmem>> -> memref<128x64xf32, #tpu.memory_space<vmem>>
    %dma_wait3A_135 = arith.constant 0 : i32
    %dma_wait3A_136 = arith.constant 0 : i32
    %dma_wait3A_137 = tpu.memref_slice %arg2[%dma_wait3A_135, %dma_wait3A_136] : memref<20480x64xf32, #tpu.memory_space<hbm>> -> memref<128x64xf32, #tpu.memory_space<hbm>>
    tpu.wait_dma2 semaphore(%arg12 : memref<!tpu.dma_semaphore, #tpu.memory_space<semaphore_mem>>) src(%dma_wait3A_137 : memref<128x64xf32, #tpu.memory_space<hbm>>) dst(%dma_wait3A_134 : memref<128x64xf32, #tpu.memory_space<vmem>>)
    %dma_start3A_138 = arith.constant 2 : i32
    %dma_start3A_139 = arith.constant 158 : i32
    %dma_start3A_140 = arith.constant 0 : i32
    %dma_start3A_141 = arith.constant 0 : i32
    %dma_start3A_142 = tpu.memref_slice %arg8[%dma_start3A_138, %dma_start3A_140, %dma_start3A_141] : memref<4x128x64xf32, #tpu.memory_space<vmem>> -> memref<1x128x64xf32, #tpu.memory_space<vmem>>
    %dma_start3A_143 = tpu.memref_squeeze %dma_start3A_142 : memref<1x128x64xf32, #tpu.memory_space<vmem>> -> memref<128x64xf32, #tpu.memory_space<vmem>>
    %dma_start3A_144 = arith.constant 0 : i32
    %dma_start3A_145 = tpu.memref_slice %arg7[%dma_start3A_139, %dma_start3A_144] : memref<160x128xi32, #tpu.memory_space<vmem>> -> memref<1x128xi32, #tpu.memory_space<vmem>>
    %dma_start3A_146 = tpu.memref_squeeze %dma_start3A_145 : memref<1x128xi32, #tpu.memory_space<vmem>> -> memref<128xi32, #tpu.memory_space<vmem>>
    %dma_start3A_147 = arith.constant 0 : i32
    %dma_start3A_148 = arith.constant 0 : i32
    %dma_start3A_149 = tpu.memref_slice %arg9[%dma_start3A_147, %dma_start3A_148] : memref<10240x64xf32, #tpu.memory_space<vmem_shared>> -> memref<10240x64xf32, #tpu.memory_space<vmem_shared>>
    tpu.enqueue_indirect_dma source(%dma_start3A_143 : memref<128x64xf32, #tpu.memory_space<vmem>>) target(%dma_start3A_149 : memref<10240x64xf32, #tpu.memory_space<vmem_shared>>) offsets(%dma_start3A_146 : memref<128xi32, #tpu.memory_space<vmem>>) semaphore(%arg16 : memref<!tpu.dma_semaphore, #tpu.memory_space<semaphore_mem>>) {add = true}
    %dma_wait3A_150 = arith.constant 3 : i32
    %dma_wait3A_151 = arith.constant 0 : i32
    %dma_wait3A_152 = arith.constant 0 : i32
    %dma_wait3A_153 = tpu.memref_slice %arg8[%dma_wait3A_150, %dma_wait3A_151, %dma_wait3A_152] : memref<4x128x64xf32, #tpu.memory_space<vmem>> -> memref<1x128x64xf32, #tpu.memory_space<vmem>>
    %dma_wait3A_154 = tpu.memref_squeeze %dma_wait3A_153 : memref<1x128x64xf32, #tpu.memory_space<vmem>> -> memref<128x64xf32, #tpu.memory_space<vmem>>
    %dma_wait3A_155 = arith.constant 0 : i32
    %dma_wait3A_156 = arith.constant 0 : i32
    %dma_wait3A_157 = tpu.memref_slice %arg2[%dma_wait3A_155, %dma_wait3A_156] : memref<20480x64xf32, #tpu.memory_space<hbm>> -> memref<128x64xf32, #tpu.memory_space<hbm>>
    %dma_wait3A_158 = arith.constant 0 : i32
    %dma_wait3A_159 = arith.constant 0 : i32
    %dma_wait3A_160 = tpu.memref_slice %arg8[%dma_wait3A_150, %dma_wait3A_158, %dma_wait3A_159] : memref<4x128x64xf32, #tpu.memory_space<vmem>> -> memref<1x128x64xf32, #tpu.memory_space<vmem>>
    %dma_wait3A_161 = tpu.memref_squeeze %dma_wait3A_160 : memref<1x128x64xf32, #tpu.memory_space<vmem>> -> memref<128x64xf32, #tpu.memory_space<vmem>>
    %dma_wait3A_162 = arith.constant 0 : i32
    %dma_wait3A_163 = arith.constant 0 : i32
    %dma_wait3A_164 = tpu.memref_slice %arg2[%dma_wait3A_162, %dma_wait3A_163] : memref<20480x64xf32, #tpu.memory_space<hbm>> -> memref<128x64xf32, #tpu.memory_space<hbm>>
    tpu.wait_dma2 semaphore(%arg13 : memref<!tpu.dma_semaphore, #tpu.memory_space<semaphore_mem>>) src(%dma_wait3A_164 : memref<128x64xf32, #tpu.memory_space<hbm>>) dst(%dma_wait3A_161 : memref<128x64xf32, #tpu.memory_space<vmem>>)
    %dma_start3A_165 = arith.constant 3 : i32
    %dma_start3A_166 = arith.constant 159 : i32
    %dma_start3A_167 = arith.constant 0 : i32
    %dma_start3A_168 = arith.constant 0 : i32
    %dma_start3A_169 = tpu.memref_slice %arg8[%dma_start3A_165, %dma_start3A_167, %dma_start3A_168] : memref<4x128x64xf32, #tpu.memory_space<vmem>> -> memref<1x128x64xf32, #tpu.memory_space<vmem>>
    %dma_start3A_170 = tpu.memref_squeeze %dma_start3A_169 : memref<1x128x64xf32, #tpu.memory_space<vmem>> -> memref<128x64xf32, #tpu.memory_space<vmem>>
    %dma_start3A_171 = arith.constant 0 : i32
    %dma_start3A_172 = tpu.memref_slice %arg7[%dma_start3A_166, %dma_start3A_171] : memref<160x128xi32, #tpu.memory_space<vmem>> -> memref<1x128xi32, #tpu.memory_space<vmem>>
    %dma_start3A_173 = tpu.memref_squeeze %dma_start3A_172 : memref<1x128xi32, #tpu.memory_space<vmem>> -> memref<128xi32, #tpu.memory_space<vmem>>
    %dma_start3A_174 = arith.constant 0 : i32
    %dma_start3A_175 = arith.constant 0 : i32
    %dma_start3A_176 = tpu.memref_slice %arg9[%dma_start3A_174, %dma_start3A_175] : memref<10240x64xf32, #tpu.memory_space<vmem_shared>> -> memref<10240x64xf32, #tpu.memory_space<vmem_shared>>
    tpu.enqueue_indirect_dma source(%dma_start3A_170 : memref<128x64xf32, #tpu.memory_space<vmem>>) target(%dma_start3A_176 : memref<10240x64xf32, #tpu.memory_space<vmem_shared>>) offsets(%dma_start3A_173 : memref<128xi32, #tpu.memory_space<vmem>>) semaphore(%arg17 : memref<!tpu.dma_semaphore, #tpu.memory_space<semaphore_mem>>) {add = true}
    %dma_wait3A_177 = arith.constant 0 : i32
    %dma_wait3A_178 = arith.constant 0 : i32
    %dma_wait3A_179 = arith.constant 0 : i32
    %dma_wait3A_180 = tpu.memref_slice %arg8[%dma_wait3A_177, %dma_wait3A_178, %dma_wait3A_179] : memref<4x128x64xf32, #tpu.memory_space<vmem>> -> memref<1x128x64xf32, #tpu.memory_space<vmem>>
    %dma_wait3A_181 = tpu.memref_squeeze %dma_wait3A_180 : memref<1x128x64xf32, #tpu.memory_space<vmem>> -> memref<128x64xf32, #tpu.memory_space<vmem>>
    %dma_wait3A_182 = arith.constant 0 : i32
    %dma_wait3A_183 = arith.constant 0 : i32
    %dma_wait3A_184 = tpu.memref_slice %arg9[%dma_wait3A_182, %dma_wait3A_183] : memref<10240x64xf32, #tpu.memory_space<vmem_shared>> -> memref<128x64xf32, #tpu.memory_space<vmem_shared>>
    %dma_wait3A_185 = arith.constant 0 : i32
    %dma_wait3A_186 = arith.constant 0 : i32
    %dma_wait3A_187 = tpu.memref_slice %arg9[%dma_wait3A_185, %dma_wait3A_186] : memref<10240x64xf32, #tpu.memory_space<vmem_shared>> -> memref<128x64xf32, #tpu.memory_space<vmem_shared>>
    %dma_wait3A_188 = arith.constant 0 : i32
    %dma_wait3A_189 = arith.constant 0 : i32
    %dma_wait3A_190 = tpu.memref_slice %arg8[%dma_wait3A_177, %dma_wait3A_188, %dma_wait3A_189] : memref<4x128x64xf32, #tpu.memory_space<vmem>> -> memref<1x128x64xf32, #tpu.memory_space<vmem>>
    %dma_wait3A_191 = tpu.memref_squeeze %dma_wait3A_190 : memref<1x128x64xf32, #tpu.memory_space<vmem>> -> memref<128x64xf32, #tpu.memory_space<vmem>>
    tpu.wait_dma2 semaphore(%arg14 : memref<!tpu.dma_semaphore, #tpu.memory_space<semaphore_mem>>) src(%dma_wait3A_191 : memref<128x64xf32, #tpu.memory_space<vmem>>) dst(%dma_wait3A_187 : memref<128x64xf32, #tpu.memory_space<vmem_shared>>)
    %dma_wait3A_192 = arith.constant 1 : i32
    %dma_wait3A_193 = arith.constant 0 : i32
    %dma_wait3A_194 = arith.constant 0 : i32
    %dma_wait3A_195 = tpu.memref_slice %arg8[%dma_wait3A_192, %dma_wait3A_193, %dma_wait3A_194] : memref<4x128x64xf32, #tpu.memory_space<vmem>> -> memref<1x128x64xf32, #tpu.memory_space<vmem>>
    %dma_wait3A_196 = tpu.memref_squeeze %dma_wait3A_195 : memref<1x128x64xf32, #tpu.memory_space<vmem>> -> memref<128x64xf32, #tpu.memory_space<vmem>>
    %dma_wait3A_197 = arith.constant 0 : i32
    %dma_wait3A_198 = arith.constant 0 : i32
    %dma_wait3A_199 = tpu.memref_slice %arg9[%dma_wait3A_197, %dma_wait3A_198] : memref<10240x64xf32, #tpu.memory_space<vmem_shared>> -> memref<128x64xf32, #tpu.memory_space<vmem_shared>>
    %dma_wait3A_200 = arith.constant 0 : i32
    %dma_wait3A_201 = arith.constant 0 : i32
    %dma_wait3A_202 = tpu.memref_slice %arg9[%dma_wait3A_200, %dma_wait3A_201] : memref<10240x64xf32, #tpu.memory_space<vmem_shared>> -> memref<128x64xf32, #tpu.memory_space<vmem_shared>>
    %dma_wait3A_203 = arith.constant 0 : i32
    %dma_wait3A_204 = arith.constant 0 : i32
    %dma_wait3A_205 = tpu.memref_slice %arg8[%dma_wait3A_192, %dma_wait3A_203, %dma_wait3A_204] : memref<4x128x64xf32, #tpu.memory_space<vmem>> -> memref<1x128x64xf32, #tpu.memory_space<vmem>>
    %dma_wait3A_206 = tpu.memref_squeeze %dma_wait3A_205 : memref<1x128x64xf32, #tpu.memory_space<vmem>> -> memref<128x64xf32, #tpu.memory_space<vmem>>
    tpu.wait_dma2 semaphore(%arg15 : memref<!tpu.dma_semaphore, #tpu.memory_space<semaphore_mem>>) src(%dma_wait3A_206 : memref<128x64xf32, #tpu.memory_space<vmem>>) dst(%dma_wait3A_202 : memref<128x64xf32, #tpu.memory_space<vmem_shared>>)
    %dma_wait3A_207 = arith.constant 2 : i32
    %dma_wait3A_208 = arith.constant 0 : i32
    %dma_wait3A_209 = arith.constant 0 : i32
    %dma_wait3A_210 = tpu.memref_slice %arg8[%dma_wait3A_207, %dma_wait3A_208, %dma_wait3A_209] : memref<4x128x64xf32, #tpu.memory_space<vmem>> -> memref<1x128x64xf32, #tpu.memory_space<vmem>>
    %dma_wait3A_211 = tpu.memref_squeeze %dma_wait3A_210 : memref<1x128x64xf32, #tpu.memory_space<vmem>> -> memref<128x64xf32, #tpu.memory_space<vmem>>
    %dma_wait3A_212 = arith.constant 0 : i32
    %dma_wait3A_213 = arith.constant 0 : i32
    %dma_wait3A_214 = tpu.memref_slice %arg9[%dma_wait3A_212, %dma_wait3A_213] : memref<10240x64xf32, #tpu.memory_space<vmem_shared>> -> memref<128x64xf32, #tpu.memory_space<vmem_shared>>
    %dma_wait3A_215 = arith.constant 0 : i32
    %dma_wait3A_216 = arith.constant 0 : i32
    %dma_wait3A_217 = tpu.memref_slice %arg9[%dma_wait3A_215, %dma_wait3A_216] : memref<10240x64xf32, #tpu.memory_space<vmem_shared>> -> memref<128x64xf32, #tpu.memory_space<vmem_shared>>
    %dma_wait3A_218 = arith.constant 0 : i32
    %dma_wait3A_219 = arith.constant 0 : i32
    %dma_wait3A_220 = tpu.memref_slice %arg8[%dma_wait3A_207, %dma_wait3A_218, %dma_wait3A_219] : memref<4x128x64xf32, #tpu.memory_space<vmem>> -> memref<1x128x64xf32, #tpu.memory_space<vmem>>
    %dma_wait3A_221 = tpu.memref_squeeze %dma_wait3A_220 : memref<1x128x64xf32, #tpu.memory_space<vmem>> -> memref<128x64xf32, #tpu.memory_space<vmem>>
    tpu.wait_dma2 semaphore(%arg16 : memref<!tpu.dma_semaphore, #tpu.memory_space<semaphore_mem>>) src(%dma_wait3A_221 : memref<128x64xf32, #tpu.memory_space<vmem>>) dst(%dma_wait3A_217 : memref<128x64xf32, #tpu.memory_space<vmem_shared>>)
    %dma_wait3A_222 = arith.constant 3 : i32
    %dma_wait3A_223 = arith.constant 0 : i32
    %dma_wait3A_224 = arith.constant 0 : i32
    %dma_wait3A_225 = tpu.memref_slice %arg8[%dma_wait3A_222, %dma_wait3A_223, %dma_wait3A_224] : memref<4x128x64xf32, #tpu.memory_space<vmem>> -> memref<1x128x64xf32, #tpu.memory_space<vmem>>
    %dma_wait3A_226 = tpu.memref_squeeze %dma_wait3A_225 : memref<1x128x64xf32, #tpu.memory_space<vmem>> -> memref<128x64xf32, #tpu.memory_space<vmem>>
    %dma_wait3A_227 = arith.constant 0 : i32
    %dma_wait3A_228 = arith.constant 0 : i32
    %dma_wait3A_229 = tpu.memref_slice %arg9[%dma_wait3A_227, %dma_wait3A_228] : memref<10240x64xf32, #tpu.memory_space<vmem_shared>> -> memref<128x64xf32, #tpu.memory_space<vmem_shared>>
    %dma_wait3A_230 = arith.constant 0 : i32
    %dma_wait3A_231 = arith.constant 0 : i32
    %dma_wait3A_232 = tpu.memref_slice %arg9[%dma_wait3A_230, %dma_wait3A_231] : memref<10240x64xf32, #tpu.memory_space<vmem_shared>> -> memref<128x64xf32, #tpu.memory_space<vmem_shared>>
    %dma_wait3A_233 = arith.constant 0 : i32
    %dma_wait3A_234 = arith.constant 0 : i32
    %dma_wait3A_235 = tpu.memref_slice %arg8[%dma_wait3A_222, %dma_wait3A_233, %dma_wait3A_234] : memref<4x128x64xf32, #tpu.memory_space<vmem>> -> memref<1x128x64xf32, #tpu.memory_space<vmem>>
    %dma_wait3A_236 = tpu.memref_squeeze %dma_wait3A_235 : memref<1x128x64xf32, #tpu.memory_space<vmem>> -> memref<128x64xf32, #tpu.memory_space<vmem>>
    tpu.wait_dma2 semaphore(%arg17 : memref<!tpu.dma_semaphore, #tpu.memory_space<semaphore_mem>>) src(%dma_wait3A_236 : memref<128x64xf32, #tpu.memory_space<vmem>>) dst(%dma_wait3A_232 : memref<128x64xf32, #tpu.memory_space<vmem_shared>>)
    %barrier3A_237 = arith.constant 0 : index
    tpu.barrier barrier_id(%barrier3A_237)
    %mul3A_238 = arith.constant 640 : i32
    %mul3A_239 = arith.muli %arg1, %mul3A_238 : i32
    %mul3A_240 = arith.constant 640 : i32
    %mul3A_241 = arith.muli %arg1, %mul3A_240 : i32
    "tpu.region"() ({
      %run_scoped3A = tpu.sem_alloc : memref<!tpu.dma_semaphore, #tpu.memory_space<semaphore_mem>>
      %dma_start3A_242 = arith.constant 0 : i32
      %dma_start3A_243 = tpu.memref_slice %arg5[%arg0, %mul3A_241, %dma_start3A_242] : memref<2x10240x64xf32, #tpu.memory_space<hbm>> -> memref<1x640x64xf32, #tpu.memory_space<hbm>>
      %dma_start3A_244 = tpu.memref_squeeze %dma_start3A_243 : memref<1x640x64xf32, #tpu.memory_space<hbm>> -> memref<640x64xf32, #tpu.memory_space<hbm>>
      %dma_start3A_245 = arith.constant 0 : i32
      %dma_start3A_246 = tpu.memref_slice %arg9[%mul3A_239, %dma_start3A_245] : memref<10240x64xf32, #tpu.memory_space<vmem_shared>> -> memref<640x64xf32, #tpu.memory_space<vmem_shared>>
      tpu.enqueue_dma source(%dma_start3A_246 : memref<640x64xf32, #tpu.memory_space<vmem_shared>>) target(%dma_start3A_244 : memref<640x64xf32, #tpu.memory_space<hbm>>) target_semaphore(%run_scoped3A : memref<!tpu.dma_semaphore, #tpu.memory_space<semaphore_mem>>)
      %dma_wait3A_247 = arith.constant 0 : i32
      %dma_wait3A_248 = tpu.memref_slice %arg5[%arg0, %mul3A_241, %dma_wait3A_247] : memref<2x10240x64xf32, #tpu.memory_space<hbm>> -> memref<1x640x64xf32, #tpu.memory_space<hbm>>
      %dma_wait3A_249 = tpu.memref_squeeze %dma_wait3A_248 : memref<1x640x64xf32, #tpu.memory_space<hbm>> -> memref<640x64xf32, #tpu.memory_space<hbm>>
      %dma_wait3A_250 = arith.constant 0 : i32
      %dma_wait3A_251 = tpu.memref_slice %arg9[%mul3A_239, %dma_wait3A_250] : memref<10240x64xf32, #tpu.memory_space<vmem_shared>> -> memref<640x64xf32, #tpu.memory_space<vmem_shared>>
      tpu.wait_dma2 semaphore(%run_scoped3A : memref<!tpu.dma_semaphore, #tpu.memory_space<semaphore_mem>>) src(%dma_wait3A_251 : memref<640x64xf32, #tpu.memory_space<vmem_shared>>) dst(%dma_wait3A_249 : memref<640x64xf32, #tpu.memory_space<hbm>>)
      tpu.yield
    }) : () -> ()
    return
  }
}

module attributes {stable_mosaic.version = 14 : i64} {
  func.func @_t1_body(%arg0: memref<10240x2xf32, #tpu.memory_space<vmem>>, %arg1: memref<10240x128xf32, #tpu.memory_space<vmem>>, %arg2: memref<128x128xf32, #tpu.memory_space<vmem>>, %arg3: memref<20480x64xf32, #tpu.memory_space<vmem>>, %arg4: memref<10240x1xf32, #tpu.memory_space<vmem>>) attributes {dimension_semantics = [], scalar_prefetch = 0 : i64, scratch_operands = 0 : i64, tpu.core_type = #tpu.core_type<tc>} {
    %iota3A = tpu.iota {dimensions = array<i32: 0>} : vector<10240x1xi32>
    %get3A = arith.constant 0 : index
    %get3A_0 = arith.constant 0 : index
    %get3A_1 = vector.load %arg0[%get3A, %get3A_0] : memref<10240x2xf32, #tpu.memory_space<vmem>>, vector<10240x1xf32>
    %get3A_2 = arith.constant 0 : index
    %get3A_3 = arith.constant 1 : index
    %get3A_4 = vector.load %arg0[%get3A_2, %get3A_3] : memref<10240x2xf32, #tpu.memory_space<vmem>>, vector<10240x1xf32>
    %add3A = arith.addf %get3A_1, %get3A_4 : vector<10240x1xf32>
    %lt3A = arith.constant 10000 : i32
    %lt3A_5 = vector.broadcast %lt3A : i32 to vector<10240x1xi32>
    %lt3A_6 = arith.cmpi slt, %iota3A, %lt3A_5 : vector<10240x1xi32>
    %jit3A = arith.constant 1.000000e+00 : f32
    %jit3A_7 = arith.constant 0.000000e+00 : f32
    %broadcast_in_dim3A = vector.broadcast %jit3A : f32 to vector<10240x1xf32>
    %broadcast_in_dim3A_8 = vector.broadcast %jit3A_7 : f32 to vector<10240x1xf32>
    %select_n3A = arith.select %lt3A_6, %broadcast_in_dim3A, %broadcast_in_dim3A_8 : vector<10240x1xi1>, vector<10240x1xf32>
    %add3A_9 = arith.addf %add3A, %select_n3A : vector<10240x1xf32>
    %gt3A = arith.constant 0.000000e+00 : f32
    %gt3A_10 = vector.broadcast %gt3A : f32 to vector<10240x1xf32>
    %gt3A_11 = arith.cmpf ogt, %add3A_9, %gt3A_10 : vector<10240x1xf32>
    %rsqrt3A = math.rsqrt %add3A_9 : vector<10240x1xf32>
    %jit3A_12 = arith.constant 0.000000e+00 : f32
    %broadcast_in_dim3A_13 = vector.broadcast %jit3A_12 : f32 to vector<10240x1xf32>
    %select_n3A_14 = arith.select %gt3A_11, %rsqrt3A, %broadcast_in_dim3A_13 : vector<10240x1xi1>, vector<10240x1xf32>
    %get3A_15 = arith.constant 0 : index
    %get3A_16 = arith.constant 0 : index
    %get3A_17 = vector.load %arg1[%get3A_15, %get3A_16] : memref<10240x128xf32, #tpu.memory_space<vmem>>, vector<10240x128xf32>
    %get3A_18 = arith.constant 0 : index
    %get3A_19 = arith.constant 0 : index
    %get3A_20 = vector.load %arg2[%get3A_18, %get3A_19] : memref<128x128xf32, #tpu.memory_space<vmem>>, vector<128x128xf32>
    %dot_general3A = arith.constant dense<0.000000e+00> : vector<10240x128xf32>
    %dot_general3A_21 = tpu.matmul %get3A_17, %get3A_20, %dot_general3A {dimension_numbers = #tpu.dot_dimension_numbers<[1], [0], [0], [1], [0, 0, 1, 1], [], []>, transpose_lhs_hint = false} : vector<10240x128xf32>, vector<128x128xf32>, vector<10240x128xf32> -> vector<10240x128xf32>
    %mul3A = vector.broadcast %select_n3A_14 : vector<10240x1xf32> to vector<10240x128xf32>
    %mul3A_22 = arith.mulf %mul3A, %dot_general3A_21 : vector<10240x128xf32>
    %slice3A = vector.extract_strided_slice %mul3A_22 {offsets = [0, 0], sizes = [10240, 64], strides = [1, 1]} : vector<10240x128xf32> to vector<10240x64xf32>
    %slice3A_23 = vector.extract_strided_slice %mul3A_22 {offsets = [0, 64], sizes = [10240, 64], strides = [1, 1]} : vector<10240x128xf32> to vector<10240x64xf32>
    %concatenate3A = tpu.concatenate %slice3A, %slice3A_23 in 0 : vector<10240x64xf32>, vector<10240x64xf32> -> vector<20480x64xf32>
    %swap3A = arith.constant 0 : index
    %swap3A_24 = arith.constant 0 : index
    %swap3A_25 = vector.load %arg3[%swap3A, %swap3A_24] : memref<20480x64xf32, #tpu.memory_space<vmem>>, vector<20480x64xf32>
    tpu.vector_store %arg3[%swap3A, %swap3A_24], %concatenate3A {strides = array<i32>} : memref<20480x64xf32, #tpu.memory_space<vmem>>, vector<20480x64xf32>,
    %swap3A_26 = arith.constant 0 : index
    %swap3A_27 = arith.constant 0 : index
    %swap3A_28 = vector.load %arg4[%swap3A_26, %swap3A_27] : memref<10240x1xf32, #tpu.memory_space<vmem>>, vector<10240x1xf32>
    tpu.vector_store %arg4[%swap3A_26, %swap3A_27], %select_n3A_14 {strides = array<i32>} : memref<10240x1xf32, #tpu.memory_space<vmem>>, vector<10240x1xf32>,
    return
  }
}

module attributes {stable_mosaic.version = 14 : i64} {
  func.func @_t2_body(%arg0: memref<20480x64xf32, #tpu.memory_space<vmem>>, %arg1: memref<2x10240x64xf32, #tpu.memory_space<vmem>>, %arg2: memref<10240x1xf32, #tpu.memory_space<vmem>>, %arg3: memref<1x128xf32, #tpu.memory_space<vmem>>, %arg4: memref<1x128xf32, #tpu.memory_space<vmem>>, %arg5: memref<1x128xf32, #tpu.memory_space<vmem>>, %arg6: memref<128x128xf32, #tpu.memory_space<vmem>>, %arg7: memref<20480x64xf32, #tpu.memory_space<vmem>>) attributes {dimension_semantics = [], scalar_prefetch = 0 : i64, scratch_operands = 0 : i64, tpu.core_type = #tpu.core_type<tc>} {
    %iota3A = tpu.iota {dimensions = array<i32: 0>} : vector<10240x1xi32>
    %lt3A = arith.constant 10000 : i32
    %lt3A_0 = vector.broadcast %lt3A : i32 to vector<10240x1xi32>
    %lt3A_1 = arith.cmpi slt, %iota3A, %lt3A_0 : vector<10240x1xi32>
    %get3A = arith.constant 0 : index
    %get3A_2 = arith.constant 0 : index
    %get3A_3 = vector.load %arg2[%get3A, %get3A_2] : memref<10240x1xf32, #tpu.memory_space<vmem>>, vector<10240x1xf32>
    %get3A_4 = arith.constant 0 : index
    %get3A_5 = arith.constant 0 : index
    %get3A_6 = vector.load %arg0[%get3A_4, %get3A_5] : memref<20480x64xf32, #tpu.memory_space<vmem>>, vector<10240x64xf32>
    %get3A_7 = arith.constant 10240 : index
    %get3A_8 = arith.constant 0 : index
    %get3A_9 = vector.load %arg0[%get3A_7, %get3A_8] : memref<20480x64xf32, #tpu.memory_space<vmem>>, vector<10240x64xf32>
    %concatenate3A = tpu.concatenate %get3A_6, %get3A_9 in 1 : vector<10240x64xf32>, vector<10240x64xf32> -> vector<10240x128xf32>
    %get3A_10 = arith.constant 0 : index
    %get3A_11 = arith.constant 0 : index
    %get3A_12 = arith.constant 0 : index
    %get3A_13 = vector.load %arg1[%get3A_10, %get3A_11, %get3A_12] : memref<2x10240x64xf32, #tpu.memory_space<vmem>>, vector<1x10240x64xf32>
    %get3A_14 = vector.shape_cast %get3A_13 : vector<1x10240x64xf32> to vector<10240x64xf32>
    %get3A_15 = arith.constant 1 : index
    %get3A_16 = arith.constant 0 : index
    %get3A_17 = arith.constant 0 : index
    %get3A_18 = vector.load %arg1[%get3A_15, %get3A_16, %get3A_17] : memref<2x10240x64xf32, #tpu.memory_space<vmem>>, vector<1x10240x64xf32>
    %get3A_19 = vector.shape_cast %get3A_18 : vector<1x10240x64xf32> to vector<10240x64xf32>
    %concatenate3A_20 = tpu.concatenate %get3A_14, %get3A_19 in 1 : vector<10240x64xf32>, vector<10240x64xf32> -> vector<10240x128xf32>
    %add3A = arith.addf %concatenate3A, %concatenate3A_20 : vector<10240x128xf32>
    %mul3A = vector.broadcast %get3A_3 : vector<10240x1xf32> to vector<10240x128xf32>
    %mul3A_21 = arith.mulf %mul3A, %add3A : vector<10240x128xf32>
    %get3A_22 = arith.constant 0 : index
    %get3A_23 = arith.constant 0 : index
    %get3A_24 = vector.load %arg3[%get3A_22, %get3A_23] : memref<1x128xf32, #tpu.memory_space<vmem>>, vector<1x128xf32>
    %add3A_25 = vector.broadcast %get3A_24 : vector<1x128xf32> to vector<10240x128xf32>
    %add3A_26 = arith.addf %mul3A_21, %add3A_25 : vector<10240x128xf32>
    %jit3A = arith.constant 0.000000e+00 : f32
    %broadcast_in_dim3A = vector.shape_cast %lt3A_1 : vector<10240x1xi1> to vector<10240x1xi1>
    %broadcast_in_dim3A_27 = vector.broadcast %broadcast_in_dim3A : vector<10240x1xi1> to vector<10240x128xi1>
    %broadcast_in_dim3A_28 = vector.broadcast %jit3A : f32 to vector<10240x128xf32>
    %select_n3A = arith.select %broadcast_in_dim3A_27, %add3A_26, %broadcast_in_dim3A_28 : vector<10240x128xi1>, vector<10240x128xf32>
    %reduce_sum3A = arith.constant dense<0.000000e+00> : vector<128xf32>
    %reduce_sum3A_29 = vector.multi_reduction <add>, %select_n3A, %reduce_sum3A [0] : vector<10240x128xf32> to vector<128xf32>
    %broadcast_in_dim3A_30 = vector.shape_cast %reduce_sum3A_29 : vector<128xf32> to vector<1x128xf32>
    %mul3A_31 = arith.constant 9.99999974E-5 : f32
    %mul3A_32 = vector.broadcast %mul3A_31 : f32 to vector<1x128xf32>
    %mul3A_33 = arith.mulf %broadcast_in_dim3A_30, %mul3A_32 : vector<1x128xf32>
    %sub3A = vector.broadcast %mul3A_33 : vector<1x128xf32> to vector<10240x128xf32>
    %sub3A_34 = arith.subf %add3A_26, %sub3A : vector<10240x128xf32>
    %jit3A_35 = arith.constant 0.000000e+00 : f32
    %broadcast_in_dim3A_36 = vector.shape_cast %lt3A_1 : vector<10240x1xi1> to vector<10240x1xi1>
    %broadcast_in_dim3A_37 = vector.broadcast %broadcast_in_dim3A_36 : vector<10240x1xi1> to vector<10240x128xi1>
    %broadcast_in_dim3A_38 = vector.broadcast %jit3A_35 : f32 to vector<10240x128xf32>
    %select_n3A_39 = arith.select %broadcast_in_dim3A_37, %sub3A_34, %broadcast_in_dim3A_38 : vector<10240x128xi1>, vector<10240x128xf32>
    %mul3A_40 = arith.mulf %select_n3A_39, %select_n3A_39 : vector<10240x128xf32>
    %reduce_sum3A_41 = arith.constant dense<0.000000e+00> : vector<128xf32>
    %reduce_sum3A_42 = vector.multi_reduction <add>, %mul3A_40, %reduce_sum3A_41 [0] : vector<10240x128xf32> to vector<128xf32>
    %broadcast_in_dim3A_43 = vector.shape_cast %reduce_sum3A_42 : vector<128xf32> to vector<1x128xf32>
    %mul3A_44 = arith.constant 9.99999974E-5 : f32
    %mul3A_45 = vector.broadcast %mul3A_44 : f32 to vector<1x128xf32>
    %mul3A_46 = arith.mulf %broadcast_in_dim3A_43, %mul3A_45 : vector<1x128xf32>
    %sub3A_47 = vector.broadcast %mul3A_33 : vector<1x128xf32> to vector<10240x128xf32>
    %sub3A_48 = arith.subf %add3A_26, %sub3A_47 : vector<10240x128xf32>
    %add3A_49 = arith.constant 9.99999974E-6 : f32
    %add3A_50 = vector.broadcast %add3A_49 : f32 to vector<1x128xf32>
    %add3A_51 = arith.addf %mul3A_46, %add3A_50 : vector<1x128xf32>
    %rsqrt3A = math.rsqrt %add3A_51 : vector<1x128xf32>
    %mul3A_52 = vector.broadcast %rsqrt3A : vector<1x128xf32> to vector<10240x128xf32>
    %mul3A_53 = arith.mulf %sub3A_48, %mul3A_52 : vector<10240x128xf32>
    %get3A_54 = arith.constant 0 : index
    %get3A_55 = arith.constant 0 : index
    %get3A_56 = vector.load %arg4[%get3A_54, %get3A_55] : memref<1x128xf32, #tpu.memory_space<vmem>>, vector<1x128xf32>
    %mul3A_57 = vector.broadcast %get3A_56 : vector<1x128xf32> to vector<10240x128xf32>
    %mul3A_58 = arith.mulf %mul3A_53, %mul3A_57 : vector<10240x128xf32>
    %get3A_59 = arith.constant 0 : index
    %get3A_60 = arith.constant 0 : index
    %get3A_61 = vector.load %arg5[%get3A_59, %get3A_60] : memref<1x128xf32, #tpu.memory_space<vmem>>, vector<1x128xf32>
    %add3A_62 = vector.broadcast %get3A_61 : vector<1x128xf32> to vector<10240x128xf32>
    %add3A_63 = arith.addf %mul3A_58, %add3A_62 : vector<10240x128xf32>
    %max3A = arith.constant 0.000000e+00 : f32
    %max3A_64 = vector.broadcast %max3A : f32 to vector<10240x128xf32>
    %max3A_65 = arith.maximumf %add3A_63, %max3A_64 : vector<10240x128xf32>
    %jit3A_66 = arith.constant 0.000000e+00 : f32
    %broadcast_in_dim3A_67 = vector.shape_cast %lt3A_1 : vector<10240x1xi1> to vector<10240x1xi1>
    %broadcast_in_dim3A_68 = vector.broadcast %broadcast_in_dim3A_67 : vector<10240x1xi1> to vector<10240x128xi1>
    %broadcast_in_dim3A_69 = vector.broadcast %jit3A_66 : f32 to vector<10240x128xf32>
    %select_n3A_70 = arith.select %broadcast_in_dim3A_68, %max3A_65, %broadcast_in_dim3A_69 : vector<10240x128xi1>, vector<10240x128xf32>
    %get3A_71 = arith.constant 0 : index
    %get3A_72 = arith.constant 0 : index
    %get3A_73 = vector.load %arg6[%get3A_71, %get3A_72] : memref<128x128xf32, #tpu.memory_space<vmem>>, vector<128x128xf32>
    %dot_general3A = arith.constant dense<0.000000e+00> : vector<10240x128xf32>
    %dot_general3A_74 = tpu.matmul %select_n3A_70, %get3A_73, %dot_general3A {dimension_numbers = #tpu.dot_dimension_numbers<[1], [0], [0], [1], [0, 0, 1, 1], [], []>, transpose_lhs_hint = false} : vector<10240x128xf32>, vector<128x128xf32>, vector<10240x128xf32> -> vector<10240x128xf32>
    %mul3A_75 = vector.broadcast %get3A_3 : vector<10240x1xf32> to vector<10240x128xf32>
    %mul3A_76 = arith.mulf %mul3A_75, %dot_general3A_74 : vector<10240x128xf32>
    %slice3A = vector.extract_strided_slice %mul3A_76 {offsets = [0, 0], sizes = [10240, 64], strides = [1, 1]} : vector<10240x128xf32> to vector<10240x64xf32>
    %slice3A_77 = vector.extract_strided_slice %mul3A_76 {offsets = [0, 64], sizes = [10240, 64], strides = [1, 1]} : vector<10240x128xf32> to vector<10240x64xf32>
    %concatenate3A_78 = tpu.concatenate %slice3A, %slice3A_77 in 0 : vector<10240x64xf32>, vector<10240x64xf32> -> vector<20480x64xf32>
    %swap3A = arith.constant 0 : index
    %swap3A_79 = arith.constant 0 : index
    %swap3A_80 = vector.load %arg7[%swap3A, %swap3A_79] : memref<20480x64xf32, #tpu.memory_space<vmem>>, vector<20480x64xf32>
    tpu.vector_store %arg7[%swap3A, %swap3A_79], %concatenate3A_78 {strides = array<i32>} : memref<20480x64xf32, #tpu.memory_space<vmem>>, vector<20480x64xf32>,
    return
  }
}

module attributes {stable_mosaic.version = 14 : i64} {
  func.func @_t2_body(%arg0: memref<20480x64xf32, #tpu.memory_space<vmem>>, %arg1: memref<2x10240x64xf32, #tpu.memory_space<vmem>>, %arg2: memref<10240x1xf32, #tpu.memory_space<vmem>>, %arg3: memref<1x128xf32, #tpu.memory_space<vmem>>, %arg4: memref<1x128xf32, #tpu.memory_space<vmem>>, %arg5: memref<1x128xf32, #tpu.memory_space<vmem>>, %arg6: memref<128x16xf32, #tpu.memory_space<vmem>>, %arg7: memref<10240x16xf32, #tpu.memory_space<vmem>>) attributes {dimension_semantics = [], scalar_prefetch = 0 : i64, scratch_operands = 0 : i64, tpu.core_type = #tpu.core_type<tc>} {
    %iota3A = tpu.iota {dimensions = array<i32: 0>} : vector<10240x1xi32>
    %lt3A = arith.constant 10000 : i32
    %lt3A_0 = vector.broadcast %lt3A : i32 to vector<10240x1xi32>
    %lt3A_1 = arith.cmpi slt, %iota3A, %lt3A_0 : vector<10240x1xi32>
    %get3A = arith.constant 0 : index
    %get3A_2 = arith.constant 0 : index
    %get3A_3 = vector.load %arg2[%get3A, %get3A_2] : memref<10240x1xf32, #tpu.memory_space<vmem>>, vector<10240x1xf32>
    %get3A_4 = arith.constant 0 : index
    %get3A_5 = arith.constant 0 : index
    %get3A_6 = vector.load %arg0[%get3A_4, %get3A_5] : memref<20480x64xf32, #tpu.memory_space<vmem>>, vector<10240x64xf32>
    %get3A_7 = arith.constant 10240 : index
    %get3A_8 = arith.constant 0 : index
    %get3A_9 = vector.load %arg0[%get3A_7, %get3A_8] : memref<20480x64xf32, #tpu.memory_space<vmem>>, vector<10240x64xf32>
    %concatenate3A = tpu.concatenate %get3A_6, %get3A_9 in 1 : vector<10240x64xf32>, vector<10240x64xf32> -> vector<10240x128xf32>
    %get3A_10 = arith.constant 0 : index
    %get3A_11 = arith.constant 0 : index
    %get3A_12 = arith.constant 0 : index
    %get3A_13 = vector.load %arg1[%get3A_10, %get3A_11, %get3A_12] : memref<2x10240x64xf32, #tpu.memory_space<vmem>>, vector<1x10240x64xf32>
    %get3A_14 = vector.shape_cast %get3A_13 : vector<1x10240x64xf32> to vector<10240x64xf32>
    %get3A_15 = arith.constant 1 : index
    %get3A_16 = arith.constant 0 : index
    %get3A_17 = arith.constant 0 : index
    %get3A_18 = vector.load %arg1[%get3A_15, %get3A_16, %get3A_17] : memref<2x10240x64xf32, #tpu.memory_space<vmem>>, vector<1x10240x64xf32>
    %get3A_19 = vector.shape_cast %get3A_18 : vector<1x10240x64xf32> to vector<10240x64xf32>
    %concatenate3A_20 = tpu.concatenate %get3A_14, %get3A_19 in 1 : vector<10240x64xf32>, vector<10240x64xf32> -> vector<10240x128xf32>
    %add3A = arith.addf %concatenate3A, %concatenate3A_20 : vector<10240x128xf32>
    %mul3A = vector.broadcast %get3A_3 : vector<10240x1xf32> to vector<10240x128xf32>
    %mul3A_21 = arith.mulf %mul3A, %add3A : vector<10240x128xf32>
    %get3A_22 = arith.constant 0 : index
    %get3A_23 = arith.constant 0 : index
    %get3A_24 = vector.load %arg3[%get3A_22, %get3A_23] : memref<1x128xf32, #tpu.memory_space<vmem>>, vector<1x128xf32>
    %add3A_25 = vector.broadcast %get3A_24 : vector<1x128xf32> to vector<10240x128xf32>
    %add3A_26 = arith.addf %mul3A_21, %add3A_25 : vector<10240x128xf32>
    %jit3A = arith.constant 0.000000e+00 : f32
    %broadcast_in_dim3A = vector.shape_cast %lt3A_1 : vector<10240x1xi1> to vector<10240x1xi1>
    %broadcast_in_dim3A_27 = vector.broadcast %broadcast_in_dim3A : vector<10240x1xi1> to vector<10240x128xi1>
    %broadcast_in_dim3A_28 = vector.broadcast %jit3A : f32 to vector<10240x128xf32>
    %select_n3A = arith.select %broadcast_in_dim3A_27, %add3A_26, %broadcast_in_dim3A_28 : vector<10240x128xi1>, vector<10240x128xf32>
    %reduce_sum3A = arith.constant dense<0.000000e+00> : vector<128xf32>
    %reduce_sum3A_29 = vector.multi_reduction <add>, %select_n3A, %reduce_sum3A [0] : vector<10240x128xf32> to vector<128xf32>
    %broadcast_in_dim3A_30 = vector.shape_cast %reduce_sum3A_29 : vector<128xf32> to vector<1x128xf32>
    %mul3A_31 = arith.constant 9.99999974E-5 : f32
    %mul3A_32 = vector.broadcast %mul3A_31 : f32 to vector<1x128xf32>
    %mul3A_33 = arith.mulf %broadcast_in_dim3A_30, %mul3A_32 : vector<1x128xf32>
    %sub3A = vector.broadcast %mul3A_33 : vector<1x128xf32> to vector<10240x128xf32>
    %sub3A_34 = arith.subf %add3A_26, %sub3A : vector<10240x128xf32>
    %jit3A_35 = arith.constant 0.000000e+00 : f32
    %broadcast_in_dim3A_36 = vector.shape_cast %lt3A_1 : vector<10240x1xi1> to vector<10240x1xi1>
    %broadcast_in_dim3A_37 = vector.broadcast %broadcast_in_dim3A_36 : vector<10240x1xi1> to vector<10240x128xi1>
    %broadcast_in_dim3A_38 = vector.broadcast %jit3A_35 : f32 to vector<10240x128xf32>
    %select_n3A_39 = arith.select %broadcast_in_dim3A_37, %sub3A_34, %broadcast_in_dim3A_38 : vector<10240x128xi1>, vector<10240x128xf32>
    %mul3A_40 = arith.mulf %select_n3A_39, %select_n3A_39 : vector<10240x128xf32>
    %reduce_sum3A_41 = arith.constant dense<0.000000e+00> : vector<128xf32>
    %reduce_sum3A_42 = vector.multi_reduction <add>, %mul3A_40, %reduce_sum3A_41 [0] : vector<10240x128xf32> to vector<128xf32>
    %broadcast_in_dim3A_43 = vector.shape_cast %reduce_sum3A_42 : vector<128xf32> to vector<1x128xf32>
    %mul3A_44 = arith.constant 9.99999974E-5 : f32
    %mul3A_45 = vector.broadcast %mul3A_44 : f32 to vector<1x128xf32>
    %mul3A_46 = arith.mulf %broadcast_in_dim3A_43, %mul3A_45 : vector<1x128xf32>
    %sub3A_47 = vector.broadcast %mul3A_33 : vector<1x128xf32> to vector<10240x128xf32>
    %sub3A_48 = arith.subf %add3A_26, %sub3A_47 : vector<10240x128xf32>
    %add3A_49 = arith.constant 9.99999974E-6 : f32
    %add3A_50 = vector.broadcast %add3A_49 : f32 to vector<1x128xf32>
    %add3A_51 = arith.addf %mul3A_46, %add3A_50 : vector<1x128xf32>
    %rsqrt3A = math.rsqrt %add3A_51 : vector<1x128xf32>
    %mul3A_52 = vector.broadcast %rsqrt3A : vector<1x128xf32> to vector<10240x128xf32>
    %mul3A_53 = arith.mulf %sub3A_48, %mul3A_52 : vector<10240x128xf32>
    %get3A_54 = arith.constant 0 : index
    %get3A_55 = arith.constant 0 : index
    %get3A_56 = vector.load %arg4[%get3A_54, %get3A_55] : memref<1x128xf32, #tpu.memory_space<vmem>>, vector<1x128xf32>
    %mul3A_57 = vector.broadcast %get3A_56 : vector<1x128xf32> to vector<10240x128xf32>
    %mul3A_58 = arith.mulf %mul3A_53, %mul3A_57 : vector<10240x128xf32>
    %get3A_59 = arith.constant 0 : index
    %get3A_60 = arith.constant 0 : index
    %get3A_61 = vector.load %arg5[%get3A_59, %get3A_60] : memref<1x128xf32, #tpu.memory_space<vmem>>, vector<1x128xf32>
    %add3A_62 = vector.broadcast %get3A_61 : vector<1x128xf32> to vector<10240x128xf32>
    %add3A_63 = arith.addf %mul3A_58, %add3A_62 : vector<10240x128xf32>
    %max3A = arith.constant 0.000000e+00 : f32
    %max3A_64 = vector.broadcast %max3A : f32 to vector<10240x128xf32>
    %max3A_65 = arith.maximumf %add3A_63, %max3A_64 : vector<10240x128xf32>
    %jit3A_66 = arith.constant 0.000000e+00 : f32
    %broadcast_in_dim3A_67 = vector.shape_cast %lt3A_1 : vector<10240x1xi1> to vector<10240x1xi1>
    %broadcast_in_dim3A_68 = vector.broadcast %broadcast_in_dim3A_67 : vector<10240x1xi1> to vector<10240x128xi1>
    %broadcast_in_dim3A_69 = vector.broadcast %jit3A_66 : f32 to vector<10240x128xf32>
    %select_n3A_70 = arith.select %broadcast_in_dim3A_68, %max3A_65, %broadcast_in_dim3A_69 : vector<10240x128xi1>, vector<10240x128xf32>
    %get3A_71 = arith.constant 0 : index
    %get3A_72 = arith.constant 0 : index
    %get3A_73 = vector.load %arg6[%get3A_71, %get3A_72] : memref<128x16xf32, #tpu.memory_space<vmem>>, vector<128x16xf32>
    %dot_general3A = arith.constant dense<0.000000e+00> : vector<10240x16xf32>
    %dot_general3A_74 = tpu.matmul %select_n3A_70, %get3A_73, %dot_general3A {dimension_numbers = #tpu.dot_dimension_numbers<[1], [0], [0], [1], [0, 0, 1, 1], [], []>, transpose_lhs_hint = false} : vector<10240x128xf32>, vector<128x16xf32>, vector<10240x16xf32> -> vector<10240x16xf32>
    %mul3A_75 = vector.broadcast %get3A_3 : vector<10240x1xf32> to vector<10240x16xf32>
    %mul3A_76 = arith.mulf %mul3A_75, %dot_general3A_74 : vector<10240x16xf32>
    %swap3A = arith.constant 0 : index
    %swap3A_77 = arith.constant 0 : index
    %swap3A_78 = vector.load %arg7[%swap3A, %swap3A_77] : memref<10240x16xf32, #tpu.memory_space<vmem>>, vector<10240x16xf32>
    tpu.vector_store %arg7[%swap3A, %swap3A_77], %mul3A_76 {strides = array<i32>} : memref<10240x16xf32, #tpu.memory_space<vmem>>, vector<10240x16xf32>,
    return
  }
}

module attributes {stable_mosaic.version = 14 : i64} {
  func.func @_t3_body(%arg0: memref<10240x16xf32, #tpu.memory_space<vmem>>, %arg1: memref<2x10240x16xf32, #tpu.memory_space<vmem>>, %arg2: memref<10240x1xf32, #tpu.memory_space<vmem>>, %arg3: memref<1x16xf32, #tpu.memory_space<vmem>>, %arg4: memref<10000x10xf32, #tpu.memory_space<vmem>>) attributes {dimension_semantics = [], scalar_prefetch = 0 : i64, scratch_operands = 0 : i64, tpu.core_type = #tpu.core_type<tc>} {
    %get3A = arith.constant 0 : index
    %get3A_0 = arith.constant 0 : index
    %get3A_1 = vector.load %arg2[%get3A, %get3A_0] : memref<10240x1xf32, #tpu.memory_space<vmem>>, vector<10240x1xf32>
    %get3A_2 = arith.constant 0 : index
    %get3A_3 = arith.constant 0 : index
    %get3A_4 = vector.load %arg0[%get3A_2, %get3A_3] : memref<10240x16xf32, #tpu.memory_space<vmem>>, vector<10240x16xf32>
    %get3A_5 = arith.constant 0 : index
    %get3A_6 = arith.constant 0 : index
    %get3A_7 = arith.constant 0 : index
    %get3A_8 = vector.load %arg1[%get3A_5, %get3A_6, %get3A_7] : memref<2x10240x16xf32, #tpu.memory_space<vmem>>, vector<1x10240x16xf32>
    %get3A_9 = vector.shape_cast %get3A_8 : vector<1x10240x16xf32> to vector<10240x16xf32>
    %add3A = arith.addf %get3A_4, %get3A_9 : vector<10240x16xf32>
    %get3A_10 = arith.constant 1 : index
    %get3A_11 = arith.constant 0 : index
    %get3A_12 = arith.constant 0 : index
    %get3A_13 = vector.load %arg1[%get3A_10, %get3A_11, %get3A_12] : memref<2x10240x16xf32, #tpu.memory_space<vmem>>, vector<1x10240x16xf32>
    %get3A_14 = vector.shape_cast %get3A_13 : vector<1x10240x16xf32> to vector<10240x16xf32>
    %add3A_15 = arith.addf %add3A, %get3A_14 : vector<10240x16xf32>
    %mul3A = vector.broadcast %get3A_1 : vector<10240x1xf32> to vector<10240x16xf32>
    %mul3A_16 = arith.mulf %mul3A, %add3A_15 : vector<10240x16xf32>
    %get3A_17 = arith.constant 0 : index
    %get3A_18 = arith.constant 0 : index
    %get3A_19 = vector.load %arg3[%get3A_17, %get3A_18] : memref<1x16xf32, #tpu.memory_space<vmem>>, vector<1x16xf32>
    %add3A_20 = vector.broadcast %get3A_19 : vector<1x16xf32> to vector<10240x16xf32>
    %add3A_21 = arith.addf %mul3A_16, %add3A_20 : vector<10240x16xf32>
    %slice3A = vector.extract_strided_slice %add3A_21 {offsets = [0, 0], sizes = [10000, 10], strides = [1, 1]} : vector<10240x16xf32> to vector<10000x10xf32>
    %swap3A = arith.constant 0 : index
    %swap3A_22 = arith.constant 0 : index
    %swap3A_23 = vector.load %arg4[%swap3A, %swap3A_22] : memref<10000x10xf32, #tpu.memory_space<vmem>>, vector<10000x10xf32>
    tpu.vector_store %arg4[%swap3A, %swap3A_22], %slice3A {strides = array<i32>} : memref<10000x10xf32, #tpu.memory_space<vmem>>, vector<10000x10xf32>,
    return
  }
}

</mosaic_0001>

<sc_bundles>
// kernel: kernel.10.cloned.1.call-start
scs
__scs_entry_jumppad:
0x0: {  	(pc) =	sbr.rel $0x88, $3  }
0x1: {  	(tag) =	ssettag $0x0;
	lr =	simm.s32 $0x1  }
0x2: {  	[smem:$0x3F95] =	sst lr;
	_ =	strace $0xD0000000  }
0x3: {  	_ = 	snop  }
0x4: {  	_ = 	snop  }
0x5: {  	_ = 	snop  }
0x6: {  	_ = 	snop  }
0x7: {  	_ = 	snop  }
__scs_overlays_trampoline_lowered:
0x8: {  	[smem:$0x3FA4] =	sst s0  }
0x9: {  	[smem:$0x3FA5] =	sst s1  }
0xa: {  	[smem:$0x3FA6] =	sst s2  }
0xb: {  	[smem:$0x3FA7] =	sst s3  }
0xc: {  	[smem:$0x3FA8] =	sst s4  }
0xd: {  	[smem:$0x3FA9] =	sst s5  }
0xe: {  	[smem:$0x3FAA] =	sst s6  }
0xf: {  	[smem:$0x3FAB] =	sst s7  }
0x10: {  	[smem:$0x3FAC] =	sst s8  }
0x11: {  	[smem:$0x3FAD] =	sst s9;
	s0 =	simm.s32 @!p0 $0x0  }
0x12: {  	s1 =	sld [smem:$0x3F93];
	s0 =	simm.s32 @p0 $0x1  }
0x13: {  	[smem:$0x3FAE] =	sst s0;
	s0 =	simm.s32 @!p1 $0x0  }
0x14: {  	s2 =	sld [smem:$0x3F92];
	s0 =	simm.s32 @p1 $0x1  }
0x15: {  	[smem:$0x3FAF] =	sst s0;
	s0 =	simm.s32 @!p2 $0x0  }
0x16: {  	s3 =	sld [smem:$0x3FDB];
	s0 =	simm.s32 @p2 $0x1  }
0x17: {  	s4 =	simm.s32 $0x1BF5;
	[smem:$0x3FB1] =	sst s0  }
0x18: {  	s0 =	sld [smem:$0x3F94];
	_ =	swait.ge [sflag:s4], $0x0  }
0x19: {  	s7 =	sld [smem:$0x3F95]  }
0x1a: {  	s8 =	sadd.s32 $0xFFFFE003, lr  }
0x1b: {  	s9 =	sadd.s32 $0xFFFFFEF7, lr;
	s5 =	simm.s32 $0xFFFFFFFF;
	p2 =	slt.u32 s8, $0xFFFFF086  }
0x1c: {  	p1 =	slt.u32 s9, $0xF7A;
	s5 =	simm.s32 @!p2 $0x0  }
0x1d: {  	s5 =	simm.s32 @p1 $0x1;
	p0 =	seq.s32 s7, s2  }
0x1e: {  	s7 =	smul.u32 @!p0 $0xF7A, s2;
	p2 =	seq.s32 @!p0 s5, $0x0  }
0x1f: {  	s9 =	smul.u32 $0xF7A, s1;
	s8 =	simm.s32 @!p0 $0x1BF5;
	p2 =	por !p2, p0  }
0x20: {  	[sflag:s8] =	ssyncset.s32 @!p0 $0xFFFFF086;
	s6 =	sadd.s32 @!p0 s3, s7;
	s7 =	simm.s32 @!p0 $0x108  }
0x21: {  	s3 =	sadd.s32 s3, s9;
	s6 =	sadd.s32 @!p0 $0x88, s6;
	s7 =	simm.s32 @p2 $0x1082  }
0x22: {  	[simem:s7], [sflag:s8] =	dma.local @!p0 [hbm:s6], $0xF7A  }
0x23: {  	s9 =	sor.u32 $0xD0000000, s2;
	s6 =	simm.s32 $0x108;
	_ =	swait.ge @!p0 [sflag:s8], $0x0  }
0x24: {  	s3 =	sadd.s32 $0x88, s3;
	s6 =	simm.s32 @!p1 $0x1082;
	[sflag:s4] =	ssyncset.s32 $0xFFFFF086  }
0x25: {  	[simem:s6], [sflag:s4] =	dma.local [hbm:s3], $0xF7A  }
0x26: {  	[smem:$0x3F95] =	sst s1;
	(tag) =	ssettag s2;
	_ =	strace s9  }
0x27: {  	s1 =	sld [smem:$0x3FA5]  }
0x28: {  	s2 =	sld [smem:$0x3FA6]  }
0x29: {  	s4 =	sld [smem:$0x3FA8]  }
0x2a: {  	p0 =	seq.s32 s5, $0x0;
	s5 =	sld [smem:$0x3FA9]  }
0x2b: {  	s6 =	sld [smem:$0x3FAA]  }
0x2c: {  	s7 =	sld [smem:$0x3FAB]  }
0x2d: {  	s3 =	simm.s32 $0x108;
	s8 =	sld [smem:$0x3FAC]  }
0x2e: {  	s3 =	simm.s32 @!p0 $0x1082;
	s9 =	sld [smem:$0x3FAD]  }
0x2f: {  	lr =	sadd.s32 s0, s3;
	s0 =	sld [smem:$0x3FA4]  }
0x30: {  	s3 =	sld [smem:$0x3FA7]  }
0x31: {  	[smem:$0x3FB0] =	sst s10  }
0x32: {  	s10 =	sld [smem:$0x3FAE];
	_ =	sdelay $0x3  }
0x33: {  	p0 =	seq.s32 s10, $0x1;
	s10 =	sld [smem:$0x3FB0];
	_ =	sdelay $0x3  }
0x34: {  	[smem:$0x3FB0] =	sst s10  }
0x35: {  	s10 =	sld [smem:$0x3FAF];
	_ =	sdelay $0x3  }
0x36: {  	p1 =	seq.s32 s10, $0x1;
	s10 =	sld [smem:$0x3FB0];
	_ =	sdelay $0x3  }
0x37: {  	[smem:$0x3FB0] =	sst s10  }
0x38: {  	s10 =	sld [smem:$0x3FB1]  }
0x39: {  	_ = 	snop;
	(pc) =	sbr.ind lr, $3  }
0x3a: {  	_ = 	snop  }
0x3b: {  	_ = 	snop  }
0x3c: {  	p2 =	seq.s32 s10, $0x1;
	s10 =	sld [smem:$0x3FB0]  }
0x3d: {  	_ =	shalt  }
0x3e: {  	_ =	shalt  }
0x3f: {  	_ =	shalt  }
0x40: {  	_ =	shalt  }
0x41: {  	_ =	shalt  }
0x42: {  	_ =	shalt  }
0x43: {  	_ =	shalt  }
0x44: {  	_ =	shalt  }
0x45: {  	_ =	shalt  }
0x46: {  	_ =	shalt  }
0x47: {  	_ =	shalt  }
0x48: {  	_ =	shalt  }
0x49: {  	_ =	shalt  }
0x4a: {  	_ =	shalt  }
0x4b: {  	_ =	shalt  }
0x4c: {  	_ =	shalt  }
0x4d: {  	_ =	shalt  }
0x4e: {  	_ =	shalt  }
0x4f: {  	_ =	shalt  }
0x50: {  	_ =	shalt  }
0x51: {  	_ =	shalt  }
0x52: {  	_ =	shalt  }
0x53: {  	_ =	shalt  }
0x54: {  	_ =	shalt  }
0x55: {  	_ =	shalt  }
0x56: {  	_ =	shalt  }
0x57: {  	_ =	shalt  }
0x58: {  	_ =	shalt  }
0x59: {  	_ =	shalt  }
0x5a: {  	_ =	shalt  }
0x5b: {  	_ =	shalt  }
0x5c: {  	_ =	shalt  }
0x5d: {  	_ =	shalt  }
0x5e: {  	_ =	shalt  }
0x5f: {  	_ =	shalt  }
0x60: {  	_ =	shalt  }
0x61: {  	_ =	shalt  }
0x62: {  	_ =	shalt  }
0x63: {  	_ =	shalt  }
0x64: {  	_ =	shalt  }
0x65: {  	_ =	shalt  }
0x66: {  	_ =	shalt  }
0x67: {  	_ =	shalt  }
0x68: {  	_ =	shalt  }
0x69: {  	_ =	shalt  }
0x6a: {  	_ =	shalt  }
0x6b: {  	_ =	shalt  }
0x6c: {  	_ =	shalt  }
0x6d: {  	_ =	shalt  }
0x6e: {  	_ =	shalt  }
0x6f: {  	_ =	shalt  }
0x70: {  	_ =	shalt  }
0x71: {  	_ =	shalt  }
0x72: {  	_ =	shalt  }
0x73: {  	_ =	shalt  }
0x74: {  	_ =	shalt  }
0x75: {  	_ =	shalt  }
0x76: {  	_ =	shalt  }
0x77: {  	_ =	shalt  }
0x78: {  	_ =	shalt  }
0x79: {  	_ =	shalt  }
0x7a: {  	_ =	shalt  }
0x7b: {  	_ =	shalt  }
0x7c: {  	_ =	shalt  }
0x7d: {  	_ =	shalt  }
0x7e: {  	_ =	shalt  }
0x7f: {  	_ =	shalt  }
0x80: {  	_ =	shalt  }
0x81: {  	_ =	shalt  }
0x82: {  	_ =	shalt  }
0x83: {  	_ =	shalt  }
0x84: {  	_ =	shalt  }
0x85: {  	_ =	shalt  }
0x86: {  	_ =	shalt  }
0x87: {  	_ =	shalt  }
.Lfunc_end0:
.L_simem_size_0:
called_computation_lowered:
.L_overlay_start_0:
0x88: {  	s2 =	sld [smem:$0x3FD9]  }
0x89: {  	s3 =	sld [smem:$0x3FFE];
	_ =	sdelay $0x1  }
0x8a: {  	s1 =	srdreg.scid  }
0x8b: {  	s0 =	sand.u32 $0x1, s1  }
0x8c: {  	s17 =	sshll.u32 s0, $0xA;
	s2 =	sadd.s32 s3, s2  }
0x8d: {  	s2 =	sadd.s32 s2, s17  }
0x8e: {  	[smem:$0x3FBC] =	sst s2  }
0x8f: {  	_ = 	snop  }
0x90: {  	s2 =	sld [smem:$0x3FD0];
	(tm) =	ssettm $0x1  }
0x91: {  	s18 =	sld [smem:$0x3FFB];
	_ =	sdelay $0x3  }
0x92: {  	_ =	strace s18  }
0x93: {  	s3 =	sld [smem:$0x3FFC];
	_ =	sdelay $0x3  }
0x94: {  	_ =	strace s3  }
0x95: {  	s3 =	sld [smem:$0x3FFD];
	_ =	sdelay $0x3  }
0x96: {  	_ =	strace s3  }
0x97: {  	_ =	strace $0x8FFFFFFF  }
0x98: {  	s19 =	sld [smem:$0x3FDB];
	_ =	sdelay $0x1  }
0x99: {  	s4 =	simm.s32 $_scs_section_size  }
0x9a: {  	s5 =	simm.s32 $_size__tile_overlayer_lowered;
	s6 =	simm.s32 $_tile_overlayer_lowered  }
0x9b: {  	s22 =	simm.s32 $0x1BFF;
	s21 =	sshll.u32 s6, $0x1;
	s3 =	sadd.s32 s4, s19  }
0x9c: {  	s7 =	simm.s32 $0x0;
	s20 =	sshll.u32 s5, $0x1;
	s5 =	sadd.s32 s21, s3  }
0x9d: {  	[timem:s7], [sflag:s22] =	dma.local [hbm:s5], s20  }
0x9e: {  	_ =	swait.ge [sflag:s22], s20  }
0x9f: {  	s4 =	ssub.s32 $0x0, s20;
	[sflag:s22] =	ssyncset.done $0x0  }
0xa0: {  	[sflag:s22] =	ssyncadd.s32 s4;
	_ =	sdelay $0x1  }
0xa1: {  	s23 =	simm.s32 $0x1B8B  }
0xa2: {  	_ =	swait.ge [sflag:s23], $0x1  }
0xa3: {  	[sflag:s23] =	ssyncset.done $0x0  }
0xa4: {  	s25 =	simm.s32 $0x1B8E;
	s24 =	sld [smem:$0x3FFE];
	[sflag:s23] =	ssyncadd.s32 $0xFFFFFFFF  }
0xa5: {  	s26 =	simm.s32 $execute0_lowered;
	[smem:$0x3FD2] =	sst s25  }
0xa6: {  	s5 =	sshll.u32 s26, $0x1;
	_ =	strace $0x80000046;
	[dreg:$0x1] =	wrdreg $0xFFFFFFFF  }
0xa7: {  	s28 =	simm.s32 $_size_execute0_lowered;
	s3 =	sadd.s32 s3, s5;
	[dreg:$0x0] =	wrdreg $0x0  }
0xa8: {  	s5 =	sshll.u32 s28, $0x1;
	[dreg:$0x2] =	wrdreg s3  }
0xa9: {  	[dreg:$0x3] =	wrdreg s5  }
0xaa: {  	[dreg:$0x4] =	wrdreg $0xC0  }
0xab: {  	_ =	task [dreg:s7], $0x5FFFF  }
0xac: {  	[dreg:$0x1] =	wrdreg $0xFFFFFFFF  }
0xad: {  	[dreg:$0x0] =	wrdreg $0x60  }
0xae: {  	[dreg:$0x2] =	wrdreg s24  }
0xaf: {  	[dreg:$0x3] =	wrdreg s2  }
0xb0: {  	[dreg:$0x4] =	wrdreg $0x2B000  }
0xb1: {  	[dreg:$0x5] =	wrdreg $0x9  }
0xb2: {  	_ =	task.clear_ibuf [dreg:s7], $0x6FFFF;
	_ =	strace $0x90000046  }
0xb3: {  	s29 =	simm.s32 $0x9;
	_ =	strace $0x80000048  }
0xb4: {  	_ =	swait.ge [sflag:s29], $0x1  }
0xb5: {  	[sflag:s29] =	ssyncadd.s32 $0xFFFFFFFF  }
0xb6: {  	_ =	strace $0x90000048  }
0xb7: {  	_ =	sfence  }
0xb8: {  	s30 =	sld [smem:$0x0];
	_ =	sdelay $0x2  }
0xb9: {  	s31 =	sshll.u32 s1, $0xD;
	s1 =	sshrl.u32 s1, $0x2  }
0xba: {  	s3 =	sand.u32 $0x4000, s31;
	s1 =	sadd.s32 s1, s30  }
0xbb: {  	s0 =	sor.u32 s3, s0;
	s1 =	sshll.u32 s1, $0x11  }
0xbc: {  	s0 =	sor.u32 s1, s0  }
0xbd: {  	s0 =	sadd.s32 $0x8F2B, s0  }
0xbe: {  	[sflag:s0] =	ssyncadd.remote.s32 $0x1  }
0xbf: {  	_ =	sfence.sel $0xFFFF  }
0xc0: {  	[dreg:$0x0] =	wrdreg $0xFFFFFFFF;
	(pc) =	sbr.abs _section_cstart, $3  }
0xc1: {  	[dreg:$0x1] =	wrdreg $0xFFFFFFFF  }
0xc2: {  	_ =	task.clear_ibuf [dreg:s7], $0x2FFFF;
	_ =	strace $0x9FFFFFFF  }
0xc3: {  	(tm) =	ssettm $0x7FFFFFFF  }
tec
execute0_lowered:
.L_overlay_start_1:
0x0: {  	(tag) =	ssettag $0x1  }
0x1: {  	s1 =	srdreg.scid;
	s4 =	rddreg [dreg:$0x0]  }
0x2: {  	s0 =	stileid.u32;
	s6 =	rddreg [dreg:$0x1]  }
0x3: {  	s2 =	rddreg [dreg:$0x2];
	s3 =	simm.s32 $0x0;
	s11 =	simm.s32 $0x2800  }
0x4: {  	s12 =	simm.s32 $0x1;
	s15 =	simm.s32 $0x0;
	s5 =	sand.u32 $0x1, s1  }
0x5: {  	s29 =	sshll.u32 s0, $0x1;
	s8 =	smul.u32 $0x280, s0;
	[smem:$0x7FF] =	sst s3  }
0x6: {  	s13 =	sshll.u32 s0, $0x6;
	s1 =	sor.u32 s5, s29;
	s9 =	smul.u32 $0x2800, s5  }
0x7: {  	s5 =	ssub.s32 $0x2, s5;
	s13 =	sor.u32 $0x1C02, s13;
	s7 =	smul.u32 $0x500, s1  }
0x8: {  	s1 =	rddreg [dreg:$0x3];
	_ =	strace $0x80000047;
	s30 =	sshrl.u32 s5, $0x1  }
0x9: {  	s9 =	sadd.s32 s8, s9;
	s10 =	ssub.s32 s5, s30;
	s7 =	sadd.s32 s7, s4  }
0xa: {  	s4 =	sadd.s32 s8, s2;
	s31 =	sshrl.u32 s9, $0x3;
	s8 =	simm.s32 $0x2880  }
0xb: {  	s9 =	simm.s32 $0x2;
	s5 =	sadd.s32 $0x3400, s7;
	s6 =	sadd.s32 s6, s31  }
0xc: {  	v0 =	vimm.f32 $1.000000000e+00;
	v1 =	vimm.f32 $0.0e+00;
	s7 =	smax.u32 s10, $0x1;
	s10 =	simm.s32 $0x80;
	s14 =	sshrl.u32 s4, $0x3  }
.LBB2_1:
0xd: {  	[tilespmem:$0x2800] =	vst v0  }
0xe: {  	[tilespmem:$0x2810] =	vst v0  }
0xf: {  	[tilespmem:$0x2820] =	vst v0  }
0x10: {  	[tilespmem:$0x2830] =	vst v0  }
0x11: {  	[tilespmem:$0x2840] =	vst v0  }
0x12: {  	[tilespmem:$0x2850] =	vst v0  }
0x13: {  	[tilespmem:$0x2860] =	vst v0  }
0x14: {  	[tilespmem:$0x2870] =	vst v0  }
0x15: {  	[tilespmem:$0x2880] =	vst v1  }
0x16: {  	[tilespmem:$0x2890] =	vst v1  }
0x17: {  	[tilespmem:$0x28A0] =	vst v1  }
0x18: {  	[tilespmem:$0x28B0] =	vst v1  }
0x19: {  	[tilespmem:$0x28C0] =	vst v1  }
0x1a: {  	[tilespmem:$0x28D0] =	vst v1  }
0x1b: {  	[tilespmem:$0x28E0] =	vst v1  }
0x1c: {  	[tilespmem:$0x28F0] =	vst v1  }
0x1d: {  	[tilespmem:$0x2900] =	vst v1  }
0x1e: {  	[tilespmem:$0x2910] =	vst v1  }
0x1f: {  	[tilespmem:$0x2920] =	vst v1  }
0x20: {  	[tilespmem:$0x2930] =	vst v1  }
0x21: {  	[tilespmem:$0x2940] =	vst v1  }
0x22: {  	[tilespmem:$0x2950] =	vst v1  }
0x23: {  	[tilespmem:$0x2960] =	vst v1  }
0x24: {  	[tilespmem:$0x2970] =	vst v1  }
0x25: {  	[tilespmem:$0x2980] =	vst v1  }
0x26: {  	[tilespmem:$0x2990] =	vst v1  }
0x27: {  	[tilespmem:$0x29A0] =	vst v1  }
0x28: {  	[tilespmem:$0x29B0] =	vst v1  }
0x29: {  	[tilespmem:$0x29C0] =	vst v1  }
0x2a: {  	[tilespmem:$0x29D0] =	vst v1  }
0x2b: {  	[tilespmem:$0x29E0] =	vst v1  }
0x2c: {  	[tilespmem:$0x29F0] =	vst v1  }
0x2d: {  	[tilespmem:$0x2A00] =	vst v1  }
0x2e: {  	[tilespmem:$0x2A10] =	vst v1  }
0x2f: {  	[tilespmem:$0x2A20] =	vst v1  }
0x30: {  	[tilespmem:$0x2A30] =	vst v1  }
0x31: {  	[tilespmem:$0x2A40] =	vst v1  }
0x32: {  	[tilespmem:$0x2A50] =	vst v1  }
0x33: {  	[tilespmem:$0x2A60] =	vst v1  }
0x34: {  	[tilespmem:$0x2A70] =	vst v1  }
0x35: {  	[tilespmem:$0x2A80] =	vst v1  }
0x36: {  	[tilespmem:$0x2A90] =	vst v1  }
0x37: {  	[tilespmem:$0x2AA0] =	vst v1  }
0x38: {  	[tilespmem:$0x2AB0] =	vst v1  }
0x39: {  	[tilespmem:$0x2AC0] =	vst v1  }
0x3a: {  	[tilespmem:$0x2AD0] =	vst v1  }
0x3b: {  	[tilespmem:$0x2AE0] =	vst v1  }
0x3c: {  	[tilespmem:$0x2AF0] =	vst v1  }
0x3d: {  	[spmem:s4] =	stream.linear.scatter [tilespmem:s8], [sflag:$0x2], $0x280, $0x38;
	[tilespmem:$0x2D80] =	vst v63  }
0x3e: {  	_ =	swait.ge [sflag:s9], $0x280  }
0x3f: {  	[sflag:s9] =	ssyncset.done $0x0  }
0x40: {  	[sflag:s9] =	ssyncadd.s32 $0xFFFFFD80  }
0x41: {  	[tilespmem:s3], [sflag:$0x2] =	stream.linear.gather [hbm4b:s5+s3], $0x2800, $0x38;
	[tilespmem:$0x2D80] =	vst v63  }
0x42: {  	_ =	swait.ge [sflag:s9], $0x2800  }
0x43: {  	[sflag:s9] =	ssyncset.done $0x0  }
0x44: {  	[sflag:s9] =	ssyncadd.s32 $0xFFFFD800  }
0x45: {  	s16 =	simm.s32 $0x0;
	[bflag:$0x0] =	sbarrier.arrive $0xFFFF  }
.LBB2_2:
0x46: {  	p0 =	sne.s32 s16, $0x9E00  }
.Ltmp0:
0x47: {  	_ = 	snop;
	(pc) =	sbr.rel @p0 .LBB2_2-.Ltmp0, $3  }
0x48: {  	_ =	sdelay $0x1  }
0x49: {  	s17 =	sshra.s32 s16, $0x2;
	s16 =	sadd.s32 $0x200, s16  }
0x4a: {  	[spmem:s2] =	stream.indirect.scatter.add.f32 [tilespmem:s11], [sflag:$0x1], $0x1, s17, s10, $0xb8;
	[tilespmem:$0x2D80] =	vst v63  }
0x4b: {  	_ =	swait.ge [sflag:s12], $0x80  }
0x4c: {  	s16 =	simm.s32 $0x4F;
	[sflag:s12] =	ssyncset.done $0x0  }
.LBB2_4:
0x4d: {  	p0 =	sne.s32 s16, $0x1;
	s16 =	sadd.s32 $0xFFFFFFFF, s16;
	[sflag:s12] =	ssyncadd.s32 $0xFFFFFF80  }
.Ltmp1:
0x4e: {  	(pc) =	sbr.rel @p0 .LBB2_4-.Ltmp1, $3  }
0x4f: {  	_ =	sdelay $0x1  }
0x50: {  	_ =	swait.ge [sflag:s12], $0x80  }
0x51: {  	[sflag:s12] =	ssyncset.done $0x0  }
0x52: {  	s15 =	sadd.s32 $0x1, s15  }
0x53: {  	[sflag:s12] =	ssyncadd.s32 $0xFFFFFF80;
	p0 =	sne.s32 s15, s7  }
.Ltmp2:
0x54: {  	[bflag:$0x0] =	sbarrier.arrive $0xFFFF;
	(pc) =	sbr.rel @p0 .LBB2_1-.Ltmp2, $4  }
0x55: {  	[hbm:s6], [sflag:s13] =	dma.local [spmem:s14], $0x50  }
0x56: {  	_ =	swait.ge [sflag:s9], $0x50  }
0x57: {  	[sflag:s9] =	ssyncset.done $0x0  }
0x58: {  	[sflag:s9] =	ssyncadd.s32 $0xFFFFFFB0  }
0x59: {  	_ =	sfence.sel $0x180000  }
0x5a: {  	[bflag:$0x0] =	sbarrier.arrive $0xFFFF  }
0x5b: {  	p0 =	sne.s32 s0, $0x0;
	_ =	strace $0x90000047  }
0x5c: {  	s0 =	sadd.s32 @!p0 $0x100000, s1;
	[bflag:$0x2] =	sbarrier.arrive $0xFFFF  }
0x5d: {  	[sflag:s0] =	ssyncadd.tile.s32 @!p0 $0x1;
	_ =	shalt  }
.Lfunc_end2:
_tile_overlayer_lowered:
.L_overlay_start_2:
0x5e: {  	(tag) =	ssettag $0x2  }
0x5f: {  	s0 =	rddreg [dreg:$0x0];
	s2 =	stileid.u32  }
0x60: {  	s1 =	rddreg [dreg:$0x1];
	p0 =	sne.s32 s2, $0x0  }
0x61: {  	s3 =	rddreg [dreg:$0x2];
	[bflag:$0x3] =	sbarrier.arrive $0xFFFF;
	s2 =	simm.s32 @!p0 $0x1C02  }
0x62: {  	[timem:s3], [sflag:s2] =	dma.local @!p0 [hbm:s0], s1  }
0x63: {  	s0 =	simm.s32 @!p0 $0x2  }
0x64: {  	_ =	swait.ge @!p0 [sflag:s0], s1  }
0x65: {  	s1 =	ssub.s32 @!p0 $0x0, s1;
	[sflag:s0] =	ssyncset.done @!p0 $0x0  }
0x66: {  	[sflag:s0] =	ssyncadd.s32 @!p0 s1  }
0x67: {  	[bflag:$0x3] =	sbarrier.arrive $0xFFFF  }
0x68: {  	_ =	shalt  }

// kernel: kernel.13.cloned.1.call-start
scs
__scs_entry_jumppad:
0x0: {  	(pc) =	sbr.rel $0x88, $3  }
0x1: {  	(tag) =	ssettag $0x0;
	lr =	simm.s32 $0x1  }
0x2: {  	[smem:$0x3F95] =	sst lr;
	_ =	strace $0xD0000000  }
0x3: {  	_ = 	snop  }
0x4: {  	_ = 	snop  }
0x5: {  	_ = 	snop  }
0x6: {  	_ = 	snop  }
0x7: {  	_ = 	snop  }
__scs_overlays_trampoline_lowered:
0x8: {  	[smem:$0x3FA4] =	sst s0  }
0x9: {  	[smem:$0x3FA5] =	sst s1  }
0xa: {  	[smem:$0x3FA6] =	sst s2  }
0xb: {  	[smem:$0x3FA7] =	sst s3  }
0xc: {  	[smem:$0x3FA8] =	sst s4  }
0xd: {  	[smem:$0x3FA9] =	sst s5  }
0xe: {  	[smem:$0x3FAA] =	sst s6  }
0xf: {  	[smem:$0x3FAB] =	sst s7  }
0x10: {  	[smem:$0x3FAC] =	sst s8  }
0x11: {  	[smem:$0x3FAD] =	sst s9;
	s0 =	simm.s32 @!p0 $0x0  }
0x12: {  	s1 =	sld [smem:$0x3F93];
	s0 =	simm.s32 @p0 $0x1  }
0x13: {  	[smem:$0x3FAE] =	sst s0;
	s0 =	simm.s32 @!p1 $0x0  }
0x14: {  	s2 =	sld [smem:$0x3F92];
	s0 =	simm.s32 @p1 $0x1  }
0x15: {  	[smem:$0x3FAF] =	sst s0;
	s0 =	simm.s32 @!p2 $0x0  }
0x16: {  	s3 =	sld [smem:$0x3FDB];
	s0 =	simm.s32 @p2 $0x1  }
0x17: {  	s4 =	simm.s32 $0x1BF5;
	[smem:$0x3FB1] =	sst s0  }
0x18: {  	s0 =	sld [smem:$0x3F94];
	_ =	swait.ge [sflag:s4], $0x0  }
0x19: {  	s7 =	sld [smem:$0x3F95]  }
0x1a: {  	s8 =	sadd.s32 $0xFFFFE003, lr  }
0x1b: {  	s9 =	sadd.s32 $0xFFFFFEF7, lr;
	s5 =	simm.s32 $0xFFFFFFFF;
	p2 =	slt.u32 s8, $0xFFFFF086  }
0x1c: {  	p1 =	slt.u32 s9, $0xF7A;
	s5 =	simm.s32 @!p2 $0x0  }
0x1d: {  	s5 =	simm.s32 @p1 $0x1;
	p0 =	seq.s32 s7, s2  }
0x1e: {  	s7 =	smul.u32 @!p0 $0xF7A, s2;
	p2 =	seq.s32 @!p0 s5, $0x0  }
0x1f: {  	s9 =	smul.u32 $0xF7A, s1;
	s8 =	simm.s32 @!p0 $0x1BF5;
	p2 =	por !p2, p0  }
0x20: {  	[sflag:s8] =	ssyncset.s32 @!p0 $0xFFFFF086;
	s6 =	sadd.s32 @!p0 s3, s7;
	s7 =	simm.s32 @!p0 $0x108  }
0x21: {  	s3 =	sadd.s32 s3, s9;
	s6 =	sadd.s32 @!p0 $0x88, s6;
	s7 =	simm.s32 @p2 $0x1082  }
0x22: {  	[simem:s7], [sflag:s8] =	dma.local @!p0 [hbm:s6], $0xF7A  }
0x23: {  	s9 =	sor.u32 $0xD0000000, s2;
	s6 =	simm.s32 $0x108;
	_ =	swait.ge @!p0 [sflag:s8], $0x0  }
0x24: {  	s3 =	sadd.s32 $0x88, s3;
	s6 =	simm.s32 @!p1 $0x1082;
	[sflag:s4] =	ssyncset.s32 $0xFFFFF086  }
0x25: {  	[simem:s6], [sflag:s4] =	dma.local [hbm:s3], $0xF7A  }
0x26: {  	[smem:$0x3F95] =	sst s1;
	(tag) =	ssettag s2;
	_ =	strace s9  }
0x27: {  	s1 =	sld [smem:$0x3FA5]  }
0x28: {  	s2 =	sld [smem:$0x3FA6]  }
0x29: {  	s4 =	sld [smem:$0x3FA8]  }
0x2a: {  	p0 =	seq.s32 s5, $0x0;
	s5 =	sld [smem:$0x3FA9]  }
0x2b: {  	s6 =	sld [smem:$0x3FAA]  }
0x2c: {  	s7 =	sld [smem:$0x3FAB]  }
0x2d: {  	s3 =	simm.s32 $0x108;
	s8 =	sld [smem:$0x3FAC]  }
0x2e: {  	s3 =	simm.s32 @!p0 $0x1082;
	s9 =	sld [smem:$0x3FAD]  }
0x2f: {  	lr =	sadd.s32 s0, s3;
	s0 =	sld [smem:$0x3FA4]  }
0x30: {  	s3 =	sld [smem:$0x3FA7]  }
0x31: {  	[smem:$0x3FB0] =	sst s10  }
0x32: {  	s10 =	sld [smem:$0x3FAE];
	_ =	sdelay $0x3  }
0x33: {  	p0 =	seq.s32 s10, $0x1;
	s10 =	sld [smem:$0x3FB0];
	_ =	sdelay $0x3  }
0x34: {  	[smem:$0x3FB0] =	sst s10  }
0x35: {  	s10 =	sld [smem:$0x3FAF];
	_ =	sdelay $0x3  }
0x36: {  	p1 =	seq.s32 s10, $0x1;
	s10 =	sld [smem:$0x3FB0];
	_ =	sdelay $0x3  }
0x37: {  	[smem:$0x3FB0] =	sst s10  }
0x38: {  	s10 =	sld [smem:$0x3FB1]  }
0x39: {  	_ = 	snop;
	(pc) =	sbr.ind lr, $3  }
0x3a: {  	_ = 	snop  }
0x3b: {  	_ = 	snop  }
0x3c: {  	p2 =	seq.s32 s10, $0x1;
	s10 =	sld [smem:$0x3FB0]  }
0x3d: {  	_ =	shalt  }
0x3e: {  	_ =	shalt  }
0x3f: {  	_ =	shalt  }
0x40: {  	_ =	shalt  }
0x41: {  	_ =	shalt  }
0x42: {  	_ =	shalt  }
0x43: {  	_ =	shalt  }
0x44: {  	_ =	shalt  }
0x45: {  	_ =	shalt  }
0x46: {  	_ =	shalt  }
0x47: {  	_ =	shalt  }
0x48: {  	_ =	shalt  }
0x49: {  	_ =	shalt  }
0x4a: {  	_ =	shalt  }
0x4b: {  	_ =	shalt  }
0x4c: {  	_ =	shalt  }
0x4d: {  	_ =	shalt  }
0x4e: {  	_ =	shalt  }
0x4f: {  	_ =	shalt  }
0x50: {  	_ =	shalt  }
0x51: {  	_ =	shalt  }
0x52: {  	_ =	shalt  }
0x53: {  	_ =	shalt  }
0x54: {  	_ =	shalt  }
0x55: {  	_ =	shalt  }
0x56: {  	_ =	shalt  }
0x57: {  	_ =	shalt  }
0x58: {  	_ =	shalt  }
0x59: {  	_ =	shalt  }
0x5a: {  	_ =	shalt  }
0x5b: {  	_ =	shalt  }
0x5c: {  	_ =	shalt  }
0x5d: {  	_ =	shalt  }
0x5e: {  	_ =	shalt  }
0x5f: {  	_ =	shalt  }
0x60: {  	_ =	shalt  }
0x61: {  	_ =	shalt  }
0x62: {  	_ =	shalt  }
0x63: {  	_ =	shalt  }
0x64: {  	_ =	shalt  }
0x65: {  	_ =	shalt  }
0x66: {  	_ =	shalt  }
0x67: {  	_ =	shalt  }
0x68: {  	_ =	shalt  }
0x69: {  	_ =	shalt  }
0x6a: {  	_ =	shalt  }
0x6b: {  	_ =	shalt  }
0x6c: {  	_ =	shalt  }
0x6d: {  	_ =	shalt  }
0x6e: {  	_ =	shalt  }
0x6f: {  	_ =	shalt  }
0x70: {  	_ =	shalt  }
0x71: {  	_ =	shalt  }
0x72: {  	_ =	shalt  }
0x73: {  	_ =	shalt  }
0x74: {  	_ =	shalt  }
0x75: {  	_ =	shalt  }
0x76: {  	_ =	shalt  }
0x77: {  	_ =	shalt  }
0x78: {  	_ =	shalt  }
0x79: {  	_ =	shalt  }
0x7a: {  	_ =	shalt  }
0x7b: {  	_ =	shalt  }
0x7c: {  	_ =	shalt  }
0x7d: {  	_ =	shalt  }
0x7e: {  	_ =	shalt  }
0x7f: {  	_ =	shalt  }
0x80: {  	_ =	shalt  }
0x81: {  	_ =	shalt  }
0x82: {  	_ =	shalt  }
0x83: {  	_ =	shalt  }
0x84: {  	_ =	shalt  }
0x85: {  	_ =	shalt  }
0x86: {  	_ =	shalt  }
0x87: {  	_ =	shalt  }
.Lfunc_end0:
.L_simem_size_0:
called_computation.1_lowered:
.L_overlay_start_0:
0x88: {  	s2 =	sld [smem:$0x3FD9]  }
0x89: {  	s3 =	sld [smem:$0x3FFE];
	_ =	sdelay $0x1  }
0x8a: {  	s1 =	srdreg.scid  }
0x8b: {  	s0 =	sand.u32 $0x1, s1  }
0x8c: {  	s16 =	sshll.u32 s0, $0xA;
	s2 =	sadd.s32 s3, s2  }
0x8d: {  	s2 =	sadd.s32 s2, s16  }
0x8e: {  	[smem:$0x3FBC] =	sst s2  }
0x8f: {  	_ = 	snop  }
0x90: {  	(tm) =	ssettm $0x1  }
0x91: {  	s17 =	sld [smem:$0x3FFB];
	_ =	sdelay $0x3  }
0x92: {  	_ =	strace s17  }
0x93: {  	s2 =	sld [smem:$0x3FFC];
	_ =	sdelay $0x3  }
0x94: {  	_ =	strace s2  }
0x95: {  	s2 =	sld [smem:$0x3FFD];
	_ =	sdelay $0x3  }
0x96: {  	_ =	strace s2  }
0x97: {  	_ =	strace $0x8FFFFFFF  }
0x98: {  	s18 =	sld [smem:$0x3FDB];
	_ =	sdelay $0x1  }
0x99: {  	s19 =	simm.s32 $_scs_section_size  }
0x9a: {  	s4 =	simm.s32 $_size__tile_overlayer_lowered;
	s5 =	simm.s32 $_tile_overlayer_lowered  }
0x9b: {  	s22 =	simm.s32 $0x1BFF;
	s21 =	sshll.u32 s5, $0x1;
	s2 =	sadd.s32 s19, s18  }
0x9c: {  	s6 =	simm.s32 $0x0;
	s20 =	sshll.u32 s4, $0x1;
	s4 =	sadd.s32 s21, s2  }
0x9d: {  	[timem:s6], [sflag:s22] =	dma.local [hbm:s4], s20  }
0x9e: {  	_ =	swait.ge [sflag:s22], s20  }
0x9f: {  	s3 =	ssub.s32 $0x0, s20;
	[sflag:s22] =	ssyncset.done $0x0  }
0xa0: {  	[sflag:s22] =	ssyncadd.s32 s3;
	_ =	sdelay $0x1  }
0xa1: {  	s23 =	simm.s32 $0x1B8B  }
0xa2: {  	_ =	swait.ge [sflag:s23], $0x1  }
0xa3: {  	[sflag:s23] =	ssyncset.done $0x0  }
0xa4: {  	s25 =	simm.s32 $0x1B8E;
	s24 =	sld [smem:$0x3FFE];
	[sflag:s23] =	ssyncadd.s32 $0xFFFFFFFF  }
0xa5: {  	s26 =	simm.s32 $execute0_lowered;
	[smem:$0x3FD2] =	sst s25  }
0xa6: {  	s4 =	sshll.u32 s26, $0x1;
	_ =	strace $0x80000049;
	[dreg:$0x1] =	wrdreg $0xFFFFFFFF  }
0xa7: {  	s28 =	simm.s32 $_size_execute0_lowered;
	s2 =	sadd.s32 s2, s4;
	[dreg:$0x0] =	wrdreg $0x0  }
0xa8: {  	s4 =	sshll.u32 s28, $0x1;
	[dreg:$0x2] =	wrdreg s2  }
0xa9: {  	[dreg:$0x3] =	wrdreg s4  }
0xaa: {  	[dreg:$0x4] =	wrdreg $0xC0  }
0xab: {  	_ =	task [dreg:s6], $0x5FFFF  }
0xac: {  	[dreg:$0x1] =	wrdreg $0xFFFFFFFF  }
0xad: {  	[dreg:$0x0] =	wrdreg $0x60  }
0xae: {  	[dreg:$0x2] =	wrdreg s24  }
0xaf: {  	[dreg:$0x3] =	wrdreg $0x120000  }
0xb0: {  	[dreg:$0x4] =	wrdreg $0x9  }
0xb1: {  	_ =	task.clear_ibuf [dreg:s6], $0x5FFFF;
	_ =	strace $0x90000049  }
0xb2: {  	s29 =	simm.s32 $0x9;
	_ =	strace $0x8000004B  }
0xb3: {  	_ =	swait.ge [sflag:s29], $0x1  }
0xb4: {  	[sflag:s29] =	ssyncadd.s32 $0xFFFFFFFF  }
0xb5: {  	_ =	strace $0x9000004B  }
0xb6: {  	_ =	sfence  }
0xb7: {  	s30 =	sld [smem:$0x0];
	_ =	sdelay $0x2  }
0xb8: {  	s31 =	sshll.u32 s1, $0xD;
	s1 =	sshrl.u32 s1, $0x2  }
0xb9: {  	s3 =	sand.u32 $0x4000, s31;
	s1 =	sadd.s32 s1, s30  }
0xba: {  	s0 =	sor.u32 s3, s0;
	s1 =	sshll.u32 s1, $0x11  }
0xbb: {  	s0 =	sor.u32 s1, s0  }
0xbc: {  	s0 =	sadd.s32 $0x8F2B, s0  }
0xbd: {  	[sflag:s0] =	ssyncadd.remote.s32 $0x1  }
0xbe: {  	_ =	sfence.sel $0xFFFF  }
0xbf: {  	[dreg:$0x0] =	wrdreg $0xFFFFFFFF;
	(pc) =	sbr.abs _section_cstart, $3  }
0xc0: {  	[dreg:$0x1] =	wrdreg $0xFFFFFFFF  }
0xc1: {  	_ =	task.clear_ibuf [dreg:s6], $0x2FFFF;
	_ =	strace $0x9FFFFFFF  }
0xc2: {  	(tm) =	ssettm $0x7FFFFFFF  }
0xc3: {  	_ =	shalt  }
tec
execute0_lowered:
.L_overlay_start_1:
0x0: {  	(tag) =	ssettag $0x1  }
0x1: {  	s0 =	srdreg.scid;
	s1 =	rddreg [dreg:$0x0]  }
0x2: {  	s13 =	stileid.u32;
	s2 =	rddreg [dreg:$0x1];
	s3 =	simm.s32 $0x0  }
0x3: {  	s17 =	simm.s32 $0x5000;
	s18 =	simm.s32 $0x80;
	s5 =	smul.u32 $0x5000, s13  }
0x4: {  	s19 =	simm.s32 $0xA000;
	s28 =	simm.s32 $0x10000;
	s6 =	smul.u32 $0xA000, s13  }
0x5: {  	s29 =	simm.s32 $0x3;
	s0 =	sand.u32 $0x1, s0;
	s9 =	smul.u32 $0x28000, s13  }
0x6: {  	s30 =	simm.s32 $0x5;
	s31 =	simm.s32 $0x4;
	s4 =	smul.u32 $0x50000, s0  }
0x7: {  	[smem:$0x7FF] =	sst s3;
	s8 =	smul.u32 $0xA0000, s0;
	s0 =	ssub.s32 $0x2, s0  }
0x8: {  	s23 =	sshll.u32 s13, $0x6;
	_ =	strace $0x8000004A;
	s21 =	sshrl.u32 s0, $0x1  }
0x9: {  	s22 =	sshrl.u32 s9, $0x2;
	s12 =	sadd.s32 s6, s2;
	s4 =	sadd.s32 s5, s4  }
0xa: {  	s5 =	sshrl.u32 s5, $0x3;
	s8 =	sadd.s32 s6, s8;
	s0 =	ssub.s32 s0, s21  }
0xb: {  	s24 =	sadd.s32 s22, s2;
	s6 =	sor.u32 $0x1C09, s23;
	s21 =	simm.s32 $0x1  }
0xc: {  	s23 =	simm.s32 $0xE000;
	s22 =	simm.s32 $0x8;
	s7 =	sshrl.u32 s4, $0x3  }
0xd: {  	s4 =	sadd.s32 $0xA3400, s1;
	s10 =	sadd.s32 s5, s1;
	s20 =	sshrl.u32 s8, $0x3  }
0xe: {  	s5 =	sadd.s32 $0xB6C80, s1;
	s25 =	sadd.s32 $0x2000, s24;
	s14 =	sadd.s32 $0x4000, s24  }
0xf: {  	s15 =	sadd.s32 $0x6000, s24;
	s16 =	sadd.s32 $0x8000, s24;
	s24 =	simm.s32 $0x2  }
0x10: {  	s7 =	sadd.s32 s7, s1;
	s11 =	sadd.s32 s20, s1;
	s26 =	sadd.s32 $0x3400, s10  }
0x11: {  	s10 =	smax.u32 s0, $0x1;
	s13 =	sshrl.u32 s25, $0x3;
	s14 =	sshrl.u32 s14, $0x3  }
0x12: {  	s15 =	sshrl.u32 s15, $0x3;
	s16 =	sshrl.u32 s16, $0x3;
	s20 =	simm.s32 $0xC000  }
0x13: {  	s1 =	simm.s32 $0x6;
	s0 =	simm.s32 $0x7;
	s25 =	simm.s32 $0x0  }
0x14: {  	s7 =	sadd.s32 $0x17400, s7;
	[dreg:$0x4] =	wrdreg s26;
	s9 =	sadd.s32 $0xCB400, s11  }
0x15: {  	s11 =	sshrl.u32 s12, $0x3;
	s12 =	simm.s32 $0x9;
	[dreg:$0x3] =	wrdreg s7  }
.LBB2_1:
0x16: {  	[spmem:s11], [sflag:s6] =	dma.local [hbm:s5], $0x400  }
0x17: {  	_ =	swait.ge [sflag:s12], $0x400  }
0x18: {  	[sflag:s12] =	ssyncset.done $0x0  }
0x19: {  	[sflag:s12] =	ssyncadd.s32 $0xFFFFFC00  }
0x1a: {  	[spmem:s13], [sflag:s6] =	dma.local [hbm:s5], $0x400  }
0x1b: {  	_ =	swait.ge [sflag:s12], $0x400  }
0x1c: {  	[sflag:s12] =	ssyncset.done $0x0  }
0x1d: {  	[sflag:s12] =	ssyncadd.s32 $0xFFFFFC00  }
0x1e: {  	[spmem:s14], [sflag:s6] =	dma.local [hbm:s5], $0x400  }
0x1f: {  	_ =	swait.ge [sflag:s12], $0x400  }
0x20: {  	[sflag:s12] =	ssyncset.done $0x0  }
0x21: {  	[sflag:s12] =	ssyncadd.s32 $0xFFFFFC00  }
0x22: {  	[spmem:s15], [sflag:s6] =	dma.local [hbm:s5], $0x400  }
0x23: {  	_ =	swait.ge [sflag:s12], $0x400  }
0x24: {  	[sflag:s12] =	ssyncset.done $0x0  }
0x25: {  	[sflag:s12] =	ssyncadd.s32 $0xFFFFFC00  }
0x26: {  	[spmem:s16], [sflag:s6] =	dma.local [hbm:s5], $0x400  }
0x27: {  	_ =	swait.ge [sflag:s12], $0x400  }
0x28: {  	[sflag:s12] =	ssyncset.done $0x0  }
0x29: {  	s7 =	rddreg [dreg:$0x3];
	[sflag:s12] =	ssyncadd.s32 $0xFFFFFC00  }
0x2a: {  	[tilespmem:s3], [sflag:$0x9] =	stream.linear.gather [hbm4b:s7+s3], $0x5000, $0x38;
	[tilespmem:$0x1C000] =	vst v63  }
0x2b: {  	_ =	swait.ge [sflag:s12], $0x5000  }
0x2c: {  	[sflag:s12] =	ssyncset.done $0x0  }
0x2d: {  	s26 =	rddreg [dreg:$0x4];
	[sflag:s12] =	ssyncadd.s32 $0xFFFFB000  }
0x2e: {  	[tilespmem:s17], [sflag:$0x9] =	stream.linear.gather [hbm4b:s26+s3], $0x5000, $0x38;
	[tilespmem:$0x1C000] =	vst v63  }
0x2f: {  	_ =	swait.ge [sflag:s12], $0x5000  }
0x30: {  	[sflag:s12] =	ssyncset.done $0x0  }
0x31: {  	[sflag:s12] =	ssyncadd.s32 $0xFFFFB000  }
0x32: {  	[bflag:$0x0] =	sbarrier.arrive $0xFFFF  }
0x33: {  	[tilespmem:s19], [sflag:$0x1] =	stream.indirect.gather [hbm4b:s4+s18], $0x40, s3, s18, $0xb8;
	[tilespmem:$0x1C000] =	vst v63  }
0x34: {  	_ = 	snop  }
0x35: {  	[tilespmem:s20], [sflag:$0x2] =	stream.indirect.gather [hbm4b:s4+s18], $0x40, s18, s18, $0xb8;
	[tilespmem:$0x1C000] =	vst v63  }
0x36: {  	_ =	swait.ge [sflag:s21], $0x2000  }
0x37: {  	[sflag:s21] =	ssyncset.done $0x0  }
0x38: {  	[sflag:s21] =	ssyncadd.s32 $0xFFFFE000  }
0x39: {  	[spmem:s2] =	stream.indirect.scatter.add.f32 [tilespmem:s19], [sflag:$0x5], $0x40, s17, s18, $0xb8;
	[tilespmem:$0x1C000] =	vst v63  }
0x3a: {  	s8 =	simm.s32 $0x100  }
0x3b: {  	[tilespmem:s23], [sflag:$0x3] =	stream.indirect.gather [hbm4b:s4+s18], $0x40, s8, s18, $0xb8;
	[tilespmem:$0x1C000] =	vst v63  }
0x3c: {  	_ =	swait.ge [sflag:s24], $0x2000  }
0x3d: {  	[sflag:s24] =	ssyncset.done $0x0  }
0x3e: {  	s26 =	simm.s32 $0x5080;
	[sflag:s24] =	ssyncadd.s32 $0xFFFFE000  }
0x3f: {  	[spmem:s2] =	stream.indirect.scatter.add.f32 [tilespmem:s20], [sflag:$0x6], $0x40, s26, s18, $0xb8;
	[tilespmem:$0x1C000] =	vst v63  }
0x40: {  	s8 =	simm.s32 $0x180  }
0x41: {  	[tilespmem:s28], [sflag:$0x4] =	stream.indirect.gather [hbm4b:s4+s18], $0x40, s8, s18, $0xb8;
	[tilespmem:$0x1C000] =	vst v63  }
0x42: {  	_ =	swait.ge [sflag:s29], $0x2000  }
0x43: {  	[sflag:s29] =	ssyncset.done $0x0  }
0x44: {  	s26 =	simm.s32 $0x5100;
	[sflag:s29] =	ssyncadd.s32 $0xFFFFE000  }
0x45: {  	[spmem:s2] =	stream.indirect.scatter.add.f32 [tilespmem:s23], [sflag:$0x7], $0x40, s26, s18, $0xb8;
	[tilespmem:$0x1C000] =	vst v63  }
0x46: {  	_ =	swait.ge [sflag:s30], $0x2000  }
0x47: {  	[sflag:s30] =	ssyncset.done $0x0  }
0x48: {  	s8 =	simm.s32 $0x200;
	[sflag:s30] =	ssyncadd.s32 $0xFFFFE000  }
0x49: {  	[tilespmem:s19], [sflag:$0x1] =	stream.indirect.gather [hbm4b:s4+s18], $0x40, s8, s18, $0xb8;
	[tilespmem:$0x1C000] =	vst v63  }
0x4a: {  	_ =	swait.ge [sflag:s31], $0x2000  }
0x4b: {  	[sflag:s31] =	ssyncset.done $0x0  }
0x4c: {  	s26 =	simm.s32 $0x5180;
	[sflag:s31] =	ssyncadd.s32 $0xFFFFE000  }
0x4d: {  	[spmem:s2] =	stream.indirect.scatter.add.f32 [tilespmem:s28], [sflag:$0x8], $0x40, s26, s18, $0xb8;
	[tilespmem:$0x1C000] =	vst v63  }
0x4e: {  	_ =	swait.ge [sflag:s1], $0x2000  }
0x4f: {  	[sflag:s1] =	ssyncset.done $0x0  }
0x50: {  	s8 =	simm.s32 $0x280;
	[sflag:s1] =	ssyncadd.s32 $0xFFFFE000  }
0x51: {  	[tilespmem:s20], [sflag:$0x2] =	stream.indirect.gather [hbm4b:s4+s18], $0x40, s8, s18, $0xb8;
	[tilespmem:$0x1C000] =	vst v63  }
0x52: {  	_ =	swait.ge [sflag:s21], $0x2000  }
0x53: {  	[sflag:s21] =	ssyncset.done $0x0  }
0x54: {  	s26 =	simm.s32 $0x5200;
	[sflag:s21] =	ssyncadd.s32 $0xFFFFE000  }
0x55: {  	[spmem:s2] =	stream.indirect.scatter.add.f32 [tilespmem:s19], [sflag:$0x5], $0x40, s26, s18, $0xb8;
	[tilespmem:$0x1C000] =	vst v63  }
0x56: {  	_ =	swait.ge [sflag:s0], $0x2000  }
0x57: {  	[sflag:s0] =	ssyncset.done $0x0  }
0x58: {  	s8 =	simm.s32 $0x300;
	[sflag:s0] =	ssyncadd.s32 $0xFFFFE000  }
0x59: {  	[tilespmem:s23], [sflag:$0x3] =	stream.indirect.gather [hbm4b:s4+s18], $0x40, s8, s18, $0xb8;
	[tilespmem:$0x1C000] =	vst v63  }
0x5a: {  	_ =	swait.ge [sflag:s24], $0x2000  }
0x5b: {  	[sflag:s24] =	ssyncset.done $0x0  }
0x5c: {  	s26 =	simm.s32 $0x5280;
	[sflag:s24] =	ssyncadd.s32 $0xFFFFE000  }
0x5d: {  	[spmem:s2] =	stream.indirect.scatter.add.f32 [tilespmem:s20], [sflag:$0x6], $0x40, s26, s18, $0xb8;
	[tilespmem:$0x1C000] =	vst v63  }
0x5e: {  	_ =	swait.ge [sflag:s22], $0x2000  }
0x5f: {  	[sflag:s22] =	ssyncset.done $0x0  }
0x60: {  	s7 =	simm.s32 $0x380;
	s26 =	simm.s32 $0x800;
	[sflag:s22] =	ssyncadd.s32 $0xFFFFE000  }
.LBB2_2:
0x61: {  	[tilespmem:s28], [sflag:$0x4] =	stream.indirect.gather [hbm4b:s4+s18], $0x40, s7, s18, $0xb8;
	[tilespmem:$0x1C000] =	vst v63  }
0x62: {  	s7 =	smov.u32 s26  }
0x63: {  	p0 =	sne.s32 s26, $0x13000;
	s26 =	sadd.s32 $0x800, s26;
	_ =	swait.ge [sflag:s29], $0x2000  }
0x64: {  	s7 =	sshra.s32 s7, $0x2;
	[sflag:s29] =	ssyncset.done $0x0  }
0x65: {  	s8 =	sadd.s32 $0x5100, s7;
	[sflag:s29] =	ssyncadd.s32 $0xFFFFE000  }
0x66: {  	[spmem:s2] =	stream.indirect.scatter.add.f32 [tilespmem:s23], [sflag:$0x7], $0x40, s8, s18, $0xb8;
	[tilespmem:$0x1C000] =	vst v63  }
0x67: {  	_ =	swait.ge [sflag:s30], $0x2000  }
0x68: {  	[sflag:s30] =	ssyncset.done $0x0  }
0x69: {  	s8 =	sadd.s32 $0x200, s7;
	[sflag:s30] =	ssyncadd.s32 $0xFFFFE000  }
0x6a: {  	[tilespmem:s19], [sflag:$0x1] =	stream.indirect.gather [hbm4b:s4+s18], $0x40, s8, s18, $0xb8;
	[tilespmem:$0x1C000] =	vst v63  }
0x6b: {  	_ =	swait.ge [sflag:s31], $0x2000  }
0x6c: {  	[sflag:s31] =	ssyncset.done $0x0  }
0x6d: {  	s8 =	sadd.s32 $0x5180, s7;
	[sflag:s31] =	ssyncadd.s32 $0xFFFFE000  }
0x6e: {  	[spmem:s2] =	stream.indirect.scatter.add.f32 [tilespmem:s28], [sflag:$0x8], $0x40, s8, s18, $0xb8;
	[tilespmem:$0x1C000] =	vst v63  }
0x6f: {  	_ =	swait.ge [sflag:s1], $0x2000  }
0x70: {  	[sflag:s1] =	ssyncset.done $0x0  }
0x71: {  	s8 =	sadd.s32 $0x280, s7;
	[sflag:s1] =	ssyncadd.s32 $0xFFFFE000  }
0x72: {  	[tilespmem:s20], [sflag:$0x2] =	stream.indirect.gather [hbm4b:s4+s18], $0x40, s8, s18, $0xb8;
	[tilespmem:$0x1C000] =	vst v63  }
0x73: {  	_ =	swait.ge [sflag:s21], $0x2000  }
0x74: {  	[sflag:s21] =	ssyncset.done $0x0  }
0x75: {  	s8 =	sadd.s32 $0x5200, s7;
	[sflag:s21] =	ssyncadd.s32 $0xFFFFE000  }
0x76: {  	[spmem:s2] =	stream.indirect.scatter.add.f32 [tilespmem:s19], [sflag:$0x5], $0x40, s8, s18, $0xb8;
	[tilespmem:$0x1C000] =	vst v63  }
0x77: {  	_ =	swait.ge [sflag:s0], $0x2000  }
0x78: {  	[sflag:s0] =	ssyncset.done $0x0  }
0x79: {  	s8 =	sadd.s32 $0x300, s7;
	[sflag:s0] =	ssyncadd.s32 $0xFFFFE000  }
0x7a: {  	[tilespmem:s23], [sflag:$0x3] =	stream.indirect.gather [hbm4b:s4+s18], $0x40, s8, s18, $0xb8;
	[tilespmem:$0x1C000] =	vst v63  }
0x7b: {  	_ =	swait.ge [sflag:s24], $0x2000  }
0x7c: {  	[sflag:s24] =	ssyncset.done $0x0  }
.Ltmp0:
0x7d: {  	s8 =	sadd.s32 $0x5280, s7;
	[sflag:s24] =	ssyncadd.s32 $0xFFFFE000;
	(pc) =	sbr.rel @p0 .LBB2_2-.Ltmp0, $4  }
0x7e: {  	[spmem:s2] =	stream.indirect.scatter.add.f32 [tilespmem:s20], [sflag:$0x6], $0x40, s8, s18, $0xb8;
	[tilespmem:$0x1C000] =	vst v63  }
0x7f: {  	_ =	swait.ge [sflag:s22], $0x2000  }
0x80: {  	[sflag:s22] =	ssyncset.done $0x0  }
0x81: {  	s7 =	sadd.s32 $0x380, s7;
	[sflag:s22] =	ssyncadd.s32 $0xFFFFE000  }
0x82: {  	[tilespmem:s28], [sflag:$0x4] =	stream.indirect.gather [hbm4b:s4+s18], $0x40, s7, s18, $0xb8;
	[tilespmem:$0x1C000] =	vst v63  }
0x83: {  	_ =	swait.ge [sflag:s29], $0x2000  }
0x84: {  	[sflag:s29] =	ssyncset.done $0x0  }
0x85: {  	s8 =	simm.s32 $0x9F00;
	[sflag:s29] =	ssyncadd.s32 $0xFFFFE000  }
0x86: {  	[spmem:s2] =	stream.indirect.scatter.add.f32 [tilespmem:s23], [sflag:$0x7], $0x40, s8, s18, $0xb8;
	[tilespmem:$0x1C000] =	vst v63  }
0x87: {  	_ =	swait.ge [sflag:s31], $0x2000  }
0x88: {  	[sflag:s31] =	ssyncset.done $0x0  }
0x89: {  	s26 =	simm.s32 $0x9F80;
	[sflag:s31] =	ssyncadd.s32 $0xFFFFE000  }
0x8a: {  	[spmem:s2] =	stream.indirect.scatter.add.f32 [tilespmem:s28], [sflag:$0x8], $0x40, s26, s18, $0xb8;
	[tilespmem:$0x1C000] =	vst v63  }
0x8b: {  	_ =	swait.ge [sflag:s30], $0x2000  }
0x8c: {  	[sflag:s30] =	ssyncset.done $0x0  }
0x8d: {  	[sflag:s30] =	ssyncadd.s32 $0xFFFFE000  }
0x8e: {  	_ =	swait.ge [sflag:s1], $0x2000  }
0x8f: {  	[sflag:s1] =	ssyncset.done $0x0  }
0x90: {  	[sflag:s1] =	ssyncadd.s32 $0xFFFFE000  }
0x91: {  	_ =	swait.ge [sflag:s0], $0x2000  }
0x92: {  	[sflag:s0] =	ssyncset.done $0x0  }
0x93: {  	[sflag:s0] =	ssyncadd.s32 $0xFFFFE000  }
0x94: {  	_ =	swait.ge [sflag:s22], $0x2000  }
0x95: {  	s25 =	sadd.s32 $0x1, s25;
	[sflag:s22] =	ssyncset.done $0x0  }
0x96: {  	p0 =	sne.s32 s25, s10;
	[sflag:s22] =	ssyncadd.s32 $0xFFFFE000  }
.Ltmp1:
0x97: {  	[bflag:$0x0] =	sbarrier.arrive $0xFFFF;
	(pc) =	sbr.rel @p0 .LBB2_1-.Ltmp1, $4  }
0x98: {  	[hbm:s9], [sflag:s6] =	dma.local [spmem:s11], $0x1400  }
0x99: {  	_ =	swait.ge [sflag:s12], $0x1400  }
0x9a: {  	[sflag:s12] =	ssyncset.done $0x0  }
0x9b: {  	[sflag:s12] =	ssyncadd.s32 $0xFFFFEC00  }
0x9c: {  	_ =	sfence.sel $0x180000  }
0x9d: {  	[bflag:$0x0] =	sbarrier.arrive $0xFFFF  }
0x9e: {  	_ =	strace $0x9000004A  }
0x9f: {  	s0 =	stileid.u32;
	[bflag:$0x2] =	sbarrier.arrive $0xFFFF  }
0xa0: {  	p0 =	sne.s32 s0, $0x0;
	s0 =	rddreg [dreg:$0x2]  }
0xa1: {  	s0 =	sadd.s32 @!p0 $0x100000, s0  }
0xa2: {  	[sflag:s0] =	ssyncadd.tile.s32 @!p0 $0x1;
	_ =	shalt  }
.Lfunc_end2:
_tile_overlayer_lowered:
.L_overlay_start_2:
0xa3: {  	(tag) =	ssettag $0x2  }
0xa4: {  	s0 =	rddreg [dreg:$0x0];
	s2 =	stileid.u32  }
0xa5: {  	s1 =	rddreg [dreg:$0x1];
	p0 =	sne.s32 s2, $0x0  }
0xa6: {  	s3 =	rddreg [dreg:$0x2];
	[bflag:$0x3] =	sbarrier.arrive $0xFFFF;
	s2 =	simm.s32 @!p0 $0x1C09  }
0xa7: {  	[timem:s3], [sflag:s2] =	dma.local @!p0 [hbm:s0], s1  }
0xa8: {  	s0 =	simm.s32 @!p0 $0x9  }
0xa9: {  	_ =	swait.ge @!p0 [sflag:s0], s1  }
0xaa: {  	s1 =	ssub.s32 @!p0 $0x0, s1;
	[sflag:s0] =	ssyncset.done @!p0 $0x0  }
0xab: {  	[sflag:s0] =	ssyncadd.s32 @!p0 s1  }
0xac: {  	[bflag:$0x3] =	sbarrier.arrive $0xFFFF  }
0xad: {  	_ =	shalt  }

// kernel: kernel.16.cloned.1.call-start
scs
__scs_entry_jumppad:
0x0: {  	(pc) =	sbr.rel $0x88, $3  }
0x1: {  	(tag) =	ssettag $0x0;
	lr =	simm.s32 $0x1  }
0x2: {  	[smem:$0x3F95] =	sst lr;
	_ =	strace $0xD0000000  }
0x3: {  	_ = 	snop  }
0x4: {  	_ = 	snop  }
0x5: {  	_ = 	snop  }
0x6: {  	_ = 	snop  }
0x7: {  	_ = 	snop  }
__scs_overlays_trampoline_lowered:
0x8: {  	[smem:$0x3FA4] =	sst s0  }
0x9: {  	[smem:$0x3FA5] =	sst s1  }
0xa: {  	[smem:$0x3FA6] =	sst s2  }
0xb: {  	[smem:$0x3FA7] =	sst s3  }
0xc: {  	[smem:$0x3FA8] =	sst s4  }
0xd: {  	[smem:$0x3FA9] =	sst s5  }
0xe: {  	[smem:$0x3FAA] =	sst s6  }
0xf: {  	[smem:$0x3FAB] =	sst s7  }
0x10: {  	[smem:$0x3FAC] =	sst s8  }
0x11: {  	[smem:$0x3FAD] =	sst s9;
	s0 =	simm.s32 @!p0 $0x0  }
0x12: {  	s1 =	sld [smem:$0x3F93];
	s0 =	simm.s32 @p0 $0x1  }
0x13: {  	[smem:$0x3FAE] =	sst s0;
	s0 =	simm.s32 @!p1 $0x0  }
0x14: {  	s2 =	sld [smem:$0x3F92];
	s0 =	simm.s32 @p1 $0x1  }
0x15: {  	[smem:$0x3FAF] =	sst s0;
	s0 =	simm.s32 @!p2 $0x0  }
0x16: {  	s3 =	sld [smem:$0x3FDB];
	s0 =	simm.s32 @p2 $0x1  }
0x17: {  	s4 =	simm.s32 $0x1BF5;
	[smem:$0x3FB1] =	sst s0  }
0x18: {  	s0 =	sld [smem:$0x3F94];
	_ =	swait.ge [sflag:s4], $0x0  }
0x19: {  	s7 =	sld [smem:$0x3F95]  }
0x1a: {  	s8 =	sadd.s32 $0xFFFFE003, lr  }
0x1b: {  	s9 =	sadd.s32 $0xFFFFFEF7, lr;
	s5 =	simm.s32 $0xFFFFFFFF;
	p2 =	slt.u32 s8, $0xFFFFF086  }
0x1c: {  	p1 =	slt.u32 s9, $0xF7A;
	s5 =	simm.s32 @!p2 $0x0  }
0x1d: {  	s5 =	simm.s32 @p1 $0x1;
	p0 =	seq.s32 s7, s2  }
0x1e: {  	s7 =	smul.u32 @!p0 $0xF7A, s2;
	p2 =	seq.s32 @!p0 s5, $0x0  }
0x1f: {  	s9 =	smul.u32 $0xF7A, s1;
	s8 =	simm.s32 @!p0 $0x1BF5;
	p2 =	por !p2, p0  }
0x20: {  	[sflag:s8] =	ssyncset.s32 @!p0 $0xFFFFF086;
	s6 =	sadd.s32 @!p0 s3, s7;
	s7 =	simm.s32 @!p0 $0x108  }
0x21: {  	s3 =	sadd.s32 s3, s9;
	s6 =	sadd.s32 @!p0 $0x88, s6;
	s7 =	simm.s32 @p2 $0x1082  }
0x22: {  	[simem:s7], [sflag:s8] =	dma.local @!p0 [hbm:s6], $0xF7A  }
0x23: {  	s9 =	sor.u32 $0xD0000000, s2;
	s6 =	simm.s32 $0x108;
	_ =	swait.ge @!p0 [sflag:s8], $0x0  }
0x24: {  	s3 =	sadd.s32 $0x88, s3;
	s6 =	simm.s32 @!p1 $0x1082;
	[sflag:s4] =	ssyncset.s32 $0xFFFFF086  }
0x25: {  	[simem:s6], [sflag:s4] =	dma.local [hbm:s3], $0xF7A  }
0x26: {  	[smem:$0x3F95] =	sst s1;
	(tag) =	ssettag s2;
	_ =	strace s9  }
0x27: {  	s1 =	sld [smem:$0x3FA5]  }
0x28: {  	s2 =	sld [smem:$0x3FA6]  }
0x29: {  	s4 =	sld [smem:$0x3FA8]  }
0x2a: {  	p0 =	seq.s32 s5, $0x0;
	s5 =	sld [smem:$0x3FA9]  }
0x2b: {  	s6 =	sld [smem:$0x3FAA]  }
0x2c: {  	s7 =	sld [smem:$0x3FAB]  }
0x2d: {  	s3 =	simm.s32 $0x108;
	s8 =	sld [smem:$0x3FAC]  }
0x2e: {  	s3 =	simm.s32 @!p0 $0x1082;
	s9 =	sld [smem:$0x3FAD]  }
0x2f: {  	lr =	sadd.s32 s0, s3;
	s0 =	sld [smem:$0x3FA4]  }
0x30: {  	s3 =	sld [smem:$0x3FA7]  }
0x31: {  	[smem:$0x3FB0] =	sst s10  }
0x32: {  	s10 =	sld [smem:$0x3FAE];
	_ =	sdelay $0x3  }
0x33: {  	p0 =	seq.s32 s10, $0x1;
	s10 =	sld [smem:$0x3FB0];
	_ =	sdelay $0x3  }
0x34: {  	[smem:$0x3FB0] =	sst s10  }
0x35: {  	s10 =	sld [smem:$0x3FAF];
	_ =	sdelay $0x3  }
0x36: {  	p1 =	seq.s32 s10, $0x1;
	s10 =	sld [smem:$0x3FB0];
	_ =	sdelay $0x3  }
0x37: {  	[smem:$0x3FB0] =	sst s10  }
0x38: {  	s10 =	sld [smem:$0x3FB1]  }
0x39: {  	_ = 	snop;
	(pc) =	sbr.ind lr, $3  }
0x3a: {  	_ = 	snop  }
0x3b: {  	_ = 	snop  }
0x3c: {  	p2 =	seq.s32 s10, $0x1;
	s10 =	sld [smem:$0x3FB0]  }
0x3d: {  	_ =	shalt  }
0x3e: {  	_ =	shalt  }
0x3f: {  	_ =	shalt  }
0x40: {  	_ =	shalt  }
0x41: {  	_ =	shalt  }
0x42: {  	_ =	shalt  }
0x43: {  	_ =	shalt  }
0x44: {  	_ =	shalt  }
0x45: {  	_ =	shalt  }
0x46: {  	_ =	shalt  }
0x47: {  	_ =	shalt  }
0x48: {  	_ =	shalt  }
0x49: {  	_ =	shalt  }
0x4a: {  	_ =	shalt  }
0x4b: {  	_ =	shalt  }
0x4c: {  	_ =	shalt  }
0x4d: {  	_ =	shalt  }
0x4e: {  	_ =	shalt  }
0x4f: {  	_ =	shalt  }
0x50: {  	_ =	shalt  }
0x51: {  	_ =	shalt  }
0x52: {  	_ =	shalt  }
0x53: {  	_ =	shalt  }
0x54: {  	_ =	shalt  }
0x55: {  	_ =	shalt  }
0x56: {  	_ =	shalt  }
0x57: {  	_ =	shalt  }
0x58: {  	_ =	shalt  }
0x59: {  	_ =	shalt  }
0x5a: {  	_ =	shalt  }
0x5b: {  	_ =	shalt  }
0x5c: {  	_ =	shalt  }
0x5d: {  	_ =	shalt  }
0x5e: {  	_ =	shalt  }
0x5f: {  	_ =	shalt  }
0x60: {  	_ =	shalt  }
0x61: {  	_ =	shalt  }
0x62: {  	_ =	shalt  }
0x63: {  	_ =	shalt  }
0x64: {  	_ =	shalt  }
0x65: {  	_ =	shalt  }
0x66: {  	_ =	shalt  }
0x67: {  	_ =	shalt  }
0x68: {  	_ =	shalt  }
0x69: {  	_ =	shalt  }
0x6a: {  	_ =	shalt  }
0x6b: {  	_ =	shalt  }
0x6c: {  	_ =	shalt  }
0x6d: {  	_ =	shalt  }
0x6e: {  	_ =	shalt  }
0x6f: {  	_ =	shalt  }
0x70: {  	_ =	shalt  }
0x71: {  	_ =	shalt  }
0x72: {  	_ =	shalt  }
0x73: {  	_ =	shalt  }
0x74: {  	_ =	shalt  }
0x75: {  	_ =	shalt  }
0x76: {  	_ =	shalt  }
0x77: {  	_ =	shalt  }
0x78: {  	_ =	shalt  }
0x79: {  	_ =	shalt  }
0x7a: {  	_ =	shalt  }
0x7b: {  	_ =	shalt  }
0x7c: {  	_ =	shalt  }
0x7d: {  	_ =	shalt  }
0x7e: {  	_ =	shalt  }
0x7f: {  	_ =	shalt  }
0x80: {  	_ =	shalt  }
0x81: {  	_ =	shalt  }
0x82: {  	_ =	shalt  }
0x83: {  	_ =	shalt  }
0x84: {  	_ =	shalt  }
0x85: {  	_ =	shalt  }
0x86: {  	_ =	shalt  }
0x87: {  	_ =	shalt  }
.Lfunc_end0:
.L_simem_size_0:
called_computation.2_lowered:
.L_overlay_start_0:
0x88: {  	s2 =	sld [smem:$0x3FD9]  }
0x89: {  	s3 =	sld [smem:$0x3FFE];
	_ =	sdelay $0x1  }
0x8a: {  	s1 =	srdreg.scid  }
0x8b: {  	s0 =	sand.u32 $0x1, s1  }
0x8c: {  	s16 =	sshll.u32 s0, $0xA;
	s2 =	sadd.s32 s3, s2  }
0x8d: {  	s2 =	sadd.s32 s2, s16  }
0x8e: {  	[smem:$0x3FBC] =	sst s2  }
0x8f: {  	_ = 	snop  }
0x90: {  	(tm) =	ssettm $0x1  }
0x91: {  	s17 =	sld [smem:$0x3FFB];
	_ =	sdelay $0x3  }
0x92: {  	_ =	strace s17  }
0x93: {  	s2 =	sld [smem:$0x3FFC];
	_ =	sdelay $0x3  }
0x94: {  	_ =	strace s2  }
0x95: {  	s2 =	sld [smem:$0x3FFD];
	_ =	sdelay $0x3  }
0x96: {  	_ =	strace s2  }
0x97: {  	_ =	strace $0x8FFFFFFF  }
0x98: {  	s18 =	sld [smem:$0x3FDB];
	_ =	sdelay $0x1  }
0x99: {  	s19 =	simm.s32 $_scs_section_size  }
0x9a: {  	s4 =	simm.s32 $_size__tile_overlayer_lowered;
	s5 =	simm.s32 $_tile_overlayer_lowered  }
0x9b: {  	s22 =	simm.s32 $0x1BFF;
	s21 =	sshll.u32 s5, $0x1;
	s2 =	sadd.s32 s19, s18  }
0x9c: {  	s6 =	simm.s32 $0x0;
	s20 =	sshll.u32 s4, $0x1;
	s4 =	sadd.s32 s21, s2  }
0x9d: {  	[timem:s6], [sflag:s22] =	dma.local [hbm:s4], s20  }
0x9e: {  	_ =	swait.ge [sflag:s22], s20  }
0x9f: {  	s3 =	ssub.s32 $0x0, s20;
	[sflag:s22] =	ssyncset.done $0x0  }
0xa0: {  	[sflag:s22] =	ssyncadd.s32 s3;
	_ =	sdelay $0x1  }
0xa1: {  	s23 =	simm.s32 $0x1B8B  }
0xa2: {  	_ =	swait.ge [sflag:s23], $0x1  }
0xa3: {  	[sflag:s23] =	ssyncset.done $0x0  }
0xa4: {  	s25 =	simm.s32 $0x1B8E;
	s24 =	sld [smem:$0x3FFE];
	[sflag:s23] =	ssyncadd.s32 $0xFFFFFFFF  }
0xa5: {  	s26 =	simm.s32 $execute0_lowered;
	[smem:$0x3FD2] =	sst s25  }
0xa6: {  	s4 =	sshll.u32 s26, $0x1;
	_ =	strace $0x8000004C;
	[dreg:$0x1] =	wrdreg $0xFFFFFFFF  }
0xa7: {  	s28 =	simm.s32 $_size_execute0_lowered;
	s2 =	sadd.s32 s2, s4;
	[dreg:$0x0] =	wrdreg $0x0  }
0xa8: {  	s4 =	sshll.u32 s28, $0x1;
	[dreg:$0x2] =	wrdreg s2  }
0xa9: {  	[dreg:$0x3] =	wrdreg s4  }
0xaa: {  	[dreg:$0x4] =	wrdreg $0xC0  }
0xab: {  	_ =	task [dreg:s6], $0x5FFFF  }
0xac: {  	[dreg:$0x1] =	wrdreg $0xFFFFFFFF  }
0xad: {  	[dreg:$0x0] =	wrdreg $0x60  }
0xae: {  	[dreg:$0x2] =	wrdreg s24  }
0xaf: {  	[dreg:$0x3] =	wrdreg $0x120000  }
0xb0: {  	[dreg:$0x4] =	wrdreg $0x9  }
0xb1: {  	_ =	task.clear_ibuf [dreg:s6], $0x5FFFF;
	_ =	strace $0x9000004C  }
0xb2: {  	s29 =	simm.s32 $0x9;
	_ =	strace $0x8000004E  }
0xb3: {  	_ =	swait.ge [sflag:s29], $0x1  }
0xb4: {  	[sflag:s29] =	ssyncadd.s32 $0xFFFFFFFF  }
0xb5: {  	_ =	strace $0x9000004E  }
0xb6: {  	_ =	sfence  }
0xb7: {  	s30 =	sld [smem:$0x0];
	_ =	sdelay $0x2  }
0xb8: {  	s31 =	sshll.u32 s1, $0xD;
	s1 =	sshrl.u32 s1, $0x2  }
0xb9: {  	s3 =	sand.u32 $0x4000, s31;
	s1 =	sadd.s32 s1, s30  }
0xba: {  	s0 =	sor.u32 s3, s0;
	s1 =	sshll.u32 s1, $0x11  }
0xbb: {  	s0 =	sor.u32 s1, s0  }
0xbc: {  	s0 =	sadd.s32 $0x8F2B, s0  }
0xbd: {  	[sflag:s0] =	ssyncadd.remote.s32 $0x1  }
0xbe: {  	_ =	sfence.sel $0xFFFF  }
0xbf: {  	[dreg:$0x0] =	wrdreg $0xFFFFFFFF;
	(pc) =	sbr.abs _section_cstart, $3  }
0xc0: {  	[dreg:$0x1] =	wrdreg $0xFFFFFFFF  }
0xc1: {  	_ =	task.clear_ibuf [dreg:s6], $0x2FFFF;
	_ =	strace $0x9FFFFFFF  }
0xc2: {  	(tm) =	ssettm $0x7FFFFFFF  }
0xc3: {  	_ =	shalt  }
tec
execute0_lowered:
.L_overlay_start_1:
0x0: {  	(tag) =	ssettag $0x1  }
0x1: {  	s0 =	srdreg.scid;
	s1 =	rddreg [dreg:$0x0]  }
0x2: {  	s13 =	stileid.u32;
	s2 =	rddreg [dreg:$0x1];
	s3 =	simm.s32 $0x0  }
0x3: {  	s17 =	simm.s32 $0x5000;
	s18 =	simm.s32 $0x80;
	s5 =	smul.u32 $0x5000, s13  }
0x4: {  	s19 =	simm.s32 $0xA000;
	s28 =	simm.s32 $0x10000;
	s6 =	smul.u32 $0xA000, s13  }
0x5: {  	s29 =	simm.s32 $0x3;
	s0 =	sand.u32 $0x1, s0;
	s9 =	smul.u32 $0x28000, s13  }
0x6: {  	s30 =	simm.s32 $0x5;
	s31 =	simm.s32 $0x4;
	s4 =	smul.u32 $0x50000, s0  }
0x7: {  	[smem:$0x7FF] =	sst s3;
	s8 =	smul.u32 $0xA0000, s0;
	s0 =	ssub.s32 $0x2, s0  }
0x8: {  	s23 =	sshll.u32 s13, $0x6;
	_ =	strace $0x8000004D;
	s21 =	sshrl.u32 s0, $0x1  }
0x9: {  	s22 =	sshrl.u32 s9, $0x2;
	s12 =	sadd.s32 s6, s2;
	s4 =	sadd.s32 s5, s4  }
0xa: {  	s5 =	sshrl.u32 s5, $0x3;
	s8 =	sadd.s32 s6, s8;
	s0 =	ssub.s32 s0, s21  }
0xb: {  	s24 =	sadd.s32 s22, s2;
	s6 =	sor.u32 $0x1C09, s23;
	s21 =	simm.s32 $0x1  }
0xc: {  	s23 =	simm.s32 $0xE000;
	s22 =	simm.s32 $0x8;
	s7 =	sshrl.u32 s4, $0x3  }
0xd: {  	s4 =	sadd.s32 $0x2B400, s1;
	s10 =	sadd.s32 s5, s1;
	s20 =	sshrl.u32 s8, $0x3  }
0xe: {  	s5 =	sadd.s32 $0x3EC80, s1;
	s25 =	sadd.s32 $0x2000, s24;
	s14 =	sadd.s32 $0x4000, s24  }
0xf: {  	s15 =	sadd.s32 $0x6000, s24;
	s16 =	sadd.s32 $0x8000, s24;
	s24 =	simm.s32 $0x2  }
0x10: {  	s7 =	sadd.s32 s7, s1;
	s11 =	sadd.s32 s20, s1;
	s26 =	sadd.s32 $0x3400, s10  }
0x11: {  	s10 =	smax.u32 s0, $0x1;
	s13 =	sshrl.u32 s25, $0x3;
	s14 =	sshrl.u32 s14, $0x3  }
0x12: {  	s15 =	sshrl.u32 s15, $0x3;
	s16 =	sshrl.u32 s16, $0x3;
	s20 =	simm.s32 $0xC000  }
0x13: {  	s1 =	simm.s32 $0x6;
	s0 =	simm.s32 $0x7;
	s25 =	simm.s32 $0x0  }
0x14: {  	s7 =	sadd.s32 $0x17400, s7;
	[dreg:$0x4] =	wrdreg s26;
	s9 =	sadd.s32 $0x53400, s11  }
0x15: {  	s11 =	sshrl.u32 s12, $0x3;
	s12 =	simm.s32 $0x9;
	[dreg:$0x3] =	wrdreg s7  }
.LBB2_1:
0x16: {  	[spmem:s11], [sflag:s6] =	dma.local [hbm:s5], $0x400  }
0x17: {  	_ =	swait.ge [sflag:s12], $0x400  }
0x18: {  	[sflag:s12] =	ssyncset.done $0x0  }
0x19: {  	[sflag:s12] =	ssyncadd.s32 $0xFFFFFC00  }
0x1a: {  	[spmem:s13], [sflag:s6] =	dma.local [hbm:s5], $0x400  }
0x1b: {  	_ =	swait.ge [sflag:s12], $0x400  }
0x1c: {  	[sflag:s12] =	ssyncset.done $0x0  }
0x1d: {  	[sflag:s12] =	ssyncadd.s32 $0xFFFFFC00  }
0x1e: {  	[spmem:s14], [sflag:s6] =	dma.local [hbm:s5], $0x400  }
0x1f: {  	_ =	swait.ge [sflag:s12], $0x400  }
0x20: {  	[sflag:s12] =	ssyncset.done $0x0  }
0x21: {  	[sflag:s12] =	ssyncadd.s32 $0xFFFFFC00  }
0x22: {  	[spmem:s15], [sflag:s6] =	dma.local [hbm:s5], $0x400  }
0x23: {  	_ =	swait.ge [sflag:s12], $0x400  }
0x24: {  	[sflag:s12] =	ssyncset.done $0x0  }
0x25: {  	[sflag:s12] =	ssyncadd.s32 $0xFFFFFC00  }
0x26: {  	[spmem:s16], [sflag:s6] =	dma.local [hbm:s5], $0x400  }
0x27: {  	_ =	swait.ge [sflag:s12], $0x400  }
0x28: {  	[sflag:s12] =	ssyncset.done $0x0  }
0x29: {  	s7 =	rddreg [dreg:$0x3];
	[sflag:s12] =	ssyncadd.s32 $0xFFFFFC00  }
0x2a: {  	[tilespmem:s3], [sflag:$0x9] =	stream.linear.gather [hbm4b:s7+s3], $0x5000, $0x38;
	[tilespmem:$0x1C000] =	vst v63  }
0x2b: {  	_ =	swait.ge [sflag:s12], $0x5000  }
0x2c: {  	[sflag:s12] =	ssyncset.done $0x0  }
0x2d: {  	s26 =	rddreg [dreg:$0x4];
	[sflag:s12] =	ssyncadd.s32 $0xFFFFB000  }
0x2e: {  	[tilespmem:s17], [sflag:$0x9] =	stream.linear.gather [hbm4b:s26+s3], $0x5000, $0x38;
	[tilespmem:$0x1C000] =	vst v63  }
0x2f: {  	_ =	swait.ge [sflag:s12], $0x5000  }
0x30: {  	[sflag:s12] =	ssyncset.done $0x0  }
0x31: {  	[sflag:s12] =	ssyncadd.s32 $0xFFFFB000  }
0x32: {  	[bflag:$0x0] =	sbarrier.arrive $0xFFFF  }
0x33: {  	[tilespmem:s19], [sflag:$0x1] =	stream.indirect.gather [hbm4b:s4+s18], $0x40, s3, s18, $0xb8;
	[tilespmem:$0x1C000] =	vst v63  }
0x34: {  	_ = 	snop  }
0x35: {  	[tilespmem:s20], [sflag:$0x2] =	stream.indirect.gather [hbm4b:s4+s18], $0x40, s18, s18, $0xb8;
	[tilespmem:$0x1C000] =	vst v63  }
0x36: {  	_ =	swait.ge [sflag:s21], $0x2000  }
0x37: {  	[sflag:s21] =	ssyncset.done $0x0  }
0x38: {  	[sflag:s21] =	ssyncadd.s32 $0xFFFFE000  }
0x39: {  	[spmem:s2] =	stream.indirect.scatter.add.f32 [tilespmem:s19], [sflag:$0x5], $0x40, s17, s18, $0xb8;
	[tilespmem:$0x1C000] =	vst v63  }
0x3a: {  	s8 =	simm.s32 $0x100  }
0x3b: {  	[tilespmem:s23], [sflag:$0x3] =	stream.indirect.gather [hbm4b:s4+s18], $0x40, s8, s18, $0xb8;
	[tilespmem:$0x1C000] =	vst v63  }
0x3c: {  	_ =	swait.ge [sflag:s24], $0x2000  }
0x3d: {  	[sflag:s24] =	ssyncset.done $0x0  }
0x3e: {  	s26 =	simm.s32 $0x5080;
	[sflag:s24] =	ssyncadd.s32 $0xFFFFE000  }
0x3f: {  	[spmem:s2] =	stream.indirect.scatter.add.f32 [tilespmem:s20], [sflag:$0x6], $0x40, s26, s18, $0xb8;
	[tilespmem:$0x1C000] =	vst v63  }
0x40: {  	s8 =	simm.s32 $0x180  }
0x41: {  	[tilespmem:s28], [sflag:$0x4] =	stream.indirect.gather [hbm4b:s4+s18], $0x40, s8, s18, $0xb8;
	[tilespmem:$0x1C000] =	vst v63  }
0x42: {  	_ =	swait.ge [sflag:s29], $0x2000  }
0x43: {  	[sflag:s29] =	ssyncset.done $0x0  }
0x44: {  	s26 =	simm.s32 $0x5100;
	[sflag:s29] =	ssyncadd.s32 $0xFFFFE000  }
0x45: {  	[spmem:s2] =	stream.indirect.scatter.add.f32 [tilespmem:s23], [sflag:$0x7], $0x40, s26, s18, $0xb8;
	[tilespmem:$0x1C000] =	vst v63  }
0x46: {  	_ =	swait.ge [sflag:s30], $0x2000  }
0x47: {  	[sflag:s30] =	ssyncset.done $0x0  }
0x48: {  	s8 =	simm.s32 $0x200;
	[sflag:s30] =	ssyncadd.s32 $0xFFFFE000  }
0x49: {  	[tilespmem:s19], [sflag:$0x1] =	stream.indirect.gather [hbm4b:s4+s18], $0x40, s8, s18, $0xb8;
	[tilespmem:$0x1C000] =	vst v63  }
0x4a: {  	_ =	swait.ge [sflag:s31], $0x2000  }
0x4b: {  	[sflag:s31] =	ssyncset.done $0x0  }
0x4c: {  	s26 =	simm.s32 $0x5180;
	[sflag:s31] =	ssyncadd.s32 $0xFFFFE000  }
0x4d: {  	[spmem:s2] =	stream.indirect.scatter.add.f32 [tilespmem:s28], [sflag:$0x8], $0x40, s26, s18, $0xb8;
	[tilespmem:$0x1C000] =	vst v63  }
0x4e: {  	_ =	swait.ge [sflag:s1], $0x2000  }
0x4f: {  	[sflag:s1] =	ssyncset.done $0x0  }
0x50: {  	s8 =	simm.s32 $0x280;
	[sflag:s1] =	ssyncadd.s32 $0xFFFFE000  }
0x51: {  	[tilespmem:s20], [sflag:$0x2] =	stream.indirect.gather [hbm4b:s4+s18], $0x40, s8, s18, $0xb8;
	[tilespmem:$0x1C000] =	vst v63  }
0x52: {  	_ =	swait.ge [sflag:s21], $0x2000  }
0x53: {  	[sflag:s21] =	ssyncset.done $0x0  }
0x54: {  	s26 =	simm.s32 $0x5200;
	[sflag:s21] =	ssyncadd.s32 $0xFFFFE000  }
0x55: {  	[spmem:s2] =	stream.indirect.scatter.add.f32 [tilespmem:s19], [sflag:$0x5], $0x40, s26, s18, $0xb8;
	[tilespmem:$0x1C000] =	vst v63  }
0x56: {  	_ =	swait.ge [sflag:s0], $0x2000  }
0x57: {  	[sflag:s0] =	ssyncset.done $0x0  }
0x58: {  	s8 =	simm.s32 $0x300;
	[sflag:s0] =	ssyncadd.s32 $0xFFFFE000  }
0x59: {  	[tilespmem:s23], [sflag:$0x3] =	stream.indirect.gather [hbm4b:s4+s18], $0x40, s8, s18, $0xb8;
	[tilespmem:$0x1C000] =	vst v63  }
0x5a: {  	_ =	swait.ge [sflag:s24], $0x2000  }
0x5b: {  	[sflag:s24] =	ssyncset.done $0x0  }
0x5c: {  	s26 =	simm.s32 $0x5280;
	[sflag:s24] =	ssyncadd.s32 $0xFFFFE000  }
0x5d: {  	[spmem:s2] =	stream.indirect.scatter.add.f32 [tilespmem:s20], [sflag:$0x6], $0x40, s26, s18, $0xb8;
	[tilespmem:$0x1C000] =	vst v63  }
0x5e: {  	_ =	swait.ge [sflag:s22], $0x2000  }
0x5f: {  	[sflag:s22] =	ssyncset.done $0x0  }
0x60: {  	s7 =	simm.s32 $0x380;
	s26 =	simm.s32 $0x800;
	[sflag:s22] =	ssyncadd.s32 $0xFFFFE000  }
.LBB2_2:
0x61: {  	[tilespmem:s28], [sflag:$0x4] =	stream.indirect.gather [hbm4b:s4+s18], $0x40, s7, s18, $0xb8;
	[tilespmem:$0x1C000] =	vst v63  }
0x62: {  	s7 =	smov.u32 s26  }
0x63: {  	p0 =	sne.s32 s26, $0x13000;
	s26 =	sadd.s32 $0x800, s26;
	_ =	swait.ge [sflag:s29], $0x2000  }
0x64: {  	s7 =	sshra.s32 s7, $0x2;
	[sflag:s29] =	ssyncset.done $0x0  }
0x65: {  	s8 =	sadd.s32 $0x5100, s7;
	[sflag:s29] =	ssyncadd.s32 $0xFFFFE000  }
0x66: {  	[spmem:s2] =	stream.indirect.scatter.add.f32 [tilespmem:s23], [sflag:$0x7], $0x40, s8, s18, $0xb8;
	[tilespmem:$0x1C000] =	vst v63  }
0x67: {  	_ =	swait.ge [sflag:s30], $0x2000  }
0x68: {  	[sflag:s30] =	ssyncset.done $0x0  }
0x69: {  	s8 =	sadd.s32 $0x200, s7;
	[sflag:s30] =	ssyncadd.s32 $0xFFFFE000  }
0x6a: {  	[tilespmem:s19], [sflag:$0x1] =	stream.indirect.gather [hbm4b:s4+s18], $0x40, s8, s18, $0xb8;
	[tilespmem:$0x1C000] =	vst v63  }
0x6b: {  	_ =	swait.ge [sflag:s31], $0x2000  }
0x6c: {  	[sflag:s31] =	ssyncset.done $0x0  }
0x6d: {  	s8 =	sadd.s32 $0x5180, s7;
	[sflag:s31] =	ssyncadd.s32 $0xFFFFE000  }
0x6e: {  	[spmem:s2] =	stream.indirect.scatter.add.f32 [tilespmem:s28], [sflag:$0x8], $0x40, s8, s18, $0xb8;
	[tilespmem:$0x1C000] =	vst v63  }
0x6f: {  	_ =	swait.ge [sflag:s1], $0x2000  }
0x70: {  	[sflag:s1] =	ssyncset.done $0x0  }
0x71: {  	s8 =	sadd.s32 $0x280, s7;
	[sflag:s1] =	ssyncadd.s32 $0xFFFFE000  }
0x72: {  	[tilespmem:s20], [sflag:$0x2] =	stream.indirect.gather [hbm4b:s4+s18], $0x40, s8, s18, $0xb8;
	[tilespmem:$0x1C000] =	vst v63  }
0x73: {  	_ =	swait.ge [sflag:s21], $0x2000  }
0x74: {  	[sflag:s21] =	ssyncset.done $0x0  }
0x75: {  	s8 =	sadd.s32 $0x5200, s7;
	[sflag:s21] =	ssyncadd.s32 $0xFFFFE000  }
0x76: {  	[spmem:s2] =	stream.indirect.scatter.add.f32 [tilespmem:s19], [sflag:$0x5], $0x40, s8, s18, $0xb8;
	[tilespmem:$0x1C000] =	vst v63  }
0x77: {  	_ =	swait.ge [sflag:s0], $0x2000  }
0x78: {  	[sflag:s0] =	ssyncset.done $0x0  }
0x79: {  	s8 =	sadd.s32 $0x300, s7;
	[sflag:s0] =	ssyncadd.s32 $0xFFFFE000  }
0x7a: {  	[tilespmem:s23], [sflag:$0x3] =	stream.indirect.gather [hbm4b:s4+s18], $0x40, s8, s18, $0xb8;
	[tilespmem:$0x1C000] =	vst v63  }
0x7b: {  	_ =	swait.ge [sflag:s24], $0x2000  }
0x7c: {  	[sflag:s24] =	ssyncset.done $0x0  }
.Ltmp0:
0x7d: {  	s8 =	sadd.s32 $0x5280, s7;
	[sflag:s24] =	ssyncadd.s32 $0xFFFFE000;
	(pc) =	sbr.rel @p0 .LBB2_2-.Ltmp0, $4  }
0x7e: {  	[spmem:s2] =	stream.indirect.scatter.add.f32 [tilespmem:s20], [sflag:$0x6], $0x40, s8, s18, $0xb8;
	[tilespmem:$0x1C000] =	vst v63  }
0x7f: {  	_ =	swait.ge [sflag:s22], $0x2000  }
0x80: {  	[sflag:s22] =	ssyncset.done $0x0  }
0x81: {  	s7 =	sadd.s32 $0x380, s7;
	[sflag:s22] =	ssyncadd.s32 $0xFFFFE000  }
0x82: {  	[tilespmem:s28], [sflag:$0x4] =	stream.indirect.gather [hbm4b:s4+s18], $0x40, s7, s18, $0xb8;
	[tilespmem:$0x1C000] =	vst v63  }
0x83: {  	_ =	swait.ge [sflag:s29], $0x2000  }
0x84: {  	[sflag:s29] =	ssyncset.done $0x0  }
0x85: {  	s8 =	simm.s32 $0x9F00;
	[sflag:s29] =	ssyncadd.s32 $0xFFFFE000  }
0x86: {  	[spmem:s2] =	stream.indirect.scatter.add.f32 [tilespmem:s23], [sflag:$0x7], $0x40, s8, s18, $0xb8;
	[tilespmem:$0x1C000] =	vst v63  }
0x87: {  	_ =	swait.ge [sflag:s31], $0x2000  }
0x88: {  	[sflag:s31] =	ssyncset.done $0x0  }
0x89: {  	s26 =	simm.s32 $0x9F80;
	[sflag:s31] =	ssyncadd.s32 $0xFFFFE000  }
0x8a: {  	[spmem:s2] =	stream.indirect.scatter.add.f32 [tilespmem:s28], [sflag:$0x8], $0x40, s26, s18, $0xb8;
	[tilespmem:$0x1C000] =	vst v63  }
0x8b: {  	_ =	swait.ge [sflag:s30], $0x2000  }
0x8c: {  	[sflag:s30] =	ssyncset.done $0x0  }
0x8d: {  	[sflag:s30] =	ssyncadd.s32 $0xFFFFE000  }
0x8e: {  	_ =	swait.ge [sflag:s1], $0x2000  }
0x8f: {  	[sflag:s1] =	ssyncset.done $0x0  }
0x90: {  	[sflag:s1] =	ssyncadd.s32 $0xFFFFE000  }
0x91: {  	_ =	swait.ge [sflag:s0], $0x2000  }
0x92: {  	[sflag:s0] =	ssyncset.done $0x0  }
0x93: {  	[sflag:s0] =	ssyncadd.s32 $0xFFFFE000  }
0x94: {  	_ =	swait.ge [sflag:s22], $0x2000  }
0x95: {  	s25 =	sadd.s32 $0x1, s25;
	[sflag:s22] =	ssyncset.done $0x0  }
0x96: {  	p0 =	sne.s32 s25, s10;
	[sflag:s22] =	ssyncadd.s32 $0xFFFFE000  }
.Ltmp1:
0x97: {  	[bflag:$0x0] =	sbarrier.arrive $0xFFFF;
	(pc) =	sbr.rel @p0 .LBB2_1-.Ltmp1, $4  }
0x98: {  	[hbm:s9], [sflag:s6] =	dma.local [spmem:s11], $0x1400  }
0x99: {  	_ =	swait.ge [sflag:s12], $0x1400  }
0x9a: {  	[sflag:s12] =	ssyncset.done $0x0  }
0x9b: {  	[sflag:s12] =	ssyncadd.s32 $0xFFFFEC00  }
0x9c: {  	_ =	sfence.sel $0x180000  }
0x9d: {  	[bflag:$0x0] =	sbarrier.arrive $0xFFFF  }
0x9e: {  	_ =	strace $0x9000004D  }
0x9f: {  	s0 =	stileid.u32;
	[bflag:$0x2] =	sbarrier.arrive $0xFFFF  }
0xa0: {  	p0 =	sne.s32 s0, $0x0;
	s0 =	rddreg [dreg:$0x2]  }
0xa1: {  	s0 =	sadd.s32 @!p0 $0x100000, s0  }
0xa2: {  	[sflag:s0] =	ssyncadd.tile.s32 @!p0 $0x1;
	_ =	shalt  }
.Lfunc_end2:
_tile_overlayer_lowered:
.L_overlay_start_2:
0xa3: {  	(tag) =	ssettag $0x2  }
0xa4: {  	s0 =	rddreg [dreg:$0x0];
	s2 =	stileid.u32  }
0xa5: {  	s1 =	rddreg [dreg:$0x1];
	p0 =	sne.s32 s2, $0x0  }
0xa6: {  	s3 =	rddreg [dreg:$0x2];
	[bflag:$0x3] =	sbarrier.arrive $0xFFFF;
	s2 =	simm.s32 @!p0 $0x1C09  }
0xa7: {  	[timem:s3], [sflag:s2] =	dma.local @!p0 [hbm:s0], s1  }
0xa8: {  	s0 =	simm.s32 @!p0 $0x9  }
0xa9: {  	_ =	swait.ge @!p0 [sflag:s0], s1  }
0xaa: {  	s1 =	ssub.s32 @!p0 $0x0, s1;
	[sflag:s0] =	ssyncset.done @!p0 $0x0  }
0xab: {  	[sflag:s0] =	ssyncadd.s32 @!p0 s1  }
0xac: {  	[bflag:$0x3] =	sbarrier.arrive $0xFFFF  }
0xad: {  	_ =	shalt  }

// kernel: kernel.19.cloned.1.call-start
scs
__scs_entry_jumppad:
0x0: {  	(pc) =	sbr.rel $0x88, $3  }
0x1: {  	(tag) =	ssettag $0x0;
	lr =	simm.s32 $0x1  }
0x2: {  	[smem:$0x3F95] =	sst lr;
	_ =	strace $0xD0000000  }
0x3: {  	_ = 	snop  }
0x4: {  	_ = 	snop  }
0x5: {  	_ = 	snop  }
0x6: {  	_ = 	snop  }
0x7: {  	_ = 	snop  }
__scs_overlays_trampoline_lowered:
0x8: {  	[smem:$0x3FA4] =	sst s0  }
0x9: {  	[smem:$0x3FA5] =	sst s1  }
0xa: {  	[smem:$0x3FA6] =	sst s2  }
0xb: {  	[smem:$0x3FA7] =	sst s3  }
0xc: {  	[smem:$0x3FA8] =	sst s4  }
0xd: {  	[smem:$0x3FA9] =	sst s5  }
0xe: {  	[smem:$0x3FAA] =	sst s6  }
0xf: {  	[smem:$0x3FAB] =	sst s7  }
0x10: {  	[smem:$0x3FAC] =	sst s8  }
0x11: {  	[smem:$0x3FAD] =	sst s9;
	s0 =	simm.s32 @!p0 $0x0  }
0x12: {  	s1 =	sld [smem:$0x3F93];
	s0 =	simm.s32 @p0 $0x1  }
0x13: {  	[smem:$0x3FAE] =	sst s0;
	s0 =	simm.s32 @!p1 $0x0  }
0x14: {  	s2 =	sld [smem:$0x3F92];
	s0 =	simm.s32 @p1 $0x1  }
0x15: {  	[smem:$0x3FAF] =	sst s0;
	s0 =	simm.s32 @!p2 $0x0  }
0x16: {  	s3 =	sld [smem:$0x3FDB];
	s0 =	simm.s32 @p2 $0x1  }
0x17: {  	s4 =	simm.s32 $0x1BF5;
	[smem:$0x3FB1] =	sst s0  }
0x18: {  	s0 =	sld [smem:$0x3F94];
	_ =	swait.ge [sflag:s4], $0x0  }
0x19: {  	s7 =	sld [smem:$0x3F95]  }
0x1a: {  	s8 =	sadd.s32 $0xFFFFE003, lr  }
0x1b: {  	s9 =	sadd.s32 $0xFFFFFEF7, lr;
	s5 =	simm.s32 $0xFFFFFFFF;
	p2 =	slt.u32 s8, $0xFFFFF086  }
0x1c: {  	p1 =	slt.u32 s9, $0xF7A;
	s5 =	simm.s32 @!p2 $0x0  }
0x1d: {  	s5 =	simm.s32 @p1 $0x1;
	p0 =	seq.s32 s7, s2  }
0x1e: {  	s7 =	smul.u32 @!p0 $0xF7A, s2;
	p2 =	seq.s32 @!p0 s5, $0x0  }
0x1f: {  	s9 =	smul.u32 $0xF7A, s1;
	s8 =	simm.s32 @!p0 $0x1BF5;
	p2 =	por !p2, p0  }
0x20: {  	[sflag:s8] =	ssyncset.s32 @!p0 $0xFFFFF086;
	s6 =	sadd.s32 @!p0 s3, s7;
	s7 =	simm.s32 @!p0 $0x108  }
0x21: {  	s3 =	sadd.s32 s3, s9;
	s6 =	sadd.s32 @!p0 $0x88, s6;
	s7 =	simm.s32 @p2 $0x1082  }
0x22: {  	[simem:s7], [sflag:s8] =	dma.local @!p0 [hbm:s6], $0xF7A  }
0x23: {  	s9 =	sor.u32 $0xD0000000, s2;
	s6 =	simm.s32 $0x108;
	_ =	swait.ge @!p0 [sflag:s8], $0x0  }
0x24: {  	s3 =	sadd.s32 $0x88, s3;
	s6 =	simm.s32 @!p1 $0x1082;
	[sflag:s4] =	ssyncset.s32 $0xFFFFF086  }
0x25: {  	[simem:s6], [sflag:s4] =	dma.local [hbm:s3], $0xF7A  }
0x26: {  	[smem:$0x3F95] =	sst s1;
	(tag) =	ssettag s2;
	_ =	strace s9  }
0x27: {  	s1 =	sld [smem:$0x3FA5]  }
0x28: {  	s2 =	sld [smem:$0x3FA6]  }
0x29: {  	s4 =	sld [smem:$0x3FA8]  }
0x2a: {  	p0 =	seq.s32 s5, $0x0;
	s5 =	sld [smem:$0x3FA9]  }
0x2b: {  	s6 =	sld [smem:$0x3FAA]  }
0x2c: {  	s7 =	sld [smem:$0x3FAB]  }
0x2d: {  	s3 =	simm.s32 $0x108;
	s8 =	sld [smem:$0x3FAC]  }
0x2e: {  	s3 =	simm.s32 @!p0 $0x1082;
	s9 =	sld [smem:$0x3FAD]  }
0x2f: {  	lr =	sadd.s32 s0, s3;
	s0 =	sld [smem:$0x3FA4]  }
0x30: {  	s3 =	sld [smem:$0x3FA7]  }
0x31: {  	[smem:$0x3FB0] =	sst s10  }
0x32: {  	s10 =	sld [smem:$0x3FAE];
	_ =	sdelay $0x3  }
0x33: {  	p0 =	seq.s32 s10, $0x1;
	s10 =	sld [smem:$0x3FB0];
	_ =	sdelay $0x3  }
0x34: {  	[smem:$0x3FB0] =	sst s10  }
0x35: {  	s10 =	sld [smem:$0x3FAF];
	_ =	sdelay $0x3  }
0x36: {  	p1 =	seq.s32 s10, $0x1;
	s10 =	sld [smem:$0x3FB0];
	_ =	sdelay $0x3  }
0x37: {  	[smem:$0x3FB0] =	sst s10  }
0x38: {  	s10 =	sld [smem:$0x3FB1]  }
0x39: {  	_ = 	snop;
	(pc) =	sbr.ind lr, $3  }
0x3a: {  	_ = 	snop  }
0x3b: {  	_ = 	snop  }
0x3c: {  	p2 =	seq.s32 s10, $0x1;
	s10 =	sld [smem:$0x3FB0]  }
0x3d: {  	_ =	shalt  }
0x3e: {  	_ =	shalt  }
0x3f: {  	_ =	shalt  }
0x40: {  	_ =	shalt  }
0x41: {  	_ =	shalt  }
0x42: {  	_ =	shalt  }
0x43: {  	_ =	shalt  }
0x44: {  	_ =	shalt  }
0x45: {  	_ =	shalt  }
0x46: {  	_ =	shalt  }
0x47: {  	_ =	shalt  }
0x48: {  	_ =	shalt  }
0x49: {  	_ =	shalt  }
0x4a: {  	_ =	shalt  }
0x4b: {  	_ =	shalt  }
0x4c: {  	_ =	shalt  }
0x4d: {  	_ =	shalt  }
0x4e: {  	_ =	shalt  }
0x4f: {  	_ =	shalt  }
0x50: {  	_ =	shalt  }
0x51: {  	_ =	shalt  }
0x52: {  	_ =	shalt  }
0x53: {  	_ =	shalt  }
0x54: {  	_ =	shalt  }
0x55: {  	_ =	shalt  }
0x56: {  	_ =	shalt  }
0x57: {  	_ =	shalt  }
0x58: {  	_ =	shalt  }
0x59: {  	_ =	shalt  }
0x5a: {  	_ =	shalt  }
0x5b: {  	_ =	shalt  }
0x5c: {  	_ =	shalt  }
0x5d: {  	_ =	shalt  }
0x5e: {  	_ =	shalt  }
0x5f: {  	_ =	shalt  }
0x60: {  	_ =	shalt  }
0x61: {  	_ =	shalt  }
0x62: {  	_ =	shalt  }
0x63: {  	_ =	shalt  }
0x64: {  	_ =	shalt  }
0x65: {  	_ =	shalt  }
0x66: {  	_ =	shalt  }
0x67: {  	_ =	shalt  }
0x68: {  	_ =	shalt  }
0x69: {  	_ =	shalt  }
0x6a: {  	_ =	shalt  }
0x6b: {  	_ =	shalt  }
0x6c: {  	_ =	shalt  }
0x6d: {  	_ =	shalt  }
0x6e: {  	_ =	shalt  }
0x6f: {  	_ =	shalt  }
0x70: {  	_ =	shalt  }
0x71: {  	_ =	shalt  }
0x72: {  	_ =	shalt  }
0x73: {  	_ =	shalt  }
0x74: {  	_ =	shalt  }
0x75: {  	_ =	shalt  }
0x76: {  	_ =	shalt  }
0x77: {  	_ =	shalt  }
0x78: {  	_ =	shalt  }
0x79: {  	_ =	shalt  }
0x7a: {  	_ =	shalt  }
0x7b: {  	_ =	shalt  }
0x7c: {  	_ =	shalt  }
0x7d: {  	_ =	shalt  }
0x7e: {  	_ =	shalt  }
0x7f: {  	_ =	shalt  }
0x80: {  	_ =	shalt  }
0x81: {  	_ =	shalt  }
0x82: {  	_ =	shalt  }
0x83: {  	_ =	shalt  }
0x84: {  	_ =	shalt  }
0x85: {  	_ =	shalt  }
0x86: {  	_ =	shalt  }
0x87: {  	_ =	shalt  }
.Lfunc_end0:
.L_simem_size_0:
called_computation.3_lowered:
.L_overlay_start_0:
0x88: {  	s2 =	sld [smem:$0x3FD9]  }
0x89: {  	s3 =	sld [smem:$0x3FFE];
	_ =	sdelay $0x1  }
0x8a: {  	s1 =	srdreg.scid  }
0x8b: {  	s0 =	sand.u32 $0x1, s1  }
0x8c: {  	s16 =	sshll.u32 s0, $0xA;
	s2 =	sadd.s32 s3, s2  }
0x8d: {  	s2 =	sadd.s32 s2, s16  }
0x8e: {  	[smem:$0x3FBC] =	sst s2  }
0x8f: {  	_ = 	snop  }
0x90: {  	(tm) =	ssettm $0x1  }
0x91: {  	s17 =	sld [smem:$0x3FFB];
	_ =	sdelay $0x3  }
0x92: {  	_ =	strace s17  }
0x93: {  	s2 =	sld [smem:$0x3FFC];
	_ =	sdelay $0x3  }
0x94: {  	_ =	strace s2  }
0x95: {  	s2 =	sld [smem:$0x3FFD];
	_ =	sdelay $0x3  }
0x96: {  	_ =	strace s2  }
0x97: {  	_ =	strace $0x8FFFFFFF  }
0x98: {  	s18 =	sld [smem:$0x3FDB];
	_ =	sdelay $0x1  }
0x99: {  	s19 =	simm.s32 $_scs_section_size  }
0x9a: {  	s4 =	simm.s32 $_size__tile_overlayer_lowered;
	s5 =	simm.s32 $_tile_overlayer_lowered  }
0x9b: {  	s22 =	simm.s32 $0x1BFF;
	s21 =	sshll.u32 s5, $0x1;
	s2 =	sadd.s32 s19, s18  }
0x9c: {  	s6 =	simm.s32 $0x0;
	s20 =	sshll.u32 s4, $0x1;
	s4 =	sadd.s32 s21, s2  }
0x9d: {  	[timem:s6], [sflag:s22] =	dma.local [hbm:s4], s20  }
0x9e: {  	_ =	swait.ge [sflag:s22], s20  }
0x9f: {  	s3 =	ssub.s32 $0x0, s20;
	[sflag:s22] =	ssyncset.done $0x0  }
0xa0: {  	[sflag:s22] =	ssyncadd.s32 s3;
	_ =	sdelay $0x1  }
0xa1: {  	s23 =	simm.s32 $0x1B8B  }
0xa2: {  	_ =	swait.ge [sflag:s23], $0x1  }
0xa3: {  	[sflag:s23] =	ssyncset.done $0x0  }
0xa4: {  	s25 =	simm.s32 $0x1B8E;
	s24 =	sld [smem:$0x3FFE];
	[sflag:s23] =	ssyncadd.s32 $0xFFFFFFFF  }
0xa5: {  	s26 =	simm.s32 $execute0_lowered;
	[smem:$0x3FD2] =	sst s25  }
0xa6: {  	s4 =	sshll.u32 s26, $0x1;
	_ =	strace $0x8000004F;
	[dreg:$0x1] =	wrdreg $0xFFFFFFFF  }
0xa7: {  	s28 =	simm.s32 $_size_execute0_lowered;
	s2 =	sadd.s32 s2, s4;
	[dreg:$0x0] =	wrdreg $0x0  }
0xa8: {  	s4 =	sshll.u32 s28, $0x1;
	[dreg:$0x2] =	wrdreg s2  }
0xa9: {  	[dreg:$0x3] =	wrdreg s4  }
0xaa: {  	[dreg:$0x4] =	wrdreg $0xC0  }
0xab: {  	_ =	task [dreg:s6], $0x5FFFF  }
0xac: {  	[dreg:$0x1] =	wrdreg $0xFFFFFFFF  }
0xad: {  	[dreg:$0x0] =	wrdreg $0x60  }
0xae: {  	[dreg:$0x2] =	wrdreg s24  }
0xaf: {  	[dreg:$0x3] =	wrdreg $0x70000  }
0xb0: {  	[dreg:$0x4] =	wrdreg $0x9  }
0xb1: {  	_ =	task.clear_ibuf [dreg:s6], $0x5FFFF;
	_ =	strace $0x9000004F  }
0xb2: {  	s29 =	simm.s32 $0x9;
	_ =	strace $0x80000051  }
0xb3: {  	_ =	swait.ge [sflag:s29], $0x1  }
0xb4: {  	[sflag:s29] =	ssyncadd.s32 $0xFFFFFFFF  }
0xb5: {  	_ =	strace $0x90000051  }
0xb6: {  	_ =	sfence  }
0xb7: {  	s30 =	sld [smem:$0x0];
	_ =	sdelay $0x2  }
0xb8: {  	s31 =	sshll.u32 s1, $0xD;
	s1 =	sshrl.u32 s1, $0x2  }
0xb9: {  	s3 =	sand.u32 $0x4000, s31;
	s1 =	sadd.s32 s1, s30  }
0xba: {  	s0 =	sor.u32 s3, s0;
	s1 =	sshll.u32 s1, $0x11  }
0xbb: {  	s0 =	sor.u32 s1, s0  }
0xbc: {  	s0 =	sadd.s32 $0x8F2B, s0  }
0xbd: {  	[sflag:s0] =	ssyncadd.remote.s32 $0x1  }
0xbe: {  	_ =	sfence.sel $0xFFFF  }
0xbf: {  	[dreg:$0x0] =	wrdreg $0xFFFFFFFF;
	(pc) =	sbr.abs _section_cstart, $3  }
0xc0: {  	[dreg:$0x1] =	wrdreg $0xFFFFFFFF  }
0xc1: {  	_ =	task.clear_ibuf [dreg:s6], $0x2FFFF;
	_ =	strace $0x9FFFFFFF  }
0xc2: {  	(tm) =	ssettm $0x7FFFFFFF  }
0xc3: {  	_ =	shalt  }
tec
execute0_lowered:
.L_overlay_start_1:
0x0: {  	(tag) =	ssettag $0x1  }
0x1: {  	s0 =	rddreg [dreg:$0x0]  }
0x2: {  	s2 =	rddreg [dreg:$0x1]  }
0x3: {  	s3 =	simm.s32 $0x0;
	s1 =	srdreg.scid;
	s11 =	stileid.u32  }
0x4: {  	s12 =	simm.s32 $0x9;
	s17 =	simm.s32 $0x2800;
	s28 =	simm.s32 $0x6800  }
0x5: {  	s29 =	simm.s32 $0x3;
	s30 =	simm.s32 $0x5;
	s31 =	simm.s32 $0x4  }
0x6: {  	s1 =	sand.u32 $0x1, s1;
	s4 =	sshll.u32 s11, $0x1;
	s5 =	smul.u32 $0x2800, s11  }
0x7: {  	[smem:$0x7FF] =	sst s3;
	s8 =	smul.u32 $0xA000, s11;
	s22 =	sshll.u32 s11, $0x6  }
0x8: {  	s6 =	sor.u32 s1, s4;
	s7 =	smul.u32 $0x28000, s1;
	_ =	strace $0x80000050  }
0x9: {  	s4 =	sadd.s32 $0x17400, s0;
	s1 =	ssub.s32 $0x2, s1;
	s6 =	smul.u32 $0x500, s6  }
0xa: {  	s19 =	sshrl.u32 s1, $0x1;
	s20 =	sshrl.u32 s8, $0x2;
	s21 =	sadd.s32 s5, s2  }
0xb: {  	s7 =	sadd.s32 s5, s7;
	s1 =	ssub.s32 s1, s19;
	s23 =	sadd.s32 s20, s2  }
0xc: {  	s5 =	sadd.s32 $0x1C220, s0;
	s11 =	sshrl.u32 s21, $0x3;
	s19 =	simm.s32 $0x5000  }
0xd: {  	s20 =	simm.s32 $0x5800;
	s21 =	simm.s32 $0x1;
	s9 =	sadd.s32 s6, s0  }
0xe: {  	s18 =	sshrl.u32 s7, $0x3;
	s6 =	sor.u32 $0x1C09, s22;
	s24 =	sadd.s32 $0x800, s23  }
0xf: {  	s14 =	sadd.s32 $0x1000, s23;
	s15 =	sadd.s32 $0x1800, s23;
	s16 =	sadd.s32 $0x2000, s23  }
0x10: {  	s23 =	simm.s32 $0x6000;
	s22 =	simm.s32 $0x8;
	s10 =	sadd.s32 s18, s0  }
0x11: {  	s25 =	sadd.s32 $0xD400, s9;
	s26 =	sadd.s32 $0x3400, s9;
	s13 =	sshrl.u32 s24, $0x3  }
0x12: {  	s14 =	sshrl.u32 s14, $0x3;
	s15 =	sshrl.u32 s15, $0x3;
	s16 =	sshrl.u32 s16, $0x3  }
0x13: {  	s18 =	simm.s32 $0x80;
	s24 =	simm.s32 $0x2;
	[dreg:$0x3] =	wrdreg s25  }
0x14: {  	s0 =	simm.s32 $0x6;
	[dreg:$0x4] =	wrdreg s26;
	s9 =	sadd.s32 $0x1C400, s10  }
0x15: {  	s10 =	smax.u32 s1, $0x1;
	s1 =	simm.s32 $0x7;
	s25 =	simm.s32 $0x0  }
.LBB2_1:
0x16: {  	[spmem:s11], [sflag:s6] =	dma.local [hbm:s5], $0x100  }
0x17: {  	_ =	swait.ge [sflag:s12], $0x100  }
0x18: {  	[sflag:s12] =	ssyncset.done $0x0  }
0x19: {  	[sflag:s12] =	ssyncadd.s32 $0xFFFFFF00  }
0x1a: {  	[spmem:s13], [sflag:s6] =	dma.local [hbm:s5], $0x100  }
0x1b: {  	_ =	swait.ge [sflag:s12], $0x100  }
0x1c: {  	[sflag:s12] =	ssyncset.done $0x0  }
0x1d: {  	[sflag:s12] =	ssyncadd.s32 $0xFFFFFF00  }
0x1e: {  	[spmem:s14], [sflag:s6] =	dma.local [hbm:s5], $0x100  }
0x1f: {  	_ =	swait.ge [sflag:s12], $0x100  }
0x20: {  	[sflag:s12] =	ssyncset.done $0x0  }
0x21: {  	[sflag:s12] =	ssyncadd.s32 $0xFFFFFF00  }
0x22: {  	[spmem:s15], [sflag:s6] =	dma.local [hbm:s5], $0x100  }
0x23: {  	_ =	swait.ge [sflag:s12], $0x100  }
0x24: {  	[sflag:s12] =	ssyncset.done $0x0  }
0x25: {  	[sflag:s12] =	ssyncadd.s32 $0xFFFFFF00  }
0x26: {  	[spmem:s16], [sflag:s6] =	dma.local [hbm:s5], $0x100  }
0x27: {  	_ =	swait.ge [sflag:s12], $0x100  }
0x28: {  	[sflag:s12] =	ssyncset.done $0x0  }
0x29: {  	s7 =	rddreg [dreg:$0x3];
	[sflag:s12] =	ssyncadd.s32 $0xFFFFFF00  }
0x2a: {  	[tilespmem:s3], [sflag:$0x9] =	stream.linear.gather [hbm4b:s7+s3], $0x2800, $0x38;
	[tilespmem:$0x9800] =	vst v63  }
0x2b: {  	_ =	swait.ge [sflag:s12], $0x2800  }
0x2c: {  	[sflag:s12] =	ssyncset.done $0x0  }
0x2d: {  	s26 =	rddreg [dreg:$0x4];
	[sflag:s12] =	ssyncadd.s32 $0xFFFFD800  }
0x2e: {  	[tilespmem:s17], [sflag:$0x9] =	stream.linear.gather [hbm4b:s26+s3], $0x2800, $0x38;
	[tilespmem:$0x9800] =	vst v63  }
0x2f: {  	_ =	swait.ge [sflag:s12], $0x2800  }
0x30: {  	[sflag:s12] =	ssyncset.done $0x0  }
0x31: {  	[sflag:s12] =	ssyncadd.s32 $0xFFFFD800  }
0x32: {  	[bflag:$0x0] =	sbarrier.arrive $0xFFFF  }
0x33: {  	[tilespmem:s19], [sflag:$0x1] =	stream.indirect.gather [hbm4b:s4+s18], $0x10, s3, s18, $0xb8;
	[tilespmem:$0x9800] =	vst v63  }
0x34: {  	_ = 	snop  }
0x35: {  	[tilespmem:s20], [sflag:$0x2] =	stream.indirect.gather [hbm4b:s4+s18], $0x10, s18, s18, $0xb8;
	[tilespmem:$0x9800] =	vst v63  }
0x36: {  	_ =	swait.ge [sflag:s21], $0x800  }
0x37: {  	[sflag:s21] =	ssyncset.done $0x0  }
0x38: {  	[sflag:s21] =	ssyncadd.s32 $0xFFFFF800  }
0x39: {  	[spmem:s2] =	stream.indirect.scatter.add.f32 [tilespmem:s19], [sflag:$0x5], $0x10, s17, s18, $0xb8;
	[tilespmem:$0x9800] =	vst v63  }
0x3a: {  	s8 =	simm.s32 $0x100  }
0x3b: {  	[tilespmem:s23], [sflag:$0x3] =	stream.indirect.gather [hbm4b:s4+s18], $0x10, s8, s18, $0xb8;
	[tilespmem:$0x9800] =	vst v63  }
0x3c: {  	_ =	swait.ge [sflag:s24], $0x800  }
0x3d: {  	[sflag:s24] =	ssyncset.done $0x0  }
0x3e: {  	s26 =	simm.s32 $0x2880;
	[sflag:s24] =	ssyncadd.s32 $0xFFFFF800  }
0x3f: {  	[spmem:s2] =	stream.indirect.scatter.add.f32 [tilespmem:s20], [sflag:$0x6], $0x10, s26, s18, $0xb8;
	[tilespmem:$0x9800] =	vst v63  }
0x40: {  	s8 =	simm.s32 $0x180  }
0x41: {  	[tilespmem:s28], [sflag:$0x4] =	stream.indirect.gather [hbm4b:s4+s18], $0x10, s8, s18, $0xb8;
	[tilespmem:$0x9800] =	vst v63  }
0x42: {  	_ =	swait.ge [sflag:s29], $0x800  }
0x43: {  	[sflag:s29] =	ssyncset.done $0x0  }
0x44: {  	s26 =	simm.s32 $0x2900;
	[sflag:s29] =	ssyncadd.s32 $0xFFFFF800  }
0x45: {  	[spmem:s2] =	stream.indirect.scatter.add.f32 [tilespmem:s23], [sflag:$0x7], $0x10, s26, s18, $0xb8;
	[tilespmem:$0x9800] =	vst v63  }
0x46: {  	_ =	swait.ge [sflag:s30], $0x800  }
0x47: {  	[sflag:s30] =	ssyncset.done $0x0  }
0x48: {  	s8 =	simm.s32 $0x200;
	[sflag:s30] =	ssyncadd.s32 $0xFFFFF800  }
0x49: {  	[tilespmem:s19], [sflag:$0x1] =	stream.indirect.gather [hbm4b:s4+s18], $0x10, s8, s18, $0xb8;
	[tilespmem:$0x9800] =	vst v63  }
0x4a: {  	_ =	swait.ge [sflag:s31], $0x800  }
0x4b: {  	[sflag:s31] =	ssyncset.done $0x0  }
0x4c: {  	s26 =	simm.s32 $0x2980;
	[sflag:s31] =	ssyncadd.s32 $0xFFFFF800  }
0x4d: {  	[spmem:s2] =	stream.indirect.scatter.add.f32 [tilespmem:s28], [sflag:$0x8], $0x10, s26, s18, $0xb8;
	[tilespmem:$0x9800] =	vst v63  }
0x4e: {  	_ =	swait.ge [sflag:s0], $0x800  }
0x4f: {  	[sflag:s0] =	ssyncset.done $0x0  }
0x50: {  	s8 =	simm.s32 $0x280;
	[sflag:s0] =	ssyncadd.s32 $0xFFFFF800  }
0x51: {  	[tilespmem:s20], [sflag:$0x2] =	stream.indirect.gather [hbm4b:s4+s18], $0x10, s8, s18, $0xb8;
	[tilespmem:$0x9800] =	vst v63  }
0x52: {  	_ =	swait.ge [sflag:s21], $0x800  }
0x53: {  	[sflag:s21] =	ssyncset.done $0x0  }
0x54: {  	s26 =	simm.s32 $0x2A00;
	[sflag:s21] =	ssyncadd.s32 $0xFFFFF800  }
0x55: {  	[spmem:s2] =	stream.indirect.scatter.add.f32 [tilespmem:s19], [sflag:$0x5], $0x10, s26, s18, $0xb8;
	[tilespmem:$0x9800] =	vst v63  }
0x56: {  	_ =	swait.ge [sflag:s1], $0x800  }
0x57: {  	[sflag:s1] =	ssyncset.done $0x0  }
0x58: {  	s8 =	simm.s32 $0x300;
	[sflag:s1] =	ssyncadd.s32 $0xFFFFF800  }
0x59: {  	[tilespmem:s23], [sflag:$0x3] =	stream.indirect.gather [hbm4b:s4+s18], $0x10, s8, s18, $0xb8;
	[tilespmem:$0x9800] =	vst v63  }
0x5a: {  	_ =	swait.ge [sflag:s24], $0x800  }
0x5b: {  	[sflag:s24] =	ssyncset.done $0x0  }
0x5c: {  	s26 =	simm.s32 $0x2A80;
	[sflag:s24] =	ssyncadd.s32 $0xFFFFF800  }
0x5d: {  	[spmem:s2] =	stream.indirect.scatter.add.f32 [tilespmem:s20], [sflag:$0x6], $0x10, s26, s18, $0xb8;
	[tilespmem:$0x9800] =	vst v63  }
0x5e: {  	_ =	swait.ge [sflag:s22], $0x800  }
0x5f: {  	[sflag:s22] =	ssyncset.done $0x0  }
0x60: {  	s7 =	simm.s32 $0x380;
	s26 =	simm.s32 $0x800;
	[sflag:s22] =	ssyncadd.s32 $0xFFFFF800  }
.LBB2_2:
0x61: {  	[tilespmem:s28], [sflag:$0x4] =	stream.indirect.gather [hbm4b:s4+s18], $0x10, s7, s18, $0xb8;
	[tilespmem:$0x9800] =	vst v63  }
0x62: {  	s7 =	smov.u32 s26  }
0x63: {  	p0 =	sne.s32 s26, $0x9000;
	s26 =	sadd.s32 $0x800, s26;
	_ =	swait.ge [sflag:s29], $0x800  }
0x64: {  	s7 =	sshra.s32 s7, $0x2;
	[sflag:s29] =	ssyncset.done $0x0  }
0x65: {  	s8 =	sadd.s32 $0x2900, s7;
	[sflag:s29] =	ssyncadd.s32 $0xFFFFF800  }
0x66: {  	[spmem:s2] =	stream.indirect.scatter.add.f32 [tilespmem:s23], [sflag:$0x7], $0x10, s8, s18, $0xb8;
	[tilespmem:$0x9800] =	vst v63  }
0x67: {  	_ =	swait.ge [sflag:s30], $0x800  }
0x68: {  	[sflag:s30] =	ssyncset.done $0x0  }
0x69: {  	s8 =	sadd.s32 $0x200, s7;
	[sflag:s30] =	ssyncadd.s32 $0xFFFFF800  }
0x6a: {  	[tilespmem:s19], [sflag:$0x1] =	stream.indirect.gather [hbm4b:s4+s18], $0x10, s8, s18, $0xb8;
	[tilespmem:$0x9800] =	vst v63  }
0x6b: {  	_ =	swait.ge [sflag:s31], $0x800  }
0x6c: {  	[sflag:s31] =	ssyncset.done $0x0  }
0x6d: {  	s8 =	sadd.s32 $0x2980, s7;
	[sflag:s31] =	ssyncadd.s32 $0xFFFFF800  }
0x6e: {  	[spmem:s2] =	stream.indirect.scatter.add.f32 [tilespmem:s28], [sflag:$0x8], $0x10, s8, s18, $0xb8;
	[tilespmem:$0x9800] =	vst v63  }
0x6f: {  	_ =	swait.ge [sflag:s0], $0x800  }
0x70: {  	[sflag:s0] =	ssyncset.done $0x0  }
0x71: {  	s8 =	sadd.s32 $0x280, s7;
	[sflag:s0] =	ssyncadd.s32 $0xFFFFF800  }
0x72: {  	[tilespmem:s20], [sflag:$0x2] =	stream.indirect.gather [hbm4b:s4+s18], $0x10, s8, s18, $0xb8;
	[tilespmem:$0x9800] =	vst v63  }
0x73: {  	_ =	swait.ge [sflag:s21], $0x800  }
0x74: {  	[sflag:s21] =	ssyncset.done $0x0  }
0x75: {  	s8 =	sadd.s32 $0x2A00, s7;
	[sflag:s21] =	ssyncadd.s32 $0xFFFFF800  }
0x76: {  	[spmem:s2] =	stream.indirect.scatter.add.f32 [tilespmem:s19], [sflag:$0x5], $0x10, s8, s18, $0xb8;
	[tilespmem:$0x9800] =	vst v63  }
0x77: {  	_ =	swait.ge [sflag:s1], $0x800  }
0x78: {  	[sflag:s1] =	ssyncset.done $0x0  }
0x79: {  	s8 =	sadd.s32 $0x300, s7;
	[sflag:s1] =	ssyncadd.s32 $0xFFFFF800  }
0x7a: {  	[tilespmem:s23], [sflag:$0x3] =	stream.indirect.gather [hbm4b:s4+s18], $0x10, s8, s18, $0xb8;
	[tilespmem:$0x9800] =	vst v63  }
0x7b: {  	_ =	swait.ge [sflag:s24], $0x800  }
0x7c: {  	[sflag:s24] =	ssyncset.done $0x0  }
.Ltmp0:
0x7d: {  	s8 =	sadd.s32 $0x2A80, s7;
	[sflag:s24] =	ssyncadd.s32 $0xFFFFF800;
	(pc) =	sbr.rel @p0 .LBB2_2-.Ltmp0, $4  }
0x7e: {  	[spmem:s2] =	stream.indirect.scatter.add.f32 [tilespmem:s20], [sflag:$0x6], $0x10, s8, s18, $0xb8;
	[tilespmem:$0x9800] =	vst v63  }
0x7f: {  	_ =	swait.ge [sflag:s22], $0x800  }
0x80: {  	[sflag:s22] =	ssyncset.done $0x0  }
0x81: {  	s7 =	sadd.s32 $0x380, s7;
	[sflag:s22] =	ssyncadd.s32 $0xFFFFF800  }
0x82: {  	[tilespmem:s28], [sflag:$0x4] =	stream.indirect.gather [hbm4b:s4+s18], $0x10, s7, s18, $0xb8;
	[tilespmem:$0x9800] =	vst v63  }
0x83: {  	_ =	swait.ge [sflag:s29], $0x800  }
0x84: {  	[sflag:s29] =	ssyncset.done $0x0  }
0x85: {  	s8 =	simm.s32 $0x4F00;
	[sflag:s29] =	ssyncadd.s32 $0xFFFFF800  }
0x86: {  	[spmem:s2] =	stream.indirect.scatter.add.f32 [tilespmem:s23], [sflag:$0x7], $0x10, s8, s18, $0xb8;
	[tilespmem:$0x9800] =	vst v63  }
0x87: {  	_ =	swait.ge [sflag:s31], $0x800  }
0x88: {  	[sflag:s31] =	ssyncset.done $0x0  }
0x89: {  	s26 =	simm.s32 $0x4F80;
	[sflag:s31] =	ssyncadd.s32 $0xFFFFF800  }
0x8a: {  	[spmem:s2] =	stream.indirect.scatter.add.f32 [tilespmem:s28], [sflag:$0x8], $0x10, s26, s18, $0xb8;
	[tilespmem:$0x9800] =	vst v63  }
0x8b: {  	_ =	swait.ge [sflag:s30], $0x800  }
0x8c: {  	[sflag:s30] =	ssyncset.done $0x0  }
0x8d: {  	[sflag:s30] =	ssyncadd.s32 $0xFFFFF800  }
0x8e: {  	_ =	swait.ge [sflag:s0], $0x800  }
0x8f: {  	[sflag:s0] =	ssyncset.done $0x0  }
0x90: {  	[sflag:s0] =	ssyncadd.s32 $0xFFFFF800  }
0x91: {  	_ =	swait.ge [sflag:s1], $0x800  }
0x92: {  	[sflag:s1] =	ssyncset.done $0x0  }
0x93: {  	[sflag:s1] =	ssyncadd.s32 $0xFFFFF800  }
0x94: {  	_ =	swait.ge [sflag:s22], $0x800  }
0x95: {  	s25 =	sadd.s32 $0x1, s25;
	[sflag:s22] =	ssyncset.done $0x0  }
0x96: {  	p0 =	sne.s32 s25, s10;
	[sflag:s22] =	ssyncadd.s32 $0xFFFFF800  }
.Ltmp1:
0x97: {  	[bflag:$0x0] =	sbarrier.arrive $0xFFFF;
	(pc) =	sbr.rel @p0 .LBB2_1-.Ltmp1, $4  }
0x98: {  	[hbm:s9], [sflag:s6] =	dma.local [spmem:s11], $0x500  }
0x99: {  	_ =	swait.ge [sflag:s12], $0x500  }
0x9a: {  	[sflag:s12] =	ssyncset.done $0x0  }
0x9b: {  	[sflag:s12] =	ssyncadd.s32 $0xFFFFFB00  }
0x9c: {  	_ =	sfence.sel $0x180000  }
0x9d: {  	[bflag:$0x0] =	sbarrier.arrive $0xFFFF  }
0x9e: {  	_ =	strace $0x90000050  }
0x9f: {  	s0 =	stileid.u32;
	[bflag:$0x2] =	sbarrier.arrive $0xFFFF  }
0xa0: {  	p0 =	sne.s32 s0, $0x0;
	s0 =	rddreg [dreg:$0x2]  }
0xa1: {  	s0 =	sadd.s32 @!p0 $0x100000, s0  }
0xa2: {  	[sflag:s0] =	ssyncadd.tile.s32 @!p0 $0x1;
	_ =	shalt  }
.Lfunc_end2:
_tile_overlayer_lowered:
.L_overlay_start_2:
0xa3: {  	(tag) =	ssettag $0x2  }
0xa4: {  	s0 =	rddreg [dreg:$0x0];
	s2 =	stileid.u32  }
0xa5: {  	s1 =	rddreg [dreg:$0x1];
	p0 =	sne.s32 s2, $0x0  }
0xa6: {  	s3 =	rddreg [dreg:$0x2];
	[bflag:$0x3] =	sbarrier.arrive $0xFFFF;
	s2 =	simm.s32 @!p0 $0x1C09  }
0xa7: {  	[timem:s3], [sflag:s2] =	dma.local @!p0 [hbm:s0], s1  }
0xa8: {  	s0 =	simm.s32 @!p0 $0x9  }
0xa9: {  	_ =	swait.ge @!p0 [sflag:s0], s1  }
0xaa: {  	s1 =	ssub.s32 @!p0 $0x0, s1;
	[sflag:s0] =	ssyncset.done @!p0 $0x0  }
0xab: {  	[sflag:s0] =	ssyncadd.s32 @!p0 s1  }
0xac: {  	[bflag:$0x3] =	sbarrier.arrive $0xFFFF  }
0xad: {  	_ =	shalt  }

</sc_bundles>
